<compile_context>
chip_gen: v7x
topology: tpu7x:2x2x1
jax: 0.10.2.dev20260603
libtpu: 0.0.44.dev20260713+nightly
codegen_flags: <defaults>
</compile_context>

<pallas_src>
import functools

import jax
import jax.numpy as jnp
from jax import lax
from jax.experimental import pallas as pl
from jax.experimental.pallas import tpu as pltpu
from jax.experimental.pallas import tpu_sc as plsc

N = 10000
D = 128
E = 320000

NUM_CORES = 2
NUM_SUBCORES = 16

CHUNK = 128
GRP = 8
N_PAD = 10240
E_PAD = 327680
N_CHUNKS = E_PAD // CHUNK
N_GROUPS = N_CHUNKS // GRP
ROWS_PER_TILE = N_PAD // NUM_SUBCORES
LANES = 16

G0 = 288
G1 = N_GROUPS - G0
GPW0 = G0 // NUM_SUBCORES
GPW1 = G1 // NUM_SUBCORES


def _sc_aggregate(table, src3d, dst3d, with_deg):
    mesh = plsc.VectorSubcoreMesh(core_axis_name="c", subcore_axis_name="s")

    out_type = [jax.ShapeDtypeStruct((NUM_CORES, N_PAD, D), jnp.float32)]
    scratch = (
        [pltpu.VMEM((GRP, CHUNK), jnp.int32) for _ in range(4)]
        + [pltpu.VMEM((CHUNK, D), jnp.float32) for _ in range(2)]
        + [pltpu.VMEM_SHARED((N_PAD, D), jnp.float32)]
        + [pltpu.SemaphoreType.DMA for _ in range(8)]
    )
    if with_deg:
        out_type.append(jax.ShapeDtypeStruct((NUM_CORES, N_PAD), jnp.float32))
        out_type.append(jax.ShapeDtypeStruct(
            (NUM_CORES, NUM_SUBCORES, N_PAD), jnp.float32))
        scratch += [
            pltpu.VMEM((N_PAD,), jnp.float32),
            pltpu.VMEM((ROWS_PER_TILE,), jnp.float32),
            pltpu.VMEM((ROWS_PER_TILE,), jnp.float32),
        ]

    @functools.partial(
        pl.kernel, mesh=mesh,
        compiler_params=pltpu.CompilerParams(needs_layout_passes=False),
        out_type=out_type, scratch_types=scratch)
    def k(table_hbm, src_hbm, dst_hbm, agg_out, *rest):
        if with_deg:
            deg_out, stage = rest[0], rest[1]
            rest = rest[2:]
            deg_v, acc_v, tmp_v = rest[15:]
        isg = rest[0:2]
        dsg = rest[2:4]
        rws = rest[4:6]
        agg_sh = rest[6]
        isem = rest[7:9]
        dsem = rest[9:11]
        gsem = rest[11:13]
        ssem = rest[13:15]

        cid = lax.axis_index("c")
        sid = lax.axis_index("s")
        row0 = sid * ROWS_PER_TILE

        def zrow(i, c):
            def zcol(j, c2):
                rws[0][i, pl.ds(j * LANES, LANES)] = jnp.zeros((LANES,),
                                                               jnp.float32)
                return c2
            lax.fori_loop(0, D // LANES, zcol, 0)
            return c
        lax.fori_loop(0, CHUNK, zrow, 0)

        def zstripe(s, c):
            pltpu.sync_copy(rws[0],
                            agg_sh.at[pl.ds(row0 + s * CHUNK, CHUNK)])
            return c
        lax.fori_loop(0, ROWS_PER_TILE // CHUNK, zstripe, 0)
        if with_deg:
            def zb(j, c):
                deg_v[pl.ds(j * LANES, LANES)] = jnp.zeros((LANES,),
                                                           jnp.float32)
                return c
            lax.fori_loop(0, N_PAD // LANES, zb, 0)
        plsc.subcore_barrier()

        gbase = jnp.where(cid == 0, sid * GPW0, G0 + sid * GPW1)
        ngrp = jnp.where(cid == 0, GPW0, GPW1)
        usup = ngrp // 2

        def hist(idx_ref):
            def hb(j, c2):
                iv = idx_ref[pl.ds(j * LANES, LANES)]
                plsc.addupdate_scatter(
                    deg_v, [iv], jnp.ones((LANES,), jnp.float32))
                return c2
            lax.fori_loop(0, CHUNK // LANES, hb, 0)

        pltpu.async_copy(src_hbm.at[gbase], isg[0], isem[0])
        pltpu.async_copy(dst_hbm.at[gbase], dsg[0], dsem[0])

        def idx_wait(p):
            pltpu.make_async_copy(src_hbm.at[gbase], isg[p],
                                  isem[p]).wait()
            pltpu.make_async_copy(dst_hbm.at[gbase], dsg[p],
                                  dsem[p]).wait()

        def drain_scatter(r):
            pltpu.make_async_copy(table_hbm.at[pl.ds(0, CHUNK)], rws[r],
                                  ssem[r]).wait()

        def consume(rp, d_ref):
            pltpu.make_async_copy(table_hbm.at[pl.ds(0, CHUNK)], rws[rp],
                                  gsem[rp]).wait()
            if with_deg:
                hist(d_ref)
            pltpu.async_copy(rws[rp], agg_sh.at[d_ref], ssem[rp], add=True)

        def step(u, carry):
            for p in range(2):
                gi = gbase + 2 * u + p
                for j in range(GRP):
                    r = j % 2
                    rp = (j + 1) % 2
                    first = (p == 0 and j == 0)
                    second = (p == 0 and j == 1)

                    if first:
                        idx_wait(0)

                        @pl.when(u > 0)
                        def _():
                            drain_scatter(0)
                    elif p == 1 and j == 0:
                        idx_wait(1)
                        drain_scatter(0)
                    elif second:
                        @pl.when(u > 0)
                        def _():
                            drain_scatter(1)
                    else:
                        drain_scatter(r)

                    pltpu.async_copy(table_hbm.at[isg[p].at[j]], rws[r],
                                     gsem[r])

                    if first:
                        @pl.when(u > 0)
                        def _():
                            consume(1, dsg[1].at[GRP - 1])
                    elif j == 0:
                        consume(1, dsg[p ^ 1].at[GRP - 1])
                    else:
                        consume(rp, dsg[p].at[j - 1])

                    if j == 2:
                        @pl.when(2 * u + p + 1 < ngrp)
                        def _():
                            pltpu.async_copy(src_hbm.at[gi + 1],
                                             isg[p ^ 1], isem[p ^ 1])
                            pltpu.async_copy(dst_hbm.at[gi + 1],
                                             dsg[p ^ 1], dsem[p ^ 1])
            return carry

        lax.fori_loop(0, usup, step, 0)

        consume(1, dsg[1].at[GRP - 1])
        for r in range(2):
            drain_scatter(r)

        if with_deg:
            pltpu.sync_copy(deg_v, stage.at[cid, sid])
        plsc.subcore_barrier()

        pltpu.sync_copy(agg_sh.at[pl.ds(row0, ROWS_PER_TILE)],
                        agg_out.at[cid, pl.ds(row0, ROWS_PER_TILE)])

        if with_deg:
            def zb2(j, c):
                acc_v[pl.ds(j * LANES, LANES)] = jnp.zeros((LANES,),
                                                           jnp.float32)
                return c
            lax.fori_loop(0, ROWS_PER_TILE // LANES, zb2, 0)

            def rb(t, c):
                pltpu.sync_copy(stage.at[cid, t, pl.ds(row0,
                                                       ROWS_PER_TILE)],
                                tmp_v)

                def ab(j, c2):
                    s = pl.ds(j * LANES, LANES)
                    acc_v[s] = acc_v[s] + tmp_v[s]
                    return c2
                lax.fori_loop(0, ROWS_PER_TILE // LANES, ab, 0)
                return c
            lax.fori_loop(0, NUM_SUBCORES, rb, 0)
            pltpu.sync_copy(acc_v, deg_out.at[cid, pl.ds(row0,
                                                         ROWS_PER_TILE)])

    res = k(table, src3d, dst3d)
    if not isinstance(res, (list, tuple)):
        res = (res,)
    return res


BLK = 1024
GRID = N_PAD // BLK


def _tc_layer1(agg0, agg1, deg0, deg1, W, b2d):
    def body(a0, a1, d0, d1, w, b, h_ref, dinv_ref):
        deg = d0[...] + d1[...]
        dinv = 1.0 / jnp.maximum(deg, 1.0)
        a = (a0[...] + a1[...]) * dinv
        h = jnp.dot(a, w[...], preferred_element_type=jnp.float32) + b[...]
        h_ref[...] = jnp.maximum(h, 0.0)
        dinv_ref[...] = dinv

    row_spec = pl.BlockSpec((BLK, D), lambda i: (i, 0))
    col_spec = pl.BlockSpec((BLK, 1), lambda i: (i, 0))
    return pl.pallas_call(
        body,
        grid=(GRID,),
        in_specs=[row_spec, row_spec, col_spec, col_spec,
                  pl.BlockSpec((D, D), lambda i: (0, 0)),
                  pl.BlockSpec((1, D), lambda i: (0, 0))],
        out_specs=[row_spec, col_spec],
        out_shape=[jax.ShapeDtypeStruct((N_PAD, D), jnp.float32),
                   jax.ShapeDtypeStruct((N_PAD, 1), jnp.float32)],
    )(agg0, agg1, deg0, deg1, W, b2d)


def _tc_layer2(agg0, agg1, dinv, W, b2d):
    def body(a0, a1, dv, w, b, o_ref):
        a = (a0[...] + a1[...]) * dv[...]
        o_ref[...] = jnp.dot(a, w[...],
                             preferred_element_type=jnp.float32) + b[...]

    row_spec = pl.BlockSpec((BLK, D), lambda i: (i, 0))
    col_spec = pl.BlockSpec((BLK, 1), lambda i: (i, 0))
    return pl.pallas_call(
        body,
        grid=(GRID,),
        in_specs=[row_spec, row_spec, col_spec,
                  pl.BlockSpec((D, D), lambda i: (0, 0)),
                  pl.BlockSpec((1, D), lambda i: (0, 0))],
        out_specs=row_spec,
        out_shape=jax.ShapeDtypeStruct((N_PAD, D), jnp.float32),
    )(agg0, agg1, dinv, W, b2d)


def kernel(x, edge_index, W1, b1, W2, b2):
    src = edge_index[0]
    dst = edge_index[1]

    pad = E_PAD - E
    src_pad = jnp.concatenate(
        [src, jnp.zeros((pad,), jnp.int32)]).reshape(N_GROUPS, GRP, CHUNK)
    dst_pad = jnp.concatenate(
        [dst, jnp.full((pad,), N, jnp.int32)]).reshape(N_GROUPS, GRP, CHUNK)

    agg1p, degp, _ = _sc_aggregate(x, src_pad, dst_pad, True)

    h, dinv = _tc_layer1(agg1p[0], agg1p[1],
                         degp[0].reshape(N_PAD, 1), degp[1].reshape(N_PAD, 1),
                         W1, b1.reshape(1, D))

    (agg2p,) = _sc_aggregate(h, src_pad, dst_pad, False)

    out = _tc_layer2(agg2p[0], agg2p[1], dinv, W2, b2.reshape(1, D))
    return out[:N]

# --- scband reference (transcript-rebuilt; emitter-appended) ---
"""Pipeline reference for scband-base-gnn-5231270166756 (READ-ONLY COPY).

The authoritative reference and input builder live on the scoring server;
editing this copy changes nothing except your own understanding.
"""

import jax, jax.numpy as jnp
import numpy as np

N = 10000
E = 320000
D_IN = 128
D_HID = 128
D_OUT = 128


def setup_inputs(seed: int = 0) -> dict:
    key = jax.random.key(seed)
    k1, k2, k3, k4, k5, k6 = jax.random.split(key, 6)
    x = jax.random.normal(k1, (N, D_IN), dtype=jnp.float32)
    edge_index = jax.random.randint(k2, (2, E), 0, N, dtype=jnp.int32)
    # Glorot-ish init for the two conv layers (num_layers=2)
    W1 = jax.random.normal(k3, (D_IN, D_HID), dtype=jnp.float32) * (1.0 / np.sqrt(D_IN))
    b1 = jnp.zeros((D_HID,), dtype=jnp.float32)
    W2 = jax.random.normal(k4, (D_HID, D_OUT), dtype=jnp.float32) * (1.0 / np.sqrt(D_HID))
    b2 = jnp.zeros((D_OUT,), dtype=jnp.float32)
    return {"x": x, "edge_index": edge_index, "W1": W1, "b1": b1, "W2": W2, "b2": b2}


def _conv(h, src, dst, deg_inv, W, b):
    # mean-aggregation message passing conv (GraphSAGE-mean style):
    # gather src node features -> scatter-add to dst -> normalize by in-degree -> linear
    msg = jnp.take(h, src, axis=0)                      # gather  [E, d]
    agg = jax.ops.segment_sum(msg, dst, num_segments=N)  # scatter-add [N, d]
    agg = agg * deg_inv[:, None]
    return agg @ W + b


def reference(x, edge_index, W1, b1, W2, b2):
    src = edge_index[0]
    dst = edge_index[1]
    deg = jax.ops.segment_sum(jnp.ones((E,), dtype=jnp.float32), dst, num_segments=N)
    deg_inv = 1.0 / jnp.maximum(deg, 1.0)
    # layer 1 + relu (dropout_p=0.0 -> no-op)
    h = _conv(x, src, dst, deg_inv, W1, b1)
    h = jax.nn.relu(h)
    # layer 2 (final layer: no activation)
    out = _conv(h, src, dst, deg_inv, W2, b2)
    return out

if __name__ == "__main__":
    import jax
    _d = setup_inputs()
    print(jax.jit(kernel)(*tuple(_d.values())))

</pallas_src>

<mosaic_0001>
#map = affine_map<(d0, d1) -> (0, 0)>
#map1 = affine_map<(d0, d1) -> (0, 0, 0)>
module attributes {stable_mosaic.version = 14 : i64} {
  func.func @k(%arg0: i32, %arg1: i32, %arg2: memref<10000x128xf32, #tpu.memory_space<hbm>>, %arg3: memref<320x8x128xi32, #tpu.memory_space<hbm>>, %arg4: memref<320x8x128xi32, #tpu.memory_space<hbm>>, %arg5: memref<2x10240x128xf32, #tpu.memory_space<hbm>>, %arg6: memref<2x10240xf32, #tpu.memory_space<hbm>>, %arg7: memref<2x16x10240xf32, #tpu.memory_space<hbm>>, %arg8: memref<8x128xi32, #tpu.memory_space<vmem>>, %arg9: memref<8x128xi32, #tpu.memory_space<vmem>>, %arg10: memref<8x128xi32, #tpu.memory_space<vmem>>, %arg11: memref<8x128xi32, #tpu.memory_space<vmem>>, %arg12: memref<128x128xf32, #tpu.memory_space<vmem>>, %arg13: memref<128x128xf32, #tpu.memory_space<vmem>>, %arg14: memref<10240x128xf32, #tpu.memory_space<vmem_shared>>, %arg15: memref<!tpu.dma_semaphore, #tpu.memory_space<semaphore_mem>>, %arg16: memref<!tpu.dma_semaphore, #tpu.memory_space<semaphore_mem>>, %arg17: memref<!tpu.dma_semaphore, #tpu.memory_space<semaphore_mem>>, %arg18: memref<!tpu.dma_semaphore, #tpu.memory_space<semaphore_mem>>, %arg19: memref<!tpu.dma_semaphore, #tpu.memory_space<semaphore_mem>>, %arg20: memref<!tpu.dma_semaphore, #tpu.memory_space<semaphore_mem>>, %arg21: memref<!tpu.dma_semaphore, #tpu.memory_space<semaphore_mem>>, %arg22: memref<!tpu.dma_semaphore, #tpu.memory_space<semaphore_mem>>, %arg23: memref<10240xf32, #tpu.memory_space<vmem>>, %arg24: memref<640xf32, #tpu.memory_space<vmem>>, %arg25: memref<640xf32, #tpu.memory_space<vmem>>) attributes {dimension_semantics = [#tpu.dimension_semantics<core_parallel>, #tpu.dimension_semantics<subcore_parallel>], iteration_bounds = array<i64: 2, 16>, scalar_prefetch = 0 : i64, scratch_operands = 18 : i64, tpu.core_type = #tpu.core_type<sc_vector_subcore>, window_params = [{transform_indices = #map}, {transform_indices = #map1}, {transform_indices = #map1}, {transform_indices = #map1}, {transform_indices = #map}, {transform_indices = #map1}]} {
    %mul3A = arith.constant 640 : i32
    %mul3A_0 = arith.muli %arg1, %mul3A : i32
    %scan3A = arith.constant 0 : i32
    %scan3A_1 = arith.constant 0 : i32
    %scan3A_2 = arith.constant 128 : i32
    %scan3A_3 = arith.addi %scan3A_1, %scan3A_2 : i32
    %scan3A_4 = arith.constant 1 : i32
    scf.for %scan3A_114 = %scan3A_1 to %scan3A_3 step %scan3A_4  : i32 {
      %scan3A_115 = arith.constant 0 : i32
      %scan3A_116 = arith.constant 0 : i32
      %scan3A_117 = arith.constant 8 : i32
      %scan3A_118 = arith.addi %scan3A_116, %scan3A_117 : i32
      %scan3A_119 = arith.constant 1 : i32
      scf.for %scan3A_121 = %scan3A_116 to %scan3A_118 step %scan3A_119  : i32 {
        %broadcast_in_dim3A = arith.constant 0.000000e+00 : f32
        %broadcast_in_dim3A_122 = vector.broadcast %broadcast_in_dim3A : f32 to vector<16xf32>
        %mul3A_123 = arith.constant 16 : i32
        %mul3A_124 = arith.muli %scan3A_121, %mul3A_123 : i32
        %swap3A = arith.index_cast %scan3A_114 : i32 to index
        %swap3A_125 = arith.index_cast %mul3A_124 : i32 to index
        %swap3A_126 = tpu.vector_load %arg12[%swap3A, %swap3A_125] {strides = array<i32>} : memref<128x128xf32, #tpu.memory_space<vmem>>, vector<16xf32>,
        tpu.vector_store %arg12[%swap3A, %swap3A_125], %broadcast_in_dim3A_122 {strides = array<i32>} : memref<128x128xf32, #tpu.memory_space<vmem>>, vector<16xf32>,
      }
      %scan3A_120 = arith.constant 8 : i32
    }
    %scan3A_5 = arith.constant 128 : i32
    %scan3A_6 = arith.constant 0 : i32
    %scan3A_7 = arith.constant 0 : i32
    %scan3A_8 = arith.constant 5 : i32
    %scan3A_9 = arith.addi %scan3A_7, %scan3A_8 : i32
    %scan3A_10 = arith.constant 1 : i32
    scf.for %scan3A_114 = %scan3A_7 to %scan3A_9 step %scan3A_10  : i32 {
      %mul3A_115 = arith.constant 128 : i32
      %mul3A_116 = arith.muli %scan3A_114, %mul3A_115 : i32
      %add3A_117 = arith.addi %mul3A_0, %mul3A_116 : i32
      "tpu.region"() ({
        %run_scoped3A = tpu.sem_alloc : memref<!tpu.dma_semaphore, #tpu.memory_space<semaphore_mem>>
        %dma_start3A_118 = arith.constant 0 : i32
        %dma_start3A_119 = tpu.memref_slice %arg14[%add3A_117, %dma_start3A_118] : memref<10240x128xf32, #tpu.memory_space<vmem_shared>> -> memref<128x128xf32, #tpu.memory_space<vmem_shared>>
        %dma_start3A_120 = arith.constant 0 : i32
        %dma_start3A_121 = tpu.memref_slice %arg14[%add3A_117, %dma_start3A_120] : memref<10240x128xf32, #tpu.memory_space<vmem_shared>> -> memref<128x128xf32, #tpu.memory_space<vmem_shared>>
        tpu.enqueue_dma source(%arg12 : memref<128x128xf32, #tpu.memory_space<vmem>>) target(%dma_start3A_121 : memref<128x128xf32, #tpu.memory_space<vmem_shared>>) target_semaphore(%run_scoped3A : memref<!tpu.dma_semaphore, #tpu.memory_space<semaphore_mem>>)
        %dma_wait3A_122 = arith.constant 0 : i32
        %dma_wait3A_123 = tpu.memref_slice %arg14[%add3A_117, %dma_wait3A_122] : memref<10240x128xf32, #tpu.memory_space<vmem_shared>> -> memref<128x128xf32, #tpu.memory_space<vmem_shared>>
        %dma_wait3A_124 = arith.constant 0 : i32
        %dma_wait3A_125 = tpu.memref_slice %arg14[%add3A_117, %dma_wait3A_124] : memref<10240x128xf32, #tpu.memory_space<vmem_shared>> -> memref<128x128xf32, #tpu.memory_space<vmem_shared>>
        tpu.wait_dma2 semaphore(%run_scoped3A : memref<!tpu.dma_semaphore, #tpu.memory_space<semaphore_mem>>) src(%arg12 : memref<128x128xf32, #tpu.memory_space<vmem>>) dst(%dma_wait3A_125 : memref<128x128xf32, #tpu.memory_space<vmem_shared>>)
        tpu.yield
      }) : () -> ()
    }
    %scan3A_11 = arith.constant 5 : i32
    %scan3A_12 = arith.constant 0 : i32
    %scan3A_13 = arith.constant 0 : i32
    %scan3A_14 = arith.constant 640 : i32
    %scan3A_15 = arith.addi %scan3A_13, %scan3A_14 : i32
    %scan3A_16 = arith.constant 1 : i32
    scf.for %scan3A_114 = %scan3A_13 to %scan3A_15 step %scan3A_16  : i32 {
      %broadcast_in_dim3A = arith.constant 0.000000e+00 : f32
      %broadcast_in_dim3A_115 = vector.broadcast %broadcast_in_dim3A : f32 to vector<16xf32>
      %mul3A_116 = arith.constant 16 : i32
      %mul3A_117 = arith.muli %scan3A_114, %mul3A_116 : i32
      %swap3A = arith.index_cast %mul3A_117 : i32 to index
      %swap3A_118 = tpu.vector_load %arg23[%swap3A] {strides = array<i32>} : memref<10240xf32, #tpu.memory_space<vmem>>, vector<16xf32>,
      tpu.vector_store %arg23[%swap3A], %broadcast_in_dim3A_115 {strides = array<i32>} : memref<10240xf32, #tpu.memory_space<vmem>>, vector<16xf32>,
    }
    %scan3A_17 = arith.constant 640 : i32
    %barrier3A = arith.constant 0 : index
    tpu.barrier barrier_id(%barrier3A)
    %eq3A = arith.constant 0 : i32
    %eq3A_18 = arith.cmpi eq, %arg0, %eq3A : i32
    %mul3A_19 = arith.constant 18 : i32
    %mul3A_20 = arith.muli %arg1, %mul3A_19 : i32
    %mul3A_21 = arith.constant 2 : i32
    %mul3A_22 = arith.muli %arg1, %mul3A_21 : i32
    %add3A = arith.constant 288 : i32
    %add3A_23 = arith.addi %add3A, %mul3A_22 : i32
    %select_n3A = arith.select %eq3A_18, %mul3A_20, %add3A_23 : i32
    %eq3A_24 = arith.constant 0 : i32
    %eq3A_25 = arith.cmpi eq, %arg0, %eq3A_24 : i32
    %jit3A = arith.constant 18 : i32
    %jit3A_26 = arith.constant 2 : i32
    %select_n3A_27 = arith.select %eq3A_25, %jit3A, %jit3A_26 : i32
    %jit3A_28 = arith.constant 2 : i32
    %div3A = arith.divsi %select_n3A_27, %jit3A_28 : i32
    %sign3A = arith.constant 0 : i32
    %sign3A_29 = arith.cmpi sgt, %select_n3A_27, %sign3A : i32
    %sign3A_30 = arith.extui %sign3A_29 : i1 to i32
    %sign3A_31 = arith.constant 0 : i32
    %sign3A_32 = arith.cmpi slt, %select_n3A_27, %sign3A_31 : i32
    %sign3A_33 = arith.extui %sign3A_32 : i1 to i32
    %sign3A_34 = arith.subi %sign3A_30, %sign3A_33 : i32
    %sign3A_35 = arith.constant 0 : i32
    %sign3A_36 = arith.cmpi sgt, %jit3A_28, %sign3A_35 : i32
    %sign3A_37 = arith.extui %sign3A_36 : i1 to i32
    %sign3A_38 = arith.constant 0 : i32
    %sign3A_39 = arith.cmpi slt, %jit3A_28, %sign3A_38 : i32
    %sign3A_40 = arith.extui %sign3A_39 : i1 to i32
    %sign3A_41 = arith.subi %sign3A_37, %sign3A_40 : i32
    %ne3A = arith.cmpi ne, %sign3A_34, %sign3A_41 : i32
    %rem3A = arith.remsi %select_n3A_27, %jit3A_28 : i32
    %ne3A_42 = arith.constant 0 : i32
    %ne3A_43 = arith.cmpi ne, %rem3A, %ne3A_42 : i32
    %and3A = arith.andi %ne3A, %ne3A_43 : i1
    %sub3A = arith.constant 1 : i32
    %sub3A_44 = arith.subi %div3A, %sub3A : i32
    %select_n3A_45 = arith.select %and3A, %sub3A_44, %div3A : i32
    %dma_start3A = arith.constant 0 : i32
    %dma_start3A_46 = arith.constant 0 : i32
    %dma_start3A_47 = tpu.memref_slice %arg3[%select_n3A, %dma_start3A, %dma_start3A_46] : memref<320x8x128xi32, #tpu.memory_space<hbm>> -> memref<1x8x128xi32, #tpu.memory_space<hbm>>
    %dma_start3A_48 = tpu.memref_squeeze %dma_start3A_47 : memref<1x8x128xi32, #tpu.memory_space<hbm>> -> memref<8x128xi32, #tpu.memory_space<hbm>>
    %dma_start3A_49 = arith.constant 0 : i32
    %dma_start3A_50 = arith.constant 0 : i32
    %dma_start3A_51 = tpu.memref_slice %arg3[%select_n3A, %dma_start3A_49, %dma_start3A_50] : memref<320x8x128xi32, #tpu.memory_space<hbm>> -> memref<1x8x128xi32, #tpu.memory_space<hbm>>
    %dma_start3A_52 = tpu.memref_squeeze %dma_start3A_51 : memref<1x8x128xi32, #tpu.memory_space<hbm>> -> memref<8x128xi32, #tpu.memory_space<hbm>>
    tpu.enqueue_dma source(%dma_start3A_52 : memref<8x128xi32, #tpu.memory_space<hbm>>) target(%arg8 : memref<8x128xi32, #tpu.memory_space<vmem>>) target_semaphore(%arg15 : memref<!tpu.dma_semaphore, #tpu.memory_space<semaphore_mem>>)
    %dma_start3A_53 = arith.constant 0 : i32
    %dma_start3A_54 = arith.constant 0 : i32
    %dma_start3A_55 = tpu.memref_slice %arg4[%select_n3A, %dma_start3A_53, %dma_start3A_54] : memref<320x8x128xi32, #tpu.memory_space<hbm>> -> memref<1x8x128xi32, #tpu.memory_space<hbm>>
    %dma_start3A_56 = tpu.memref_squeeze %dma_start3A_55 : memref<1x8x128xi32, #tpu.memory_space<hbm>> -> memref<8x128xi32, #tpu.memory_space<hbm>>
    %dma_start3A_57 = arith.constant 0 : i32
    %dma_start3A_58 = arith.constant 0 : i32
    %dma_start3A_59 = tpu.memref_slice %arg4[%select_n3A, %dma_start3A_57, %dma_start3A_58] : memref<320x8x128xi32, #tpu.memory_space<hbm>> -> memref<1x8x128xi32, #tpu.memory_space<hbm>>
    %dma_start3A_60 = tpu.memref_squeeze %dma_start3A_59 : memref<1x8x128xi32, #tpu.memory_space<hbm>> -> memref<8x128xi32, #tpu.memory_space<hbm>>
    tpu.enqueue_dma source(%dma_start3A_60 : memref<8x128xi32, #tpu.memory_space<hbm>>) target(%arg10 : memref<8x128xi32, #tpu.memory_space<vmem>>) target_semaphore(%arg17 : memref<!tpu.dma_semaphore, #tpu.memory_space<semaphore_mem>>)
    %while3A = arith.constant 0 : i32
    %while3A_61 = arith.constant 0 : i32
    %while3A_62 = arith.subi %select_n3A_45, %while3A_61 : i32
    %while3A_63 = arith.addi %while3A_61, %while3A_62 : i32
    %while3A_64 = arith.constant 1 : i32
    %while3A_65 = arith.divsi %while3A_62, %while3A_64 : i32
    %while3A_66 = arith.muli %while3A_65, %while3A_64 : i32
    %while3A_67 = arith.addi %while3A_61, %while3A_66 : i32
    %while3A_68 = arith.constant 1 : i32
    scf.for %while3A_114 = %while3A_61 to %while3A_67 step %while3A_68  : i32 {
      %mul3A_115 = arith.constant 2 : i32
      %mul3A_116 = arith.muli %mul3A_115, %while3A_114 : i32
      %add3A_117 = arith.addi %select_n3A, %mul3A_116 : i32
      %add3A_118 = arith.constant 0 : i32
      %add3A_119 = arith.addi %add3A_117, %add3A_118 : i32
      %dma_wait3A_120 = arith.constant 0 : i32
      %dma_wait3A_121 = arith.constant 0 : i32
      %dma_wait3A_122 = tpu.memref_slice %arg3[%select_n3A, %dma_wait3A_120, %dma_wait3A_121] : memref<320x8x128xi32, #tpu.memory_space<hbm>> -> memref<1x8x128xi32, #tpu.memory_space<hbm>>
      %dma_wait3A_123 = tpu.memref_squeeze %dma_wait3A_122 : memref<1x8x128xi32, #tpu.memory_space<hbm>> -> memref<8x128xi32, #tpu.memory_space<hbm>>
      %dma_wait3A_124 = arith.constant 0 : i32
      %dma_wait3A_125 = arith.constant 0 : i32
      %dma_wait3A_126 = tpu.memref_slice %arg3[%select_n3A, %dma_wait3A_124, %dma_wait3A_125] : memref<320x8x128xi32, #tpu.memory_space<hbm>> -> memref<1x8x128xi32, #tpu.memory_space<hbm>>
      %dma_wait3A_127 = tpu.memref_squeeze %dma_wait3A_126 : memref<1x8x128xi32, #tpu.memory_space<hbm>> -> memref<8x128xi32, #tpu.memory_space<hbm>>
      tpu.wait_dma2 semaphore(%arg15 : memref<!tpu.dma_semaphore, #tpu.memory_space<semaphore_mem>>) src(%dma_wait3A_127 : memref<8x128xi32, #tpu.memory_space<hbm>>) dst(%arg8 : memref<8x128xi32, #tpu.memory_space<vmem>>)
      %dma_wait3A_128 = arith.constant 0 : i32
      %dma_wait3A_129 = arith.constant 0 : i32
      %dma_wait3A_130 = tpu.memref_slice %arg4[%select_n3A, %dma_wait3A_128, %dma_wait3A_129] : memref<320x8x128xi32, #tpu.memory_space<hbm>> -> memref<1x8x128xi32, #tpu.memory_space<hbm>>
      %dma_wait3A_131 = tpu.memref_squeeze %dma_wait3A_130 : memref<1x8x128xi32, #tpu.memory_space<hbm>> -> memref<8x128xi32, #tpu.memory_space<hbm>>
      %dma_wait3A_132 = arith.constant 0 : i32
      %dma_wait3A_133 = arith.constant 0 : i32
      %dma_wait3A_134 = tpu.memref_slice %arg4[%select_n3A, %dma_wait3A_132, %dma_wait3A_133] : memref<320x8x128xi32, #tpu.memory_space<hbm>> -> memref<1x8x128xi32, #tpu.memory_space<hbm>>
      %dma_wait3A_135 = tpu.memref_squeeze %dma_wait3A_134 : memref<1x8x128xi32, #tpu.memory_space<hbm>> -> memref<8x128xi32, #tpu.memory_space<hbm>>
      tpu.wait_dma2 semaphore(%arg17 : memref<!tpu.dma_semaphore, #tpu.memory_space<semaphore_mem>>) src(%dma_wait3A_135 : memref<8x128xi32, #tpu.memory_space<hbm>>) dst(%arg10 : memref<8x128xi32, #tpu.memory_space<vmem>>)
      %gt3A = arith.constant 0 : i32
      %gt3A_136 = arith.cmpi sgt, %while3A_114, %gt3A : i32
      %convert_element_type3A = arith.extui %gt3A_136 : i1 to i32
      %cond3A = arith.constant 0 : i32
      %cond3A_137 = arith.cmpi ne, %convert_element_type3A, %cond3A : i32
      scf.if %cond3A_137 {
        %dma_wait3A_684 = arith.constant 0 : i32
        %dma_wait3A_685 = arith.constant 0 : i32
        %dma_wait3A_686 = tpu.memref_slice %arg2[%dma_wait3A_684, %dma_wait3A_685] : memref<10000x128xf32, #tpu.memory_space<hbm>> -> memref<128x128xf32, #tpu.memory_space<hbm>>
        %dma_wait3A_687 = arith.constant 0 : i32
        %dma_wait3A_688 = arith.constant 0 : i32
        %dma_wait3A_689 = tpu.memref_slice %arg2[%dma_wait3A_687, %dma_wait3A_688] : memref<10000x128xf32, #tpu.memory_space<hbm>> -> memref<128x128xf32, #tpu.memory_space<hbm>>
        tpu.wait_dma2 semaphore(%arg21 : memref<!tpu.dma_semaphore, #tpu.memory_space<semaphore_mem>>) src(%dma_wait3A_689 : memref<128x128xf32, #tpu.memory_space<hbm>>) dst(%arg12 : memref<128x128xf32, #tpu.memory_space<vmem>>)
      } else {
      }
      %dma_start3A_138 = arith.constant 0 : i32
      %dma_start3A_139 = arith.constant 0 : i32
      %dma_start3A_140 = tpu.memref_slice %arg8[%dma_start3A_138, %dma_start3A_139] : memref<8x128xi32, #tpu.memory_space<vmem>> -> memref<1x128xi32, #tpu.memory_space<vmem>>
      %dma_start3A_141 = tpu.memref_squeeze %dma_start3A_140 : memref<1x128xi32, #tpu.memory_space<vmem>> -> memref<128xi32, #tpu.memory_space<vmem>>
      %dma_start3A_142 = arith.constant 0 : i32
      %dma_start3A_143 = arith.constant 0 : i32
      %dma_start3A_144 = tpu.memref_slice %arg2[%dma_start3A_142, %dma_start3A_143] : memref<10000x128xf32, #tpu.memory_space<hbm>> -> memref<10000x128xf32, #tpu.memory_space<hbm>>
      tpu.enqueue_indirect_dma source(%dma_start3A_144 : memref<10000x128xf32, #tpu.memory_space<hbm>>) target(%arg12 : memref<128x128xf32, #tpu.memory_space<vmem>>) offsets(%dma_start3A_141 : memref<128xi32, #tpu.memory_space<vmem>>) semaphore(%arg19 : memref<!tpu.dma_semaphore, #tpu.memory_space<semaphore_mem>>)
      %gt3A_145 = arith.constant 0 : i32
      %gt3A_146 = arith.cmpi sgt, %while3A_114, %gt3A_145 : i32
      %convert_element_type3A_147 = arith.extui %gt3A_146 : i1 to i32
      %cond3A_148 = arith.constant 0 : i32
      %cond3A_149 = arith.cmpi ne, %convert_element_type3A_147, %cond3A_148 : i32
      scf.if %cond3A_149 {
        %dma_wait3A_684 = arith.constant 0 : i32
        %dma_wait3A_685 = arith.constant 0 : i32
        %dma_wait3A_686 = tpu.memref_slice %arg2[%dma_wait3A_684, %dma_wait3A_685] : memref<10000x128xf32, #tpu.memory_space<hbm>> -> memref<128x128xf32, #tpu.memory_space<hbm>>
        %dma_wait3A_687 = arith.constant 0 : i32
        %dma_wait3A_688 = arith.constant 0 : i32
        %dma_wait3A_689 = tpu.memref_slice %arg2[%dma_wait3A_687, %dma_wait3A_688] : memref<10000x128xf32, #tpu.memory_space<hbm>> -> memref<128x128xf32, #tpu.memory_space<hbm>>
        tpu.wait_dma2 semaphore(%arg20 : memref<!tpu.dma_semaphore, #tpu.memory_space<semaphore_mem>>) src(%dma_wait3A_689 : memref<128x128xf32, #tpu.memory_space<hbm>>) dst(%arg13 : memref<128x128xf32, #tpu.memory_space<vmem>>)
        %scan3A_690 = arith.constant 0 : i32
        %scan3A_691 = arith.constant 7 : i32
        %scan3A_692 = arith.constant 0 : i32
        %scan3A_693 = arith.constant 8 : i32
        %scan3A_694 = arith.addi %scan3A_692, %scan3A_693 : i32
        %scan3A_695 = arith.constant 1 : i32
        scf.for %scan3A_704 = %scan3A_692 to %scan3A_694 step %scan3A_695  : i32 {
          %mul3A_705 = arith.constant 16 : i32
          %mul3A_706 = arith.muli %scan3A_704, %mul3A_705 : i32
          %get3A = arith.constant 0 : i32
          %get3A_707 = tpu.memref_slice %arg11[%scan3A_691, %get3A] : memref<8x128xi32, #tpu.memory_space<vmem>> -> memref<1x128xi32, #tpu.memory_space<vmem>>
          %get3A_708 = tpu.memref_squeeze %get3A_707 : memref<1x128xi32, #tpu.memory_space<vmem>> -> memref<128xi32, #tpu.memory_space<vmem>>
          %get3A_709 = arith.index_cast %mul3A_706 : i32 to index
          %get3A_710 = tpu.vector_load %get3A_708[%get3A_709] {strides = array<i32>} : memref<128xi32, #tpu.memory_space<vmem>>, vector<16xi32>,
          %broadcast_in_dim3A = arith.constant 1.000000e+00 : f32
          %broadcast_in_dim3A_711 = vector.broadcast %broadcast_in_dim3A : f32 to vector<16xf32>
          tpu.vector_store_idx %arg23[%get3A_710], %broadcast_in_dim3A_711 {add = true} : memref<10240xf32, #tpu.memory_space<vmem>>[vector<16xi32>], vector<16xf32>,
        }
        %scan3A_696 = arith.constant 8 : i32
        %dma_start3A_697 = arith.constant 7 : i32
        %dma_start3A_698 = arith.constant 0 : i32
        %dma_start3A_699 = tpu.memref_slice %arg11[%dma_start3A_697, %dma_start3A_698] : memref<8x128xi32, #tpu.memory_space<vmem>> -> memref<1x128xi32, #tpu.memory_space<vmem>>
        %dma_start3A_700 = tpu.memref_squeeze %dma_start3A_699 : memref<1x128xi32, #tpu.memory_space<vmem>> -> memref<128xi32, #tpu.memory_space<vmem>>
        %dma_start3A_701 = arith.constant 0 : i32
        %dma_start3A_702 = arith.constant 0 : i32
        %dma_start3A_703 = tpu.memref_slice %arg14[%dma_start3A_701, %dma_start3A_702] : memref<10240x128xf32, #tpu.memory_space<vmem_shared>> -> memref<10240x128xf32, #tpu.memory_space<vmem_shared>>
        tpu.enqueue_indirect_dma source(%arg13 : memref<128x128xf32, #tpu.memory_space<vmem>>) target(%dma_start3A_703 : memref<10240x128xf32, #tpu.memory_space<vmem_shared>>) offsets(%dma_start3A_700 : memref<128xi32, #tpu.memory_space<vmem>>) semaphore(%arg22 : memref<!tpu.dma_semaphore, #tpu.memory_space<semaphore_mem>>) {add = true}
      } else {
      }
      %gt3A_150 = arith.constant 0 : i32
      %gt3A_151 = arith.cmpi sgt, %while3A_114, %gt3A_150 : i32
      %convert_element_type3A_152 = arith.extui %gt3A_151 : i1 to i32
      %cond3A_153 = arith.constant 0 : i32
      %cond3A_154 = arith.cmpi ne, %convert_element_type3A_152, %cond3A_153 : i32
      scf.if %cond3A_154 {
        %dma_wait3A_684 = arith.constant 0 : i32
        %dma_wait3A_685 = arith.constant 0 : i32
        %dma_wait3A_686 = tpu.memref_slice %arg2[%dma_wait3A_684, %dma_wait3A_685] : memref<10000x128xf32, #tpu.memory_space<hbm>> -> memref<128x128xf32, #tpu.memory_space<hbm>>
        %dma_wait3A_687 = arith.constant 0 : i32
        %dma_wait3A_688 = arith.constant 0 : i32
        %dma_wait3A_689 = tpu.memref_slice %arg2[%dma_wait3A_687, %dma_wait3A_688] : memref<10000x128xf32, #tpu.memory_space<hbm>> -> memref<128x128xf32, #tpu.memory_space<hbm>>
        tpu.wait_dma2 semaphore(%arg22 : memref<!tpu.dma_semaphore, #tpu.memory_space<semaphore_mem>>) src(%dma_wait3A_689 : memref<128x128xf32, #tpu.memory_space<hbm>>) dst(%arg13 : memref<128x128xf32, #tpu.memory_space<vmem>>)
      } else {
      }
      %dma_start3A_155 = arith.constant 1 : i32
      %dma_start3A_156 = arith.constant 0 : i32
      %dma_start3A_157 = tpu.memref_slice %arg8[%dma_start3A_155, %dma_start3A_156] : memref<8x128xi32, #tpu.memory_space<vmem>> -> memref<1x128xi32, #tpu.memory_space<vmem>>
      %dma_start3A_158 = tpu.memref_squeeze %dma_start3A_157 : memref<1x128xi32, #tpu.memory_space<vmem>> -> memref<128xi32, #tpu.memory_space<vmem>>
      %dma_start3A_159 = arith.constant 0 : i32
      %dma_start3A_160 = arith.constant 0 : i32
      %dma_start3A_161 = tpu.memref_slice %arg2[%dma_start3A_159, %dma_start3A_160] : memref<10000x128xf32, #tpu.memory_space<hbm>> -> memref<10000x128xf32, #tpu.memory_space<hbm>>
      tpu.enqueue_indirect_dma source(%dma_start3A_161 : memref<10000x128xf32, #tpu.memory_space<hbm>>) target(%arg13 : memref<128x128xf32, #tpu.memory_space<vmem>>) offsets(%dma_start3A_158 : memref<128xi32, #tpu.memory_space<vmem>>) semaphore(%arg20 : memref<!tpu.dma_semaphore, #tpu.memory_space<semaphore_mem>>)
      %dma_wait3A_162 = arith.constant 0 : i32
      %dma_wait3A_163 = arith.constant 0 : i32
      %dma_wait3A_164 = tpu.memref_slice %arg2[%dma_wait3A_162, %dma_wait3A_163] : memref<10000x128xf32, #tpu.memory_space<hbm>> -> memref<128x128xf32, #tpu.memory_space<hbm>>
      %dma_wait3A_165 = arith.constant 0 : i32
      %dma_wait3A_166 = arith.constant 0 : i32
      %dma_wait3A_167 = tpu.memref_slice %arg2[%dma_wait3A_165, %dma_wait3A_166] : memref<10000x128xf32, #tpu.memory_space<hbm>> -> memref<128x128xf32, #tpu.memory_space<hbm>>
      tpu.wait_dma2 semaphore(%arg19 : memref<!tpu.dma_semaphore, #tpu.memory_space<semaphore_mem>>) src(%dma_wait3A_167 : memref<128x128xf32, #tpu.memory_space<hbm>>) dst(%arg12 : memref<128x128xf32, #tpu.memory_space<vmem>>)
      %scan3A_168 = arith.constant 0 : i32
      %scan3A_169 = arith.constant 0 : i32
      %scan3A_170 = arith.constant 0 : i32
      %scan3A_171 = arith.constant 8 : i32
      %scan3A_172 = arith.addi %scan3A_170, %scan3A_171 : i32
      %scan3A_173 = arith.constant 1 : i32
      scf.for %scan3A_684 = %scan3A_170 to %scan3A_172 step %scan3A_173  : i32 {
        %mul3A_685 = arith.constant 16 : i32
        %mul3A_686 = arith.muli %scan3A_684, %mul3A_685 : i32
        %get3A = arith.constant 0 : i32
        %get3A_687 = tpu.memref_slice %arg10[%scan3A_169, %get3A] : memref<8x128xi32, #tpu.memory_space<vmem>> -> memref<1x128xi32, #tpu.memory_space<vmem>>
        %get3A_688 = tpu.memref_squeeze %get3A_687 : memref<1x128xi32, #tpu.memory_space<vmem>> -> memref<128xi32, #tpu.memory_space<vmem>>
        %get3A_689 = arith.index_cast %mul3A_686 : i32 to index
        %get3A_690 = tpu.vector_load %get3A_688[%get3A_689] {strides = array<i32>} : memref<128xi32, #tpu.memory_space<vmem>>, vector<16xi32>,
        %broadcast_in_dim3A = arith.constant 1.000000e+00 : f32
        %broadcast_in_dim3A_691 = vector.broadcast %broadcast_in_dim3A : f32 to vector<16xf32>
        tpu.vector_store_idx %arg23[%get3A_690], %broadcast_in_dim3A_691 {add = true} : memref<10240xf32, #tpu.memory_space<vmem>>[vector<16xi32>], vector<16xf32>,
      }
      %scan3A_174 = arith.constant 8 : i32
      %dma_start3A_175 = arith.constant 0 : i32
      %dma_start3A_176 = arith.constant 0 : i32
      %dma_start3A_177 = tpu.memref_slice %arg10[%dma_start3A_175, %dma_start3A_176] : memref<8x128xi32, #tpu.memory_space<vmem>> -> memref<1x128xi32, #tpu.memory_space<vmem>>
      %dma_start3A_178 = tpu.memref_squeeze %dma_start3A_177 : memref<1x128xi32, #tpu.memory_space<vmem>> -> memref<128xi32, #tpu.memory_space<vmem>>
      %dma_start3A_179 = arith.constant 0 : i32
      %dma_start3A_180 = arith.constant 0 : i32
      %dma_start3A_181 = tpu.memref_slice %arg14[%dma_start3A_179, %dma_start3A_180] : memref<10240x128xf32, #tpu.memory_space<vmem_shared>> -> memref<10240x128xf32, #tpu.memory_space<vmem_shared>>
      tpu.enqueue_indirect_dma source(%arg12 : memref<128x128xf32, #tpu.memory_space<vmem>>) target(%dma_start3A_181 : memref<10240x128xf32, #tpu.memory_space<vmem_shared>>) offsets(%dma_start3A_178 : memref<128xi32, #tpu.memory_space<vmem>>) semaphore(%arg21 : memref<!tpu.dma_semaphore, #tpu.memory_space<semaphore_mem>>) {add = true}
      %dma_wait3A_182 = arith.constant 0 : i32
      %dma_wait3A_183 = arith.constant 0 : i32
      %dma_wait3A_184 = tpu.memref_slice %arg2[%dma_wait3A_182, %dma_wait3A_183] : memref<10000x128xf32, #tpu.memory_space<hbm>> -> memref<128x128xf32, #tpu.memory_space<hbm>>
      %dma_wait3A_185 = arith.constant 0 : i32
      %dma_wait3A_186 = arith.constant 0 : i32
      %dma_wait3A_187 = tpu.memref_slice %arg2[%dma_wait3A_185, %dma_wait3A_186] : memref<10000x128xf32, #tpu.memory_space<hbm>> -> memref<128x128xf32, #tpu.memory_space<hbm>>
      tpu.wait_dma2 semaphore(%arg21 : memref<!tpu.dma_semaphore, #tpu.memory_space<semaphore_mem>>) src(%dma_wait3A_187 : memref<128x128xf32, #tpu.memory_space<hbm>>) dst(%arg12 : memref<128x128xf32, #tpu.memory_space<vmem>>)
      %dma_start3A_188 = arith.constant 2 : i32
      %dma_start3A_189 = arith.constant 0 : i32
      %dma_start3A_190 = tpu.memref_slice %arg8[%dma_start3A_188, %dma_start3A_189] : memref<8x128xi32, #tpu.memory_space<vmem>> -> memref<1x128xi32, #tpu.memory_space<vmem>>
      %dma_start3A_191 = tpu.memref_squeeze %dma_start3A_190 : memref<1x128xi32, #tpu.memory_space<vmem>> -> memref<128xi32, #tpu.memory_space<vmem>>
      %dma_start3A_192 = arith.constant 0 : i32
      %dma_start3A_193 = arith.constant 0 : i32
      %dma_start3A_194 = tpu.memref_slice %arg2[%dma_start3A_192, %dma_start3A_193] : memref<10000x128xf32, #tpu.memory_space<hbm>> -> memref<10000x128xf32, #tpu.memory_space<hbm>>
      tpu.enqueue_indirect_dma source(%dma_start3A_194 : memref<10000x128xf32, #tpu.memory_space<hbm>>) target(%arg12 : memref<128x128xf32, #tpu.memory_space<vmem>>) offsets(%dma_start3A_191 : memref<128xi32, #tpu.memory_space<vmem>>) semaphore(%arg19 : memref<!tpu.dma_semaphore, #tpu.memory_space<semaphore_mem>>)
      %dma_wait3A_195 = arith.constant 0 : i32
      %dma_wait3A_196 = arith.constant 0 : i32
      %dma_wait3A_197 = tpu.memref_slice %arg2[%dma_wait3A_195, %dma_wait3A_196] : memref<10000x128xf32, #tpu.memory_space<hbm>> -> memref<128x128xf32, #tpu.memory_space<hbm>>
      %dma_wait3A_198 = arith.constant 0 : i32
      %dma_wait3A_199 = arith.constant 0 : i32
      %dma_wait3A_200 = tpu.memref_slice %arg2[%dma_wait3A_198, %dma_wait3A_199] : memref<10000x128xf32, #tpu.memory_space<hbm>> -> memref<128x128xf32, #tpu.memory_space<hbm>>
      tpu.wait_dma2 semaphore(%arg20 : memref<!tpu.dma_semaphore, #tpu.memory_space<semaphore_mem>>) src(%dma_wait3A_200 : memref<128x128xf32, #tpu.memory_space<hbm>>) dst(%arg13 : memref<128x128xf32, #tpu.memory_space<vmem>>)
      %scan3A_201 = arith.constant 0 : i32
      %scan3A_202 = arith.constant 1 : i32
      %scan3A_203 = arith.constant 0 : i32
      %scan3A_204 = arith.constant 8 : i32
      %scan3A_205 = arith.addi %scan3A_203, %scan3A_204 : i32
      %scan3A_206 = arith.constant 1 : i32
      scf.for %scan3A_684 = %scan3A_203 to %scan3A_205 step %scan3A_206  : i32 {
        %mul3A_685 = arith.constant 16 : i32
        %mul3A_686 = arith.muli %scan3A_684, %mul3A_685 : i32
        %get3A = arith.constant 0 : i32
        %get3A_687 = tpu.memref_slice %arg10[%scan3A_202, %get3A] : memref<8x128xi32, #tpu.memory_space<vmem>> -> memref<1x128xi32, #tpu.memory_space<vmem>>
        %get3A_688 = tpu.memref_squeeze %get3A_687 : memref<1x128xi32, #tpu.memory_space<vmem>> -> memref<128xi32, #tpu.memory_space<vmem>>
        %get3A_689 = arith.index_cast %mul3A_686 : i32 to index
        %get3A_690 = tpu.vector_load %get3A_688[%get3A_689] {strides = array<i32>} : memref<128xi32, #tpu.memory_space<vmem>>, vector<16xi32>,
        %broadcast_in_dim3A = arith.constant 1.000000e+00 : f32
        %broadcast_in_dim3A_691 = vector.broadcast %broadcast_in_dim3A : f32 to vector<16xf32>
        tpu.vector_store_idx %arg23[%get3A_690], %broadcast_in_dim3A_691 {add = true} : memref<10240xf32, #tpu.memory_space<vmem>>[vector<16xi32>], vector<16xf32>,
      }
      %scan3A_207 = arith.constant 8 : i32
      %dma_start3A_208 = arith.constant 1 : i32
      %dma_start3A_209 = arith.constant 0 : i32
      %dma_start3A_210 = tpu.memref_slice %arg10[%dma_start3A_208, %dma_start3A_209] : memref<8x128xi32, #tpu.memory_space<vmem>> -> memref<1x128xi32, #tpu.memory_space<vmem>>
      %dma_start3A_211 = tpu.memref_squeeze %dma_start3A_210 : memref<1x128xi32, #tpu.memory_space<vmem>> -> memref<128xi32, #tpu.memory_space<vmem>>
      %dma_start3A_212 = arith.constant 0 : i32
      %dma_start3A_213 = arith.constant 0 : i32
      %dma_start3A_214 = tpu.memref_slice %arg14[%dma_start3A_212, %dma_start3A_213] : memref<10240x128xf32, #tpu.memory_space<vmem_shared>> -> memref<10240x128xf32, #tpu.memory_space<vmem_shared>>
      tpu.enqueue_indirect_dma source(%arg13 : memref<128x128xf32, #tpu.memory_space<vmem>>) target(%dma_start3A_214 : memref<10240x128xf32, #tpu.memory_space<vmem_shared>>) offsets(%dma_start3A_211 : memref<128xi32, #tpu.memory_space<vmem>>) semaphore(%arg22 : memref<!tpu.dma_semaphore, #tpu.memory_space<semaphore_mem>>) {add = true}
      %mul3A_215 = arith.constant 2 : i32
      %mul3A_216 = arith.muli %mul3A_215, %while3A_114 : i32
      %add3A_217 = arith.constant 0 : i32
      %add3A_218 = arith.addi %mul3A_216, %add3A_217 : i32
      %add3A_219 = arith.constant 1 : i32
      %add3A_220 = arith.addi %add3A_218, %add3A_219 : i32
      %lt3A = arith.cmpi slt, %add3A_220, %select_n3A_27 : i32
      %convert_element_type3A_221 = arith.extui %lt3A : i1 to i32
      %cond3A_222 = arith.constant 0 : i32
      %cond3A_223 = arith.cmpi ne, %convert_element_type3A_221, %cond3A_222 : i32
      scf.if %cond3A_223 {
        %add3A_684 = arith.constant 1 : i32
        %add3A_685 = arith.addi %add3A_119, %add3A_684 : i32
        %dma_start3A_686 = arith.constant 0 : i32
        %dma_start3A_687 = arith.constant 0 : i32
        %dma_start3A_688 = tpu.memref_slice %arg3[%add3A_685, %dma_start3A_686, %dma_start3A_687] : memref<320x8x128xi32, #tpu.memory_space<hbm>> -> memref<1x8x128xi32, #tpu.memory_space<hbm>>
        %dma_start3A_689 = tpu.memref_squeeze %dma_start3A_688 : memref<1x8x128xi32, #tpu.memory_space<hbm>> -> memref<8x128xi32, #tpu.memory_space<hbm>>
        %dma_start3A_690 = arith.constant 0 : i32
        %dma_start3A_691 = arith.constant 0 : i32
        %dma_start3A_692 = tpu.memref_slice %arg3[%add3A_685, %dma_start3A_690, %dma_start3A_691] : memref<320x8x128xi32, #tpu.memory_space<hbm>> -> memref<1x8x128xi32, #tpu.memory_space<hbm>>
        %dma_start3A_693 = tpu.memref_squeeze %dma_start3A_692 : memref<1x8x128xi32, #tpu.memory_space<hbm>> -> memref<8x128xi32, #tpu.memory_space<hbm>>
        tpu.enqueue_dma source(%dma_start3A_693 : memref<8x128xi32, #tpu.memory_space<hbm>>) target(%arg9 : memref<8x128xi32, #tpu.memory_space<vmem>>) target_semaphore(%arg16 : memref<!tpu.dma_semaphore, #tpu.memory_space<semaphore_mem>>)
        %add3A_694 = arith.constant 1 : i32
        %add3A_695 = arith.addi %add3A_119, %add3A_694 : i32
        %dma_start3A_696 = arith.constant 0 : i32
        %dma_start3A_697 = arith.constant 0 : i32
        %dma_start3A_698 = tpu.memref_slice %arg4[%add3A_695, %dma_start3A_696, %dma_start3A_697] : memref<320x8x128xi32, #tpu.memory_space<hbm>> -> memref<1x8x128xi32, #tpu.memory_space<hbm>>
        %dma_start3A_699 = tpu.memref_squeeze %dma_start3A_698 : memref<1x8x128xi32, #tpu.memory_space<hbm>> -> memref<8x128xi32, #tpu.memory_space<hbm>>
        %dma_start3A_700 = arith.constant 0 : i32
        %dma_start3A_701 = arith.constant 0 : i32
        %dma_start3A_702 = tpu.memref_slice %arg4[%add3A_695, %dma_start3A_700, %dma_start3A_701] : memref<320x8x128xi32, #tpu.memory_space<hbm>> -> memref<1x8x128xi32, #tpu.memory_space<hbm>>
        %dma_start3A_703 = tpu.memref_squeeze %dma_start3A_702 : memref<1x8x128xi32, #tpu.memory_space<hbm>> -> memref<8x128xi32, #tpu.memory_space<hbm>>
        tpu.enqueue_dma source(%dma_start3A_703 : memref<8x128xi32, #tpu.memory_space<hbm>>) target(%arg11 : memref<8x128xi32, #tpu.memory_space<vmem>>) target_semaphore(%arg18 : memref<!tpu.dma_semaphore, #tpu.memory_space<semaphore_mem>>)
      } else {
      }
      %dma_wait3A_224 = arith.constant 0 : i32
      %dma_wait3A_225 = arith.constant 0 : i32
      %dma_wait3A_226 = tpu.memref_slice %arg2[%dma_wait3A_224, %dma_wait3A_225] : memref<10000x128xf32, #tpu.memory_space<hbm>> -> memref<128x128xf32, #tpu.memory_space<hbm>>
      %dma_wait3A_227 = arith.constant 0 : i32
      %dma_wait3A_228 = arith.constant 0 : i32
      %dma_wait3A_229 = tpu.memref_slice %arg2[%dma_wait3A_227, %dma_wait3A_228] : memref<10000x128xf32, #tpu.memory_space<hbm>> -> memref<128x128xf32, #tpu.memory_space<hbm>>
      tpu.wait_dma2 semaphore(%arg22 : memref<!tpu.dma_semaphore, #tpu.memory_space<semaphore_mem>>) src(%dma_wait3A_229 : memref<128x128xf32, #tpu.memory_space<hbm>>) dst(%arg13 : memref<128x128xf32, #tpu.memory_space<vmem>>)
      %dma_start3A_230 = arith.constant 3 : i32
      %dma_start3A_231 = arith.constant 0 : i32
      %dma_start3A_232 = tpu.memref_slice %arg8[%dma_start3A_230, %dma_start3A_231] : memref<8x128xi32, #tpu.memory_space<vmem>> -> memref<1x128xi32, #tpu.memory_space<vmem>>
      %dma_start3A_233 = tpu.memref_squeeze %dma_start3A_232 : memref<1x128xi32, #tpu.memory_space<vmem>> -> memref<128xi32, #tpu.memory_space<vmem>>
      %dma_start3A_234 = arith.constant 0 : i32
      %dma_start3A_235 = arith.constant 0 : i32
      %dma_start3A_236 = tpu.memref_slice %arg2[%dma_start3A_234, %dma_start3A_235] : memref<10000x128xf32, #tpu.memory_space<hbm>> -> memref<10000x128xf32, #tpu.memory_space<hbm>>
      tpu.enqueue_indirect_dma source(%dma_start3A_236 : memref<10000x128xf32, #tpu.memory_space<hbm>>) target(%arg13 : memref<128x128xf32, #tpu.memory_space<vmem>>) offsets(%dma_start3A_233 : memref<128xi32, #tpu.memory_space<vmem>>) semaphore(%arg20 : memref<!tpu.dma_semaphore, #tpu.memory_space<semaphore_mem>>)
      %dma_wait3A_237 = arith.constant 0 : i32
      %dma_wait3A_238 = arith.constant 0 : i32
      %dma_wait3A_239 = tpu.memref_slice %arg2[%dma_wait3A_237, %dma_wait3A_238] : memref<10000x128xf32, #tpu.memory_space<hbm>> -> memref<128x128xf32, #tpu.memory_space<hbm>>
      %dma_wait3A_240 = arith.constant 0 : i32
      %dma_wait3A_241 = arith.constant 0 : i32
      %dma_wait3A_242 = tpu.memref_slice %arg2[%dma_wait3A_240, %dma_wait3A_241] : memref<10000x128xf32, #tpu.memory_space<hbm>> -> memref<128x128xf32, #tpu.memory_space<hbm>>
      tpu.wait_dma2 semaphore(%arg19 : memref<!tpu.dma_semaphore, #tpu.memory_space<semaphore_mem>>) src(%dma_wait3A_242 : memref<128x128xf32, #tpu.memory_space<hbm>>) dst(%arg12 : memref<128x128xf32, #tpu.memory_space<vmem>>)
      %scan3A_243 = arith.constant 0 : i32
      %scan3A_244 = arith.constant 2 : i32
      %scan3A_245 = arith.constant 0 : i32
      %scan3A_246 = arith.constant 8 : i32
      %scan3A_247 = arith.addi %scan3A_245, %scan3A_246 : i32
      %scan3A_248 = arith.constant 1 : i32
      scf.for %scan3A_684 = %scan3A_245 to %scan3A_247 step %scan3A_248  : i32 {
        %mul3A_685 = arith.constant 16 : i32
        %mul3A_686 = arith.muli %scan3A_684, %mul3A_685 : i32
        %get3A = arith.constant 0 : i32
        %get3A_687 = tpu.memref_slice %arg10[%scan3A_244, %get3A] : memref<8x128xi32, #tpu.memory_space<vmem>> -> memref<1x128xi32, #tpu.memory_space<vmem>>
        %get3A_688 = tpu.memref_squeeze %get3A_687 : memref<1x128xi32, #tpu.memory_space<vmem>> -> memref<128xi32, #tpu.memory_space<vmem>>
        %get3A_689 = arith.index_cast %mul3A_686 : i32 to index
        %get3A_690 = tpu.vector_load %get3A_688[%get3A_689] {strides = array<i32>} : memref<128xi32, #tpu.memory_space<vmem>>, vector<16xi32>,
        %broadcast_in_dim3A = arith.constant 1.000000e+00 : f32
        %broadcast_in_dim3A_691 = vector.broadcast %broadcast_in_dim3A : f32 to vector<16xf32>
        tpu.vector_store_idx %arg23[%get3A_690], %broadcast_in_dim3A_691 {add = true} : memref<10240xf32, #tpu.memory_space<vmem>>[vector<16xi32>], vector<16xf32>,
      }
      %scan3A_249 = arith.constant 8 : i32
      %dma_start3A_250 = arith.constant 2 : i32
      %dma_start3A_251 = arith.constant 0 : i32
      %dma_start3A_252 = tpu.memref_slice %arg10[%dma_start3A_250, %dma_start3A_251] : memref<8x128xi32, #tpu.memory_space<vmem>> -> memref<1x128xi32, #tpu.memory_space<vmem>>
      %dma_start3A_253 = tpu.memref_squeeze %dma_start3A_252 : memref<1x128xi32, #tpu.memory_space<vmem>> -> memref<128xi32, #tpu.memory_space<vmem>>
      %dma_start3A_254 = arith.constant 0 : i32
      %dma_start3A_255 = arith.constant 0 : i32
      %dma_start3A_256 = tpu.memref_slice %arg14[%dma_start3A_254, %dma_start3A_255] : memref<10240x128xf32, #tpu.memory_space<vmem_shared>> -> memref<10240x128xf32, #tpu.memory_space<vmem_shared>>
      tpu.enqueue_indirect_dma source(%arg12 : memref<128x128xf32, #tpu.memory_space<vmem>>) target(%dma_start3A_256 : memref<10240x128xf32, #tpu.memory_space<vmem_shared>>) offsets(%dma_start3A_253 : memref<128xi32, #tpu.memory_space<vmem>>) semaphore(%arg21 : memref<!tpu.dma_semaphore, #tpu.memory_space<semaphore_mem>>) {add = true}
      %dma_wait3A_257 = arith.constant 0 : i32
      %dma_wait3A_258 = arith.constant 0 : i32
      %dma_wait3A_259 = tpu.memref_slice %arg2[%dma_wait3A_257, %dma_wait3A_258] : memref<10000x128xf32, #tpu.memory_space<hbm>> -> memref<128x128xf32, #tpu.memory_space<hbm>>
      %dma_wait3A_260 = arith.constant 0 : i32
      %dma_wait3A_261 = arith.constant 0 : i32
      %dma_wait3A_262 = tpu.memref_slice %arg2[%dma_wait3A_260, %dma_wait3A_261] : memref<10000x128xf32, #tpu.memory_space<hbm>> -> memref<128x128xf32, #tpu.memory_space<hbm>>
      tpu.wait_dma2 semaphore(%arg21 : memref<!tpu.dma_semaphore, #tpu.memory_space<semaphore_mem>>) src(%dma_wait3A_262 : memref<128x128xf32, #tpu.memory_space<hbm>>) dst(%arg12 : memref<128x128xf32, #tpu.memory_space<vmem>>)
      %dma_start3A_263 = arith.constant 4 : i32
      %dma_start3A_264 = arith.constant 0 : i32
      %dma_start3A_265 = tpu.memref_slice %arg8[%dma_start3A_263, %dma_start3A_264] : memref<8x128xi32, #tpu.memory_space<vmem>> -> memref<1x128xi32, #tpu.memory_space<vmem>>
      %dma_start3A_266 = tpu.memref_squeeze %dma_start3A_265 : memref<1x128xi32, #tpu.memory_space<vmem>> -> memref<128xi32, #tpu.memory_space<vmem>>
      %dma_start3A_267 = arith.constant 0 : i32
      %dma_start3A_268 = arith.constant 0 : i32
      %dma_start3A_269 = tpu.memref_slice %arg2[%dma_start3A_267, %dma_start3A_268] : memref<10000x128xf32, #tpu.memory_space<hbm>> -> memref<10000x128xf32, #tpu.memory_space<hbm>>
      tpu.enqueue_indirect_dma source(%dma_start3A_269 : memref<10000x128xf32, #tpu.memory_space<hbm>>) target(%arg12 : memref<128x128xf32, #tpu.memory_space<vmem>>) offsets(%dma_start3A_266 : memref<128xi32, #tpu.memory_space<vmem>>) semaphore(%arg19 : memref<!tpu.dma_semaphore, #tpu.memory_space<semaphore_mem>>)
      %dma_wait3A_270 = arith.constant 0 : i32
      %dma_wait3A_271 = arith.constant 0 : i32
      %dma_wait3A_272 = tpu.memref_slice %arg2[%dma_wait3A_270, %dma_wait3A_271] : memref<10000x128xf32, #tpu.memory_space<hbm>> -> memref<128x128xf32, #tpu.memory_space<hbm>>
      %dma_wait3A_273 = arith.constant 0 : i32
      %dma_wait3A_274 = arith.constant 0 : i32
      %dma_wait3A_275 = tpu.memref_slice %arg2[%dma_wait3A_273, %dma_wait3A_274] : memref<10000x128xf32, #tpu.memory_space<hbm>> -> memref<128x128xf32, #tpu.memory_space<hbm>>
      tpu.wait_dma2 semaphore(%arg20 : memref<!tpu.dma_semaphore, #tpu.memory_space<semaphore_mem>>) src(%dma_wait3A_275 : memref<128x128xf32, #tpu.memory_space<hbm>>) dst(%arg13 : memref<128x128xf32, #tpu.memory_space<vmem>>)
      %scan3A_276 = arith.constant 0 : i32
      %scan3A_277 = arith.constant 3 : i32
      %scan3A_278 = arith.constant 0 : i32
      %scan3A_279 = arith.constant 8 : i32
      %scan3A_280 = arith.addi %scan3A_278, %scan3A_279 : i32
      %scan3A_281 = arith.constant 1 : i32
      scf.for %scan3A_684 = %scan3A_278 to %scan3A_280 step %scan3A_281  : i32 {
        %mul3A_685 = arith.constant 16 : i32
        %mul3A_686 = arith.muli %scan3A_684, %mul3A_685 : i32
        %get3A = arith.constant 0 : i32
        %get3A_687 = tpu.memref_slice %arg10[%scan3A_277, %get3A] : memref<8x128xi32, #tpu.memory_space<vmem>> -> memref<1x128xi32, #tpu.memory_space<vmem>>
        %get3A_688 = tpu.memref_squeeze %get3A_687 : memref<1x128xi32, #tpu.memory_space<vmem>> -> memref<128xi32, #tpu.memory_space<vmem>>
        %get3A_689 = arith.index_cast %mul3A_686 : i32 to index
        %get3A_690 = tpu.vector_load %get3A_688[%get3A_689] {strides = array<i32>} : memref<128xi32, #tpu.memory_space<vmem>>, vector<16xi32>,
        %broadcast_in_dim3A = arith.constant 1.000000e+00 : f32
        %broadcast_in_dim3A_691 = vector.broadcast %broadcast_in_dim3A : f32 to vector<16xf32>
        tpu.vector_store_idx %arg23[%get3A_690], %broadcast_in_dim3A_691 {add = true} : memref<10240xf32, #tpu.memory_space<vmem>>[vector<16xi32>], vector<16xf32>,
      }
      %scan3A_282 = arith.constant 8 : i32
      %dma_start3A_283 = arith.constant 3 : i32
      %dma_start3A_284 = arith.constant 0 : i32
      %dma_start3A_285 = tpu.memref_slice %arg10[%dma_start3A_283, %dma_start3A_284] : memref<8x128xi32, #tpu.memory_space<vmem>> -> memref<1x128xi32, #tpu.memory_space<vmem>>
      %dma_start3A_286 = tpu.memref_squeeze %dma_start3A_285 : memref<1x128xi32, #tpu.memory_space<vmem>> -> memref<128xi32, #tpu.memory_space<vmem>>
      %dma_start3A_287 = arith.constant 0 : i32
      %dma_start3A_288 = arith.constant 0 : i32
      %dma_start3A_289 = tpu.memref_slice %arg14[%dma_start3A_287, %dma_start3A_288] : memref<10240x128xf32, #tpu.memory_space<vmem_shared>> -> memref<10240x128xf32, #tpu.memory_space<vmem_shared>>
      tpu.enqueue_indirect_dma source(%arg13 : memref<128x128xf32, #tpu.memory_space<vmem>>) target(%dma_start3A_289 : memref<10240x128xf32, #tpu.memory_space<vmem_shared>>) offsets(%dma_start3A_286 : memref<128xi32, #tpu.memory_space<vmem>>) semaphore(%arg22 : memref<!tpu.dma_semaphore, #tpu.memory_space<semaphore_mem>>) {add = true}
      %dma_wait3A_290 = arith.constant 0 : i32
      %dma_wait3A_291 = arith.constant 0 : i32
      %dma_wait3A_292 = tpu.memref_slice %arg2[%dma_wait3A_290, %dma_wait3A_291] : memref<10000x128xf32, #tpu.memory_space<hbm>> -> memref<128x128xf32, #tpu.memory_space<hbm>>
      %dma_wait3A_293 = arith.constant 0 : i32
      %dma_wait3A_294 = arith.constant 0 : i32
      %dma_wait3A_295 = tpu.memref_slice %arg2[%dma_wait3A_293, %dma_wait3A_294] : memref<10000x128xf32, #tpu.memory_space<hbm>> -> memref<128x128xf32, #tpu.memory_space<hbm>>
      tpu.wait_dma2 semaphore(%arg22 : memref<!tpu.dma_semaphore, #tpu.memory_space<semaphore_mem>>) src(%dma_wait3A_295 : memref<128x128xf32, #tpu.memory_space<hbm>>) dst(%arg13 : memref<128x128xf32, #tpu.memory_space<vmem>>)
      %dma_start3A_296 = arith.constant 5 : i32
      %dma_start3A_297 = arith.constant 0 : i32
      %dma_start3A_298 = tpu.memref_slice %arg8[%dma_start3A_296, %dma_start3A_297] : memref<8x128xi32, #tpu.memory_space<vmem>> -> memref<1x128xi32, #tpu.memory_space<vmem>>
      %dma_start3A_299 = tpu.memref_squeeze %dma_start3A_298 : memref<1x128xi32, #tpu.memory_space<vmem>> -> memref<128xi32, #tpu.memory_space<vmem>>
      %dma_start3A_300 = arith.constant 0 : i32
      %dma_start3A_301 = arith.constant 0 : i32
      %dma_start3A_302 = tpu.memref_slice %arg2[%dma_start3A_300, %dma_start3A_301] : memref<10000x128xf32, #tpu.memory_space<hbm>> -> memref<10000x128xf32, #tpu.memory_space<hbm>>
      tpu.enqueue_indirect_dma source(%dma_start3A_302 : memref<10000x128xf32, #tpu.memory_space<hbm>>) target(%arg13 : memref<128x128xf32, #tpu.memory_space<vmem>>) offsets(%dma_start3A_299 : memref<128xi32, #tpu.memory_space<vmem>>) semaphore(%arg20 : memref<!tpu.dma_semaphore, #tpu.memory_space<semaphore_mem>>)
      %dma_wait3A_303 = arith.constant 0 : i32
      %dma_wait3A_304 = arith.constant 0 : i32
      %dma_wait3A_305 = tpu.memref_slice %arg2[%dma_wait3A_303, %dma_wait3A_304] : memref<10000x128xf32, #tpu.memory_space<hbm>> -> memref<128x128xf32, #tpu.memory_space<hbm>>
      %dma_wait3A_306 = arith.constant 0 : i32
      %dma_wait3A_307 = arith.constant 0 : i32
      %dma_wait3A_308 = tpu.memref_slice %arg2[%dma_wait3A_306, %dma_wait3A_307] : memref<10000x128xf32, #tpu.memory_space<hbm>> -> memref<128x128xf32, #tpu.memory_space<hbm>>
      tpu.wait_dma2 semaphore(%arg19 : memref<!tpu.dma_semaphore, #tpu.memory_space<semaphore_mem>>) src(%dma_wait3A_308 : memref<128x128xf32, #tpu.memory_space<hbm>>) dst(%arg12 : memref<128x128xf32, #tpu.memory_space<vmem>>)
      %scan3A_309 = arith.constant 0 : i32
      %scan3A_310 = arith.constant 4 : i32
      %scan3A_311 = arith.constant 0 : i32
      %scan3A_312 = arith.constant 8 : i32
      %scan3A_313 = arith.addi %scan3A_311, %scan3A_312 : i32
      %scan3A_314 = arith.constant 1 : i32
      scf.for %scan3A_684 = %scan3A_311 to %scan3A_313 step %scan3A_314  : i32 {
        %mul3A_685 = arith.constant 16 : i32
        %mul3A_686 = arith.muli %scan3A_684, %mul3A_685 : i32
        %get3A = arith.constant 0 : i32
        %get3A_687 = tpu.memref_slice %arg10[%scan3A_310, %get3A] : memref<8x128xi32, #tpu.memory_space<vmem>> -> memref<1x128xi32, #tpu.memory_space<vmem>>
        %get3A_688 = tpu.memref_squeeze %get3A_687 : memref<1x128xi32, #tpu.memory_space<vmem>> -> memref<128xi32, #tpu.memory_space<vmem>>
        %get3A_689 = arith.index_cast %mul3A_686 : i32 to index
        %get3A_690 = tpu.vector_load %get3A_688[%get3A_689] {strides = array<i32>} : memref<128xi32, #tpu.memory_space<vmem>>, vector<16xi32>,
        %broadcast_in_dim3A = arith.constant 1.000000e+00 : f32
        %broadcast_in_dim3A_691 = vector.broadcast %broadcast_in_dim3A : f32 to vector<16xf32>
        tpu.vector_store_idx %arg23[%get3A_690], %broadcast_in_dim3A_691 {add = true} : memref<10240xf32, #tpu.memory_space<vmem>>[vector<16xi32>], vector<16xf32>,
      }
      %scan3A_315 = arith.constant 8 : i32
      %dma_start3A_316 = arith.constant 4 : i32
      %dma_start3A_317 = arith.constant 0 : i32
      %dma_start3A_318 = tpu.memref_slice %arg10[%dma_start3A_316, %dma_start3A_317] : memref<8x128xi32, #tpu.memory_space<vmem>> -> memref<1x128xi32, #tpu.memory_space<vmem>>
      %dma_start3A_319 = tpu.memref_squeeze %dma_start3A_318 : memref<1x128xi32, #tpu.memory_space<vmem>> -> memref<128xi32, #tpu.memory_space<vmem>>
      %dma_start3A_320 = arith.constant 0 : i32
      %dma_start3A_321 = arith.constant 0 : i32
      %dma_start3A_322 = tpu.memref_slice %arg14[%dma_start3A_320, %dma_start3A_321] : memref<10240x128xf32, #tpu.memory_space<vmem_shared>> -> memref<10240x128xf32, #tpu.memory_space<vmem_shared>>
      tpu.enqueue_indirect_dma source(%arg12 : memref<128x128xf32, #tpu.memory_space<vmem>>) target(%dma_start3A_322 : memref<10240x128xf32, #tpu.memory_space<vmem_shared>>) offsets(%dma_start3A_319 : memref<128xi32, #tpu.memory_space<vmem>>) semaphore(%arg21 : memref<!tpu.dma_semaphore, #tpu.memory_space<semaphore_mem>>) {add = true}
      %dma_wait3A_323 = arith.constant 0 : i32
      %dma_wait3A_324 = arith.constant 0 : i32
      %dma_wait3A_325 = tpu.memref_slice %arg2[%dma_wait3A_323, %dma_wait3A_324] : memref<10000x128xf32, #tpu.memory_space<hbm>> -> memref<128x128xf32, #tpu.memory_space<hbm>>
      %dma_wait3A_326 = arith.constant 0 : i32
      %dma_wait3A_327 = arith.constant 0 : i32
      %dma_wait3A_328 = tpu.memref_slice %arg2[%dma_wait3A_326, %dma_wait3A_327] : memref<10000x128xf32, #tpu.memory_space<hbm>> -> memref<128x128xf32, #tpu.memory_space<hbm>>
      tpu.wait_dma2 semaphore(%arg21 : memref<!tpu.dma_semaphore, #tpu.memory_space<semaphore_mem>>) src(%dma_wait3A_328 : memref<128x128xf32, #tpu.memory_space<hbm>>) dst(%arg12 : memref<128x128xf32, #tpu.memory_space<vmem>>)
      %dma_start3A_329 = arith.constant 6 : i32
      %dma_start3A_330 = arith.constant 0 : i32
      %dma_start3A_331 = tpu.memref_slice %arg8[%dma_start3A_329, %dma_start3A_330] : memref<8x128xi32, #tpu.memory_space<vmem>> -> memref<1x128xi32, #tpu.memory_space<vmem>>
      %dma_start3A_332 = tpu.memref_squeeze %dma_start3A_331 : memref<1x128xi32, #tpu.memory_space<vmem>> -> memref<128xi32, #tpu.memory_space<vmem>>
      %dma_start3A_333 = arith.constant 0 : i32
      %dma_start3A_334 = arith.constant 0 : i32
      %dma_start3A_335 = tpu.memref_slice %arg2[%dma_start3A_333, %dma_start3A_334] : memref<10000x128xf32, #tpu.memory_space<hbm>> -> memref<10000x128xf32, #tpu.memory_space<hbm>>
      tpu.enqueue_indirect_dma source(%dma_start3A_335 : memref<10000x128xf32, #tpu.memory_space<hbm>>) target(%arg12 : memref<128x128xf32, #tpu.memory_space<vmem>>) offsets(%dma_start3A_332 : memref<128xi32, #tpu.memory_space<vmem>>) semaphore(%arg19 : memref<!tpu.dma_semaphore, #tpu.memory_space<semaphore_mem>>)
      %dma_wait3A_336 = arith.constant 0 : i32
      %dma_wait3A_337 = arith.constant 0 : i32
      %dma_wait3A_338 = tpu.memref_slice %arg2[%dma_wait3A_336, %dma_wait3A_337] : memref<10000x128xf32, #tpu.memory_space<hbm>> -> memref<128x128xf32, #tpu.memory_space<hbm>>
      %dma_wait3A_339 = arith.constant 0 : i32
      %dma_wait3A_340 = arith.constant 0 : i32
      %dma_wait3A_341 = tpu.memref_slice %arg2[%dma_wait3A_339, %dma_wait3A_340] : memref<10000x128xf32, #tpu.memory_space<hbm>> -> memref<128x128xf32, #tpu.memory_space<hbm>>
      tpu.wait_dma2 semaphore(%arg20 : memref<!tpu.dma_semaphore, #tpu.memory_space<semaphore_mem>>) src(%dma_wait3A_341 : memref<128x128xf32, #tpu.memory_space<hbm>>) dst(%arg13 : memref<128x128xf32, #tpu.memory_space<vmem>>)
      %scan3A_342 = arith.constant 0 : i32
      %scan3A_343 = arith.constant 5 : i32
      %scan3A_344 = arith.constant 0 : i32
      %scan3A_345 = arith.constant 8 : i32
      %scan3A_346 = arith.addi %scan3A_344, %scan3A_345 : i32
      %scan3A_347 = arith.constant 1 : i32
      scf.for %scan3A_684 = %scan3A_344 to %scan3A_346 step %scan3A_347  : i32 {
        %mul3A_685 = arith.constant 16 : i32
        %mul3A_686 = arith.muli %scan3A_684, %mul3A_685 : i32
        %get3A = arith.constant 0 : i32
        %get3A_687 = tpu.memref_slice %arg10[%scan3A_343, %get3A] : memref<8x128xi32, #tpu.memory_space<vmem>> -> memref<1x128xi32, #tpu.memory_space<vmem>>
        %get3A_688 = tpu.memref_squeeze %get3A_687 : memref<1x128xi32, #tpu.memory_space<vmem>> -> memref<128xi32, #tpu.memory_space<vmem>>
        %get3A_689 = arith.index_cast %mul3A_686 : i32 to index
        %get3A_690 = tpu.vector_load %get3A_688[%get3A_689] {strides = array<i32>} : memref<128xi32, #tpu.memory_space<vmem>>, vector<16xi32>,
        %broadcast_in_dim3A = arith.constant 1.000000e+00 : f32
        %broadcast_in_dim3A_691 = vector.broadcast %broadcast_in_dim3A : f32 to vector<16xf32>
        tpu.vector_store_idx %arg23[%get3A_690], %broadcast_in_dim3A_691 {add = true} : memref<10240xf32, #tpu.memory_space<vmem>>[vector<16xi32>], vector<16xf32>,
      }
      %scan3A_348 = arith.constant 8 : i32
      %dma_start3A_349 = arith.constant 5 : i32
      %dma_start3A_350 = arith.constant 0 : i32
      %dma_start3A_351 = tpu.memref_slice %arg10[%dma_start3A_349, %dma_start3A_350] : memref<8x128xi32, #tpu.memory_space<vmem>> -> memref<1x128xi32, #tpu.memory_space<vmem>>
      %dma_start3A_352 = tpu.memref_squeeze %dma_start3A_351 : memref<1x128xi32, #tpu.memory_space<vmem>> -> memref<128xi32, #tpu.memory_space<vmem>>
      %dma_start3A_353 = arith.constant 0 : i32
      %dma_start3A_354 = arith.constant 0 : i32
      %dma_start3A_355 = tpu.memref_slice %arg14[%dma_start3A_353, %dma_start3A_354] : memref<10240x128xf32, #tpu.memory_space<vmem_shared>> -> memref<10240x128xf32, #tpu.memory_space<vmem_shared>>
      tpu.enqueue_indirect_dma source(%arg13 : memref<128x128xf32, #tpu.memory_space<vmem>>) target(%dma_start3A_355 : memref<10240x128xf32, #tpu.memory_space<vmem_shared>>) offsets(%dma_start3A_352 : memref<128xi32, #tpu.memory_space<vmem>>) semaphore(%arg22 : memref<!tpu.dma_semaphore, #tpu.memory_space<semaphore_mem>>) {add = true}
      %dma_wait3A_356 = arith.constant 0 : i32
      %dma_wait3A_357 = arith.constant 0 : i32
      %dma_wait3A_358 = tpu.memref_slice %arg2[%dma_wait3A_356, %dma_wait3A_357] : memref<10000x128xf32, #tpu.memory_space<hbm>> -> memref<128x128xf32, #tpu.memory_space<hbm>>
      %dma_wait3A_359 = arith.constant 0 : i32
      %dma_wait3A_360 = arith.constant 0 : i32
      %dma_wait3A_361 = tpu.memref_slice %arg2[%dma_wait3A_359, %dma_wait3A_360] : memref<10000x128xf32, #tpu.memory_space<hbm>> -> memref<128x128xf32, #tpu.memory_space<hbm>>
      tpu.wait_dma2 semaphore(%arg22 : memref<!tpu.dma_semaphore, #tpu.memory_space<semaphore_mem>>) src(%dma_wait3A_361 : memref<128x128xf32, #tpu.memory_space<hbm>>) dst(%arg13 : memref<128x128xf32, #tpu.memory_space<vmem>>)
      %dma_start3A_362 = arith.constant 7 : i32
      %dma_start3A_363 = arith.constant 0 : i32
      %dma_start3A_364 = tpu.memref_slice %arg8[%dma_start3A_362, %dma_start3A_363] : memref<8x128xi32, #tpu.memory_space<vmem>> -> memref<1x128xi32, #tpu.memory_space<vmem>>
      %dma_start3A_365 = tpu.memref_squeeze %dma_start3A_364 : memref<1x128xi32, #tpu.memory_space<vmem>> -> memref<128xi32, #tpu.memory_space<vmem>>
      %dma_start3A_366 = arith.constant 0 : i32
      %dma_start3A_367 = arith.constant 0 : i32
      %dma_start3A_368 = tpu.memref_slice %arg2[%dma_start3A_366, %dma_start3A_367] : memref<10000x128xf32, #tpu.memory_space<hbm>> -> memref<10000x128xf32, #tpu.memory_space<hbm>>
      tpu.enqueue_indirect_dma source(%dma_start3A_368 : memref<10000x128xf32, #tpu.memory_space<hbm>>) target(%arg13 : memref<128x128xf32, #tpu.memory_space<vmem>>) offsets(%dma_start3A_365 : memref<128xi32, #tpu.memory_space<vmem>>) semaphore(%arg20 : memref<!tpu.dma_semaphore, #tpu.memory_space<semaphore_mem>>)
      %dma_wait3A_369 = arith.constant 0 : i32
      %dma_wait3A_370 = arith.constant 0 : i32
      %dma_wait3A_371 = tpu.memref_slice %arg2[%dma_wait3A_369, %dma_wait3A_370] : memref<10000x128xf32, #tpu.memory_space<hbm>> -> memref<128x128xf32, #tpu.memory_space<hbm>>
      %dma_wait3A_372 = arith.constant 0 : i32
      %dma_wait3A_373 = arith.constant 0 : i32
      %dma_wait3A_374 = tpu.memref_slice %arg2[%dma_wait3A_372, %dma_wait3A_373] : memref<10000x128xf32, #tpu.memory_space<hbm>> -> memref<128x128xf32, #tpu.memory_space<hbm>>
      tpu.wait_dma2 semaphore(%arg19 : memref<!tpu.dma_semaphore, #tpu.memory_space<semaphore_mem>>) src(%dma_wait3A_374 : memref<128x128xf32, #tpu.memory_space<hbm>>) dst(%arg12 : memref<128x128xf32, #tpu.memory_space<vmem>>)
      %scan3A_375 = arith.constant 0 : i32
      %scan3A_376 = arith.constant 6 : i32
      %scan3A_377 = arith.constant 0 : i32
      %scan3A_378 = arith.constant 8 : i32
      %scan3A_379 = arith.addi %scan3A_377, %scan3A_378 : i32
      %scan3A_380 = arith.constant 1 : i32
      scf.for %scan3A_684 = %scan3A_377 to %scan3A_379 step %scan3A_380  : i32 {
        %mul3A_685 = arith.constant 16 : i32
        %mul3A_686 = arith.muli %scan3A_684, %mul3A_685 : i32
        %get3A = arith.constant 0 : i32
        %get3A_687 = tpu.memref_slice %arg10[%scan3A_376, %get3A] : memref<8x128xi32, #tpu.memory_space<vmem>> -> memref<1x128xi32, #tpu.memory_space<vmem>>
        %get3A_688 = tpu.memref_squeeze %get3A_687 : memref<1x128xi32, #tpu.memory_space<vmem>> -> memref<128xi32, #tpu.memory_space<vmem>>
        %get3A_689 = arith.index_cast %mul3A_686 : i32 to index
        %get3A_690 = tpu.vector_load %get3A_688[%get3A_689] {strides = array<i32>} : memref<128xi32, #tpu.memory_space<vmem>>, vector<16xi32>,
        %broadcast_in_dim3A = arith.constant 1.000000e+00 : f32
        %broadcast_in_dim3A_691 = vector.broadcast %broadcast_in_dim3A : f32 to vector<16xf32>
        tpu.vector_store_idx %arg23[%get3A_690], %broadcast_in_dim3A_691 {add = true} : memref<10240xf32, #tpu.memory_space<vmem>>[vector<16xi32>], vector<16xf32>,
      }
      %scan3A_381 = arith.constant 8 : i32
      %dma_start3A_382 = arith.constant 6 : i32
      %dma_start3A_383 = arith.constant 0 : i32
      %dma_start3A_384 = tpu.memref_slice %arg10[%dma_start3A_382, %dma_start3A_383] : memref<8x128xi32, #tpu.memory_space<vmem>> -> memref<1x128xi32, #tpu.memory_space<vmem>>
      %dma_start3A_385 = tpu.memref_squeeze %dma_start3A_384 : memref<1x128xi32, #tpu.memory_space<vmem>> -> memref<128xi32, #tpu.memory_space<vmem>>
      %dma_start3A_386 = arith.constant 0 : i32
      %dma_start3A_387 = arith.constant 0 : i32
      %dma_start3A_388 = tpu.memref_slice %arg14[%dma_start3A_386, %dma_start3A_387] : memref<10240x128xf32, #tpu.memory_space<vmem_shared>> -> memref<10240x128xf32, #tpu.memory_space<vmem_shared>>
      tpu.enqueue_indirect_dma source(%arg12 : memref<128x128xf32, #tpu.memory_space<vmem>>) target(%dma_start3A_388 : memref<10240x128xf32, #tpu.memory_space<vmem_shared>>) offsets(%dma_start3A_385 : memref<128xi32, #tpu.memory_space<vmem>>) semaphore(%arg21 : memref<!tpu.dma_semaphore, #tpu.memory_space<semaphore_mem>>) {add = true}
      %mul3A_389 = arith.constant 2 : i32
      %mul3A_390 = arith.muli %mul3A_389, %while3A_114 : i32
      %add3A_391 = arith.addi %select_n3A, %mul3A_390 : i32
      %add3A_392 = arith.constant 1 : i32
      %add3A_393 = arith.addi %add3A_391, %add3A_392 : i32
      %dma_wait3A_394 = arith.constant 0 : i32
      %dma_wait3A_395 = arith.constant 0 : i32
      %dma_wait3A_396 = tpu.memref_slice %arg3[%select_n3A, %dma_wait3A_394, %dma_wait3A_395] : memref<320x8x128xi32, #tpu.memory_space<hbm>> -> memref<1x8x128xi32, #tpu.memory_space<hbm>>
      %dma_wait3A_397 = tpu.memref_squeeze %dma_wait3A_396 : memref<1x8x128xi32, #tpu.memory_space<hbm>> -> memref<8x128xi32, #tpu.memory_space<hbm>>
      %dma_wait3A_398 = arith.constant 0 : i32
      %dma_wait3A_399 = arith.constant 0 : i32
      %dma_wait3A_400 = tpu.memref_slice %arg3[%select_n3A, %dma_wait3A_398, %dma_wait3A_399] : memref<320x8x128xi32, #tpu.memory_space<hbm>> -> memref<1x8x128xi32, #tpu.memory_space<hbm>>
      %dma_wait3A_401 = tpu.memref_squeeze %dma_wait3A_400 : memref<1x8x128xi32, #tpu.memory_space<hbm>> -> memref<8x128xi32, #tpu.memory_space<hbm>>
      tpu.wait_dma2 semaphore(%arg16 : memref<!tpu.dma_semaphore, #tpu.memory_space<semaphore_mem>>) src(%dma_wait3A_401 : memref<8x128xi32, #tpu.memory_space<hbm>>) dst(%arg9 : memref<8x128xi32, #tpu.memory_space<vmem>>)
      %dma_wait3A_402 = arith.constant 0 : i32
      %dma_wait3A_403 = arith.constant 0 : i32
      %dma_wait3A_404 = tpu.memref_slice %arg4[%select_n3A, %dma_wait3A_402, %dma_wait3A_403] : memref<320x8x128xi32, #tpu.memory_space<hbm>> -> memref<1x8x128xi32, #tpu.memory_space<hbm>>
      %dma_wait3A_405 = tpu.memref_squeeze %dma_wait3A_404 : memref<1x8x128xi32, #tpu.memory_space<hbm>> -> memref<8x128xi32, #tpu.memory_space<hbm>>
      %dma_wait3A_406 = arith.constant 0 : i32
      %dma_wait3A_407 = arith.constant 0 : i32
      %dma_wait3A_408 = tpu.memref_slice %arg4[%select_n3A, %dma_wait3A_406, %dma_wait3A_407] : memref<320x8x128xi32, #tpu.memory_space<hbm>> -> memref<1x8x128xi32, #tpu.memory_space<hbm>>
      %dma_wait3A_409 = tpu.memref_squeeze %dma_wait3A_408 : memref<1x8x128xi32, #tpu.memory_space<hbm>> -> memref<8x128xi32, #tpu.memory_space<hbm>>
      tpu.wait_dma2 semaphore(%arg18 : memref<!tpu.dma_semaphore, #tpu.memory_space<semaphore_mem>>) src(%dma_wait3A_409 : memref<8x128xi32, #tpu.memory_space<hbm>>) dst(%arg11 : memref<8x128xi32, #tpu.memory_space<vmem>>)
      %dma_wait3A_410 = arith.constant 0 : i32
      %dma_wait3A_411 = arith.constant 0 : i32
      %dma_wait3A_412 = tpu.memref_slice %arg2[%dma_wait3A_410, %dma_wait3A_411] : memref<10000x128xf32, #tpu.memory_space<hbm>> -> memref<128x128xf32, #tpu.memory_space<hbm>>
      %dma_wait3A_413 = arith.constant 0 : i32
      %dma_wait3A_414 = arith.constant 0 : i32
      %dma_wait3A_415 = tpu.memref_slice %arg2[%dma_wait3A_413, %dma_wait3A_414] : memref<10000x128xf32, #tpu.memory_space<hbm>> -> memref<128x128xf32, #tpu.memory_space<hbm>>
      tpu.wait_dma2 semaphore(%arg21 : memref<!tpu.dma_semaphore, #tpu.memory_space<semaphore_mem>>) src(%dma_wait3A_415 : memref<128x128xf32, #tpu.memory_space<hbm>>) dst(%arg12 : memref<128x128xf32, #tpu.memory_space<vmem>>)
      %dma_start3A_416 = arith.constant 0 : i32
      %dma_start3A_417 = arith.constant 0 : i32
      %dma_start3A_418 = tpu.memref_slice %arg9[%dma_start3A_416, %dma_start3A_417] : memref<8x128xi32, #tpu.memory_space<vmem>> -> memref<1x128xi32, #tpu.memory_space<vmem>>
      %dma_start3A_419 = tpu.memref_squeeze %dma_start3A_418 : memref<1x128xi32, #tpu.memory_space<vmem>> -> memref<128xi32, #tpu.memory_space<vmem>>
      %dma_start3A_420 = arith.constant 0 : i32
      %dma_start3A_421 = arith.constant 0 : i32
      %dma_start3A_422 = tpu.memref_slice %arg2[%dma_start3A_420, %dma_start3A_421] : memref<10000x128xf32, #tpu.memory_space<hbm>> -> memref<10000x128xf32, #tpu.memory_space<hbm>>
      tpu.enqueue_indirect_dma source(%dma_start3A_422 : memref<10000x128xf32, #tpu.memory_space<hbm>>) target(%arg12 : memref<128x128xf32, #tpu.memory_space<vmem>>) offsets(%dma_start3A_419 : memref<128xi32, #tpu.memory_space<vmem>>) semaphore(%arg19 : memref<!tpu.dma_semaphore, #tpu.memory_space<semaphore_mem>>)
      %dma_wait3A_423 = arith.constant 0 : i32
      %dma_wait3A_424 = arith.constant 0 : i32
      %dma_wait3A_425 = tpu.memref_slice %arg2[%dma_wait3A_423, %dma_wait3A_424] : memref<10000x128xf32, #tpu.memory_space<hbm>> -> memref<128x128xf32, #tpu.memory_space<hbm>>
      %dma_wait3A_426 = arith.constant 0 : i32
      %dma_wait3A_427 = arith.constant 0 : i32
      %dma_wait3A_428 = tpu.memref_slice %arg2[%dma_wait3A_426, %dma_wait3A_427] : memref<10000x128xf32, #tpu.memory_space<hbm>> -> memref<128x128xf32, #tpu.memory_space<hbm>>
      tpu.wait_dma2 semaphore(%arg20 : memref<!tpu.dma_semaphore, #tpu.memory_space<semaphore_mem>>) src(%dma_wait3A_428 : memref<128x128xf32, #tpu.memory_space<hbm>>) dst(%arg13 : memref<128x128xf32, #tpu.memory_space<vmem>>)
      %scan3A_429 = arith.constant 0 : i32
      %scan3A_430 = arith.constant 7 : i32
      %scan3A_431 = arith.constant 0 : i32
      %scan3A_432 = arith.constant 8 : i32
      %scan3A_433 = arith.addi %scan3A_431, %scan3A_432 : i32
      %scan3A_434 = arith.constant 1 : i32
      scf.for %scan3A_684 = %scan3A_431 to %scan3A_433 step %scan3A_434  : i32 {
        %mul3A_685 = arith.constant 16 : i32
        %mul3A_686 = arith.muli %scan3A_684, %mul3A_685 : i32
        %get3A = arith.constant 0 : i32
        %get3A_687 = tpu.memref_slice %arg10[%scan3A_430, %get3A] : memref<8x128xi32, #tpu.memory_space<vmem>> -> memref<1x128xi32, #tpu.memory_space<vmem>>
        %get3A_688 = tpu.memref_squeeze %get3A_687 : memref<1x128xi32, #tpu.memory_space<vmem>> -> memref<128xi32, #tpu.memory_space<vmem>>
        %get3A_689 = arith.index_cast %mul3A_686 : i32 to index
        %get3A_690 = tpu.vector_load %get3A_688[%get3A_689] {strides = array<i32>} : memref<128xi32, #tpu.memory_space<vmem>>, vector<16xi32>,
        %broadcast_in_dim3A = arith.constant 1.000000e+00 : f32
        %broadcast_in_dim3A_691 = vector.broadcast %broadcast_in_dim3A : f32 to vector<16xf32>
        tpu.vector_store_idx %arg23[%get3A_690], %broadcast_in_dim3A_691 {add = true} : memref<10240xf32, #tpu.memory_space<vmem>>[vector<16xi32>], vector<16xf32>,
      }
      %scan3A_435 = arith.constant 8 : i32
      %dma_start3A_436 = arith.constant 7 : i32
      %dma_start3A_437 = arith.constant 0 : i32
      %dma_start3A_438 = tpu.memref_slice %arg10[%dma_start3A_436, %dma_start3A_437] : memref<8x128xi32, #tpu.memory_space<vmem>> -> memref<1x128xi32, #tpu.memory_space<vmem>>
      %dma_start3A_439 = tpu.memref_squeeze %dma_start3A_438 : memref<1x128xi32, #tpu.memory_space<vmem>> -> memref<128xi32, #tpu.memory_space<vmem>>
      %dma_start3A_440 = arith.constant 0 : i32
      %dma_start3A_441 = arith.constant 0 : i32
      %dma_start3A_442 = tpu.memref_slice %arg14[%dma_start3A_440, %dma_start3A_441] : memref<10240x128xf32, #tpu.memory_space<vmem_shared>> -> memref<10240x128xf32, #tpu.memory_space<vmem_shared>>
      tpu.enqueue_indirect_dma source(%arg13 : memref<128x128xf32, #tpu.memory_space<vmem>>) target(%dma_start3A_442 : memref<10240x128xf32, #tpu.memory_space<vmem_shared>>) offsets(%dma_start3A_439 : memref<128xi32, #tpu.memory_space<vmem>>) semaphore(%arg22 : memref<!tpu.dma_semaphore, #tpu.memory_space<semaphore_mem>>) {add = true}
      %dma_wait3A_443 = arith.constant 0 : i32
      %dma_wait3A_444 = arith.constant 0 : i32
      %dma_wait3A_445 = tpu.memref_slice %arg2[%dma_wait3A_443, %dma_wait3A_444] : memref<10000x128xf32, #tpu.memory_space<hbm>> -> memref<128x128xf32, #tpu.memory_space<hbm>>
      %dma_wait3A_446 = arith.constant 0 : i32
      %dma_wait3A_447 = arith.constant 0 : i32
      %dma_wait3A_448 = tpu.memref_slice %arg2[%dma_wait3A_446, %dma_wait3A_447] : memref<10000x128xf32, #tpu.memory_space<hbm>> -> memref<128x128xf32, #tpu.memory_space<hbm>>
      tpu.wait_dma2 semaphore(%arg22 : memref<!tpu.dma_semaphore, #tpu.memory_space<semaphore_mem>>) src(%dma_wait3A_448 : memref<128x128xf32, #tpu.memory_space<hbm>>) dst(%arg13 : memref<128x128xf32, #tpu.memory_space<vmem>>)
      %dma_start3A_449 = arith.constant 1 : i32
      %dma_start3A_450 = arith.constant 0 : i32
      %dma_start3A_451 = tpu.memref_slice %arg9[%dma_start3A_449, %dma_start3A_450] : memref<8x128xi32, #tpu.memory_space<vmem>> -> memref<1x128xi32, #tpu.memory_space<vmem>>
      %dma_start3A_452 = tpu.memref_squeeze %dma_start3A_451 : memref<1x128xi32, #tpu.memory_space<vmem>> -> memref<128xi32, #tpu.memory_space<vmem>>
      %dma_start3A_453 = arith.constant 0 : i32
      %dma_start3A_454 = arith.constant 0 : i32
      %dma_start3A_455 = tpu.memref_slice %arg2[%dma_start3A_453, %dma_start3A_454] : memref<10000x128xf32, #tpu.memory_space<hbm>> -> memref<10000x128xf32, #tpu.memory_space<hbm>>
      tpu.enqueue_indirect_dma source(%dma_start3A_455 : memref<10000x128xf32, #tpu.memory_space<hbm>>) target(%arg13 : memref<128x128xf32, #tpu.memory_space<vmem>>) offsets(%dma_start3A_452 : memref<128xi32, #tpu.memory_space<vmem>>) semaphore(%arg20 : memref<!tpu.dma_semaphore, #tpu.memory_space<semaphore_mem>>)
      %dma_wait3A_456 = arith.constant 0 : i32
      %dma_wait3A_457 = arith.constant 0 : i32
      %dma_wait3A_458 = tpu.memref_slice %arg2[%dma_wait3A_456, %dma_wait3A_457] : memref<10000x128xf32, #tpu.memory_space<hbm>> -> memref<128x128xf32, #tpu.memory_space<hbm>>
      %dma_wait3A_459 = arith.constant 0 : i32
      %dma_wait3A_460 = arith.constant 0 : i32
      %dma_wait3A_461 = tpu.memref_slice %arg2[%dma_wait3A_459, %dma_wait3A_460] : memref<10000x128xf32, #tpu.memory_space<hbm>> -> memref<128x128xf32, #tpu.memory_space<hbm>>
      tpu.wait_dma2 semaphore(%arg19 : memref<!tpu.dma_semaphore, #tpu.memory_space<semaphore_mem>>) src(%dma_wait3A_461 : memref<128x128xf32, #tpu.memory_space<hbm>>) dst(%arg12 : memref<128x128xf32, #tpu.memory_space<vmem>>)
      %scan3A_462 = arith.constant 0 : i32
      %scan3A_463 = arith.constant 0 : i32
      %scan3A_464 = arith.constant 0 : i32
      %scan3A_465 = arith.constant 8 : i32
      %scan3A_466 = arith.addi %scan3A_464, %scan3A_465 : i32
      %scan3A_467 = arith.constant 1 : i32
      scf.for %scan3A_684 = %scan3A_464 to %scan3A_466 step %scan3A_467  : i32 {
        %mul3A_685 = arith.constant 16 : i32
        %mul3A_686 = arith.muli %scan3A_684, %mul3A_685 : i32
        %get3A = arith.constant 0 : i32
        %get3A_687 = tpu.memref_slice %arg11[%scan3A_463, %get3A] : memref<8x128xi32, #tpu.memory_space<vmem>> -> memref<1x128xi32, #tpu.memory_space<vmem>>
        %get3A_688 = tpu.memref_squeeze %get3A_687 : memref<1x128xi32, #tpu.memory_space<vmem>> -> memref<128xi32, #tpu.memory_space<vmem>>
        %get3A_689 = arith.index_cast %mul3A_686 : i32 to index
        %get3A_690 = tpu.vector_load %get3A_688[%get3A_689] {strides = array<i32>} : memref<128xi32, #tpu.memory_space<vmem>>, vector<16xi32>,
        %broadcast_in_dim3A = arith.constant 1.000000e+00 : f32
        %broadcast_in_dim3A_691 = vector.broadcast %broadcast_in_dim3A : f32 to vector<16xf32>
        tpu.vector_store_idx %arg23[%get3A_690], %broadcast_in_dim3A_691 {add = true} : memref<10240xf32, #tpu.memory_space<vmem>>[vector<16xi32>], vector<16xf32>,
      }
      %scan3A_468 = arith.constant 8 : i32
      %dma_start3A_469 = arith.constant 0 : i32
      %dma_start3A_470 = arith.constant 0 : i32
      %dma_start3A_471 = tpu.memref_slice %arg11[%dma_start3A_469, %dma_start3A_470] : memref<8x128xi32, #tpu.memory_space<vmem>> -> memref<1x128xi32, #tpu.memory_space<vmem>>
      %dma_start3A_472 = tpu.memref_squeeze %dma_start3A_471 : memref<1x128xi32, #tpu.memory_space<vmem>> -> memref<128xi32, #tpu.memory_space<vmem>>
      %dma_start3A_473 = arith.constant 0 : i32
      %dma_start3A_474 = arith.constant 0 : i32
      %dma_start3A_475 = tpu.memref_slice %arg14[%dma_start3A_473, %dma_start3A_474] : memref<10240x128xf32, #tpu.memory_space<vmem_shared>> -> memref<10240x128xf32, #tpu.memory_space<vmem_shared>>
      tpu.enqueue_indirect_dma source(%arg12 : memref<128x128xf32, #tpu.memory_space<vmem>>) target(%dma_start3A_475 : memref<10240x128xf32, #tpu.memory_space<vmem_shared>>) offsets(%dma_start3A_472 : memref<128xi32, #tpu.memory_space<vmem>>) semaphore(%arg21 : memref<!tpu.dma_semaphore, #tpu.memory_space<semaphore_mem>>) {add = true}
      %dma_wait3A_476 = arith.constant 0 : i32
      %dma_wait3A_477 = arith.constant 0 : i32
      %dma_wait3A_478 = tpu.memref_slice %arg2[%dma_wait3A_476, %dma_wait3A_477] : memref<10000x128xf32, #tpu.memory_space<hbm>> -> memref<128x128xf32, #tpu.memory_space<hbm>>
      %dma_wait3A_479 = arith.constant 0 : i32
      %dma_wait3A_480 = arith.constant 0 : i32
      %dma_wait3A_481 = tpu.memref_slice %arg2[%dma_wait3A_479, %dma_wait3A_480] : memref<10000x128xf32, #tpu.memory_space<hbm>> -> memref<128x128xf32, #tpu.memory_space<hbm>>
      tpu.wait_dma2 semaphore(%arg21 : memref<!tpu.dma_semaphore, #tpu.memory_space<semaphore_mem>>) src(%dma_wait3A_481 : memref<128x128xf32, #tpu.memory_space<hbm>>) dst(%arg12 : memref<128x128xf32, #tpu.memory_space<vmem>>)
      %dma_start3A_482 = arith.constant 2 : i32
      %dma_start3A_483 = arith.constant 0 : i32
      %dma_start3A_484 = tpu.memref_slice %arg9[%dma_start3A_482, %dma_start3A_483] : memref<8x128xi32, #tpu.memory_space<vmem>> -> memref<1x128xi32, #tpu.memory_space<vmem>>
      %dma_start3A_485 = tpu.memref_squeeze %dma_start3A_484 : memref<1x128xi32, #tpu.memory_space<vmem>> -> memref<128xi32, #tpu.memory_space<vmem>>
      %dma_start3A_486 = arith.constant 0 : i32
      %dma_start3A_487 = arith.constant 0 : i32
      %dma_start3A_488 = tpu.memref_slice %arg2[%dma_start3A_486, %dma_start3A_487] : memref<10000x128xf32, #tpu.memory_space<hbm>> -> memref<10000x128xf32, #tpu.memory_space<hbm>>
      tpu.enqueue_indirect_dma source(%dma_start3A_488 : memref<10000x128xf32, #tpu.memory_space<hbm>>) target(%arg12 : memref<128x128xf32, #tpu.memory_space<vmem>>) offsets(%dma_start3A_485 : memref<128xi32, #tpu.memory_space<vmem>>) semaphore(%arg19 : memref<!tpu.dma_semaphore, #tpu.memory_space<semaphore_mem>>)
      %dma_wait3A_489 = arith.constant 0 : i32
      %dma_wait3A_490 = arith.constant 0 : i32
      %dma_wait3A_491 = tpu.memref_slice %arg2[%dma_wait3A_489, %dma_wait3A_490] : memref<10000x128xf32, #tpu.memory_space<hbm>> -> memref<128x128xf32, #tpu.memory_space<hbm>>
      %dma_wait3A_492 = arith.constant 0 : i32
      %dma_wait3A_493 = arith.constant 0 : i32
      %dma_wait3A_494 = tpu.memref_slice %arg2[%dma_wait3A_492, %dma_wait3A_493] : memref<10000x128xf32, #tpu.memory_space<hbm>> -> memref<128x128xf32, #tpu.memory_space<hbm>>
      tpu.wait_dma2 semaphore(%arg20 : memref<!tpu.dma_semaphore, #tpu.memory_space<semaphore_mem>>) src(%dma_wait3A_494 : memref<128x128xf32, #tpu.memory_space<hbm>>) dst(%arg13 : memref<128x128xf32, #tpu.memory_space<vmem>>)
      %scan3A_495 = arith.constant 0 : i32
      %scan3A_496 = arith.constant 1 : i32
      %scan3A_497 = arith.constant 0 : i32
      %scan3A_498 = arith.constant 8 : i32
      %scan3A_499 = arith.addi %scan3A_497, %scan3A_498 : i32
      %scan3A_500 = arith.constant 1 : i32
      scf.for %scan3A_684 = %scan3A_497 to %scan3A_499 step %scan3A_500  : i32 {
        %mul3A_685 = arith.constant 16 : i32
        %mul3A_686 = arith.muli %scan3A_684, %mul3A_685 : i32
        %get3A = arith.constant 0 : i32
        %get3A_687 = tpu.memref_slice %arg11[%scan3A_496, %get3A] : memref<8x128xi32, #tpu.memory_space<vmem>> -> memref<1x128xi32, #tpu.memory_space<vmem>>
        %get3A_688 = tpu.memref_squeeze %get3A_687 : memref<1x128xi32, #tpu.memory_space<vmem>> -> memref<128xi32, #tpu.memory_space<vmem>>
        %get3A_689 = arith.index_cast %mul3A_686 : i32 to index
        %get3A_690 = tpu.vector_load %get3A_688[%get3A_689] {strides = array<i32>} : memref<128xi32, #tpu.memory_space<vmem>>, vector<16xi32>,
        %broadcast_in_dim3A = arith.constant 1.000000e+00 : f32
        %broadcast_in_dim3A_691 = vector.broadcast %broadcast_in_dim3A : f32 to vector<16xf32>
        tpu.vector_store_idx %arg23[%get3A_690], %broadcast_in_dim3A_691 {add = true} : memref<10240xf32, #tpu.memory_space<vmem>>[vector<16xi32>], vector<16xf32>,
      }
      %scan3A_501 = arith.constant 8 : i32
      %dma_start3A_502 = arith.constant 1 : i32
      %dma_start3A_503 = arith.constant 0 : i32
      %dma_start3A_504 = tpu.memref_slice %arg11[%dma_start3A_502, %dma_start3A_503] : memref<8x128xi32, #tpu.memory_space<vmem>> -> memref<1x128xi32, #tpu.memory_space<vmem>>
      %dma_start3A_505 = tpu.memref_squeeze %dma_start3A_504 : memref<1x128xi32, #tpu.memory_space<vmem>> -> memref<128xi32, #tpu.memory_space<vmem>>
      %dma_start3A_506 = arith.constant 0 : i32
      %dma_start3A_507 = arith.constant 0 : i32
      %dma_start3A_508 = tpu.memref_slice %arg14[%dma_start3A_506, %dma_start3A_507] : memref<10240x128xf32, #tpu.memory_space<vmem_shared>> -> memref<10240x128xf32, #tpu.memory_space<vmem_shared>>
      tpu.enqueue_indirect_dma source(%arg13 : memref<128x128xf32, #tpu.memory_space<vmem>>) target(%dma_start3A_508 : memref<10240x128xf32, #tpu.memory_space<vmem_shared>>) offsets(%dma_start3A_505 : memref<128xi32, #tpu.memory_space<vmem>>) semaphore(%arg22 : memref<!tpu.dma_semaphore, #tpu.memory_space<semaphore_mem>>) {add = true}
      %mul3A_509 = arith.constant 2 : i32
      %mul3A_510 = arith.muli %mul3A_509, %while3A_114 : i32
      %add3A_511 = arith.constant 1 : i32
      %add3A_512 = arith.addi %mul3A_510, %add3A_511 : i32
      %add3A_513 = arith.constant 1 : i32
      %add3A_514 = arith.addi %add3A_512, %add3A_513 : i32
      %lt3A_515 = arith.cmpi slt, %add3A_514, %select_n3A_27 : i32
      %convert_element_type3A_516 = arith.extui %lt3A_515 : i1 to i32
      %cond3A_517 = arith.constant 0 : i32
      %cond3A_518 = arith.cmpi ne, %convert_element_type3A_516, %cond3A_517 : i32
      scf.if %cond3A_518 {
        %add3A_684 = arith.constant 1 : i32
        %add3A_685 = arith.addi %add3A_393, %add3A_684 : i32
        %dma_start3A_686 = arith.constant 0 : i32
        %dma_start3A_687 = arith.constant 0 : i32
        %dma_start3A_688 = tpu.memref_slice %arg3[%add3A_685, %dma_start3A_686, %dma_start3A_687] : memref<320x8x128xi32, #tpu.memory_space<hbm>> -> memref<1x8x128xi32, #tpu.memory_space<hbm>>
        %dma_start3A_689 = tpu.memref_squeeze %dma_start3A_688 : memref<1x8x128xi32, #tpu.memory_space<hbm>> -> memref<8x128xi32, #tpu.memory_space<hbm>>
        %dma_start3A_690 = arith.constant 0 : i32
        %dma_start3A_691 = arith.constant 0 : i32
        %dma_start3A_692 = tpu.memref_slice %arg3[%add3A_685, %dma_start3A_690, %dma_start3A_691] : memref<320x8x128xi32, #tpu.memory_space<hbm>> -> memref<1x8x128xi32, #tpu.memory_space<hbm>>
        %dma_start3A_693 = tpu.memref_squeeze %dma_start3A_692 : memref<1x8x128xi32, #tpu.memory_space<hbm>> -> memref<8x128xi32, #tpu.memory_space<hbm>>
        tpu.enqueue_dma source(%dma_start3A_693 : memref<8x128xi32, #tpu.memory_space<hbm>>) target(%arg8 : memref<8x128xi32, #tpu.memory_space<vmem>>) target_semaphore(%arg15 : memref<!tpu.dma_semaphore, #tpu.memory_space<semaphore_mem>>)
        %add3A_694 = arith.constant 1 : i32
        %add3A_695 = arith.addi %add3A_393, %add3A_694 : i32
        %dma_start3A_696 = arith.constant 0 : i32
        %dma_start3A_697 = arith.constant 0 : i32
        %dma_start3A_698 = tpu.memref_slice %arg4[%add3A_695, %dma_start3A_696, %dma_start3A_697] : memref<320x8x128xi32, #tpu.memory_space<hbm>> -> memref<1x8x128xi32, #tpu.memory_space<hbm>>
        %dma_start3A_699 = tpu.memref_squeeze %dma_start3A_698 : memref<1x8x128xi32, #tpu.memory_space<hbm>> -> memref<8x128xi32, #tpu.memory_space<hbm>>
        %dma_start3A_700 = arith.constant 0 : i32
        %dma_start3A_701 = arith.constant 0 : i32
        %dma_start3A_702 = tpu.memref_slice %arg4[%add3A_695, %dma_start3A_700, %dma_start3A_701] : memref<320x8x128xi32, #tpu.memory_space<hbm>> -> memref<1x8x128xi32, #tpu.memory_space<hbm>>
        %dma_start3A_703 = tpu.memref_squeeze %dma_start3A_702 : memref<1x8x128xi32, #tpu.memory_space<hbm>> -> memref<8x128xi32, #tpu.memory_space<hbm>>
        tpu.enqueue_dma source(%dma_start3A_703 : memref<8x128xi32, #tpu.memory_space<hbm>>) target(%arg10 : memref<8x128xi32, #tpu.memory_space<vmem>>) target_semaphore(%arg17 : memref<!tpu.dma_semaphore, #tpu.memory_space<semaphore_mem>>)
      } else {
      }
      %dma_wait3A_519 = arith.constant 0 : i32
      %dma_wait3A_520 = arith.constant 0 : i32
      %dma_wait3A_521 = tpu.memref_slice %arg2[%dma_wait3A_519, %dma_wait3A_520] : memref<10000x128xf32, #tpu.memory_space<hbm>> -> memref<128x128xf32, #tpu.memory_space<hbm>>
      %dma_wait3A_522 = arith.constant 0 : i32
      %dma_wait3A_523 = arith.constant 0 : i32
      %dma_wait3A_524 = tpu.memref_slice %arg2[%dma_wait3A_522, %dma_wait3A_523] : memref<10000x128xf32, #tpu.memory_space<hbm>> -> memref<128x128xf32, #tpu.memory_space<hbm>>
      tpu.wait_dma2 semaphore(%arg22 : memref<!tpu.dma_semaphore, #tpu.memory_space<semaphore_mem>>) src(%dma_wait3A_524 : memref<128x128xf32, #tpu.memory_space<hbm>>) dst(%arg13 : memref<128x128xf32, #tpu.memory_space<vmem>>)
      %dma_start3A_525 = arith.constant 3 : i32
      %dma_start3A_526 = arith.constant 0 : i32
      %dma_start3A_527 = tpu.memref_slice %arg9[%dma_start3A_525, %dma_start3A_526] : memref<8x128xi32, #tpu.memory_space<vmem>> -> memref<1x128xi32, #tpu.memory_space<vmem>>
      %dma_start3A_528 = tpu.memref_squeeze %dma_start3A_527 : memref<1x128xi32, #tpu.memory_space<vmem>> -> memref<128xi32, #tpu.memory_space<vmem>>
      %dma_start3A_529 = arith.constant 0 : i32
      %dma_start3A_530 = arith.constant 0 : i32
      %dma_start3A_531 = tpu.memref_slice %arg2[%dma_start3A_529, %dma_start3A_530] : memref<10000x128xf32, #tpu.memory_space<hbm>> -> memref<10000x128xf32, #tpu.memory_space<hbm>>
      tpu.enqueue_indirect_dma source(%dma_start3A_531 : memref<10000x128xf32, #tpu.memory_space<hbm>>) target(%arg13 : memref<128x128xf32, #tpu.memory_space<vmem>>) offsets(%dma_start3A_528 : memref<128xi32, #tpu.memory_space<vmem>>) semaphore(%arg20 : memref<!tpu.dma_semaphore, #tpu.memory_space<semaphore_mem>>)
      %dma_wait3A_532 = arith.constant 0 : i32
      %dma_wait3A_533 = arith.constant 0 : i32
      %dma_wait3A_534 = tpu.memref_slice %arg2[%dma_wait3A_532, %dma_wait3A_533] : memref<10000x128xf32, #tpu.memory_space<hbm>> -> memref<128x128xf32, #tpu.memory_space<hbm>>
      %dma_wait3A_535 = arith.constant 0 : i32
      %dma_wait3A_536 = arith.constant 0 : i32
      %dma_wait3A_537 = tpu.memref_slice %arg2[%dma_wait3A_535, %dma_wait3A_536] : memref<10000x128xf32, #tpu.memory_space<hbm>> -> memref<128x128xf32, #tpu.memory_space<hbm>>
      tpu.wait_dma2 semaphore(%arg19 : memref<!tpu.dma_semaphore, #tpu.memory_space<semaphore_mem>>) src(%dma_wait3A_537 : memref<128x128xf32, #tpu.memory_space<hbm>>) dst(%arg12 : memref<128x128xf32, #tpu.memory_space<vmem>>)
      %scan3A_538 = arith.constant 0 : i32
      %scan3A_539 = arith.constant 2 : i32
      %scan3A_540 = arith.constant 0 : i32
      %scan3A_541 = arith.constant 8 : i32
      %scan3A_542 = arith.addi %scan3A_540, %scan3A_541 : i32
      %scan3A_543 = arith.constant 1 : i32
      scf.for %scan3A_684 = %scan3A_540 to %scan3A_542 step %scan3A_543  : i32 {
        %mul3A_685 = arith.constant 16 : i32
        %mul3A_686 = arith.muli %scan3A_684, %mul3A_685 : i32
        %get3A = arith.constant 0 : i32
        %get3A_687 = tpu.memref_slice %arg11[%scan3A_539, %get3A] : memref<8x128xi32, #tpu.memory_space<vmem>> -> memref<1x128xi32, #tpu.memory_space<vmem>>
        %get3A_688 = tpu.memref_squeeze %get3A_687 : memref<1x128xi32, #tpu.memory_space<vmem>> -> memref<128xi32, #tpu.memory_space<vmem>>
        %get3A_689 = arith.index_cast %mul3A_686 : i32 to index
        %get3A_690 = tpu.vector_load %get3A_688[%get3A_689] {strides = array<i32>} : memref<128xi32, #tpu.memory_space<vmem>>, vector<16xi32>,
        %broadcast_in_dim3A = arith.constant 1.000000e+00 : f32
        %broadcast_in_dim3A_691 = vector.broadcast %broadcast_in_dim3A : f32 to vector<16xf32>
        tpu.vector_store_idx %arg23[%get3A_690], %broadcast_in_dim3A_691 {add = true} : memref<10240xf32, #tpu.memory_space<vmem>>[vector<16xi32>], vector<16xf32>,
      }
      %scan3A_544 = arith.constant 8 : i32
      %dma_start3A_545 = arith.constant 2 : i32
      %dma_start3A_546 = arith.constant 0 : i32
      %dma_start3A_547 = tpu.memref_slice %arg11[%dma_start3A_545, %dma_start3A_546] : memref<8x128xi32, #tpu.memory_space<vmem>> -> memref<1x128xi32, #tpu.memory_space<vmem>>
      %dma_start3A_548 = tpu.memref_squeeze %dma_start3A_547 : memref<1x128xi32, #tpu.memory_space<vmem>> -> memref<128xi32, #tpu.memory_space<vmem>>
      %dma_start3A_549 = arith.constant 0 : i32
      %dma_start3A_550 = arith.constant 0 : i32
      %dma_start3A_551 = tpu.memref_slice %arg14[%dma_start3A_549, %dma_start3A_550] : memref<10240x128xf32, #tpu.memory_space<vmem_shared>> -> memref<10240x128xf32, #tpu.memory_space<vmem_shared>>
      tpu.enqueue_indirect_dma source(%arg12 : memref<128x128xf32, #tpu.memory_space<vmem>>) target(%dma_start3A_551 : memref<10240x128xf32, #tpu.memory_space<vmem_shared>>) offsets(%dma_start3A_548 : memref<128xi32, #tpu.memory_space<vmem>>) semaphore(%arg21 : memref<!tpu.dma_semaphore, #tpu.memory_space<semaphore_mem>>) {add = true}
      %dma_wait3A_552 = arith.constant 0 : i32
      %dma_wait3A_553 = arith.constant 0 : i32
      %dma_wait3A_554 = tpu.memref_slice %arg2[%dma_wait3A_552, %dma_wait3A_553] : memref<10000x128xf32, #tpu.memory_space<hbm>> -> memref<128x128xf32, #tpu.memory_space<hbm>>
      %dma_wait3A_555 = arith.constant 0 : i32
      %dma_wait3A_556 = arith.constant 0 : i32
      %dma_wait3A_557 = tpu.memref_slice %arg2[%dma_wait3A_555, %dma_wait3A_556] : memref<10000x128xf32, #tpu.memory_space<hbm>> -> memref<128x128xf32, #tpu.memory_space<hbm>>
      tpu.wait_dma2 semaphore(%arg21 : memref<!tpu.dma_semaphore, #tpu.memory_space<semaphore_mem>>) src(%dma_wait3A_557 : memref<128x128xf32, #tpu.memory_space<hbm>>) dst(%arg12 : memref<128x128xf32, #tpu.memory_space<vmem>>)
      %dma_start3A_558 = arith.constant 4 : i32
      %dma_start3A_559 = arith.constant 0 : i32
      %dma_start3A_560 = tpu.memref_slice %arg9[%dma_start3A_558, %dma_start3A_559] : memref<8x128xi32, #tpu.memory_space<vmem>> -> memref<1x128xi32, #tpu.memory_space<vmem>>
      %dma_start3A_561 = tpu.memref_squeeze %dma_start3A_560 : memref<1x128xi32, #tpu.memory_space<vmem>> -> memref<128xi32, #tpu.memory_space<vmem>>
      %dma_start3A_562 = arith.constant 0 : i32
      %dma_start3A_563 = arith.constant 0 : i32
      %dma_start3A_564 = tpu.memref_slice %arg2[%dma_start3A_562, %dma_start3A_563] : memref<10000x128xf32, #tpu.memory_space<hbm>> -> memref<10000x128xf32, #tpu.memory_space<hbm>>
      tpu.enqueue_indirect_dma source(%dma_start3A_564 : memref<10000x128xf32, #tpu.memory_space<hbm>>) target(%arg12 : memref<128x128xf32, #tpu.memory_space<vmem>>) offsets(%dma_start3A_561 : memref<128xi32, #tpu.memory_space<vmem>>) semaphore(%arg19 : memref<!tpu.dma_semaphore, #tpu.memory_space<semaphore_mem>>)
      %dma_wait3A_565 = arith.constant 0 : i32
      %dma_wait3A_566 = arith.constant 0 : i32
      %dma_wait3A_567 = tpu.memref_slice %arg2[%dma_wait3A_565, %dma_wait3A_566] : memref<10000x128xf32, #tpu.memory_space<hbm>> -> memref<128x128xf32, #tpu.memory_space<hbm>>
      %dma_wait3A_568 = arith.constant 0 : i32
      %dma_wait3A_569 = arith.constant 0 : i32
      %dma_wait3A_570 = tpu.memref_slice %arg2[%dma_wait3A_568, %dma_wait3A_569] : memref<10000x128xf32, #tpu.memory_space<hbm>> -> memref<128x128xf32, #tpu.memory_space<hbm>>
      tpu.wait_dma2 semaphore(%arg20 : memref<!tpu.dma_semaphore, #tpu.memory_space<semaphore_mem>>) src(%dma_wait3A_570 : memref<128x128xf32, #tpu.memory_space<hbm>>) dst(%arg13 : memref<128x128xf32, #tpu.memory_space<vmem>>)
      %scan3A_571 = arith.constant 0 : i32
      %scan3A_572 = arith.constant 3 : i32
      %scan3A_573 = arith.constant 0 : i32
      %scan3A_574 = arith.constant 8 : i32
      %scan3A_575 = arith.addi %scan3A_573, %scan3A_574 : i32
      %scan3A_576 = arith.constant 1 : i32
      scf.for %scan3A_684 = %scan3A_573 to %scan3A_575 step %scan3A_576  : i32 {
        %mul3A_685 = arith.constant 16 : i32
        %mul3A_686 = arith.muli %scan3A_684, %mul3A_685 : i32
        %get3A = arith.constant 0 : i32
        %get3A_687 = tpu.memref_slice %arg11[%scan3A_572, %get3A] : memref<8x128xi32, #tpu.memory_space<vmem>> -> memref<1x128xi32, #tpu.memory_space<vmem>>
        %get3A_688 = tpu.memref_squeeze %get3A_687 : memref<1x128xi32, #tpu.memory_space<vmem>> -> memref<128xi32, #tpu.memory_space<vmem>>
        %get3A_689 = arith.index_cast %mul3A_686 : i32 to index
        %get3A_690 = tpu.vector_load %get3A_688[%get3A_689] {strides = array<i32>} : memref<128xi32, #tpu.memory_space<vmem>>, vector<16xi32>,
        %broadcast_in_dim3A = arith.constant 1.000000e+00 : f32
        %broadcast_in_dim3A_691 = vector.broadcast %broadcast_in_dim3A : f32 to vector<16xf32>
        tpu.vector_store_idx %arg23[%get3A_690], %broadcast_in_dim3A_691 {add = true} : memref<10240xf32, #tpu.memory_space<vmem>>[vector<16xi32>], vector<16xf32>,
      }
      %scan3A_577 = arith.constant 8 : i32
      %dma_start3A_578 = arith.constant 3 : i32
      %dma_start3A_579 = arith.constant 0 : i32
      %dma_start3A_580 = tpu.memref_slice %arg11[%dma_start3A_578, %dma_start3A_579] : memref<8x128xi32, #tpu.memory_space<vmem>> -> memref<1x128xi32, #tpu.memory_space<vmem>>
      %dma_start3A_581 = tpu.memref_squeeze %dma_start3A_580 : memref<1x128xi32, #tpu.memory_space<vmem>> -> memref<128xi32, #tpu.memory_space<vmem>>
      %dma_start3A_582 = arith.constant 0 : i32
      %dma_start3A_583 = arith.constant 0 : i32
      %dma_start3A_584 = tpu.memref_slice %arg14[%dma_start3A_582, %dma_start3A_583] : memref<10240x128xf32, #tpu.memory_space<vmem_shared>> -> memref<10240x128xf32, #tpu.memory_space<vmem_shared>>
      tpu.enqueue_indirect_dma source(%arg13 : memref<128x128xf32, #tpu.memory_space<vmem>>) target(%dma_start3A_584 : memref<10240x128xf32, #tpu.memory_space<vmem_shared>>) offsets(%dma_start3A_581 : memref<128xi32, #tpu.memory_space<vmem>>) semaphore(%arg22 : memref<!tpu.dma_semaphore, #tpu.memory_space<semaphore_mem>>) {add = true}
      %dma_wait3A_585 = arith.constant 0 : i32
      %dma_wait3A_586 = arith.constant 0 : i32
      %dma_wait3A_587 = tpu.memref_slice %arg2[%dma_wait3A_585, %dma_wait3A_586] : memref<10000x128xf32, #tpu.memory_space<hbm>> -> memref<128x128xf32, #tpu.memory_space<hbm>>
      %dma_wait3A_588 = arith.constant 0 : i32
      %dma_wait3A_589 = arith.constant 0 : i32
      %dma_wait3A_590 = tpu.memref_slice %arg2[%dma_wait3A_588, %dma_wait3A_589] : memref<10000x128xf32, #tpu.memory_space<hbm>> -> memref<128x128xf32, #tpu.memory_space<hbm>>
      tpu.wait_dma2 semaphore(%arg22 : memref<!tpu.dma_semaphore, #tpu.memory_space<semaphore_mem>>) src(%dma_wait3A_590 : memref<128x128xf32, #tpu.memory_space<hbm>>) dst(%arg13 : memref<128x128xf32, #tpu.memory_space<vmem>>)
      %dma_start3A_591 = arith.constant 5 : i32
      %dma_start3A_592 = arith.constant 0 : i32
      %dma_start3A_593 = tpu.memref_slice %arg9[%dma_start3A_591, %dma_start3A_592] : memref<8x128xi32, #tpu.memory_space<vmem>> -> memref<1x128xi32, #tpu.memory_space<vmem>>
      %dma_start3A_594 = tpu.memref_squeeze %dma_start3A_593 : memref<1x128xi32, #tpu.memory_space<vmem>> -> memref<128xi32, #tpu.memory_space<vmem>>
      %dma_start3A_595 = arith.constant 0 : i32
      %dma_start3A_596 = arith.constant 0 : i32
      %dma_start3A_597 = tpu.memref_slice %arg2[%dma_start3A_595, %dma_start3A_596] : memref<10000x128xf32, #tpu.memory_space<hbm>> -> memref<10000x128xf32, #tpu.memory_space<hbm>>
      tpu.enqueue_indirect_dma source(%dma_start3A_597 : memref<10000x128xf32, #tpu.memory_space<hbm>>) target(%arg13 : memref<128x128xf32, #tpu.memory_space<vmem>>) offsets(%dma_start3A_594 : memref<128xi32, #tpu.memory_space<vmem>>) semaphore(%arg20 : memref<!tpu.dma_semaphore, #tpu.memory_space<semaphore_mem>>)
      %dma_wait3A_598 = arith.constant 0 : i32
      %dma_wait3A_599 = arith.constant 0 : i32
      %dma_wait3A_600 = tpu.memref_slice %arg2[%dma_wait3A_598, %dma_wait3A_599] : memref<10000x128xf32, #tpu.memory_space<hbm>> -> memref<128x128xf32, #tpu.memory_space<hbm>>
      %dma_wait3A_601 = arith.constant 0 : i32
      %dma_wait3A_602 = arith.constant 0 : i32
      %dma_wait3A_603 = tpu.memref_slice %arg2[%dma_wait3A_601, %dma_wait3A_602] : memref<10000x128xf32, #tpu.memory_space<hbm>> -> memref<128x128xf32, #tpu.memory_space<hbm>>
      tpu.wait_dma2 semaphore(%arg19 : memref<!tpu.dma_semaphore, #tpu.memory_space<semaphore_mem>>) src(%dma_wait3A_603 : memref<128x128xf32, #tpu.memory_space<hbm>>) dst(%arg12 : memref<128x128xf32, #tpu.memory_space<vmem>>)
      %scan3A_604 = arith.constant 0 : i32
      %scan3A_605 = arith.constant 4 : i32
      %scan3A_606 = arith.constant 0 : i32
      %scan3A_607 = arith.constant 8 : i32
      %scan3A_608 = arith.addi %scan3A_606, %scan3A_607 : i32
      %scan3A_609 = arith.constant 1 : i32
      scf.for %scan3A_684 = %scan3A_606 to %scan3A_608 step %scan3A_609  : i32 {
        %mul3A_685 = arith.constant 16 : i32
        %mul3A_686 = arith.muli %scan3A_684, %mul3A_685 : i32
        %get3A = arith.constant 0 : i32
        %get3A_687 = tpu.memref_slice %arg11[%scan3A_605, %get3A] : memref<8x128xi32, #tpu.memory_space<vmem>> -> memref<1x128xi32, #tpu.memory_space<vmem>>
        %get3A_688 = tpu.memref_squeeze %get3A_687 : memref<1x128xi32, #tpu.memory_space<vmem>> -> memref<128xi32, #tpu.memory_space<vmem>>
        %get3A_689 = arith.index_cast %mul3A_686 : i32 to index
        %get3A_690 = tpu.vector_load %get3A_688[%get3A_689] {strides = array<i32>} : memref<128xi32, #tpu.memory_space<vmem>>, vector<16xi32>,
        %broadcast_in_dim3A = arith.constant 1.000000e+00 : f32
        %broadcast_in_dim3A_691 = vector.broadcast %broadcast_in_dim3A : f32 to vector<16xf32>
        tpu.vector_store_idx %arg23[%get3A_690], %broadcast_in_dim3A_691 {add = true} : memref<10240xf32, #tpu.memory_space<vmem>>[vector<16xi32>], vector<16xf32>,
      }
      %scan3A_610 = arith.constant 8 : i32
      %dma_start3A_611 = arith.constant 4 : i32
      %dma_start3A_612 = arith.constant 0 : i32
      %dma_start3A_613 = tpu.memref_slice %arg11[%dma_start3A_611, %dma_start3A_612] : memref<8x128xi32, #tpu.memory_space<vmem>> -> memref<1x128xi32, #tpu.memory_space<vmem>>
      %dma_start3A_614 = tpu.memref_squeeze %dma_start3A_613 : memref<1x128xi32, #tpu.memory_space<vmem>> -> memref<128xi32, #tpu.memory_space<vmem>>
      %dma_start3A_615 = arith.constant 0 : i32
      %dma_start3A_616 = arith.constant 0 : i32
      %dma_start3A_617 = tpu.memref_slice %arg14[%dma_start3A_615, %dma_start3A_616] : memref<10240x128xf32, #tpu.memory_space<vmem_shared>> -> memref<10240x128xf32, #tpu.memory_space<vmem_shared>>
      tpu.enqueue_indirect_dma source(%arg12 : memref<128x128xf32, #tpu.memory_space<vmem>>) target(%dma_start3A_617 : memref<10240x128xf32, #tpu.memory_space<vmem_shared>>) offsets(%dma_start3A_614 : memref<128xi32, #tpu.memory_space<vmem>>) semaphore(%arg21 : memref<!tpu.dma_semaphore, #tpu.memory_space<semaphore_mem>>) {add = true}
      %dma_wait3A_618 = arith.constant 0 : i32
      %dma_wait3A_619 = arith.constant 0 : i32
      %dma_wait3A_620 = tpu.memref_slice %arg2[%dma_wait3A_618, %dma_wait3A_619] : memref<10000x128xf32, #tpu.memory_space<hbm>> -> memref<128x128xf32, #tpu.memory_space<hbm>>
      %dma_wait3A_621 = arith.constant 0 : i32
      %dma_wait3A_622 = arith.constant 0 : i32
      %dma_wait3A_623 = tpu.memref_slice %arg2[%dma_wait3A_621, %dma_wait3A_622] : memref<10000x128xf32, #tpu.memory_space<hbm>> -> memref<128x128xf32, #tpu.memory_space<hbm>>
      tpu.wait_dma2 semaphore(%arg21 : memref<!tpu.dma_semaphore, #tpu.memory_space<semaphore_mem>>) src(%dma_wait3A_623 : memref<128x128xf32, #tpu.memory_space<hbm>>) dst(%arg12 : memref<128x128xf32, #tpu.memory_space<vmem>>)
      %dma_start3A_624 = arith.constant 6 : i32
      %dma_start3A_625 = arith.constant 0 : i32
      %dma_start3A_626 = tpu.memref_slice %arg9[%dma_start3A_624, %dma_start3A_625] : memref<8x128xi32, #tpu.memory_space<vmem>> -> memref<1x128xi32, #tpu.memory_space<vmem>>
      %dma_start3A_627 = tpu.memref_squeeze %dma_start3A_626 : memref<1x128xi32, #tpu.memory_space<vmem>> -> memref<128xi32, #tpu.memory_space<vmem>>
      %dma_start3A_628 = arith.constant 0 : i32
      %dma_start3A_629 = arith.constant 0 : i32
      %dma_start3A_630 = tpu.memref_slice %arg2[%dma_start3A_628, %dma_start3A_629] : memref<10000x128xf32, #tpu.memory_space<hbm>> -> memref<10000x128xf32, #tpu.memory_space<hbm>>
      tpu.enqueue_indirect_dma source(%dma_start3A_630 : memref<10000x128xf32, #tpu.memory_space<hbm>>) target(%arg12 : memref<128x128xf32, #tpu.memory_space<vmem>>) offsets(%dma_start3A_627 : memref<128xi32, #tpu.memory_space<vmem>>) semaphore(%arg19 : memref<!tpu.dma_semaphore, #tpu.memory_space<semaphore_mem>>)
      %dma_wait3A_631 = arith.constant 0 : i32
      %dma_wait3A_632 = arith.constant 0 : i32
      %dma_wait3A_633 = tpu.memref_slice %arg2[%dma_wait3A_631, %dma_wait3A_632] : memref<10000x128xf32, #tpu.memory_space<hbm>> -> memref<128x128xf32, #tpu.memory_space<hbm>>
      %dma_wait3A_634 = arith.constant 0 : i32
      %dma_wait3A_635 = arith.constant 0 : i32
      %dma_wait3A_636 = tpu.memref_slice %arg2[%dma_wait3A_634, %dma_wait3A_635] : memref<10000x128xf32, #tpu.memory_space<hbm>> -> memref<128x128xf32, #tpu.memory_space<hbm>>
      tpu.wait_dma2 semaphore(%arg20 : memref<!tpu.dma_semaphore, #tpu.memory_space<semaphore_mem>>) src(%dma_wait3A_636 : memref<128x128xf32, #tpu.memory_space<hbm>>) dst(%arg13 : memref<128x128xf32, #tpu.memory_space<vmem>>)
      %scan3A_637 = arith.constant 0 : i32
      %scan3A_638 = arith.constant 5 : i32
      %scan3A_639 = arith.constant 0 : i32
      %scan3A_640 = arith.constant 8 : i32
      %scan3A_641 = arith.addi %scan3A_639, %scan3A_640 : i32
      %scan3A_642 = arith.constant 1 : i32
      scf.for %scan3A_684 = %scan3A_639 to %scan3A_641 step %scan3A_642  : i32 {
        %mul3A_685 = arith.constant 16 : i32
        %mul3A_686 = arith.muli %scan3A_684, %mul3A_685 : i32
        %get3A = arith.constant 0 : i32
        %get3A_687 = tpu.memref_slice %arg11[%scan3A_638, %get3A] : memref<8x128xi32, #tpu.memory_space<vmem>> -> memref<1x128xi32, #tpu.memory_space<vmem>>
        %get3A_688 = tpu.memref_squeeze %get3A_687 : memref<1x128xi32, #tpu.memory_space<vmem>> -> memref<128xi32, #tpu.memory_space<vmem>>
        %get3A_689 = arith.index_cast %mul3A_686 : i32 to index
        %get3A_690 = tpu.vector_load %get3A_688[%get3A_689] {strides = array<i32>} : memref<128xi32, #tpu.memory_space<vmem>>, vector<16xi32>,
        %broadcast_in_dim3A = arith.constant 1.000000e+00 : f32
        %broadcast_in_dim3A_691 = vector.broadcast %broadcast_in_dim3A : f32 to vector<16xf32>
        tpu.vector_store_idx %arg23[%get3A_690], %broadcast_in_dim3A_691 {add = true} : memref<10240xf32, #tpu.memory_space<vmem>>[vector<16xi32>], vector<16xf32>,
      }
      %scan3A_643 = arith.constant 8 : i32
      %dma_start3A_644 = arith.constant 5 : i32
      %dma_start3A_645 = arith.constant 0 : i32
      %dma_start3A_646 = tpu.memref_slice %arg11[%dma_start3A_644, %dma_start3A_645] : memref<8x128xi32, #tpu.memory_space<vmem>> -> memref<1x128xi32, #tpu.memory_space<vmem>>
      %dma_start3A_647 = tpu.memref_squeeze %dma_start3A_646 : memref<1x128xi32, #tpu.memory_space<vmem>> -> memref<128xi32, #tpu.memory_space<vmem>>
      %dma_start3A_648 = arith.constant 0 : i32
      %dma_start3A_649 = arith.constant 0 : i32
      %dma_start3A_650 = tpu.memref_slice %arg14[%dma_start3A_648, %dma_start3A_649] : memref<10240x128xf32, #tpu.memory_space<vmem_shared>> -> memref<10240x128xf32, #tpu.memory_space<vmem_shared>>
      tpu.enqueue_indirect_dma source(%arg13 : memref<128x128xf32, #tpu.memory_space<vmem>>) target(%dma_start3A_650 : memref<10240x128xf32, #tpu.memory_space<vmem_shared>>) offsets(%dma_start3A_647 : memref<128xi32, #tpu.memory_space<vmem>>) semaphore(%arg22 : memref<!tpu.dma_semaphore, #tpu.memory_space<semaphore_mem>>) {add = true}
      %dma_wait3A_651 = arith.constant 0 : i32
      %dma_wait3A_652 = arith.constant 0 : i32
      %dma_wait3A_653 = tpu.memref_slice %arg2[%dma_wait3A_651, %dma_wait3A_652] : memref<10000x128xf32, #tpu.memory_space<hbm>> -> memref<128x128xf32, #tpu.memory_space<hbm>>
      %dma_wait3A_654 = arith.constant 0 : i32
      %dma_wait3A_655 = arith.constant 0 : i32
      %dma_wait3A_656 = tpu.memref_slice %arg2[%dma_wait3A_654, %dma_wait3A_655] : memref<10000x128xf32, #tpu.memory_space<hbm>> -> memref<128x128xf32, #tpu.memory_space<hbm>>
      tpu.wait_dma2 semaphore(%arg22 : memref<!tpu.dma_semaphore, #tpu.memory_space<semaphore_mem>>) src(%dma_wait3A_656 : memref<128x128xf32, #tpu.memory_space<hbm>>) dst(%arg13 : memref<128x128xf32, #tpu.memory_space<vmem>>)
      %dma_start3A_657 = arith.constant 7 : i32
      %dma_start3A_658 = arith.constant 0 : i32
      %dma_start3A_659 = tpu.memref_slice %arg9[%dma_start3A_657, %dma_start3A_658] : memref<8x128xi32, #tpu.memory_space<vmem>> -> memref<1x128xi32, #tpu.memory_space<vmem>>
      %dma_start3A_660 = tpu.memref_squeeze %dma_start3A_659 : memref<1x128xi32, #tpu.memory_space<vmem>> -> memref<128xi32, #tpu.memory_space<vmem>>
      %dma_start3A_661 = arith.constant 0 : i32
      %dma_start3A_662 = arith.constant 0 : i32
      %dma_start3A_663 = tpu.memref_slice %arg2[%dma_start3A_661, %dma_start3A_662] : memref<10000x128xf32, #tpu.memory_space<hbm>> -> memref<10000x128xf32, #tpu.memory_space<hbm>>
      tpu.enqueue_indirect_dma source(%dma_start3A_663 : memref<10000x128xf32, #tpu.memory_space<hbm>>) target(%arg13 : memref<128x128xf32, #tpu.memory_space<vmem>>) offsets(%dma_start3A_660 : memref<128xi32, #tpu.memory_space<vmem>>) semaphore(%arg20 : memref<!tpu.dma_semaphore, #tpu.memory_space<semaphore_mem>>)
      %dma_wait3A_664 = arith.constant 0 : i32
      %dma_wait3A_665 = arith.constant 0 : i32
      %dma_wait3A_666 = tpu.memref_slice %arg2[%dma_wait3A_664, %dma_wait3A_665] : memref<10000x128xf32, #tpu.memory_space<hbm>> -> memref<128x128xf32, #tpu.memory_space<hbm>>
      %dma_wait3A_667 = arith.constant 0 : i32
      %dma_wait3A_668 = arith.constant 0 : i32
      %dma_wait3A_669 = tpu.memref_slice %arg2[%dma_wait3A_667, %dma_wait3A_668] : memref<10000x128xf32, #tpu.memory_space<hbm>> -> memref<128x128xf32, #tpu.memory_space<hbm>>
      tpu.wait_dma2 semaphore(%arg19 : memref<!tpu.dma_semaphore, #tpu.memory_space<semaphore_mem>>) src(%dma_wait3A_669 : memref<128x128xf32, #tpu.memory_space<hbm>>) dst(%arg12 : memref<128x128xf32, #tpu.memory_space<vmem>>)
      %scan3A_670 = arith.constant 0 : i32
      %scan3A_671 = arith.constant 6 : i32
      %scan3A_672 = arith.constant 0 : i32
      %scan3A_673 = arith.constant 8 : i32
      %scan3A_674 = arith.addi %scan3A_672, %scan3A_673 : i32
      %scan3A_675 = arith.constant 1 : i32
      scf.for %scan3A_684 = %scan3A_672 to %scan3A_674 step %scan3A_675  : i32 {
        %mul3A_685 = arith.constant 16 : i32
        %mul3A_686 = arith.muli %scan3A_684, %mul3A_685 : i32
        %get3A = arith.constant 0 : i32
        %get3A_687 = tpu.memref_slice %arg11[%scan3A_671, %get3A] : memref<8x128xi32, #tpu.memory_space<vmem>> -> memref<1x128xi32, #tpu.memory_space<vmem>>
        %get3A_688 = tpu.memref_squeeze %get3A_687 : memref<1x128xi32, #tpu.memory_space<vmem>> -> memref<128xi32, #tpu.memory_space<vmem>>
        %get3A_689 = arith.index_cast %mul3A_686 : i32 to index
        %get3A_690 = tpu.vector_load %get3A_688[%get3A_689] {strides = array<i32>} : memref<128xi32, #tpu.memory_space<vmem>>, vector<16xi32>,
        %broadcast_in_dim3A = arith.constant 1.000000e+00 : f32
        %broadcast_in_dim3A_691 = vector.broadcast %broadcast_in_dim3A : f32 to vector<16xf32>
        tpu.vector_store_idx %arg23[%get3A_690], %broadcast_in_dim3A_691 {add = true} : memref<10240xf32, #tpu.memory_space<vmem>>[vector<16xi32>], vector<16xf32>,
      }
      %scan3A_676 = arith.constant 8 : i32
      %dma_start3A_677 = arith.constant 6 : i32
      %dma_start3A_678 = arith.constant 0 : i32
      %dma_start3A_679 = tpu.memref_slice %arg11[%dma_start3A_677, %dma_start3A_678] : memref<8x128xi32, #tpu.memory_space<vmem>> -> memref<1x128xi32, #tpu.memory_space<vmem>>
      %dma_start3A_680 = tpu.memref_squeeze %dma_start3A_679 : memref<1x128xi32, #tpu.memory_space<vmem>> -> memref<128xi32, #tpu.memory_space<vmem>>
      %dma_start3A_681 = arith.constant 0 : i32
      %dma_start3A_682 = arith.constant 0 : i32
      %dma_start3A_683 = tpu.memref_slice %arg14[%dma_start3A_681, %dma_start3A_682] : memref<10240x128xf32, #tpu.memory_space<vmem_shared>> -> memref<10240x128xf32, #tpu.memory_space<vmem_shared>>
      tpu.enqueue_indirect_dma source(%arg12 : memref<128x128xf32, #tpu.memory_space<vmem>>) target(%dma_start3A_683 : memref<10240x128xf32, #tpu.memory_space<vmem_shared>>) offsets(%dma_start3A_680 : memref<128xi32, #tpu.memory_space<vmem>>) semaphore(%arg21 : memref<!tpu.dma_semaphore, #tpu.memory_space<semaphore_mem>>) {add = true}
    }
    %while3A_69 = arith.constant 1 : i32
    scf.for %while3A_114 = %while3A_67 to %while3A_63 step %while3A_69  : i32 {
      %mul3A_115 = arith.constant 2 : i32
      %mul3A_116 = arith.muli %mul3A_115, %while3A_114 : i32
      %add3A_117 = arith.addi %select_n3A, %mul3A_116 : i32
      %add3A_118 = arith.constant 0 : i32
      %add3A_119 = arith.addi %add3A_117, %add3A_118 : i32
      %dma_wait3A_120 = arith.constant 0 : i32
      %dma_wait3A_121 = arith.constant 0 : i32
      %dma_wait3A_122 = tpu.memref_slice %arg3[%select_n3A, %dma_wait3A_120, %dma_wait3A_121] : memref<320x8x128xi32, #tpu.memory_space<hbm>> -> memref<1x8x128xi32, #tpu.memory_space<hbm>>
      %dma_wait3A_123 = tpu.memref_squeeze %dma_wait3A_122 : memref<1x8x128xi32, #tpu.memory_space<hbm>> -> memref<8x128xi32, #tpu.memory_space<hbm>>
      %dma_wait3A_124 = arith.constant 0 : i32
      %dma_wait3A_125 = arith.constant 0 : i32
      %dma_wait3A_126 = tpu.memref_slice %arg3[%select_n3A, %dma_wait3A_124, %dma_wait3A_125] : memref<320x8x128xi32, #tpu.memory_space<hbm>> -> memref<1x8x128xi32, #tpu.memory_space<hbm>>
      %dma_wait3A_127 = tpu.memref_squeeze %dma_wait3A_126 : memref<1x8x128xi32, #tpu.memory_space<hbm>> -> memref<8x128xi32, #tpu.memory_space<hbm>>
      tpu.wait_dma2 semaphore(%arg15 : memref<!tpu.dma_semaphore, #tpu.memory_space<semaphore_mem>>) src(%dma_wait3A_127 : memref<8x128xi32, #tpu.memory_space<hbm>>) dst(%arg8 : memref<8x128xi32, #tpu.memory_space<vmem>>)
      %dma_wait3A_128 = arith.constant 0 : i32
      %dma_wait3A_129 = arith.constant 0 : i32
      %dma_wait3A_130 = tpu.memref_slice %arg4[%select_n3A, %dma_wait3A_128, %dma_wait3A_129] : memref<320x8x128xi32, #tpu.memory_space<hbm>> -> memref<1x8x128xi32, #tpu.memory_space<hbm>>
      %dma_wait3A_131 = tpu.memref_squeeze %dma_wait3A_130 : memref<1x8x128xi32, #tpu.memory_space<hbm>> -> memref<8x128xi32, #tpu.memory_space<hbm>>
      %dma_wait3A_132 = arith.constant 0 : i32
      %dma_wait3A_133 = arith.constant 0 : i32
      %dma_wait3A_134 = tpu.memref_slice %arg4[%select_n3A, %dma_wait3A_132, %dma_wait3A_133] : memref<320x8x128xi32, #tpu.memory_space<hbm>> -> memref<1x8x128xi32, #tpu.memory_space<hbm>>
      %dma_wait3A_135 = tpu.memref_squeeze %dma_wait3A_134 : memref<1x8x128xi32, #tpu.memory_space<hbm>> -> memref<8x128xi32, #tpu.memory_space<hbm>>
      tpu.wait_dma2 semaphore(%arg17 : memref<!tpu.dma_semaphore, #tpu.memory_space<semaphore_mem>>) src(%dma_wait3A_135 : memref<8x128xi32, #tpu.memory_space<hbm>>) dst(%arg10 : memref<8x128xi32, #tpu.memory_space<vmem>>)
      %gt3A = arith.constant 0 : i32
      %gt3A_136 = arith.cmpi sgt, %while3A_114, %gt3A : i32
      %convert_element_type3A = arith.extui %gt3A_136 : i1 to i32
      %cond3A = arith.constant 0 : i32
      %cond3A_137 = arith.cmpi ne, %convert_element_type3A, %cond3A : i32
      scf.if %cond3A_137 {
        %dma_wait3A_684 = arith.constant 0 : i32
        %dma_wait3A_685 = arith.constant 0 : i32
        %dma_wait3A_686 = tpu.memref_slice %arg2[%dma_wait3A_684, %dma_wait3A_685] : memref<10000x128xf32, #tpu.memory_space<hbm>> -> memref<128x128xf32, #tpu.memory_space<hbm>>
        %dma_wait3A_687 = arith.constant 0 : i32
        %dma_wait3A_688 = arith.constant 0 : i32
        %dma_wait3A_689 = tpu.memref_slice %arg2[%dma_wait3A_687, %dma_wait3A_688] : memref<10000x128xf32, #tpu.memory_space<hbm>> -> memref<128x128xf32, #tpu.memory_space<hbm>>
        tpu.wait_dma2 semaphore(%arg21 : memref<!tpu.dma_semaphore, #tpu.memory_space<semaphore_mem>>) src(%dma_wait3A_689 : memref<128x128xf32, #tpu.memory_space<hbm>>) dst(%arg12 : memref<128x128xf32, #tpu.memory_space<vmem>>)
      } else {
      }
      %dma_start3A_138 = arith.constant 0 : i32
      %dma_start3A_139 = arith.constant 0 : i32
      %dma_start3A_140 = tpu.memref_slice %arg8[%dma_start3A_138, %dma_start3A_139] : memref<8x128xi32, #tpu.memory_space<vmem>> -> memref<1x128xi32, #tpu.memory_space<vmem>>
      %dma_start3A_141 = tpu.memref_squeeze %dma_start3A_140 : memref<1x128xi32, #tpu.memory_space<vmem>> -> memref<128xi32, #tpu.memory_space<vmem>>
      %dma_start3A_142 = arith.constant 0 : i32
      %dma_start3A_143 = arith.constant 0 : i32
      %dma_start3A_144 = tpu.memref_slice %arg2[%dma_start3A_142, %dma_start3A_143] : memref<10000x128xf32, #tpu.memory_space<hbm>> -> memref<10000x128xf32, #tpu.memory_space<hbm>>
      tpu.enqueue_indirect_dma source(%dma_start3A_144 : memref<10000x128xf32, #tpu.memory_space<hbm>>) target(%arg12 : memref<128x128xf32, #tpu.memory_space<vmem>>) offsets(%dma_start3A_141 : memref<128xi32, #tpu.memory_space<vmem>>) semaphore(%arg19 : memref<!tpu.dma_semaphore, #tpu.memory_space<semaphore_mem>>)
      %gt3A_145 = arith.constant 0 : i32
      %gt3A_146 = arith.cmpi sgt, %while3A_114, %gt3A_145 : i32
      %convert_element_type3A_147 = arith.extui %gt3A_146 : i1 to i32
      %cond3A_148 = arith.constant 0 : i32
      %cond3A_149 = arith.cmpi ne, %convert_element_type3A_147, %cond3A_148 : i32
      scf.if %cond3A_149 {
        %dma_wait3A_684 = arith.constant 0 : i32
        %dma_wait3A_685 = arith.constant 0 : i32
        %dma_wait3A_686 = tpu.memref_slice %arg2[%dma_wait3A_684, %dma_wait3A_685] : memref<10000x128xf32, #tpu.memory_space<hbm>> -> memref<128x128xf32, #tpu.memory_space<hbm>>
        %dma_wait3A_687 = arith.constant 0 : i32
        %dma_wait3A_688 = arith.constant 0 : i32
        %dma_wait3A_689 = tpu.memref_slice %arg2[%dma_wait3A_687, %dma_wait3A_688] : memref<10000x128xf32, #tpu.memory_space<hbm>> -> memref<128x128xf32, #tpu.memory_space<hbm>>
        tpu.wait_dma2 semaphore(%arg20 : memref<!tpu.dma_semaphore, #tpu.memory_space<semaphore_mem>>) src(%dma_wait3A_689 : memref<128x128xf32, #tpu.memory_space<hbm>>) dst(%arg13 : memref<128x128xf32, #tpu.memory_space<vmem>>)
        %scan3A_690 = arith.constant 0 : i32
        %scan3A_691 = arith.constant 7 : i32
        %scan3A_692 = arith.constant 0 : i32
        %scan3A_693 = arith.constant 8 : i32
        %scan3A_694 = arith.addi %scan3A_692, %scan3A_693 : i32
        %scan3A_695 = arith.constant 1 : i32
        scf.for %scan3A_704 = %scan3A_692 to %scan3A_694 step %scan3A_695  : i32 {
          %mul3A_705 = arith.constant 16 : i32
          %mul3A_706 = arith.muli %scan3A_704, %mul3A_705 : i32
          %get3A = arith.constant 0 : i32
          %get3A_707 = tpu.memref_slice %arg11[%scan3A_691, %get3A] : memref<8x128xi32, #tpu.memory_space<vmem>> -> memref<1x128xi32, #tpu.memory_space<vmem>>
          %get3A_708 = tpu.memref_squeeze %get3A_707 : memref<1x128xi32, #tpu.memory_space<vmem>> -> memref<128xi32, #tpu.memory_space<vmem>>
          %get3A_709 = arith.index_cast %mul3A_706 : i32 to index
          %get3A_710 = tpu.vector_load %get3A_708[%get3A_709] {strides = array<i32>} : memref<128xi32, #tpu.memory_space<vmem>>, vector<16xi32>,
          %broadcast_in_dim3A = arith.constant 1.000000e+00 : f32
          %broadcast_in_dim3A_711 = vector.broadcast %broadcast_in_dim3A : f32 to vector<16xf32>
          tpu.vector_store_idx %arg23[%get3A_710], %broadcast_in_dim3A_711 {add = true} : memref<10240xf32, #tpu.memory_space<vmem>>[vector<16xi32>], vector<16xf32>,
        }
        %scan3A_696 = arith.constant 8 : i32
        %dma_start3A_697 = arith.constant 7 : i32
        %dma_start3A_698 = arith.constant 0 : i32
        %dma_start3A_699 = tpu.memref_slice %arg11[%dma_start3A_697, %dma_start3A_698] : memref<8x128xi32, #tpu.memory_space<vmem>> -> memref<1x128xi32, #tpu.memory_space<vmem>>
        %dma_start3A_700 = tpu.memref_squeeze %dma_start3A_699 : memref<1x128xi32, #tpu.memory_space<vmem>> -> memref<128xi32, #tpu.memory_space<vmem>>
        %dma_start3A_701 = arith.constant 0 : i32
        %dma_start3A_702 = arith.constant 0 : i32
        %dma_start3A_703 = tpu.memref_slice %arg14[%dma_start3A_701, %dma_start3A_702] : memref<10240x128xf32, #tpu.memory_space<vmem_shared>> -> memref<10240x128xf32, #tpu.memory_space<vmem_shared>>
        tpu.enqueue_indirect_dma source(%arg13 : memref<128x128xf32, #tpu.memory_space<vmem>>) target(%dma_start3A_703 : memref<10240x128xf32, #tpu.memory_space<vmem_shared>>) offsets(%dma_start3A_700 : memref<128xi32, #tpu.memory_space<vmem>>) semaphore(%arg22 : memref<!tpu.dma_semaphore, #tpu.memory_space<semaphore_mem>>) {add = true}
      } else {
      }
      %gt3A_150 = arith.constant 0 : i32
      %gt3A_151 = arith.cmpi sgt, %while3A_114, %gt3A_150 : i32
      %convert_element_type3A_152 = arith.extui %gt3A_151 : i1 to i32
      %cond3A_153 = arith.constant 0 : i32
      %cond3A_154 = arith.cmpi ne, %convert_element_type3A_152, %cond3A_153 : i32
      scf.if %cond3A_154 {
        %dma_wait3A_684 = arith.constant 0 : i32
        %dma_wait3A_685 = arith.constant 0 : i32
        %dma_wait3A_686 = tpu.memref_slice %arg2[%dma_wait3A_684, %dma_wait3A_685] : memref<10000x128xf32, #tpu.memory_space<hbm>> -> memref<128x128xf32, #tpu.memory_space<hbm>>
        %dma_wait3A_687 = arith.constant 0 : i32
        %dma_wait3A_688 = arith.constant 0 : i32
        %dma_wait3A_689 = tpu.memref_slice %arg2[%dma_wait3A_687, %dma_wait3A_688] : memref<10000x128xf32, #tpu.memory_space<hbm>> -> memref<128x128xf32, #tpu.memory_space<hbm>>
        tpu.wait_dma2 semaphore(%arg22 : memref<!tpu.dma_semaphore, #tpu.memory_space<semaphore_mem>>) src(%dma_wait3A_689 : memref<128x128xf32, #tpu.memory_space<hbm>>) dst(%arg13 : memref<128x128xf32, #tpu.memory_space<vmem>>)
      } else {
      }
      %dma_start3A_155 = arith.constant 1 : i32
      %dma_start3A_156 = arith.constant 0 : i32
      %dma_start3A_157 = tpu.memref_slice %arg8[%dma_start3A_155, %dma_start3A_156] : memref<8x128xi32, #tpu.memory_space<vmem>> -> memref<1x128xi32, #tpu.memory_space<vmem>>
      %dma_start3A_158 = tpu.memref_squeeze %dma_start3A_157 : memref<1x128xi32, #tpu.memory_space<vmem>> -> memref<128xi32, #tpu.memory_space<vmem>>
      %dma_start3A_159 = arith.constant 0 : i32
      %dma_start3A_160 = arith.constant 0 : i32
      %dma_start3A_161 = tpu.memref_slice %arg2[%dma_start3A_159, %dma_start3A_160] : memref<10000x128xf32, #tpu.memory_space<hbm>> -> memref<10000x128xf32, #tpu.memory_space<hbm>>
      tpu.enqueue_indirect_dma source(%dma_start3A_161 : memref<10000x128xf32, #tpu.memory_space<hbm>>) target(%arg13 : memref<128x128xf32, #tpu.memory_space<vmem>>) offsets(%dma_start3A_158 : memref<128xi32, #tpu.memory_space<vmem>>) semaphore(%arg20 : memref<!tpu.dma_semaphore, #tpu.memory_space<semaphore_mem>>)
      %dma_wait3A_162 = arith.constant 0 : i32
      %dma_wait3A_163 = arith.constant 0 : i32
      %dma_wait3A_164 = tpu.memref_slice %arg2[%dma_wait3A_162, %dma_wait3A_163] : memref<10000x128xf32, #tpu.memory_space<hbm>> -> memref<128x128xf32, #tpu.memory_space<hbm>>
      %dma_wait3A_165 = arith.constant 0 : i32
      %dma_wait3A_166 = arith.constant 0 : i32
      %dma_wait3A_167 = tpu.memref_slice %arg2[%dma_wait3A_165, %dma_wait3A_166] : memref<10000x128xf32, #tpu.memory_space<hbm>> -> memref<128x128xf32, #tpu.memory_space<hbm>>
      tpu.wait_dma2 semaphore(%arg19 : memref<!tpu.dma_semaphore, #tpu.memory_space<semaphore_mem>>) src(%dma_wait3A_167 : memref<128x128xf32, #tpu.memory_space<hbm>>) dst(%arg12 : memref<128x128xf32, #tpu.memory_space<vmem>>)
      %scan3A_168 = arith.constant 0 : i32
      %scan3A_169 = arith.constant 0 : i32
      %scan3A_170 = arith.constant 0 : i32
      %scan3A_171 = arith.constant 8 : i32
      %scan3A_172 = arith.addi %scan3A_170, %scan3A_171 : i32
      %scan3A_173 = arith.constant 1 : i32
      scf.for %scan3A_684 = %scan3A_170 to %scan3A_172 step %scan3A_173  : i32 {
        %mul3A_685 = arith.constant 16 : i32
        %mul3A_686 = arith.muli %scan3A_684, %mul3A_685 : i32
        %get3A = arith.constant 0 : i32
        %get3A_687 = tpu.memref_slice %arg10[%scan3A_169, %get3A] : memref<8x128xi32, #tpu.memory_space<vmem>> -> memref<1x128xi32, #tpu.memory_space<vmem>>
        %get3A_688 = tpu.memref_squeeze %get3A_687 : memref<1x128xi32, #tpu.memory_space<vmem>> -> memref<128xi32, #tpu.memory_space<vmem>>
        %get3A_689 = arith.index_cast %mul3A_686 : i32 to index
        %get3A_690 = tpu.vector_load %get3A_688[%get3A_689] {strides = array<i32>} : memref<128xi32, #tpu.memory_space<vmem>>, vector<16xi32>,
        %broadcast_in_dim3A = arith.constant 1.000000e+00 : f32
        %broadcast_in_dim3A_691 = vector.broadcast %broadcast_in_dim3A : f32 to vector<16xf32>
        tpu.vector_store_idx %arg23[%get3A_690], %broadcast_in_dim3A_691 {add = true} : memref<10240xf32, #tpu.memory_space<vmem>>[vector<16xi32>], vector<16xf32>,
      }
      %scan3A_174 = arith.constant 8 : i32
      %dma_start3A_175 = arith.constant 0 : i32
      %dma_start3A_176 = arith.constant 0 : i32
      %dma_start3A_177 = tpu.memref_slice %arg10[%dma_start3A_175, %dma_start3A_176] : memref<8x128xi32, #tpu.memory_space<vmem>> -> memref<1x128xi32, #tpu.memory_space<vmem>>
      %dma_start3A_178 = tpu.memref_squeeze %dma_start3A_177 : memref<1x128xi32, #tpu.memory_space<vmem>> -> memref<128xi32, #tpu.memory_space<vmem>>
      %dma_start3A_179 = arith.constant 0 : i32
      %dma_start3A_180 = arith.constant 0 : i32
      %dma_start3A_181 = tpu.memref_slice %arg14[%dma_start3A_179, %dma_start3A_180] : memref<10240x128xf32, #tpu.memory_space<vmem_shared>> -> memref<10240x128xf32, #tpu.memory_space<vmem_shared>>
      tpu.enqueue_indirect_dma source(%arg12 : memref<128x128xf32, #tpu.memory_space<vmem>>) target(%dma_start3A_181 : memref<10240x128xf32, #tpu.memory_space<vmem_shared>>) offsets(%dma_start3A_178 : memref<128xi32, #tpu.memory_space<vmem>>) semaphore(%arg21 : memref<!tpu.dma_semaphore, #tpu.memory_space<semaphore_mem>>) {add = true}
      %dma_wait3A_182 = arith.constant 0 : i32
      %dma_wait3A_183 = arith.constant 0 : i32
      %dma_wait3A_184 = tpu.memref_slice %arg2[%dma_wait3A_182, %dma_wait3A_183] : memref<10000x128xf32, #tpu.memory_space<hbm>> -> memref<128x128xf32, #tpu.memory_space<hbm>>
      %dma_wait3A_185 = arith.constant 0 : i32
      %dma_wait3A_186 = arith.constant 0 : i32
      %dma_wait3A_187 = tpu.memref_slice %arg2[%dma_wait3A_185, %dma_wait3A_186] : memref<10000x128xf32, #tpu.memory_space<hbm>> -> memref<128x128xf32, #tpu.memory_space<hbm>>
      tpu.wait_dma2 semaphore(%arg21 : memref<!tpu.dma_semaphore, #tpu.memory_space<semaphore_mem>>) src(%dma_wait3A_187 : memref<128x128xf32, #tpu.memory_space<hbm>>) dst(%arg12 : memref<128x128xf32, #tpu.memory_space<vmem>>)
      %dma_start3A_188 = arith.constant 2 : i32
      %dma_start3A_189 = arith.constant 0 : i32
      %dma_start3A_190 = tpu.memref_slice %arg8[%dma_start3A_188, %dma_start3A_189] : memref<8x128xi32, #tpu.memory_space<vmem>> -> memref<1x128xi32, #tpu.memory_space<vmem>>
      %dma_start3A_191 = tpu.memref_squeeze %dma_start3A_190 : memref<1x128xi32, #tpu.memory_space<vmem>> -> memref<128xi32, #tpu.memory_space<vmem>>
      %dma_start3A_192 = arith.constant 0 : i32
      %dma_start3A_193 = arith.constant 0 : i32
      %dma_start3A_194 = tpu.memref_slice %arg2[%dma_start3A_192, %dma_start3A_193] : memref<10000x128xf32, #tpu.memory_space<hbm>> -> memref<10000x128xf32, #tpu.memory_space<hbm>>
      tpu.enqueue_indirect_dma source(%dma_start3A_194 : memref<10000x128xf32, #tpu.memory_space<hbm>>) target(%arg12 : memref<128x128xf32, #tpu.memory_space<vmem>>) offsets(%dma_start3A_191 : memref<128xi32, #tpu.memory_space<vmem>>) semaphore(%arg19 : memref<!tpu.dma_semaphore, #tpu.memory_space<semaphore_mem>>)
      %dma_wait3A_195 = arith.constant 0 : i32
      %dma_wait3A_196 = arith.constant 0 : i32
      %dma_wait3A_197 = tpu.memref_slice %arg2[%dma_wait3A_195, %dma_wait3A_196] : memref<10000x128xf32, #tpu.memory_space<hbm>> -> memref<128x128xf32, #tpu.memory_space<hbm>>
      %dma_wait3A_198 = arith.constant 0 : i32
      %dma_wait3A_199 = arith.constant 0 : i32
      %dma_wait3A_200 = tpu.memref_slice %arg2[%dma_wait3A_198, %dma_wait3A_199] : memref<10000x128xf32, #tpu.memory_space<hbm>> -> memref<128x128xf32, #tpu.memory_space<hbm>>
      tpu.wait_dma2 semaphore(%arg20 : memref<!tpu.dma_semaphore, #tpu.memory_space<semaphore_mem>>) src(%dma_wait3A_200 : memref<128x128xf32, #tpu.memory_space<hbm>>) dst(%arg13 : memref<128x128xf32, #tpu.memory_space<vmem>>)
      %scan3A_201 = arith.constant 0 : i32
      %scan3A_202 = arith.constant 1 : i32
      %scan3A_203 = arith.constant 0 : i32
      %scan3A_204 = arith.constant 8 : i32
      %scan3A_205 = arith.addi %scan3A_203, %scan3A_204 : i32
      %scan3A_206 = arith.constant 1 : i32
      scf.for %scan3A_684 = %scan3A_203 to %scan3A_205 step %scan3A_206  : i32 {
        %mul3A_685 = arith.constant 16 : i32
        %mul3A_686 = arith.muli %scan3A_684, %mul3A_685 : i32
        %get3A = arith.constant 0 : i32
        %get3A_687 = tpu.memref_slice %arg10[%scan3A_202, %get3A] : memref<8x128xi32, #tpu.memory_space<vmem>> -> memref<1x128xi32, #tpu.memory_space<vmem>>
        %get3A_688 = tpu.memref_squeeze %get3A_687 : memref<1x128xi32, #tpu.memory_space<vmem>> -> memref<128xi32, #tpu.memory_space<vmem>>
        %get3A_689 = arith.index_cast %mul3A_686 : i32 to index
        %get3A_690 = tpu.vector_load %get3A_688[%get3A_689] {strides = array<i32>} : memref<128xi32, #tpu.memory_space<vmem>>, vector<16xi32>,
        %broadcast_in_dim3A = arith.constant 1.000000e+00 : f32
        %broadcast_in_dim3A_691 = vector.broadcast %broadcast_in_dim3A : f32 to vector<16xf32>
        tpu.vector_store_idx %arg23[%get3A_690], %broadcast_in_dim3A_691 {add = true} : memref<10240xf32, #tpu.memory_space<vmem>>[vector<16xi32>], vector<16xf32>,
      }
      %scan3A_207 = arith.constant 8 : i32
      %dma_start3A_208 = arith.constant 1 : i32
      %dma_start3A_209 = arith.constant 0 : i32
      %dma_start3A_210 = tpu.memref_slice %arg10[%dma_start3A_208, %dma_start3A_209] : memref<8x128xi32, #tpu.memory_space<vmem>> -> memref<1x128xi32, #tpu.memory_space<vmem>>
      %dma_start3A_211 = tpu.memref_squeeze %dma_start3A_210 : memref<1x128xi32, #tpu.memory_space<vmem>> -> memref<128xi32, #tpu.memory_space<vmem>>
      %dma_start3A_212 = arith.constant 0 : i32
      %dma_start3A_213 = arith.constant 0 : i32
      %dma_start3A_214 = tpu.memref_slice %arg14[%dma_start3A_212, %dma_start3A_213] : memref<10240x128xf32, #tpu.memory_space<vmem_shared>> -> memref<10240x128xf32, #tpu.memory_space<vmem_shared>>
      tpu.enqueue_indirect_dma source(%arg13 : memref<128x128xf32, #tpu.memory_space<vmem>>) target(%dma_start3A_214 : memref<10240x128xf32, #tpu.memory_space<vmem_shared>>) offsets(%dma_start3A_211 : memref<128xi32, #tpu.memory_space<vmem>>) semaphore(%arg22 : memref<!tpu.dma_semaphore, #tpu.memory_space<semaphore_mem>>) {add = true}
      %mul3A_215 = arith.constant 2 : i32
      %mul3A_216 = arith.muli %mul3A_215, %while3A_114 : i32
      %add3A_217 = arith.constant 0 : i32
      %add3A_218 = arith.addi %mul3A_216, %add3A_217 : i32
      %add3A_219 = arith.constant 1 : i32
      %add3A_220 = arith.addi %add3A_218, %add3A_219 : i32
      %lt3A = arith.cmpi slt, %add3A_220, %select_n3A_27 : i32
      %convert_element_type3A_221 = arith.extui %lt3A : i1 to i32
      %cond3A_222 = arith.constant 0 : i32
      %cond3A_223 = arith.cmpi ne, %convert_element_type3A_221, %cond3A_222 : i32
      scf.if %cond3A_223 {
        %add3A_684 = arith.constant 1 : i32
        %add3A_685 = arith.addi %add3A_119, %add3A_684 : i32
        %dma_start3A_686 = arith.constant 0 : i32
        %dma_start3A_687 = arith.constant 0 : i32
        %dma_start3A_688 = tpu.memref_slice %arg3[%add3A_685, %dma_start3A_686, %dma_start3A_687] : memref<320x8x128xi32, #tpu.memory_space<hbm>> -> memref<1x8x128xi32, #tpu.memory_space<hbm>>
        %dma_start3A_689 = tpu.memref_squeeze %dma_start3A_688 : memref<1x8x128xi32, #tpu.memory_space<hbm>> -> memref<8x128xi32, #tpu.memory_space<hbm>>
        %dma_start3A_690 = arith.constant 0 : i32
        %dma_start3A_691 = arith.constant 0 : i32
        %dma_start3A_692 = tpu.memref_slice %arg3[%add3A_685, %dma_start3A_690, %dma_start3A_691] : memref<320x8x128xi32, #tpu.memory_space<hbm>> -> memref<1x8x128xi32, #tpu.memory_space<hbm>>
        %dma_start3A_693 = tpu.memref_squeeze %dma_start3A_692 : memref<1x8x128xi32, #tpu.memory_space<hbm>> -> memref<8x128xi32, #tpu.memory_space<hbm>>
        tpu.enqueue_dma source(%dma_start3A_693 : memref<8x128xi32, #tpu.memory_space<hbm>>) target(%arg9 : memref<8x128xi32, #tpu.memory_space<vmem>>) target_semaphore(%arg16 : memref<!tpu.dma_semaphore, #tpu.memory_space<semaphore_mem>>)
        %add3A_694 = arith.constant 1 : i32
        %add3A_695 = arith.addi %add3A_119, %add3A_694 : i32
        %dma_start3A_696 = arith.constant 0 : i32
        %dma_start3A_697 = arith.constant 0 : i32
        %dma_start3A_698 = tpu.memref_slice %arg4[%add3A_695, %dma_start3A_696, %dma_start3A_697] : memref<320x8x128xi32, #tpu.memory_space<hbm>> -> memref<1x8x128xi32, #tpu.memory_space<hbm>>
        %dma_start3A_699 = tpu.memref_squeeze %dma_start3A_698 : memref<1x8x128xi32, #tpu.memory_space<hbm>> -> memref<8x128xi32, #tpu.memory_space<hbm>>
        %dma_start3A_700 = arith.constant 0 : i32
        %dma_start3A_701 = arith.constant 0 : i32
        %dma_start3A_702 = tpu.memref_slice %arg4[%add3A_695, %dma_start3A_700, %dma_start3A_701] : memref<320x8x128xi32, #tpu.memory_space<hbm>> -> memref<1x8x128xi32, #tpu.memory_space<hbm>>
        %dma_start3A_703 = tpu.memref_squeeze %dma_start3A_702 : memref<1x8x128xi32, #tpu.memory_space<hbm>> -> memref<8x128xi32, #tpu.memory_space<hbm>>
        tpu.enqueue_dma source(%dma_start3A_703 : memref<8x128xi32, #tpu.memory_space<hbm>>) target(%arg11 : memref<8x128xi32, #tpu.memory_space<vmem>>) target_semaphore(%arg18 : memref<!tpu.dma_semaphore, #tpu.memory_space<semaphore_mem>>)
      } else {
      }
      %dma_wait3A_224 = arith.constant 0 : i32
      %dma_wait3A_225 = arith.constant 0 : i32
      %dma_wait3A_226 = tpu.memref_slice %arg2[%dma_wait3A_224, %dma_wait3A_225] : memref<10000x128xf32, #tpu.memory_space<hbm>> -> memref<128x128xf32, #tpu.memory_space<hbm>>
      %dma_wait3A_227 = arith.constant 0 : i32
      %dma_wait3A_228 = arith.constant 0 : i32
      %dma_wait3A_229 = tpu.memref_slice %arg2[%dma_wait3A_227, %dma_wait3A_228] : memref<10000x128xf32, #tpu.memory_space<hbm>> -> memref<128x128xf32, #tpu.memory_space<hbm>>
      tpu.wait_dma2 semaphore(%arg22 : memref<!tpu.dma_semaphore, #tpu.memory_space<semaphore_mem>>) src(%dma_wait3A_229 : memref<128x128xf32, #tpu.memory_space<hbm>>) dst(%arg13 : memref<128x128xf32, #tpu.memory_space<vmem>>)
      %dma_start3A_230 = arith.constant 3 : i32
      %dma_start3A_231 = arith.constant 0 : i32
      %dma_start3A_232 = tpu.memref_slice %arg8[%dma_start3A_230, %dma_start3A_231] : memref<8x128xi32, #tpu.memory_space<vmem>> -> memref<1x128xi32, #tpu.memory_space<vmem>>
      %dma_start3A_233 = tpu.memref_squeeze %dma_start3A_232 : memref<1x128xi32, #tpu.memory_space<vmem>> -> memref<128xi32, #tpu.memory_space<vmem>>
      %dma_start3A_234 = arith.constant 0 : i32
      %dma_start3A_235 = arith.constant 0 : i32
      %dma_start3A_236 = tpu.memref_slice %arg2[%dma_start3A_234, %dma_start3A_235] : memref<10000x128xf32, #tpu.memory_space<hbm>> -> memref<10000x128xf32, #tpu.memory_space<hbm>>
      tpu.enqueue_indirect_dma source(%dma_start3A_236 : memref<10000x128xf32, #tpu.memory_space<hbm>>) target(%arg13 : memref<128x128xf32, #tpu.memory_space<vmem>>) offsets(%dma_start3A_233 : memref<128xi32, #tpu.memory_space<vmem>>) semaphore(%arg20 : memref<!tpu.dma_semaphore, #tpu.memory_space<semaphore_mem>>)
      %dma_wait3A_237 = arith.constant 0 : i32
      %dma_wait3A_238 = arith.constant 0 : i32
      %dma_wait3A_239 = tpu.memref_slice %arg2[%dma_wait3A_237, %dma_wait3A_238] : memref<10000x128xf32, #tpu.memory_space<hbm>> -> memref<128x128xf32, #tpu.memory_space<hbm>>
      %dma_wait3A_240 = arith.constant 0 : i32
      %dma_wait3A_241 = arith.constant 0 : i32
      %dma_wait3A_242 = tpu.memref_slice %arg2[%dma_wait3A_240, %dma_wait3A_241] : memref<10000x128xf32, #tpu.memory_space<hbm>> -> memref<128x128xf32, #tpu.memory_space<hbm>>
      tpu.wait_dma2 semaphore(%arg19 : memref<!tpu.dma_semaphore, #tpu.memory_space<semaphore_mem>>) src(%dma_wait3A_242 : memref<128x128xf32, #tpu.memory_space<hbm>>) dst(%arg12 : memref<128x128xf32, #tpu.memory_space<vmem>>)
      %scan3A_243 = arith.constant 0 : i32
      %scan3A_244 = arith.constant 2 : i32
      %scan3A_245 = arith.constant 0 : i32
      %scan3A_246 = arith.constant 8 : i32
      %scan3A_247 = arith.addi %scan3A_245, %scan3A_246 : i32
      %scan3A_248 = arith.constant 1 : i32
      scf.for %scan3A_684 = %scan3A_245 to %scan3A_247 step %scan3A_248  : i32 {
        %mul3A_685 = arith.constant 16 : i32
        %mul3A_686 = arith.muli %scan3A_684, %mul3A_685 : i32
        %get3A = arith.constant 0 : i32
        %get3A_687 = tpu.memref_slice %arg10[%scan3A_244, %get3A] : memref<8x128xi32, #tpu.memory_space<vmem>> -> memref<1x128xi32, #tpu.memory_space<vmem>>
        %get3A_688 = tpu.memref_squeeze %get3A_687 : memref<1x128xi32, #tpu.memory_space<vmem>> -> memref<128xi32, #tpu.memory_space<vmem>>
        %get3A_689 = arith.index_cast %mul3A_686 : i32 to index
        %get3A_690 = tpu.vector_load %get3A_688[%get3A_689] {strides = array<i32>} : memref<128xi32, #tpu.memory_space<vmem>>, vector<16xi32>,
        %broadcast_in_dim3A = arith.constant 1.000000e+00 : f32
        %broadcast_in_dim3A_691 = vector.broadcast %broadcast_in_dim3A : f32 to vector<16xf32>
        tpu.vector_store_idx %arg23[%get3A_690], %broadcast_in_dim3A_691 {add = true} : memref<10240xf32, #tpu.memory_space<vmem>>[vector<16xi32>], vector<16xf32>,
      }
      %scan3A_249 = arith.constant 8 : i32
      %dma_start3A_250 = arith.constant 2 : i32
      %dma_start3A_251 = arith.constant 0 : i32
      %dma_start3A_252 = tpu.memref_slice %arg10[%dma_start3A_250, %dma_start3A_251] : memref<8x128xi32, #tpu.memory_space<vmem>> -> memref<1x128xi32, #tpu.memory_space<vmem>>
      %dma_start3A_253 = tpu.memref_squeeze %dma_start3A_252 : memref<1x128xi32, #tpu.memory_space<vmem>> -> memref<128xi32, #tpu.memory_space<vmem>>
      %dma_start3A_254 = arith.constant 0 : i32
      %dma_start3A_255 = arith.constant 0 : i32
      %dma_start3A_256 = tpu.memref_slice %arg14[%dma_start3A_254, %dma_start3A_255] : memref<10240x128xf32, #tpu.memory_space<vmem_shared>> -> memref<10240x128xf32, #tpu.memory_space<vmem_shared>>
      tpu.enqueue_indirect_dma source(%arg12 : memref<128x128xf32, #tpu.memory_space<vmem>>) target(%dma_start3A_256 : memref<10240x128xf32, #tpu.memory_space<vmem_shared>>) offsets(%dma_start3A_253 : memref<128xi32, #tpu.memory_space<vmem>>) semaphore(%arg21 : memref<!tpu.dma_semaphore, #tpu.memory_space<semaphore_mem>>) {add = true}
      %dma_wait3A_257 = arith.constant 0 : i32
      %dma_wait3A_258 = arith.constant 0 : i32
      %dma_wait3A_259 = tpu.memref_slice %arg2[%dma_wait3A_257, %dma_wait3A_258] : memref<10000x128xf32, #tpu.memory_space<hbm>> -> memref<128x128xf32, #tpu.memory_space<hbm>>
      %dma_wait3A_260 = arith.constant 0 : i32
      %dma_wait3A_261 = arith.constant 0 : i32
      %dma_wait3A_262 = tpu.memref_slice %arg2[%dma_wait3A_260, %dma_wait3A_261] : memref<10000x128xf32, #tpu.memory_space<hbm>> -> memref<128x128xf32, #tpu.memory_space<hbm>>
      tpu.wait_dma2 semaphore(%arg21 : memref<!tpu.dma_semaphore, #tpu.memory_space<semaphore_mem>>) src(%dma_wait3A_262 : memref<128x128xf32, #tpu.memory_space<hbm>>) dst(%arg12 : memref<128x128xf32, #tpu.memory_space<vmem>>)
      %dma_start3A_263 = arith.constant 4 : i32
      %dma_start3A_264 = arith.constant 0 : i32
      %dma_start3A_265 = tpu.memref_slice %arg8[%dma_start3A_263, %dma_start3A_264] : memref<8x128xi32, #tpu.memory_space<vmem>> -> memref<1x128xi32, #tpu.memory_space<vmem>>
      %dma_start3A_266 = tpu.memref_squeeze %dma_start3A_265 : memref<1x128xi32, #tpu.memory_space<vmem>> -> memref<128xi32, #tpu.memory_space<vmem>>
      %dma_start3A_267 = arith.constant 0 : i32
      %dma_start3A_268 = arith.constant 0 : i32
      %dma_start3A_269 = tpu.memref_slice %arg2[%dma_start3A_267, %dma_start3A_268] : memref<10000x128xf32, #tpu.memory_space<hbm>> -> memref<10000x128xf32, #tpu.memory_space<hbm>>
      tpu.enqueue_indirect_dma source(%dma_start3A_269 : memref<10000x128xf32, #tpu.memory_space<hbm>>) target(%arg12 : memref<128x128xf32, #tpu.memory_space<vmem>>) offsets(%dma_start3A_266 : memref<128xi32, #tpu.memory_space<vmem>>) semaphore(%arg19 : memref<!tpu.dma_semaphore, #tpu.memory_space<semaphore_mem>>)
      %dma_wait3A_270 = arith.constant 0 : i32
      %dma_wait3A_271 = arith.constant 0 : i32
      %dma_wait3A_272 = tpu.memref_slice %arg2[%dma_wait3A_270, %dma_wait3A_271] : memref<10000x128xf32, #tpu.memory_space<hbm>> -> memref<128x128xf32, #tpu.memory_space<hbm>>
      %dma_wait3A_273 = arith.constant 0 : i32
      %dma_wait3A_274 = arith.constant 0 : i32
      %dma_wait3A_275 = tpu.memref_slice %arg2[%dma_wait3A_273, %dma_wait3A_274] : memref<10000x128xf32, #tpu.memory_space<hbm>> -> memref<128x128xf32, #tpu.memory_space<hbm>>
      tpu.wait_dma2 semaphore(%arg20 : memref<!tpu.dma_semaphore, #tpu.memory_space<semaphore_mem>>) src(%dma_wait3A_275 : memref<128x128xf32, #tpu.memory_space<hbm>>) dst(%arg13 : memref<128x128xf32, #tpu.memory_space<vmem>>)
      %scan3A_276 = arith.constant 0 : i32
      %scan3A_277 = arith.constant 3 : i32
      %scan3A_278 = arith.constant 0 : i32
      %scan3A_279 = arith.constant 8 : i32
      %scan3A_280 = arith.addi %scan3A_278, %scan3A_279 : i32
      %scan3A_281 = arith.constant 1 : i32
      scf.for %scan3A_684 = %scan3A_278 to %scan3A_280 step %scan3A_281  : i32 {
        %mul3A_685 = arith.constant 16 : i32
        %mul3A_686 = arith.muli %scan3A_684, %mul3A_685 : i32
        %get3A = arith.constant 0 : i32
        %get3A_687 = tpu.memref_slice %arg10[%scan3A_277, %get3A] : memref<8x128xi32, #tpu.memory_space<vmem>> -> memref<1x128xi32, #tpu.memory_space<vmem>>
        %get3A_688 = tpu.memref_squeeze %get3A_687 : memref<1x128xi32, #tpu.memory_space<vmem>> -> memref<128xi32, #tpu.memory_space<vmem>>
        %get3A_689 = arith.index_cast %mul3A_686 : i32 to index
        %get3A_690 = tpu.vector_load %get3A_688[%get3A_689] {strides = array<i32>} : memref<128xi32, #tpu.memory_space<vmem>>, vector<16xi32>,
        %broadcast_in_dim3A = arith.constant 1.000000e+00 : f32
        %broadcast_in_dim3A_691 = vector.broadcast %broadcast_in_dim3A : f32 to vector<16xf32>
        tpu.vector_store_idx %arg23[%get3A_690], %broadcast_in_dim3A_691 {add = true} : memref<10240xf32, #tpu.memory_space<vmem>>[vector<16xi32>], vector<16xf32>,
      }
      %scan3A_282 = arith.constant 8 : i32
      %dma_start3A_283 = arith.constant 3 : i32
      %dma_start3A_284 = arith.constant 0 : i32
      %dma_start3A_285 = tpu.memref_slice %arg10[%dma_start3A_283, %dma_start3A_284] : memref<8x128xi32, #tpu.memory_space<vmem>> -> memref<1x128xi32, #tpu.memory_space<vmem>>
      %dma_start3A_286 = tpu.memref_squeeze %dma_start3A_285 : memref<1x128xi32, #tpu.memory_space<vmem>> -> memref<128xi32, #tpu.memory_space<vmem>>
      %dma_start3A_287 = arith.constant 0 : i32
      %dma_start3A_288 = arith.constant 0 : i32
      %dma_start3A_289 = tpu.memref_slice %arg14[%dma_start3A_287, %dma_start3A_288] : memref<10240x128xf32, #tpu.memory_space<vmem_shared>> -> memref<10240x128xf32, #tpu.memory_space<vmem_shared>>
      tpu.enqueue_indirect_dma source(%arg13 : memref<128x128xf32, #tpu.memory_space<vmem>>) target(%dma_start3A_289 : memref<10240x128xf32, #tpu.memory_space<vmem_shared>>) offsets(%dma_start3A_286 : memref<128xi32, #tpu.memory_space<vmem>>) semaphore(%arg22 : memref<!tpu.dma_semaphore, #tpu.memory_space<semaphore_mem>>) {add = true}
      %dma_wait3A_290 = arith.constant 0 : i32
      %dma_wait3A_291 = arith.constant 0 : i32
      %dma_wait3A_292 = tpu.memref_slice %arg2[%dma_wait3A_290, %dma_wait3A_291] : memref<10000x128xf32, #tpu.memory_space<hbm>> -> memref<128x128xf32, #tpu.memory_space<hbm>>
      %dma_wait3A_293 = arith.constant 0 : i32
      %dma_wait3A_294 = arith.constant 0 : i32
      %dma_wait3A_295 = tpu.memref_slice %arg2[%dma_wait3A_293, %dma_wait3A_294] : memref<10000x128xf32, #tpu.memory_space<hbm>> -> memref<128x128xf32, #tpu.memory_space<hbm>>
      tpu.wait_dma2 semaphore(%arg22 : memref<!tpu.dma_semaphore, #tpu.memory_space<semaphore_mem>>) src(%dma_wait3A_295 : memref<128x128xf32, #tpu.memory_space<hbm>>) dst(%arg13 : memref<128x128xf32, #tpu.memory_space<vmem>>)
      %dma_start3A_296 = arith.constant 5 : i32
      %dma_start3A_297 = arith.constant 0 : i32
      %dma_start3A_298 = tpu.memref_slice %arg8[%dma_start3A_296, %dma_start3A_297] : memref<8x128xi32, #tpu.memory_space<vmem>> -> memref<1x128xi32, #tpu.memory_space<vmem>>
      %dma_start3A_299 = tpu.memref_squeeze %dma_start3A_298 : memref<1x128xi32, #tpu.memory_space<vmem>> -> memref<128xi32, #tpu.memory_space<vmem>>
      %dma_start3A_300 = arith.constant 0 : i32
      %dma_start3A_301 = arith.constant 0 : i32
      %dma_start3A_302 = tpu.memref_slice %arg2[%dma_start3A_300, %dma_start3A_301] : memref<10000x128xf32, #tpu.memory_space<hbm>> -> memref<10000x128xf32, #tpu.memory_space<hbm>>
      tpu.enqueue_indirect_dma source(%dma_start3A_302 : memref<10000x128xf32, #tpu.memory_space<hbm>>) target(%arg13 : memref<128x128xf32, #tpu.memory_space<vmem>>) offsets(%dma_start3A_299 : memref<128xi32, #tpu.memory_space<vmem>>) semaphore(%arg20 : memref<!tpu.dma_semaphore, #tpu.memory_space<semaphore_mem>>)
      %dma_wait3A_303 = arith.constant 0 : i32
      %dma_wait3A_304 = arith.constant 0 : i32
      %dma_wait3A_305 = tpu.memref_slice %arg2[%dma_wait3A_303, %dma_wait3A_304] : memref<10000x128xf32, #tpu.memory_space<hbm>> -> memref<128x128xf32, #tpu.memory_space<hbm>>
      %dma_wait3A_306 = arith.constant 0 : i32
      %dma_wait3A_307 = arith.constant 0 : i32
      %dma_wait3A_308 = tpu.memref_slice %arg2[%dma_wait3A_306, %dma_wait3A_307] : memref<10000x128xf32, #tpu.memory_space<hbm>> -> memref<128x128xf32, #tpu.memory_space<hbm>>
      tpu.wait_dma2 semaphore(%arg19 : memref<!tpu.dma_semaphore, #tpu.memory_space<semaphore_mem>>) src(%dma_wait3A_308 : memref<128x128xf32, #tpu.memory_space<hbm>>) dst(%arg12 : memref<128x128xf32, #tpu.memory_space<vmem>>)
      %scan3A_309 = arith.constant 0 : i32
      %scan3A_310 = arith.constant 4 : i32
      %scan3A_311 = arith.constant 0 : i32
      %scan3A_312 = arith.constant 8 : i32
      %scan3A_313 = arith.addi %scan3A_311, %scan3A_312 : i32
      %scan3A_314 = arith.constant 1 : i32
      scf.for %scan3A_684 = %scan3A_311 to %scan3A_313 step %scan3A_314  : i32 {
        %mul3A_685 = arith.constant 16 : i32
        %mul3A_686 = arith.muli %scan3A_684, %mul3A_685 : i32
        %get3A = arith.constant 0 : i32
        %get3A_687 = tpu.memref_slice %arg10[%scan3A_310, %get3A] : memref<8x128xi32, #tpu.memory_space<vmem>> -> memref<1x128xi32, #tpu.memory_space<vmem>>
        %get3A_688 = tpu.memref_squeeze %get3A_687 : memref<1x128xi32, #tpu.memory_space<vmem>> -> memref<128xi32, #tpu.memory_space<vmem>>
        %get3A_689 = arith.index_cast %mul3A_686 : i32 to index
        %get3A_690 = tpu.vector_load %get3A_688[%get3A_689] {strides = array<i32>} : memref<128xi32, #tpu.memory_space<vmem>>, vector<16xi32>,
        %broadcast_in_dim3A = arith.constant 1.000000e+00 : f32
        %broadcast_in_dim3A_691 = vector.broadcast %broadcast_in_dim3A : f32 to vector<16xf32>
        tpu.vector_store_idx %arg23[%get3A_690], %broadcast_in_dim3A_691 {add = true} : memref<10240xf32, #tpu.memory_space<vmem>>[vector<16xi32>], vector<16xf32>,
      }
      %scan3A_315 = arith.constant 8 : i32
      %dma_start3A_316 = arith.constant 4 : i32
      %dma_start3A_317 = arith.constant 0 : i32
      %dma_start3A_318 = tpu.memref_slice %arg10[%dma_start3A_316, %dma_start3A_317] : memref<8x128xi32, #tpu.memory_space<vmem>> -> memref<1x128xi32, #tpu.memory_space<vmem>>
      %dma_start3A_319 = tpu.memref_squeeze %dma_start3A_318 : memref<1x128xi32, #tpu.memory_space<vmem>> -> memref<128xi32, #tpu.memory_space<vmem>>
      %dma_start3A_320 = arith.constant 0 : i32
      %dma_start3A_321 = arith.constant 0 : i32
      %dma_start3A_322 = tpu.memref_slice %arg14[%dma_start3A_320, %dma_start3A_321] : memref<10240x128xf32, #tpu.memory_space<vmem_shared>> -> memref<10240x128xf32, #tpu.memory_space<vmem_shared>>
      tpu.enqueue_indirect_dma source(%arg12 : memref<128x128xf32, #tpu.memory_space<vmem>>) target(%dma_start3A_322 : memref<10240x128xf32, #tpu.memory_space<vmem_shared>>) offsets(%dma_start3A_319 : memref<128xi32, #tpu.memory_space<vmem>>) semaphore(%arg21 : memref<!tpu.dma_semaphore, #tpu.memory_space<semaphore_mem>>) {add = true}
      %dma_wait3A_323 = arith.constant 0 : i32
      %dma_wait3A_324 = arith.constant 0 : i32
      %dma_wait3A_325 = tpu.memref_slice %arg2[%dma_wait3A_323, %dma_wait3A_324] : memref<10000x128xf32, #tpu.memory_space<hbm>> -> memref<128x128xf32, #tpu.memory_space<hbm>>
      %dma_wait3A_326 = arith.constant 0 : i32
      %dma_wait3A_327 = arith.constant 0 : i32
      %dma_wait3A_328 = tpu.memref_slice %arg2[%dma_wait3A_326, %dma_wait3A_327] : memref<10000x128xf32, #tpu.memory_space<hbm>> -> memref<128x128xf32, #tpu.memory_space<hbm>>
      tpu.wait_dma2 semaphore(%arg21 : memref<!tpu.dma_semaphore, #tpu.memory_space<semaphore_mem>>) src(%dma_wait3A_328 : memref<128x128xf32, #tpu.memory_space<hbm>>) dst(%arg12 : memref<128x128xf32, #tpu.memory_space<vmem>>)
      %dma_start3A_329 = arith.constant 6 : i32
      %dma_start3A_330 = arith.constant 0 : i32
      %dma_start3A_331 = tpu.memref_slice %arg8[%dma_start3A_329, %dma_start3A_330] : memref<8x128xi32, #tpu.memory_space<vmem>> -> memref<1x128xi32, #tpu.memory_space<vmem>>
      %dma_start3A_332 = tpu.memref_squeeze %dma_start3A_331 : memref<1x128xi32, #tpu.memory_space<vmem>> -> memref<128xi32, #tpu.memory_space<vmem>>
      %dma_start3A_333 = arith.constant 0 : i32
      %dma_start3A_334 = arith.constant 0 : i32
      %dma_start3A_335 = tpu.memref_slice %arg2[%dma_start3A_333, %dma_start3A_334] : memref<10000x128xf32, #tpu.memory_space<hbm>> -> memref<10000x128xf32, #tpu.memory_space<hbm>>
      tpu.enqueue_indirect_dma source(%dma_start3A_335 : memref<10000x128xf32, #tpu.memory_space<hbm>>) target(%arg12 : memref<128x128xf32, #tpu.memory_space<vmem>>) offsets(%dma_start3A_332 : memref<128xi32, #tpu.memory_space<vmem>>) semaphore(%arg19 : memref<!tpu.dma_semaphore, #tpu.memory_space<semaphore_mem>>)
      %dma_wait3A_336 = arith.constant 0 : i32
      %dma_wait3A_337 = arith.constant 0 : i32
      %dma_wait3A_338 = tpu.memref_slice %arg2[%dma_wait3A_336, %dma_wait3A_337] : memref<10000x128xf32, #tpu.memory_space<hbm>> -> memref<128x128xf32, #tpu.memory_space<hbm>>
      %dma_wait3A_339 = arith.constant 0 : i32
      %dma_wait3A_340 = arith.constant 0 : i32
      %dma_wait3A_341 = tpu.memref_slice %arg2[%dma_wait3A_339, %dma_wait3A_340] : memref<10000x128xf32, #tpu.memory_space<hbm>> -> memref<128x128xf32, #tpu.memory_space<hbm>>
      tpu.wait_dma2 semaphore(%arg20 : memref<!tpu.dma_semaphore, #tpu.memory_space<semaphore_mem>>) src(%dma_wait3A_341 : memref<128x128xf32, #tpu.memory_space<hbm>>) dst(%arg13 : memref<128x128xf32, #tpu.memory_space<vmem>>)
      %scan3A_342 = arith.constant 0 : i32
      %scan3A_343 = arith.constant 5 : i32
      %scan3A_344 = arith.constant 0 : i32
      %scan3A_345 = arith.constant 8 : i32
      %scan3A_346 = arith.addi %scan3A_344, %scan3A_345 : i32
      %scan3A_347 = arith.constant 1 : i32
      scf.for %scan3A_684 = %scan3A_344 to %scan3A_346 step %scan3A_347  : i32 {
        %mul3A_685 = arith.constant 16 : i32
        %mul3A_686 = arith.muli %scan3A_684, %mul3A_685 : i32
        %get3A = arith.constant 0 : i32
        %get3A_687 = tpu.memref_slice %arg10[%scan3A_343, %get3A] : memref<8x128xi32, #tpu.memory_space<vmem>> -> memref<1x128xi32, #tpu.memory_space<vmem>>
        %get3A_688 = tpu.memref_squeeze %get3A_687 : memref<1x128xi32, #tpu.memory_space<vmem>> -> memref<128xi32, #tpu.memory_space<vmem>>
        %get3A_689 = arith.index_cast %mul3A_686 : i32 to index
        %get3A_690 = tpu.vector_load %get3A_688[%get3A_689] {strides = array<i32>} : memref<128xi32, #tpu.memory_space<vmem>>, vector<16xi32>,
        %broadcast_in_dim3A = arith.constant 1.000000e+00 : f32
        %broadcast_in_dim3A_691 = vector.broadcast %broadcast_in_dim3A : f32 to vector<16xf32>
        tpu.vector_store_idx %arg23[%get3A_690], %broadcast_in_dim3A_691 {add = true} : memref<10240xf32, #tpu.memory_space<vmem>>[vector<16xi32>], vector<16xf32>,
      }
      %scan3A_348 = arith.constant 8 : i32
      %dma_start3A_349 = arith.constant 5 : i32
      %dma_start3A_350 = arith.constant 0 : i32
      %dma_start3A_351 = tpu.memref_slice %arg10[%dma_start3A_349, %dma_start3A_350] : memref<8x128xi32, #tpu.memory_space<vmem>> -> memref<1x128xi32, #tpu.memory_space<vmem>>
      %dma_start3A_352 = tpu.memref_squeeze %dma_start3A_351 : memref<1x128xi32, #tpu.memory_space<vmem>> -> memref<128xi32, #tpu.memory_space<vmem>>
      %dma_start3A_353 = arith.constant 0 : i32
      %dma_start3A_354 = arith.constant 0 : i32
      %dma_start3A_355 = tpu.memref_slice %arg14[%dma_start3A_353, %dma_start3A_354] : memref<10240x128xf32, #tpu.memory_space<vmem_shared>> -> memref<10240x128xf32, #tpu.memory_space<vmem_shared>>
      tpu.enqueue_indirect_dma source(%arg13 : memref<128x128xf32, #tpu.memory_space<vmem>>) target(%dma_start3A_355 : memref<10240x128xf32, #tpu.memory_space<vmem_shared>>) offsets(%dma_start3A_352 : memref<128xi32, #tpu.memory_space<vmem>>) semaphore(%arg22 : memref<!tpu.dma_semaphore, #tpu.memory_space<semaphore_mem>>) {add = true}
      %dma_wait3A_356 = arith.constant 0 : i32
      %dma_wait3A_357 = arith.constant 0 : i32
      %dma_wait3A_358 = tpu.memref_slice %arg2[%dma_wait3A_356, %dma_wait3A_357] : memref<10000x128xf32, #tpu.memory_space<hbm>> -> memref<128x128xf32, #tpu.memory_space<hbm>>
      %dma_wait3A_359 = arith.constant 0 : i32
      %dma_wait3A_360 = arith.constant 0 : i32
      %dma_wait3A_361 = tpu.memref_slice %arg2[%dma_wait3A_359, %dma_wait3A_360] : memref<10000x128xf32, #tpu.memory_space<hbm>> -> memref<128x128xf32, #tpu.memory_space<hbm>>
      tpu.wait_dma2 semaphore(%arg22 : memref<!tpu.dma_semaphore, #tpu.memory_space<semaphore_mem>>) src(%dma_wait3A_361 : memref<128x128xf32, #tpu.memory_space<hbm>>) dst(%arg13 : memref<128x128xf32, #tpu.memory_space<vmem>>)
      %dma_start3A_362 = arith.constant 7 : i32
      %dma_start3A_363 = arith.constant 0 : i32
      %dma_start3A_364 = tpu.memref_slice %arg8[%dma_start3A_362, %dma_start3A_363] : memref<8x128xi32, #tpu.memory_space<vmem>> -> memref<1x128xi32, #tpu.memory_space<vmem>>
      %dma_start3A_365 = tpu.memref_squeeze %dma_start3A_364 : memref<1x128xi32, #tpu.memory_space<vmem>> -> memref<128xi32, #tpu.memory_space<vmem>>
      %dma_start3A_366 = arith.constant 0 : i32
      %dma_start3A_367 = arith.constant 0 : i32
      %dma_start3A_368 = tpu.memref_slice %arg2[%dma_start3A_366, %dma_start3A_367] : memref<10000x128xf32, #tpu.memory_space<hbm>> -> memref<10000x128xf32, #tpu.memory_space<hbm>>
      tpu.enqueue_indirect_dma source(%dma_start3A_368 : memref<10000x128xf32, #tpu.memory_space<hbm>>) target(%arg13 : memref<128x128xf32, #tpu.memory_space<vmem>>) offsets(%dma_start3A_365 : memref<128xi32, #tpu.memory_space<vmem>>) semaphore(%arg20 : memref<!tpu.dma_semaphore, #tpu.memory_space<semaphore_mem>>)
      %dma_wait3A_369 = arith.constant 0 : i32
      %dma_wait3A_370 = arith.constant 0 : i32
      %dma_wait3A_371 = tpu.memref_slice %arg2[%dma_wait3A_369, %dma_wait3A_370] : memref<10000x128xf32, #tpu.memory_space<hbm>> -> memref<128x128xf32, #tpu.memory_space<hbm>>
      %dma_wait3A_372 = arith.constant 0 : i32
      %dma_wait3A_373 = arith.constant 0 : i32
      %dma_wait3A_374 = tpu.memref_slice %arg2[%dma_wait3A_372, %dma_wait3A_373] : memref<10000x128xf32, #tpu.memory_space<hbm>> -> memref<128x128xf32, #tpu.memory_space<hbm>>
      tpu.wait_dma2 semaphore(%arg19 : memref<!tpu.dma_semaphore, #tpu.memory_space<semaphore_mem>>) src(%dma_wait3A_374 : memref<128x128xf32, #tpu.memory_space<hbm>>) dst(%arg12 : memref<128x128xf32, #tpu.memory_space<vmem>>)
      %scan3A_375 = arith.constant 0 : i32
      %scan3A_376 = arith.constant 6 : i32
      %scan3A_377 = arith.constant 0 : i32
      %scan3A_378 = arith.constant 8 : i32
      %scan3A_379 = arith.addi %scan3A_377, %scan3A_378 : i32
      %scan3A_380 = arith.constant 1 : i32
      scf.for %scan3A_684 = %scan3A_377 to %scan3A_379 step %scan3A_380  : i32 {
        %mul3A_685 = arith.constant 16 : i32
        %mul3A_686 = arith.muli %scan3A_684, %mul3A_685 : i32
        %get3A = arith.constant 0 : i32
        %get3A_687 = tpu.memref_slice %arg10[%scan3A_376, %get3A] : memref<8x128xi32, #tpu.memory_space<vmem>> -> memref<1x128xi32, #tpu.memory_space<vmem>>
        %get3A_688 = tpu.memref_squeeze %get3A_687 : memref<1x128xi32, #tpu.memory_space<vmem>> -> memref<128xi32, #tpu.memory_space<vmem>>
        %get3A_689 = arith.index_cast %mul3A_686 : i32 to index
        %get3A_690 = tpu.vector_load %get3A_688[%get3A_689] {strides = array<i32>} : memref<128xi32, #tpu.memory_space<vmem>>, vector<16xi32>,
        %broadcast_in_dim3A = arith.constant 1.000000e+00 : f32
        %broadcast_in_dim3A_691 = vector.broadcast %broadcast_in_dim3A : f32 to vector<16xf32>
        tpu.vector_store_idx %arg23[%get3A_690], %broadcast_in_dim3A_691 {add = true} : memref<10240xf32, #tpu.memory_space<vmem>>[vector<16xi32>], vector<16xf32>,
      }
      %scan3A_381 = arith.constant 8 : i32
      %dma_start3A_382 = arith.constant 6 : i32
      %dma_start3A_383 = arith.constant 0 : i32
      %dma_start3A_384 = tpu.memref_slice %arg10[%dma_start3A_382, %dma_start3A_383] : memref<8x128xi32, #tpu.memory_space<vmem>> -> memref<1x128xi32, #tpu.memory_space<vmem>>
      %dma_start3A_385 = tpu.memref_squeeze %dma_start3A_384 : memref<1x128xi32, #tpu.memory_space<vmem>> -> memref<128xi32, #tpu.memory_space<vmem>>
      %dma_start3A_386 = arith.constant 0 : i32
      %dma_start3A_387 = arith.constant 0 : i32
      %dma_start3A_388 = tpu.memref_slice %arg14[%dma_start3A_386, %dma_start3A_387] : memref<10240x128xf32, #tpu.memory_space<vmem_shared>> -> memref<10240x128xf32, #tpu.memory_space<vmem_shared>>
      tpu.enqueue_indirect_dma source(%arg12 : memref<128x128xf32, #tpu.memory_space<vmem>>) target(%dma_start3A_388 : memref<10240x128xf32, #tpu.memory_space<vmem_shared>>) offsets(%dma_start3A_385 : memref<128xi32, #tpu.memory_space<vmem>>) semaphore(%arg21 : memref<!tpu.dma_semaphore, #tpu.memory_space<semaphore_mem>>) {add = true}
      %mul3A_389 = arith.constant 2 : i32
      %mul3A_390 = arith.muli %mul3A_389, %while3A_114 : i32
      %add3A_391 = arith.addi %select_n3A, %mul3A_390 : i32
      %add3A_392 = arith.constant 1 : i32
      %add3A_393 = arith.addi %add3A_391, %add3A_392 : i32
      %dma_wait3A_394 = arith.constant 0 : i32
      %dma_wait3A_395 = arith.constant 0 : i32
      %dma_wait3A_396 = tpu.memref_slice %arg3[%select_n3A, %dma_wait3A_394, %dma_wait3A_395] : memref<320x8x128xi32, #tpu.memory_space<hbm>> -> memref<1x8x128xi32, #tpu.memory_space<hbm>>
      %dma_wait3A_397 = tpu.memref_squeeze %dma_wait3A_396 : memref<1x8x128xi32, #tpu.memory_space<hbm>> -> memref<8x128xi32, #tpu.memory_space<hbm>>
      %dma_wait3A_398 = arith.constant 0 : i32
      %dma_wait3A_399 = arith.constant 0 : i32
      %dma_wait3A_400 = tpu.memref_slice %arg3[%select_n3A, %dma_wait3A_398, %dma_wait3A_399] : memref<320x8x128xi32, #tpu.memory_space<hbm>> -> memref<1x8x128xi32, #tpu.memory_space<hbm>>
      %dma_wait3A_401 = tpu.memref_squeeze %dma_wait3A_400 : memref<1x8x128xi32, #tpu.memory_space<hbm>> -> memref<8x128xi32, #tpu.memory_space<hbm>>
      tpu.wait_dma2 semaphore(%arg16 : memref<!tpu.dma_semaphore, #tpu.memory_space<semaphore_mem>>) src(%dma_wait3A_401 : memref<8x128xi32, #tpu.memory_space<hbm>>) dst(%arg9 : memref<8x128xi32, #tpu.memory_space<vmem>>)
      %dma_wait3A_402 = arith.constant 0 : i32
      %dma_wait3A_403 = arith.constant 0 : i32
      %dma_wait3A_404 = tpu.memref_slice %arg4[%select_n3A, %dma_wait3A_402, %dma_wait3A_403] : memref<320x8x128xi32, #tpu.memory_space<hbm>> -> memref<1x8x128xi32, #tpu.memory_space<hbm>>
      %dma_wait3A_405 = tpu.memref_squeeze %dma_wait3A_404 : memref<1x8x128xi32, #tpu.memory_space<hbm>> -> memref<8x128xi32, #tpu.memory_space<hbm>>
      %dma_wait3A_406 = arith.constant 0 : i32
      %dma_wait3A_407 = arith.constant 0 : i32
      %dma_wait3A_408 = tpu.memref_slice %arg4[%select_n3A, %dma_wait3A_406, %dma_wait3A_407] : memref<320x8x128xi32, #tpu.memory_space<hbm>> -> memref<1x8x128xi32, #tpu.memory_space<hbm>>
      %dma_wait3A_409 = tpu.memref_squeeze %dma_wait3A_408 : memref<1x8x128xi32, #tpu.memory_space<hbm>> -> memref<8x128xi32, #tpu.memory_space<hbm>>
      tpu.wait_dma2 semaphore(%arg18 : memref<!tpu.dma_semaphore, #tpu.memory_space<semaphore_mem>>) src(%dma_wait3A_409 : memref<8x128xi32, #tpu.memory_space<hbm>>) dst(%arg11 : memref<8x128xi32, #tpu.memory_space<vmem>>)
      %dma_wait3A_410 = arith.constant 0 : i32
      %dma_wait3A_411 = arith.constant 0 : i32
      %dma_wait3A_412 = tpu.memref_slice %arg2[%dma_wait3A_410, %dma_wait3A_411] : memref<10000x128xf32, #tpu.memory_space<hbm>> -> memref<128x128xf32, #tpu.memory_space<hbm>>
      %dma_wait3A_413 = arith.constant 0 : i32
      %dma_wait3A_414 = arith.constant 0 : i32
      %dma_wait3A_415 = tpu.memref_slice %arg2[%dma_wait3A_413, %dma_wait3A_414] : memref<10000x128xf32, #tpu.memory_space<hbm>> -> memref<128x128xf32, #tpu.memory_space<hbm>>
      tpu.wait_dma2 semaphore(%arg21 : memref<!tpu.dma_semaphore, #tpu.memory_space<semaphore_mem>>) src(%dma_wait3A_415 : memref<128x128xf32, #tpu.memory_space<hbm>>) dst(%arg12 : memref<128x128xf32, #tpu.memory_space<vmem>>)
      %dma_start3A_416 = arith.constant 0 : i32
      %dma_start3A_417 = arith.constant 0 : i32
      %dma_start3A_418 = tpu.memref_slice %arg9[%dma_start3A_416, %dma_start3A_417] : memref<8x128xi32, #tpu.memory_space<vmem>> -> memref<1x128xi32, #tpu.memory_space<vmem>>
      %dma_start3A_419 = tpu.memref_squeeze %dma_start3A_418 : memref<1x128xi32, #tpu.memory_space<vmem>> -> memref<128xi32, #tpu.memory_space<vmem>>
      %dma_start3A_420 = arith.constant 0 : i32
      %dma_start3A_421 = arith.constant 0 : i32
      %dma_start3A_422 = tpu.memref_slice %arg2[%dma_start3A_420, %dma_start3A_421] : memref<10000x128xf32, #tpu.memory_space<hbm>> -> memref<10000x128xf32, #tpu.memory_space<hbm>>
      tpu.enqueue_indirect_dma source(%dma_start3A_422 : memref<10000x128xf32, #tpu.memory_space<hbm>>) target(%arg12 : memref<128x128xf32, #tpu.memory_space<vmem>>) offsets(%dma_start3A_419 : memref<128xi32, #tpu.memory_space<vmem>>) semaphore(%arg19 : memref<!tpu.dma_semaphore, #tpu.memory_space<semaphore_mem>>)
      %dma_wait3A_423 = arith.constant 0 : i32
      %dma_wait3A_424 = arith.constant 0 : i32
      %dma_wait3A_425 = tpu.memref_slice %arg2[%dma_wait3A_423, %dma_wait3A_424] : memref<10000x128xf32, #tpu.memory_space<hbm>> -> memref<128x128xf32, #tpu.memory_space<hbm>>
      %dma_wait3A_426 = arith.constant 0 : i32
      %dma_wait3A_427 = arith.constant 0 : i32
      %dma_wait3A_428 = tpu.memref_slice %arg2[%dma_wait3A_426, %dma_wait3A_427] : memref<10000x128xf32, #tpu.memory_space<hbm>> -> memref<128x128xf32, #tpu.memory_space<hbm>>
      tpu.wait_dma2 semaphore(%arg20 : memref<!tpu.dma_semaphore, #tpu.memory_space<semaphore_mem>>) src(%dma_wait3A_428 : memref<128x128xf32, #tpu.memory_space<hbm>>) dst(%arg13 : memref<128x128xf32, #tpu.memory_space<vmem>>)
      %scan3A_429 = arith.constant 0 : i32
      %scan3A_430 = arith.constant 7 : i32
      %scan3A_431 = arith.constant 0 : i32
      %scan3A_432 = arith.constant 8 : i32
      %scan3A_433 = arith.addi %scan3A_431, %scan3A_432 : i32
      %scan3A_434 = arith.constant 1 : i32
      scf.for %scan3A_684 = %scan3A_431 to %scan3A_433 step %scan3A_434  : i32 {
        %mul3A_685 = arith.constant 16 : i32
        %mul3A_686 = arith.muli %scan3A_684, %mul3A_685 : i32
        %get3A = arith.constant 0 : i32
        %get3A_687 = tpu.memref_slice %arg10[%scan3A_430, %get3A] : memref<8x128xi32, #tpu.memory_space<vmem>> -> memref<1x128xi32, #tpu.memory_space<vmem>>
        %get3A_688 = tpu.memref_squeeze %get3A_687 : memref<1x128xi32, #tpu.memory_space<vmem>> -> memref<128xi32, #tpu.memory_space<vmem>>
        %get3A_689 = arith.index_cast %mul3A_686 : i32 to index
        %get3A_690 = tpu.vector_load %get3A_688[%get3A_689] {strides = array<i32>} : memref<128xi32, #tpu.memory_space<vmem>>, vector<16xi32>,
        %broadcast_in_dim3A = arith.constant 1.000000e+00 : f32
        %broadcast_in_dim3A_691 = vector.broadcast %broadcast_in_dim3A : f32 to vector<16xf32>
        tpu.vector_store_idx %arg23[%get3A_690], %broadcast_in_dim3A_691 {add = true} : memref<10240xf32, #tpu.memory_space<vmem>>[vector<16xi32>], vector<16xf32>,
      }
      %scan3A_435 = arith.constant 8 : i32
      %dma_start3A_436 = arith.constant 7 : i32
      %dma_start3A_437 = arith.constant 0 : i32
      %dma_start3A_438 = tpu.memref_slice %arg10[%dma_start3A_436, %dma_start3A_437] : memref<8x128xi32, #tpu.memory_space<vmem>> -> memref<1x128xi32, #tpu.memory_space<vmem>>
      %dma_start3A_439 = tpu.memref_squeeze %dma_start3A_438 : memref<1x128xi32, #tpu.memory_space<vmem>> -> memref<128xi32, #tpu.memory_space<vmem>>
      %dma_start3A_440 = arith.constant 0 : i32
      %dma_start3A_441 = arith.constant 0 : i32
      %dma_start3A_442 = tpu.memref_slice %arg14[%dma_start3A_440, %dma_start3A_441] : memref<10240x128xf32, #tpu.memory_space<vmem_shared>> -> memref<10240x128xf32, #tpu.memory_space<vmem_shared>>
      tpu.enqueue_indirect_dma source(%arg13 : memref<128x128xf32, #tpu.memory_space<vmem>>) target(%dma_start3A_442 : memref<10240x128xf32, #tpu.memory_space<vmem_shared>>) offsets(%dma_start3A_439 : memref<128xi32, #tpu.memory_space<vmem>>) semaphore(%arg22 : memref<!tpu.dma_semaphore, #tpu.memory_space<semaphore_mem>>) {add = true}
      %dma_wait3A_443 = arith.constant 0 : i32
      %dma_wait3A_444 = arith.constant 0 : i32
      %dma_wait3A_445 = tpu.memref_slice %arg2[%dma_wait3A_443, %dma_wait3A_444] : memref<10000x128xf32, #tpu.memory_space<hbm>> -> memref<128x128xf32, #tpu.memory_space<hbm>>
      %dma_wait3A_446 = arith.constant 0 : i32
      %dma_wait3A_447 = arith.constant 0 : i32
      %dma_wait3A_448 = tpu.memref_slice %arg2[%dma_wait3A_446, %dma_wait3A_447] : memref<10000x128xf32, #tpu.memory_space<hbm>> -> memref<128x128xf32, #tpu.memory_space<hbm>>
      tpu.wait_dma2 semaphore(%arg22 : memref<!tpu.dma_semaphore, #tpu.memory_space<semaphore_mem>>) src(%dma_wait3A_448 : memref<128x128xf32, #tpu.memory_space<hbm>>) dst(%arg13 : memref<128x128xf32, #tpu.memory_space<vmem>>)
      %dma_start3A_449 = arith.constant 1 : i32
      %dma_start3A_450 = arith.constant 0 : i32
      %dma_start3A_451 = tpu.memref_slice %arg9[%dma_start3A_449, %dma_start3A_450] : memref<8x128xi32, #tpu.memory_space<vmem>> -> memref<1x128xi32, #tpu.memory_space<vmem>>
      %dma_start3A_452 = tpu.memref_squeeze %dma_start3A_451 : memref<1x128xi32, #tpu.memory_space<vmem>> -> memref<128xi32, #tpu.memory_space<vmem>>
      %dma_start3A_453 = arith.constant 0 : i32
      %dma_start3A_454 = arith.constant 0 : i32
      %dma_start3A_455 = tpu.memref_slice %arg2[%dma_start3A_453, %dma_start3A_454] : memref<10000x128xf32, #tpu.memory_space<hbm>> -> memref<10000x128xf32, #tpu.memory_space<hbm>>
      tpu.enqueue_indirect_dma source(%dma_start3A_455 : memref<10000x128xf32, #tpu.memory_space<hbm>>) target(%arg13 : memref<128x128xf32, #tpu.memory_space<vmem>>) offsets(%dma_start3A_452 : memref<128xi32, #tpu.memory_space<vmem>>) semaphore(%arg20 : memref<!tpu.dma_semaphore, #tpu.memory_space<semaphore_mem>>)
      %dma_wait3A_456 = arith.constant 0 : i32
      %dma_wait3A_457 = arith.constant 0 : i32
      %dma_wait3A_458 = tpu.memref_slice %arg2[%dma_wait3A_456, %dma_wait3A_457] : memref<10000x128xf32, #tpu.memory_space<hbm>> -> memref<128x128xf32, #tpu.memory_space<hbm>>
      %dma_wait3A_459 = arith.constant 0 : i32
      %dma_wait3A_460 = arith.constant 0 : i32
      %dma_wait3A_461 = tpu.memref_slice %arg2[%dma_wait3A_459, %dma_wait3A_460] : memref<10000x128xf32, #tpu.memory_space<hbm>> -> memref<128x128xf32, #tpu.memory_space<hbm>>
      tpu.wait_dma2 semaphore(%arg19 : memref<!tpu.dma_semaphore, #tpu.memory_space<semaphore_mem>>) src(%dma_wait3A_461 : memref<128x128xf32, #tpu.memory_space<hbm>>) dst(%arg12 : memref<128x128xf32, #tpu.memory_space<vmem>>)
      %scan3A_462 = arith.constant 0 : i32
      %scan3A_463 = arith.constant 0 : i32
      %scan3A_464 = arith.constant 0 : i32
      %scan3A_465 = arith.constant 8 : i32
      %scan3A_466 = arith.addi %scan3A_464, %scan3A_465 : i32
      %scan3A_467 = arith.constant 1 : i32
      scf.for %scan3A_684 = %scan3A_464 to %scan3A_466 step %scan3A_467  : i32 {
        %mul3A_685 = arith.constant 16 : i32
        %mul3A_686 = arith.muli %scan3A_684, %mul3A_685 : i32
        %get3A = arith.constant 0 : i32
        %get3A_687 = tpu.memref_slice %arg11[%scan3A_463, %get3A] : memref<8x128xi32, #tpu.memory_space<vmem>> -> memref<1x128xi32, #tpu.memory_space<vmem>>
        %get3A_688 = tpu.memref_squeeze %get3A_687 : memref<1x128xi32, #tpu.memory_space<vmem>> -> memref<128xi32, #tpu.memory_space<vmem>>
        %get3A_689 = arith.index_cast %mul3A_686 : i32 to index
        %get3A_690 = tpu.vector_load %get3A_688[%get3A_689] {strides = array<i32>} : memref<128xi32, #tpu.memory_space<vmem>>, vector<16xi32>,
        %broadcast_in_dim3A = arith.constant 1.000000e+00 : f32
        %broadcast_in_dim3A_691 = vector.broadcast %broadcast_in_dim3A : f32 to vector<16xf32>
        tpu.vector_store_idx %arg23[%get3A_690], %broadcast_in_dim3A_691 {add = true} : memref<10240xf32, #tpu.memory_space<vmem>>[vector<16xi32>], vector<16xf32>,
      }
      %scan3A_468 = arith.constant 8 : i32
      %dma_start3A_469 = arith.constant 0 : i32
      %dma_start3A_470 = arith.constant 0 : i32
      %dma_start3A_471 = tpu.memref_slice %arg11[%dma_start3A_469, %dma_start3A_470] : memref<8x128xi32, #tpu.memory_space<vmem>> -> memref<1x128xi32, #tpu.memory_space<vmem>>
      %dma_start3A_472 = tpu.memref_squeeze %dma_start3A_471 : memref<1x128xi32, #tpu.memory_space<vmem>> -> memref<128xi32, #tpu.memory_space<vmem>>
      %dma_start3A_473 = arith.constant 0 : i32
      %dma_start3A_474 = arith.constant 0 : i32
      %dma_start3A_475 = tpu.memref_slice %arg14[%dma_start3A_473, %dma_start3A_474] : memref<10240x128xf32, #tpu.memory_space<vmem_shared>> -> memref<10240x128xf32, #tpu.memory_space<vmem_shared>>
      tpu.enqueue_indirect_dma source(%arg12 : memref<128x128xf32, #tpu.memory_space<vmem>>) target(%dma_start3A_475 : memref<10240x128xf32, #tpu.memory_space<vmem_shared>>) offsets(%dma_start3A_472 : memref<128xi32, #tpu.memory_space<vmem>>) semaphore(%arg21 : memref<!tpu.dma_semaphore, #tpu.memory_space<semaphore_mem>>) {add = true}
      %dma_wait3A_476 = arith.constant 0 : i32
      %dma_wait3A_477 = arith.constant 0 : i32
      %dma_wait3A_478 = tpu.memref_slice %arg2[%dma_wait3A_476, %dma_wait3A_477] : memref<10000x128xf32, #tpu.memory_space<hbm>> -> memref<128x128xf32, #tpu.memory_space<hbm>>
      %dma_wait3A_479 = arith.constant 0 : i32
      %dma_wait3A_480 = arith.constant 0 : i32
      %dma_wait3A_481 = tpu.memref_slice %arg2[%dma_wait3A_479, %dma_wait3A_480] : memref<10000x128xf32, #tpu.memory_space<hbm>> -> memref<128x128xf32, #tpu.memory_space<hbm>>
      tpu.wait_dma2 semaphore(%arg21 : memref<!tpu.dma_semaphore, #tpu.memory_space<semaphore_mem>>) src(%dma_wait3A_481 : memref<128x128xf32, #tpu.memory_space<hbm>>) dst(%arg12 : memref<128x128xf32, #tpu.memory_space<vmem>>)
      %dma_start3A_482 = arith.constant 2 : i32
      %dma_start3A_483 = arith.constant 0 : i32
      %dma_start3A_484 = tpu.memref_slice %arg9[%dma_start3A_482, %dma_start3A_483] : memref<8x128xi32, #tpu.memory_space<vmem>> -> memref<1x128xi32, #tpu.memory_space<vmem>>
      %dma_start3A_485 = tpu.memref_squeeze %dma_start3A_484 : memref<1x128xi32, #tpu.memory_space<vmem>> -> memref<128xi32, #tpu.memory_space<vmem>>
      %dma_start3A_486 = arith.constant 0 : i32
      %dma_start3A_487 = arith.constant 0 : i32
      %dma_start3A_488 = tpu.memref_slice %arg2[%dma_start3A_486, %dma_start3A_487] : memref<10000x128xf32, #tpu.memory_space<hbm>> -> memref<10000x128xf32, #tpu.memory_space<hbm>>
      tpu.enqueue_indirect_dma source(%dma_start3A_488 : memref<10000x128xf32, #tpu.memory_space<hbm>>) target(%arg12 : memref<128x128xf32, #tpu.memory_space<vmem>>) offsets(%dma_start3A_485 : memref<128xi32, #tpu.memory_space<vmem>>) semaphore(%arg19 : memref<!tpu.dma_semaphore, #tpu.memory_space<semaphore_mem>>)
      %dma_wait3A_489 = arith.constant 0 : i32
      %dma_wait3A_490 = arith.constant 0 : i32
      %dma_wait3A_491 = tpu.memref_slice %arg2[%dma_wait3A_489, %dma_wait3A_490] : memref<10000x128xf32, #tpu.memory_space<hbm>> -> memref<128x128xf32, #tpu.memory_space<hbm>>
      %dma_wait3A_492 = arith.constant 0 : i32
      %dma_wait3A_493 = arith.constant 0 : i32
      %dma_wait3A_494 = tpu.memref_slice %arg2[%dma_wait3A_492, %dma_wait3A_493] : memref<10000x128xf32, #tpu.memory_space<hbm>> -> memref<128x128xf32, #tpu.memory_space<hbm>>
      tpu.wait_dma2 semaphore(%arg20 : memref<!tpu.dma_semaphore, #tpu.memory_space<semaphore_mem>>) src(%dma_wait3A_494 : memref<128x128xf32, #tpu.memory_space<hbm>>) dst(%arg13 : memref<128x128xf32, #tpu.memory_space<vmem>>)
      %scan3A_495 = arith.constant 0 : i32
      %scan3A_496 = arith.constant 1 : i32
      %scan3A_497 = arith.constant 0 : i32
      %scan3A_498 = arith.constant 8 : i32
      %scan3A_499 = arith.addi %scan3A_497, %scan3A_498 : i32
      %scan3A_500 = arith.constant 1 : i32
      scf.for %scan3A_684 = %scan3A_497 to %scan3A_499 step %scan3A_500  : i32 {
        %mul3A_685 = arith.constant 16 : i32
        %mul3A_686 = arith.muli %scan3A_684, %mul3A_685 : i32
        %get3A = arith.constant 0 : i32
        %get3A_687 = tpu.memref_slice %arg11[%scan3A_496, %get3A] : memref<8x128xi32, #tpu.memory_space<vmem>> -> memref<1x128xi32, #tpu.memory_space<vmem>>
        %get3A_688 = tpu.memref_squeeze %get3A_687 : memref<1x128xi32, #tpu.memory_space<vmem>> -> memref<128xi32, #tpu.memory_space<vmem>>
        %get3A_689 = arith.index_cast %mul3A_686 : i32 to index
        %get3A_690 = tpu.vector_load %get3A_688[%get3A_689] {strides = array<i32>} : memref<128xi32, #tpu.memory_space<vmem>>, vector<16xi32>,
        %broadcast_in_dim3A = arith.constant 1.000000e+00 : f32
        %broadcast_in_dim3A_691 = vector.broadcast %broadcast_in_dim3A : f32 to vector<16xf32>
        tpu.vector_store_idx %arg23[%get3A_690], %broadcast_in_dim3A_691 {add = true} : memref<10240xf32, #tpu.memory_space<vmem>>[vector<16xi32>], vector<16xf32>,
      }
      %scan3A_501 = arith.constant 8 : i32
      %dma_start3A_502 = arith.constant 1 : i32
      %dma_start3A_503 = arith.constant 0 : i32
      %dma_start3A_504 = tpu.memref_slice %arg11[%dma_start3A_502, %dma_start3A_503] : memref<8x128xi32, #tpu.memory_space<vmem>> -> memref<1x128xi32, #tpu.memory_space<vmem>>
      %dma_start3A_505 = tpu.memref_squeeze %dma_start3A_504 : memref<1x128xi32, #tpu.memory_space<vmem>> -> memref<128xi32, #tpu.memory_space<vmem>>
      %dma_start3A_506 = arith.constant 0 : i32
      %dma_start3A_507 = arith.constant 0 : i32
      %dma_start3A_508 = tpu.memref_slice %arg14[%dma_start3A_506, %dma_start3A_507] : memref<10240x128xf32, #tpu.memory_space<vmem_shared>> -> memref<10240x128xf32, #tpu.memory_space<vmem_shared>>
      tpu.enqueue_indirect_dma source(%arg13 : memref<128x128xf32, #tpu.memory_space<vmem>>) target(%dma_start3A_508 : memref<10240x128xf32, #tpu.memory_space<vmem_shared>>) offsets(%dma_start3A_505 : memref<128xi32, #tpu.memory_space<vmem>>) semaphore(%arg22 : memref<!tpu.dma_semaphore, #tpu.memory_space<semaphore_mem>>) {add = true}
      %mul3A_509 = arith.constant 2 : i32
      %mul3A_510 = arith.muli %mul3A_509, %while3A_114 : i32
      %add3A_511 = arith.constant 1 : i32
      %add3A_512 = arith.addi %mul3A_510, %add3A_511 : i32
      %add3A_513 = arith.constant 1 : i32
      %add3A_514 = arith.addi %add3A_512, %add3A_513 : i32
      %lt3A_515 = arith.cmpi slt, %add3A_514, %select_n3A_27 : i32
      %convert_element_type3A_516 = arith.extui %lt3A_515 : i1 to i32
      %cond3A_517 = arith.constant 0 : i32
      %cond3A_518 = arith.cmpi ne, %convert_element_type3A_516, %cond3A_517 : i32
      scf.if %cond3A_518 {
        %add3A_684 = arith.constant 1 : i32
        %add3A_685 = arith.addi %add3A_393, %add3A_684 : i32
        %dma_start3A_686 = arith.constant 0 : i32
        %dma_start3A_687 = arith.constant 0 : i32
        %dma_start3A_688 = tpu.memref_slice %arg3[%add3A_685, %dma_start3A_686, %dma_start3A_687] : memref<320x8x128xi32, #tpu.memory_space<hbm>> -> memref<1x8x128xi32, #tpu.memory_space<hbm>>
        %dma_start3A_689 = tpu.memref_squeeze %dma_start3A_688 : memref<1x8x128xi32, #tpu.memory_space<hbm>> -> memref<8x128xi32, #tpu.memory_space<hbm>>
        %dma_start3A_690 = arith.constant 0 : i32
        %dma_start3A_691 = arith.constant 0 : i32
        %dma_start3A_692 = tpu.memref_slice %arg3[%add3A_685, %dma_start3A_690, %dma_start3A_691] : memref<320x8x128xi32, #tpu.memory_space<hbm>> -> memref<1x8x128xi32, #tpu.memory_space<hbm>>
        %dma_start3A_693 = tpu.memref_squeeze %dma_start3A_692 : memref<1x8x128xi32, #tpu.memory_space<hbm>> -> memref<8x128xi32, #tpu.memory_space<hbm>>
        tpu.enqueue_dma source(%dma_start3A_693 : memref<8x128xi32, #tpu.memory_space<hbm>>) target(%arg8 : memref<8x128xi32, #tpu.memory_space<vmem>>) target_semaphore(%arg15 : memref<!tpu.dma_semaphore, #tpu.memory_space<semaphore_mem>>)
        %add3A_694 = arith.constant 1 : i32
        %add3A_695 = arith.addi %add3A_393, %add3A_694 : i32
        %dma_start3A_696 = arith.constant 0 : i32
        %dma_start3A_697 = arith.constant 0 : i32
        %dma_start3A_698 = tpu.memref_slice %arg4[%add3A_695, %dma_start3A_696, %dma_start3A_697] : memref<320x8x128xi32, #tpu.memory_space<hbm>> -> memref<1x8x128xi32, #tpu.memory_space<hbm>>
        %dma_start3A_699 = tpu.memref_squeeze %dma_start3A_698 : memref<1x8x128xi32, #tpu.memory_space<hbm>> -> memref<8x128xi32, #tpu.memory_space<hbm>>
        %dma_start3A_700 = arith.constant 0 : i32
        %dma_start3A_701 = arith.constant 0 : i32
        %dma_start3A_702 = tpu.memref_slice %arg4[%add3A_695, %dma_start3A_700, %dma_start3A_701] : memref<320x8x128xi32, #tpu.memory_space<hbm>> -> memref<1x8x128xi32, #tpu.memory_space<hbm>>
        %dma_start3A_703 = tpu.memref_squeeze %dma_start3A_702 : memref<1x8x128xi32, #tpu.memory_space<hbm>> -> memref<8x128xi32, #tpu.memory_space<hbm>>
        tpu.enqueue_dma source(%dma_start3A_703 : memref<8x128xi32, #tpu.memory_space<hbm>>) target(%arg10 : memref<8x128xi32, #tpu.memory_space<vmem>>) target_semaphore(%arg17 : memref<!tpu.dma_semaphore, #tpu.memory_space<semaphore_mem>>)
      } else {
      }
      %dma_wait3A_519 = arith.constant 0 : i32
      %dma_wait3A_520 = arith.constant 0 : i32
      %dma_wait3A_521 = tpu.memref_slice %arg2[%dma_wait3A_519, %dma_wait3A_520] : memref<10000x128xf32, #tpu.memory_space<hbm>> -> memref<128x128xf32, #tpu.memory_space<hbm>>
      %dma_wait3A_522 = arith.constant 0 : i32
      %dma_wait3A_523 = arith.constant 0 : i32
      %dma_wait3A_524 = tpu.memref_slice %arg2[%dma_wait3A_522, %dma_wait3A_523] : memref<10000x128xf32, #tpu.memory_space<hbm>> -> memref<128x128xf32, #tpu.memory_space<hbm>>
      tpu.wait_dma2 semaphore(%arg22 : memref<!tpu.dma_semaphore, #tpu.memory_space<semaphore_mem>>) src(%dma_wait3A_524 : memref<128x128xf32, #tpu.memory_space<hbm>>) dst(%arg13 : memref<128x128xf32, #tpu.memory_space<vmem>>)
      %dma_start3A_525 = arith.constant 3 : i32
      %dma_start3A_526 = arith.constant 0 : i32
      %dma_start3A_527 = tpu.memref_slice %arg9[%dma_start3A_525, %dma_start3A_526] : memref<8x128xi32, #tpu.memory_space<vmem>> -> memref<1x128xi32, #tpu.memory_space<vmem>>
      %dma_start3A_528 = tpu.memref_squeeze %dma_start3A_527 : memref<1x128xi32, #tpu.memory_space<vmem>> -> memref<128xi32, #tpu.memory_space<vmem>>
      %dma_start3A_529 = arith.constant 0 : i32
      %dma_start3A_530 = arith.constant 0 : i32
      %dma_start3A_531 = tpu.memref_slice %arg2[%dma_start3A_529, %dma_start3A_530] : memref<10000x128xf32, #tpu.memory_space<hbm>> -> memref<10000x128xf32, #tpu.memory_space<hbm>>
      tpu.enqueue_indirect_dma source(%dma_start3A_531 : memref<10000x128xf32, #tpu.memory_space<hbm>>) target(%arg13 : memref<128x128xf32, #tpu.memory_space<vmem>>) offsets(%dma_start3A_528 : memref<128xi32, #tpu.memory_space<vmem>>) semaphore(%arg20 : memref<!tpu.dma_semaphore, #tpu.memory_space<semaphore_mem>>)
      %dma_wait3A_532 = arith.constant 0 : i32
      %dma_wait3A_533 = arith.constant 0 : i32
      %dma_wait3A_534 = tpu.memref_slice %arg2[%dma_wait3A_532, %dma_wait3A_533] : memref<10000x128xf32, #tpu.memory_space<hbm>> -> memref<128x128xf32, #tpu.memory_space<hbm>>
      %dma_wait3A_535 = arith.constant 0 : i32
      %dma_wait3A_536 = arith.constant 0 : i32
      %dma_wait3A_537 = tpu.memref_slice %arg2[%dma_wait3A_535, %dma_wait3A_536] : memref<10000x128xf32, #tpu.memory_space<hbm>> -> memref<128x128xf32, #tpu.memory_space<hbm>>
      tpu.wait_dma2 semaphore(%arg19 : memref<!tpu.dma_semaphore, #tpu.memory_space<semaphore_mem>>) src(%dma_wait3A_537 : memref<128x128xf32, #tpu.memory_space<hbm>>) dst(%arg12 : memref<128x128xf32, #tpu.memory_space<vmem>>)
      %scan3A_538 = arith.constant 0 : i32
      %scan3A_539 = arith.constant 2 : i32
      %scan3A_540 = arith.constant 0 : i32
      %scan3A_541 = arith.constant 8 : i32
      %scan3A_542 = arith.addi %scan3A_540, %scan3A_541 : i32
      %scan3A_543 = arith.constant 1 : i32
      scf.for %scan3A_684 = %scan3A_540 to %scan3A_542 step %scan3A_543  : i32 {
        %mul3A_685 = arith.constant 16 : i32
        %mul3A_686 = arith.muli %scan3A_684, %mul3A_685 : i32
        %get3A = arith.constant 0 : i32
        %get3A_687 = tpu.memref_slice %arg11[%scan3A_539, %get3A] : memref<8x128xi32, #tpu.memory_space<vmem>> -> memref<1x128xi32, #tpu.memory_space<vmem>>
        %get3A_688 = tpu.memref_squeeze %get3A_687 : memref<1x128xi32, #tpu.memory_space<vmem>> -> memref<128xi32, #tpu.memory_space<vmem>>
        %get3A_689 = arith.index_cast %mul3A_686 : i32 to index
        %get3A_690 = tpu.vector_load %get3A_688[%get3A_689] {strides = array<i32>} : memref<128xi32, #tpu.memory_space<vmem>>, vector<16xi32>,
        %broadcast_in_dim3A = arith.constant 1.000000e+00 : f32
        %broadcast_in_dim3A_691 = vector.broadcast %broadcast_in_dim3A : f32 to vector<16xf32>
        tpu.vector_store_idx %arg23[%get3A_690], %broadcast_in_dim3A_691 {add = true} : memref<10240xf32, #tpu.memory_space<vmem>>[vector<16xi32>], vector<16xf32>,
      }
      %scan3A_544 = arith.constant 8 : i32
      %dma_start3A_545 = arith.constant 2 : i32
      %dma_start3A_546 = arith.constant 0 : i32
      %dma_start3A_547 = tpu.memref_slice %arg11[%dma_start3A_545, %dma_start3A_546] : memref<8x128xi32, #tpu.memory_space<vmem>> -> memref<1x128xi32, #tpu.memory_space<vmem>>
      %dma_start3A_548 = tpu.memref_squeeze %dma_start3A_547 : memref<1x128xi32, #tpu.memory_space<vmem>> -> memref<128xi32, #tpu.memory_space<vmem>>
      %dma_start3A_549 = arith.constant 0 : i32
      %dma_start3A_550 = arith.constant 0 : i32
      %dma_start3A_551 = tpu.memref_slice %arg14[%dma_start3A_549, %dma_start3A_550] : memref<10240x128xf32, #tpu.memory_space<vmem_shared>> -> memref<10240x128xf32, #tpu.memory_space<vmem_shared>>
      tpu.enqueue_indirect_dma source(%arg12 : memref<128x128xf32, #tpu.memory_space<vmem>>) target(%dma_start3A_551 : memref<10240x128xf32, #tpu.memory_space<vmem_shared>>) offsets(%dma_start3A_548 : memref<128xi32, #tpu.memory_space<vmem>>) semaphore(%arg21 : memref<!tpu.dma_semaphore, #tpu.memory_space<semaphore_mem>>) {add = true}
      %dma_wait3A_552 = arith.constant 0 : i32
      %dma_wait3A_553 = arith.constant 0 : i32
      %dma_wait3A_554 = tpu.memref_slice %arg2[%dma_wait3A_552, %dma_wait3A_553] : memref<10000x128xf32, #tpu.memory_space<hbm>> -> memref<128x128xf32, #tpu.memory_space<hbm>>
      %dma_wait3A_555 = arith.constant 0 : i32
      %dma_wait3A_556 = arith.constant 0 : i32
      %dma_wait3A_557 = tpu.memref_slice %arg2[%dma_wait3A_555, %dma_wait3A_556] : memref<10000x128xf32, #tpu.memory_space<hbm>> -> memref<128x128xf32, #tpu.memory_space<hbm>>
      tpu.wait_dma2 semaphore(%arg21 : memref<!tpu.dma_semaphore, #tpu.memory_space<semaphore_mem>>) src(%dma_wait3A_557 : memref<128x128xf32, #tpu.memory_space<hbm>>) dst(%arg12 : memref<128x128xf32, #tpu.memory_space<vmem>>)
      %dma_start3A_558 = arith.constant 4 : i32
      %dma_start3A_559 = arith.constant 0 : i32
      %dma_start3A_560 = tpu.memref_slice %arg9[%dma_start3A_558, %dma_start3A_559] : memref<8x128xi32, #tpu.memory_space<vmem>> -> memref<1x128xi32, #tpu.memory_space<vmem>>
      %dma_start3A_561 = tpu.memref_squeeze %dma_start3A_560 : memref<1x128xi32, #tpu.memory_space<vmem>> -> memref<128xi32, #tpu.memory_space<vmem>>
      %dma_start3A_562 = arith.constant 0 : i32
      %dma_start3A_563 = arith.constant 0 : i32
      %dma_start3A_564 = tpu.memref_slice %arg2[%dma_start3A_562, %dma_start3A_563] : memref<10000x128xf32, #tpu.memory_space<hbm>> -> memref<10000x128xf32, #tpu.memory_space<hbm>>
      tpu.enqueue_indirect_dma source(%dma_start3A_564 : memref<10000x128xf32, #tpu.memory_space<hbm>>) target(%arg12 : memref<128x128xf32, #tpu.memory_space<vmem>>) offsets(%dma_start3A_561 : memref<128xi32, #tpu.memory_space<vmem>>) semaphore(%arg19 : memref<!tpu.dma_semaphore, #tpu.memory_space<semaphore_mem>>)
      %dma_wait3A_565 = arith.constant 0 : i32
      %dma_wait3A_566 = arith.constant 0 : i32
      %dma_wait3A_567 = tpu.memref_slice %arg2[%dma_wait3A_565, %dma_wait3A_566] : memref<10000x128xf32, #tpu.memory_space<hbm>> -> memref<128x128xf32, #tpu.memory_space<hbm>>
      %dma_wait3A_568 = arith.constant 0 : i32
      %dma_wait3A_569 = arith.constant 0 : i32
      %dma_wait3A_570 = tpu.memref_slice %arg2[%dma_wait3A_568, %dma_wait3A_569] : memref<10000x128xf32, #tpu.memory_space<hbm>> -> memref<128x128xf32, #tpu.memory_space<hbm>>
      tpu.wait_dma2 semaphore(%arg20 : memref<!tpu.dma_semaphore, #tpu.memory_space<semaphore_mem>>) src(%dma_wait3A_570 : memref<128x128xf32, #tpu.memory_space<hbm>>) dst(%arg13 : memref<128x128xf32, #tpu.memory_space<vmem>>)
      %scan3A_571 = arith.constant 0 : i32
      %scan3A_572 = arith.constant 3 : i32
      %scan3A_573 = arith.constant 0 : i32
      %scan3A_574 = arith.constant 8 : i32
      %scan3A_575 = arith.addi %scan3A_573, %scan3A_574 : i32
      %scan3A_576 = arith.constant 1 : i32
      scf.for %scan3A_684 = %scan3A_573 to %scan3A_575 step %scan3A_576  : i32 {
        %mul3A_685 = arith.constant 16 : i32
        %mul3A_686 = arith.muli %scan3A_684, %mul3A_685 : i32
        %get3A = arith.constant 0 : i32
        %get3A_687 = tpu.memref_slice %arg11[%scan3A_572, %get3A] : memref<8x128xi32, #tpu.memory_space<vmem>> -> memref<1x128xi32, #tpu.memory_space<vmem>>
        %get3A_688 = tpu.memref_squeeze %get3A_687 : memref<1x128xi32, #tpu.memory_space<vmem>> -> memref<128xi32, #tpu.memory_space<vmem>>
        %get3A_689 = arith.index_cast %mul3A_686 : i32 to index
        %get3A_690 = tpu.vector_load %get3A_688[%get3A_689] {strides = array<i32>} : memref<128xi32, #tpu.memory_space<vmem>>, vector<16xi32>,
        %broadcast_in_dim3A = arith.constant 1.000000e+00 : f32
        %broadcast_in_dim3A_691 = vector.broadcast %broadcast_in_dim3A : f32 to vector<16xf32>
        tpu.vector_store_idx %arg23[%get3A_690], %broadcast_in_dim3A_691 {add = true} : memref<10240xf32, #tpu.memory_space<vmem>>[vector<16xi32>], vector<16xf32>,
      }
      %scan3A_577 = arith.constant 8 : i32
      %dma_start3A_578 = arith.constant 3 : i32
      %dma_start3A_579 = arith.constant 0 : i32
      %dma_start3A_580 = tpu.memref_slice %arg11[%dma_start3A_578, %dma_start3A_579] : memref<8x128xi32, #tpu.memory_space<vmem>> -> memref<1x128xi32, #tpu.memory_space<vmem>>
      %dma_start3A_581 = tpu.memref_squeeze %dma_start3A_580 : memref<1x128xi32, #tpu.memory_space<vmem>> -> memref<128xi32, #tpu.memory_space<vmem>>
      %dma_start3A_582 = arith.constant 0 : i32
      %dma_start3A_583 = arith.constant 0 : i32
      %dma_start3A_584 = tpu.memref_slice %arg14[%dma_start3A_582, %dma_start3A_583] : memref<10240x128xf32, #tpu.memory_space<vmem_shared>> -> memref<10240x128xf32, #tpu.memory_space<vmem_shared>>
      tpu.enqueue_indirect_dma source(%arg13 : memref<128x128xf32, #tpu.memory_space<vmem>>) target(%dma_start3A_584 : memref<10240x128xf32, #tpu.memory_space<vmem_shared>>) offsets(%dma_start3A_581 : memref<128xi32, #tpu.memory_space<vmem>>) semaphore(%arg22 : memref<!tpu.dma_semaphore, #tpu.memory_space<semaphore_mem>>) {add = true}
      %dma_wait3A_585 = arith.constant 0 : i32
      %dma_wait3A_586 = arith.constant 0 : i32
      %dma_wait3A_587 = tpu.memref_slice %arg2[%dma_wait3A_585, %dma_wait3A_586] : memref<10000x128xf32, #tpu.memory_space<hbm>> -> memref<128x128xf32, #tpu.memory_space<hbm>>
      %dma_wait3A_588 = arith.constant 0 : i32
      %dma_wait3A_589 = arith.constant 0 : i32
      %dma_wait3A_590 = tpu.memref_slice %arg2[%dma_wait3A_588, %dma_wait3A_589] : memref<10000x128xf32, #tpu.memory_space<hbm>> -> memref<128x128xf32, #tpu.memory_space<hbm>>
      tpu.wait_dma2 semaphore(%arg22 : memref<!tpu.dma_semaphore, #tpu.memory_space<semaphore_mem>>) src(%dma_wait3A_590 : memref<128x128xf32, #tpu.memory_space<hbm>>) dst(%arg13 : memref<128x128xf32, #tpu.memory_space<vmem>>)
      %dma_start3A_591 = arith.constant 5 : i32
      %dma_start3A_592 = arith.constant 0 : i32
      %dma_start3A_593 = tpu.memref_slice %arg9[%dma_start3A_591, %dma_start3A_592] : memref<8x128xi32, #tpu.memory_space<vmem>> -> memref<1x128xi32, #tpu.memory_space<vmem>>
      %dma_start3A_594 = tpu.memref_squeeze %dma_start3A_593 : memref<1x128xi32, #tpu.memory_space<vmem>> -> memref<128xi32, #tpu.memory_space<vmem>>
      %dma_start3A_595 = arith.constant 0 : i32
      %dma_start3A_596 = arith.constant 0 : i32
      %dma_start3A_597 = tpu.memref_slice %arg2[%dma_start3A_595, %dma_start3A_596] : memref<10000x128xf32, #tpu.memory_space<hbm>> -> memref<10000x128xf32, #tpu.memory_space<hbm>>
      tpu.enqueue_indirect_dma source(%dma_start3A_597 : memref<10000x128xf32, #tpu.memory_space<hbm>>) target(%arg13 : memref<128x128xf32, #tpu.memory_space<vmem>>) offsets(%dma_start3A_594 : memref<128xi32, #tpu.memory_space<vmem>>) semaphore(%arg20 : memref<!tpu.dma_semaphore, #tpu.memory_space<semaphore_mem>>)
      %dma_wait3A_598 = arith.constant 0 : i32
      %dma_wait3A_599 = arith.constant 0 : i32
      %dma_wait3A_600 = tpu.memref_slice %arg2[%dma_wait3A_598, %dma_wait3A_599] : memref<10000x128xf32, #tpu.memory_space<hbm>> -> memref<128x128xf32, #tpu.memory_space<hbm>>
      %dma_wait3A_601 = arith.constant 0 : i32
      %dma_wait3A_602 = arith.constant 0 : i32
      %dma_wait3A_603 = tpu.memref_slice %arg2[%dma_wait3A_601, %dma_wait3A_602] : memref<10000x128xf32, #tpu.memory_space<hbm>> -> memref<128x128xf32, #tpu.memory_space<hbm>>
      tpu.wait_dma2 semaphore(%arg19 : memref<!tpu.dma_semaphore, #tpu.memory_space<semaphore_mem>>) src(%dma_wait3A_603 : memref<128x128xf32, #tpu.memory_space<hbm>>) dst(%arg12 : memref<128x128xf32, #tpu.memory_space<vmem>>)
      %scan3A_604 = arith.constant 0 : i32
      %scan3A_605 = arith.constant 4 : i32
      %scan3A_606 = arith.constant 0 : i32
      %scan3A_607 = arith.constant 8 : i32
      %scan3A_608 = arith.addi %scan3A_606, %scan3A_607 : i32
      %scan3A_609 = arith.constant 1 : i32
      scf.for %scan3A_684 = %scan3A_606 to %scan3A_608 step %scan3A_609  : i32 {
        %mul3A_685 = arith.constant 16 : i32
        %mul3A_686 = arith.muli %scan3A_684, %mul3A_685 : i32
        %get3A = arith.constant 0 : i32
        %get3A_687 = tpu.memref_slice %arg11[%scan3A_605, %get3A] : memref<8x128xi32, #tpu.memory_space<vmem>> -> memref<1x128xi32, #tpu.memory_space<vmem>>
        %get3A_688 = tpu.memref_squeeze %get3A_687 : memref<1x128xi32, #tpu.memory_space<vmem>> -> memref<128xi32, #tpu.memory_space<vmem>>
        %get3A_689 = arith.index_cast %mul3A_686 : i32 to index
        %get3A_690 = tpu.vector_load %get3A_688[%get3A_689] {strides = array<i32>} : memref<128xi32, #tpu.memory_space<vmem>>, vector<16xi32>,
        %broadcast_in_dim3A = arith.constant 1.000000e+00 : f32
        %broadcast_in_dim3A_691 = vector.broadcast %broadcast_in_dim3A : f32 to vector<16xf32>
        tpu.vector_store_idx %arg23[%get3A_690], %broadcast_in_dim3A_691 {add = true} : memref<10240xf32, #tpu.memory_space<vmem>>[vector<16xi32>], vector<16xf32>,
      }
      %scan3A_610 = arith.constant 8 : i32
      %dma_start3A_611 = arith.constant 4 : i32
      %dma_start3A_612 = arith.constant 0 : i32
      %dma_start3A_613 = tpu.memref_slice %arg11[%dma_start3A_611, %dma_start3A_612] : memref<8x128xi32, #tpu.memory_space<vmem>> -> memref<1x128xi32, #tpu.memory_space<vmem>>
      %dma_start3A_614 = tpu.memref_squeeze %dma_start3A_613 : memref<1x128xi32, #tpu.memory_space<vmem>> -> memref<128xi32, #tpu.memory_space<vmem>>
      %dma_start3A_615 = arith.constant 0 : i32
      %dma_start3A_616 = arith.constant 0 : i32
      %dma_start3A_617 = tpu.memref_slice %arg14[%dma_start3A_615, %dma_start3A_616] : memref<10240x128xf32, #tpu.memory_space<vmem_shared>> -> memref<10240x128xf32, #tpu.memory_space<vmem_shared>>
      tpu.enqueue_indirect_dma source(%arg12 : memref<128x128xf32, #tpu.memory_space<vmem>>) target(%dma_start3A_617 : memref<10240x128xf32, #tpu.memory_space<vmem_shared>>) offsets(%dma_start3A_614 : memref<128xi32, #tpu.memory_space<vmem>>) semaphore(%arg21 : memref<!tpu.dma_semaphore, #tpu.memory_space<semaphore_mem>>) {add = true}
      %dma_wait3A_618 = arith.constant 0 : i32
      %dma_wait3A_619 = arith.constant 0 : i32
      %dma_wait3A_620 = tpu.memref_slice %arg2[%dma_wait3A_618, %dma_wait3A_619] : memref<10000x128xf32, #tpu.memory_space<hbm>> -> memref<128x128xf32, #tpu.memory_space<hbm>>
      %dma_wait3A_621 = arith.constant 0 : i32
      %dma_wait3A_622 = arith.constant 0 : i32
      %dma_wait3A_623 = tpu.memref_slice %arg2[%dma_wait3A_621, %dma_wait3A_622] : memref<10000x128xf32, #tpu.memory_space<hbm>> -> memref<128x128xf32, #tpu.memory_space<hbm>>
      tpu.wait_dma2 semaphore(%arg21 : memref<!tpu.dma_semaphore, #tpu.memory_space<semaphore_mem>>) src(%dma_wait3A_623 : memref<128x128xf32, #tpu.memory_space<hbm>>) dst(%arg12 : memref<128x128xf32, #tpu.memory_space<vmem>>)
      %dma_start3A_624 = arith.constant 6 : i32
      %dma_start3A_625 = arith.constant 0 : i32
      %dma_start3A_626 = tpu.memref_slice %arg9[%dma_start3A_624, %dma_start3A_625] : memref<8x128xi32, #tpu.memory_space<vmem>> -> memref<1x128xi32, #tpu.memory_space<vmem>>
      %dma_start3A_627 = tpu.memref_squeeze %dma_start3A_626 : memref<1x128xi32, #tpu.memory_space<vmem>> -> memref<128xi32, #tpu.memory_space<vmem>>
      %dma_start3A_628 = arith.constant 0 : i32
      %dma_start3A_629 = arith.constant 0 : i32
      %dma_start3A_630 = tpu.memref_slice %arg2[%dma_start3A_628, %dma_start3A_629] : memref<10000x128xf32, #tpu.memory_space<hbm>> -> memref<10000x128xf32, #tpu.memory_space<hbm>>
      tpu.enqueue_indirect_dma source(%dma_start3A_630 : memref<10000x128xf32, #tpu.memory_space<hbm>>) target(%arg12 : memref<128x128xf32, #tpu.memory_space<vmem>>) offsets(%dma_start3A_627 : memref<128xi32, #tpu.memory_space<vmem>>) semaphore(%arg19 : memref<!tpu.dma_semaphore, #tpu.memory_space<semaphore_mem>>)
      %dma_wait3A_631 = arith.constant 0 : i32
      %dma_wait3A_632 = arith.constant 0 : i32
      %dma_wait3A_633 = tpu.memref_slice %arg2[%dma_wait3A_631, %dma_wait3A_632] : memref<10000x128xf32, #tpu.memory_space<hbm>> -> memref<128x128xf32, #tpu.memory_space<hbm>>
      %dma_wait3A_634 = arith.constant 0 : i32
      %dma_wait3A_635 = arith.constant 0 : i32
      %dma_wait3A_636 = tpu.memref_slice %arg2[%dma_wait3A_634, %dma_wait3A_635] : memref<10000x128xf32, #tpu.memory_space<hbm>> -> memref<128x128xf32, #tpu.memory_space<hbm>>
      tpu.wait_dma2 semaphore(%arg20 : memref<!tpu.dma_semaphore, #tpu.memory_space<semaphore_mem>>) src(%dma_wait3A_636 : memref<128x128xf32, #tpu.memory_space<hbm>>) dst(%arg13 : memref<128x128xf32, #tpu.memory_space<vmem>>)
      %scan3A_637 = arith.constant 0 : i32
      %scan3A_638 = arith.constant 5 : i32
      %scan3A_639 = arith.constant 0 : i32
      %scan3A_640 = arith.constant 8 : i32
      %scan3A_641 = arith.addi %scan3A_639, %scan3A_640 : i32
      %scan3A_642 = arith.constant 1 : i32
      scf.for %scan3A_684 = %scan3A_639 to %scan3A_641 step %scan3A_642  : i32 {
        %mul3A_685 = arith.constant 16 : i32
        %mul3A_686 = arith.muli %scan3A_684, %mul3A_685 : i32
        %get3A = arith.constant 0 : i32
        %get3A_687 = tpu.memref_slice %arg11[%scan3A_638, %get3A] : memref<8x128xi32, #tpu.memory_space<vmem>> -> memref<1x128xi32, #tpu.memory_space<vmem>>
        %get3A_688 = tpu.memref_squeeze %get3A_687 : memref<1x128xi32, #tpu.memory_space<vmem>> -> memref<128xi32, #tpu.memory_space<vmem>>
        %get3A_689 = arith.index_cast %mul3A_686 : i32 to index
        %get3A_690 = tpu.vector_load %get3A_688[%get3A_689] {strides = array<i32>} : memref<128xi32, #tpu.memory_space<vmem>>, vector<16xi32>,
        %broadcast_in_dim3A = arith.constant 1.000000e+00 : f32
        %broadcast_in_dim3A_691 = vector.broadcast %broadcast_in_dim3A : f32 to vector<16xf32>
        tpu.vector_store_idx %arg23[%get3A_690], %broadcast_in_dim3A_691 {add = true} : memref<10240xf32, #tpu.memory_space<vmem>>[vector<16xi32>], vector<16xf32>,
      }
      %scan3A_643 = arith.constant 8 : i32
      %dma_start3A_644 = arith.constant 5 : i32
      %dma_start3A_645 = arith.constant 0 : i32
      %dma_start3A_646 = tpu.memref_slice %arg11[%dma_start3A_644, %dma_start3A_645] : memref<8x128xi32, #tpu.memory_space<vmem>> -> memref<1x128xi32, #tpu.memory_space<vmem>>
      %dma_start3A_647 = tpu.memref_squeeze %dma_start3A_646 : memref<1x128xi32, #tpu.memory_space<vmem>> -> memref<128xi32, #tpu.memory_space<vmem>>
      %dma_start3A_648 = arith.constant 0 : i32
      %dma_start3A_649 = arith.constant 0 : i32
      %dma_start3A_650 = tpu.memref_slice %arg14[%dma_start3A_648, %dma_start3A_649] : memref<10240x128xf32, #tpu.memory_space<vmem_shared>> -> memref<10240x128xf32, #tpu.memory_space<vmem_shared>>
      tpu.enqueue_indirect_dma source(%arg13 : memref<128x128xf32, #tpu.memory_space<vmem>>) target(%dma_start3A_650 : memref<10240x128xf32, #tpu.memory_space<vmem_shared>>) offsets(%dma_start3A_647 : memref<128xi32, #tpu.memory_space<vmem>>) semaphore(%arg22 : memref<!tpu.dma_semaphore, #tpu.memory_space<semaphore_mem>>) {add = true}
      %dma_wait3A_651 = arith.constant 0 : i32
      %dma_wait3A_652 = arith.constant 0 : i32
      %dma_wait3A_653 = tpu.memref_slice %arg2[%dma_wait3A_651, %dma_wait3A_652] : memref<10000x128xf32, #tpu.memory_space<hbm>> -> memref<128x128xf32, #tpu.memory_space<hbm>>
      %dma_wait3A_654 = arith.constant 0 : i32
      %dma_wait3A_655 = arith.constant 0 : i32
      %dma_wait3A_656 = tpu.memref_slice %arg2[%dma_wait3A_654, %dma_wait3A_655] : memref<10000x128xf32, #tpu.memory_space<hbm>> -> memref<128x128xf32, #tpu.memory_space<hbm>>
      tpu.wait_dma2 semaphore(%arg22 : memref<!tpu.dma_semaphore, #tpu.memory_space<semaphore_mem>>) src(%dma_wait3A_656 : memref<128x128xf32, #tpu.memory_space<hbm>>) dst(%arg13 : memref<128x128xf32, #tpu.memory_space<vmem>>)
      %dma_start3A_657 = arith.constant 7 : i32
      %dma_start3A_658 = arith.constant 0 : i32
      %dma_start3A_659 = tpu.memref_slice %arg9[%dma_start3A_657, %dma_start3A_658] : memref<8x128xi32, #tpu.memory_space<vmem>> -> memref<1x128xi32, #tpu.memory_space<vmem>>
      %dma_start3A_660 = tpu.memref_squeeze %dma_start3A_659 : memref<1x128xi32, #tpu.memory_space<vmem>> -> memref<128xi32, #tpu.memory_space<vmem>>
      %dma_start3A_661 = arith.constant 0 : i32
      %dma_start3A_662 = arith.constant 0 : i32
      %dma_start3A_663 = tpu.memref_slice %arg2[%dma_start3A_661, %dma_start3A_662] : memref<10000x128xf32, #tpu.memory_space<hbm>> -> memref<10000x128xf32, #tpu.memory_space<hbm>>
      tpu.enqueue_indirect_dma source(%dma_start3A_663 : memref<10000x128xf32, #tpu.memory_space<hbm>>) target(%arg13 : memref<128x128xf32, #tpu.memory_space<vmem>>) offsets(%dma_start3A_660 : memref<128xi32, #tpu.memory_space<vmem>>) semaphore(%arg20 : memref<!tpu.dma_semaphore, #tpu.memory_space<semaphore_mem>>)
      %dma_wait3A_664 = arith.constant 0 : i32
      %dma_wait3A_665 = arith.constant 0 : i32
      %dma_wait3A_666 = tpu.memref_slice %arg2[%dma_wait3A_664, %dma_wait3A_665] : memref<10000x128xf32, #tpu.memory_space<hbm>> -> memref<128x128xf32, #tpu.memory_space<hbm>>
      %dma_wait3A_667 = arith.constant 0 : i32
      %dma_wait3A_668 = arith.constant 0 : i32
      %dma_wait3A_669 = tpu.memref_slice %arg2[%dma_wait3A_667, %dma_wait3A_668] : memref<10000x128xf32, #tpu.memory_space<hbm>> -> memref<128x128xf32, #tpu.memory_space<hbm>>
      tpu.wait_dma2 semaphore(%arg19 : memref<!tpu.dma_semaphore, #tpu.memory_space<semaphore_mem>>) src(%dma_wait3A_669 : memref<128x128xf32, #tpu.memory_space<hbm>>) dst(%arg12 : memref<128x128xf32, #tpu.memory_space<vmem>>)
      %scan3A_670 = arith.constant 0 : i32
      %scan3A_671 = arith.constant 6 : i32
      %scan3A_672 = arith.constant 0 : i32
      %scan3A_673 = arith.constant 8 : i32
      %scan3A_674 = arith.addi %scan3A_672, %scan3A_673 : i32
      %scan3A_675 = arith.constant 1 : i32
      scf.for %scan3A_684 = %scan3A_672 to %scan3A_674 step %scan3A_675  : i32 {
        %mul3A_685 = arith.constant 16 : i32
        %mul3A_686 = arith.muli %scan3A_684, %mul3A_685 : i32
        %get3A = arith.constant 0 : i32
        %get3A_687 = tpu.memref_slice %arg11[%scan3A_671, %get3A] : memref<8x128xi32, #tpu.memory_space<vmem>> -> memref<1x128xi32, #tpu.memory_space<vmem>>
        %get3A_688 = tpu.memref_squeeze %get3A_687 : memref<1x128xi32, #tpu.memory_space<vmem>> -> memref<128xi32, #tpu.memory_space<vmem>>
        %get3A_689 = arith.index_cast %mul3A_686 : i32 to index
        %get3A_690 = tpu.vector_load %get3A_688[%get3A_689] {strides = array<i32>} : memref<128xi32, #tpu.memory_space<vmem>>, vector<16xi32>,
        %broadcast_in_dim3A = arith.constant 1.000000e+00 : f32
        %broadcast_in_dim3A_691 = vector.broadcast %broadcast_in_dim3A : f32 to vector<16xf32>
        tpu.vector_store_idx %arg23[%get3A_690], %broadcast_in_dim3A_691 {add = true} : memref<10240xf32, #tpu.memory_space<vmem>>[vector<16xi32>], vector<16xf32>,
      }
      %scan3A_676 = arith.constant 8 : i32
      %dma_start3A_677 = arith.constant 6 : i32
      %dma_start3A_678 = arith.constant 0 : i32
      %dma_start3A_679 = tpu.memref_slice %arg11[%dma_start3A_677, %dma_start3A_678] : memref<8x128xi32, #tpu.memory_space<vmem>> -> memref<1x128xi32, #tpu.memory_space<vmem>>
      %dma_start3A_680 = tpu.memref_squeeze %dma_start3A_679 : memref<1x128xi32, #tpu.memory_space<vmem>> -> memref<128xi32, #tpu.memory_space<vmem>>
      %dma_start3A_681 = arith.constant 0 : i32
      %dma_start3A_682 = arith.constant 0 : i32
      %dma_start3A_683 = tpu.memref_slice %arg14[%dma_start3A_681, %dma_start3A_682] : memref<10240x128xf32, #tpu.memory_space<vmem_shared>> -> memref<10240x128xf32, #tpu.memory_space<vmem_shared>>
      tpu.enqueue_indirect_dma source(%arg12 : memref<128x128xf32, #tpu.memory_space<vmem>>) target(%dma_start3A_683 : memref<10240x128xf32, #tpu.memory_space<vmem_shared>>) offsets(%dma_start3A_680 : memref<128xi32, #tpu.memory_space<vmem>>) semaphore(%arg21 : memref<!tpu.dma_semaphore, #tpu.memory_space<semaphore_mem>>) {add = true}
    }
    %dma_wait3A = arith.constant 0 : i32
    %dma_wait3A_70 = arith.constant 0 : i32
    %dma_wait3A_71 = tpu.memref_slice %arg2[%dma_wait3A, %dma_wait3A_70] : memref<10000x128xf32, #tpu.memory_space<hbm>> -> memref<128x128xf32, #tpu.memory_space<hbm>>
    %dma_wait3A_72 = arith.constant 0 : i32
    %dma_wait3A_73 = arith.constant 0 : i32
    %dma_wait3A_74 = tpu.memref_slice %arg2[%dma_wait3A_72, %dma_wait3A_73] : memref<10000x128xf32, #tpu.memory_space<hbm>> -> memref<128x128xf32, #tpu.memory_space<hbm>>
    tpu.wait_dma2 semaphore(%arg20 : memref<!tpu.dma_semaphore, #tpu.memory_space<semaphore_mem>>) src(%dma_wait3A_74 : memref<128x128xf32, #tpu.memory_space<hbm>>) dst(%arg13 : memref<128x128xf32, #tpu.memory_space<vmem>>)
    %scan3A_75 = arith.constant 0 : i32
    %scan3A_76 = arith.constant 7 : i32
    %scan3A_77 = arith.constant 0 : i32
    %scan3A_78 = arith.constant 8 : i32
    %scan3A_79 = arith.addi %scan3A_77, %scan3A_78 : i32
    %scan3A_80 = arith.constant 1 : i32
    scf.for %scan3A_114 = %scan3A_77 to %scan3A_79 step %scan3A_80  : i32 {
      %mul3A_115 = arith.constant 16 : i32
      %mul3A_116 = arith.muli %scan3A_114, %mul3A_115 : i32
      %get3A = arith.constant 0 : i32
      %get3A_117 = tpu.memref_slice %arg11[%scan3A_76, %get3A] : memref<8x128xi32, #tpu.memory_space<vmem>> -> memref<1x128xi32, #tpu.memory_space<vmem>>
      %get3A_118 = tpu.memref_squeeze %get3A_117 : memref<1x128xi32, #tpu.memory_space<vmem>> -> memref<128xi32, #tpu.memory_space<vmem>>
      %get3A_119 = arith.index_cast %mul3A_116 : i32 to index
      %get3A_120 = tpu.vector_load %get3A_118[%get3A_119] {strides = array<i32>} : memref<128xi32, #tpu.memory_space<vmem>>, vector<16xi32>,
      %broadcast_in_dim3A = arith.constant 1.000000e+00 : f32
      %broadcast_in_dim3A_121 = vector.broadcast %broadcast_in_dim3A : f32 to vector<16xf32>
      tpu.vector_store_idx %arg23[%get3A_120], %broadcast_in_dim3A_121 {add = true} : memref<10240xf32, #tpu.memory_space<vmem>>[vector<16xi32>], vector<16xf32>,
    }
    %scan3A_81 = arith.constant 8 : i32
    %dma_start3A_82 = arith.constant 7 : i32
    %dma_start3A_83 = arith.constant 0 : i32
    %dma_start3A_84 = tpu.memref_slice %arg11[%dma_start3A_82, %dma_start3A_83] : memref<8x128xi32, #tpu.memory_space<vmem>> -> memref<1x128xi32, #tpu.memory_space<vmem>>
    %dma_start3A_85 = tpu.memref_squeeze %dma_start3A_84 : memref<1x128xi32, #tpu.memory_space<vmem>> -> memref<128xi32, #tpu.memory_space<vmem>>
    %dma_start3A_86 = arith.constant 0 : i32
    %dma_start3A_87 = arith.constant 0 : i32
    %dma_start3A_88 = tpu.memref_slice %arg14[%dma_start3A_86, %dma_start3A_87] : memref<10240x128xf32, #tpu.memory_space<vmem_shared>> -> memref<10240x128xf32, #tpu.memory_space<vmem_shared>>
    tpu.enqueue_indirect_dma source(%arg13 : memref<128x128xf32, #tpu.memory_space<vmem>>) target(%dma_start3A_88 : memref<10240x128xf32, #tpu.memory_space<vmem_shared>>) offsets(%dma_start3A_85 : memref<128xi32, #tpu.memory_space<vmem>>) semaphore(%arg22 : memref<!tpu.dma_semaphore, #tpu.memory_space<semaphore_mem>>) {add = true}
    %dma_wait3A_89 = arith.constant 0 : i32
    %dma_wait3A_90 = arith.constant 0 : i32
    %dma_wait3A_91 = tpu.memref_slice %arg2[%dma_wait3A_89, %dma_wait3A_90] : memref<10000x128xf32, #tpu.memory_space<hbm>> -> memref<128x128xf32, #tpu.memory_space<hbm>>
    %dma_wait3A_92 = arith.constant 0 : i32
    %dma_wait3A_93 = arith.constant 0 : i32
    %dma_wait3A_94 = tpu.memref_slice %arg2[%dma_wait3A_92, %dma_wait3A_93] : memref<10000x128xf32, #tpu.memory_space<hbm>> -> memref<128x128xf32, #tpu.memory_space<hbm>>
    tpu.wait_dma2 semaphore(%arg21 : memref<!tpu.dma_semaphore, #tpu.memory_space<semaphore_mem>>) src(%dma_wait3A_94 : memref<128x128xf32, #tpu.memory_space<hbm>>) dst(%arg12 : memref<128x128xf32, #tpu.memory_space<vmem>>)
    %dma_wait3A_95 = arith.constant 0 : i32
    %dma_wait3A_96 = arith.constant 0 : i32
    %dma_wait3A_97 = tpu.memref_slice %arg2[%dma_wait3A_95, %dma_wait3A_96] : memref<10000x128xf32, #tpu.memory_space<hbm>> -> memref<128x128xf32, #tpu.memory_space<hbm>>
    %dma_wait3A_98 = arith.constant 0 : i32
    %dma_wait3A_99 = arith.constant 0 : i32
    %dma_wait3A_100 = tpu.memref_slice %arg2[%dma_wait3A_98, %dma_wait3A_99] : memref<10000x128xf32, #tpu.memory_space<hbm>> -> memref<128x128xf32, #tpu.memory_space<hbm>>
    tpu.wait_dma2 semaphore(%arg22 : memref<!tpu.dma_semaphore, #tpu.memory_space<semaphore_mem>>) src(%dma_wait3A_100 : memref<128x128xf32, #tpu.memory_space<hbm>>) dst(%arg13 : memref<128x128xf32, #tpu.memory_space<vmem>>)
    "tpu.region"() ({
      %run_scoped3A = tpu.sem_alloc : memref<!tpu.dma_semaphore, #tpu.memory_space<semaphore_mem>>
      %dma_start3A_114 = arith.constant 0 : i32
      %dma_start3A_115 = tpu.memref_slice %arg7[%arg0, %arg1, %dma_start3A_114] : memref<2x16x10240xf32, #tpu.memory_space<hbm>> -> memref<1x1x10240xf32, #tpu.memory_space<hbm>>
      %dma_start3A_116 = tpu.memref_squeeze %dma_start3A_115 : memref<1x1x10240xf32, #tpu.memory_space<hbm>> -> memref<10240xf32, #tpu.memory_space<hbm>>
      %dma_start3A_117 = arith.constant 0 : i32
      %dma_start3A_118 = tpu.memref_slice %arg7[%arg0, %arg1, %dma_start3A_117] : memref<2x16x10240xf32, #tpu.memory_space<hbm>> -> memref<1x1x10240xf32, #tpu.memory_space<hbm>>
      %dma_start3A_119 = tpu.memref_squeeze %dma_start3A_118 : memref<1x1x10240xf32, #tpu.memory_space<hbm>> -> memref<10240xf32, #tpu.memory_space<hbm>>
      tpu.enqueue_dma source(%arg23 : memref<10240xf32, #tpu.memory_space<vmem>>) target(%dma_start3A_119 : memref<10240xf32, #tpu.memory_space<hbm>>) target_semaphore(%run_scoped3A : memref<!tpu.dma_semaphore, #tpu.memory_space<semaphore_mem>>)
      %dma_wait3A_120 = arith.constant 0 : i32
      %dma_wait3A_121 = tpu.memref_slice %arg7[%arg0, %arg1, %dma_wait3A_120] : memref<2x16x10240xf32, #tpu.memory_space<hbm>> -> memref<1x1x10240xf32, #tpu.memory_space<hbm>>
      %dma_wait3A_122 = tpu.memref_squeeze %dma_wait3A_121 : memref<1x1x10240xf32, #tpu.memory_space<hbm>> -> memref<10240xf32, #tpu.memory_space<hbm>>
      %dma_wait3A_123 = arith.constant 0 : i32
      %dma_wait3A_124 = tpu.memref_slice %arg7[%arg0, %arg1, %dma_wait3A_123] : memref<2x16x10240xf32, #tpu.memory_space<hbm>> -> memref<1x1x10240xf32, #tpu.memory_space<hbm>>
      %dma_wait3A_125 = tpu.memref_squeeze %dma_wait3A_124 : memref<1x1x10240xf32, #tpu.memory_space<hbm>> -> memref<10240xf32, #tpu.memory_space<hbm>>
      tpu.wait_dma2 semaphore(%run_scoped3A : memref<!tpu.dma_semaphore, #tpu.memory_space<semaphore_mem>>) src(%arg23 : memref<10240xf32, #tpu.memory_space<vmem>>) dst(%dma_wait3A_125 : memref<10240xf32, #tpu.memory_space<hbm>>)
      tpu.yield
    }) : () -> ()
    %barrier3A_101 = arith.constant 0 : index
    tpu.barrier barrier_id(%barrier3A_101)
    "tpu.region"() ({
      %run_scoped3A = tpu.sem_alloc : memref<!tpu.dma_semaphore, #tpu.memory_space<semaphore_mem>>
      %dma_start3A_114 = arith.constant 0 : i32
      %dma_start3A_115 = tpu.memref_slice %arg5[%arg0, %mul3A_0, %dma_start3A_114] : memref<2x10240x128xf32, #tpu.memory_space<hbm>> -> memref<1x640x128xf32, #tpu.memory_space<hbm>>
      %dma_start3A_116 = tpu.memref_squeeze %dma_start3A_115 : memref<1x640x128xf32, #tpu.memory_space<hbm>> -> memref<640x128xf32, #tpu.memory_space<hbm>>
      %dma_start3A_117 = arith.constant 0 : i32
      %dma_start3A_118 = tpu.memref_slice %arg14[%mul3A_0, %dma_start3A_117] : memref<10240x128xf32, #tpu.memory_space<vmem_shared>> -> memref<640x128xf32, #tpu.memory_space<vmem_shared>>
      tpu.enqueue_dma source(%dma_start3A_118 : memref<640x128xf32, #tpu.memory_space<vmem_shared>>) target(%dma_start3A_116 : memref<640x128xf32, #tpu.memory_space<hbm>>) target_semaphore(%run_scoped3A : memref<!tpu.dma_semaphore, #tpu.memory_space<semaphore_mem>>)
      %dma_wait3A_119 = arith.constant 0 : i32
      %dma_wait3A_120 = tpu.memref_slice %arg5[%arg0, %mul3A_0, %dma_wait3A_119] : memref<2x10240x128xf32, #tpu.memory_space<hbm>> -> memref<1x640x128xf32, #tpu.memory_space<hbm>>
      %dma_wait3A_121 = tpu.memref_squeeze %dma_wait3A_120 : memref<1x640x128xf32, #tpu.memory_space<hbm>> -> memref<640x128xf32, #tpu.memory_space<hbm>>
      %dma_wait3A_122 = arith.constant 0 : i32
      %dma_wait3A_123 = tpu.memref_slice %arg14[%mul3A_0, %dma_wait3A_122] : memref<10240x128xf32, #tpu.memory_space<vmem_shared>> -> memref<640x128xf32, #tpu.memory_space<vmem_shared>>
      tpu.wait_dma2 semaphore(%run_scoped3A : memref<!tpu.dma_semaphore, #tpu.memory_space<semaphore_mem>>) src(%dma_wait3A_123 : memref<640x128xf32, #tpu.memory_space<vmem_shared>>) dst(%dma_wait3A_121 : memref<640x128xf32, #tpu.memory_space<hbm>>)
      tpu.yield
    }) : () -> ()
    %scan3A_102 = arith.constant 0 : i32
    %scan3A_103 = arith.constant 0 : i32
    %scan3A_104 = arith.constant 40 : i32
    %scan3A_105 = arith.addi %scan3A_103, %scan3A_104 : i32
    %scan3A_106 = arith.constant 1 : i32
    scf.for %scan3A_114 = %scan3A_103 to %scan3A_105 step %scan3A_106  : i32 {
      %broadcast_in_dim3A = arith.constant 0.000000e+00 : f32
      %broadcast_in_dim3A_115 = vector.broadcast %broadcast_in_dim3A : f32 to vector<16xf32>
      %mul3A_116 = arith.constant 16 : i32
      %mul3A_117 = arith.muli %scan3A_114, %mul3A_116 : i32
      %swap3A = arith.index_cast %mul3A_117 : i32 to index
      %swap3A_118 = tpu.vector_load %arg24[%swap3A] {strides = array<i32>} : memref<640xf32, #tpu.memory_space<vmem>>, vector<16xf32>,
      tpu.vector_store %arg24[%swap3A], %broadcast_in_dim3A_115 {strides = array<i32>} : memref<640xf32, #tpu.memory_space<vmem>>, vector<16xf32>,
    }
    %scan3A_107 = arith.constant 40 : i32
    %scan3A_108 = arith.constant 0 : i32
    %scan3A_109 = arith.constant 0 : i32
    %scan3A_110 = arith.constant 16 : i32
    %scan3A_111 = arith.addi %scan3A_109, %scan3A_110 : i32
    %scan3A_112 = arith.constant 1 : i32
    scf.for %scan3A_114 = %scan3A_109 to %scan3A_111 step %scan3A_112  : i32 {
      "tpu.region"() ({
        %run_scoped3A = tpu.sem_alloc : memref<!tpu.dma_semaphore, #tpu.memory_space<semaphore_mem>>
        %dma_start3A_121 = tpu.memref_slice %arg7[%arg0, %scan3A_114, %mul3A_0] : memref<2x16x10240xf32, #tpu.memory_space<hbm>> -> memref<1x1x640xf32, #tpu.memory_space<hbm>>
        %dma_start3A_122 = tpu.memref_squeeze %dma_start3A_121 : memref<1x1x640xf32, #tpu.memory_space<hbm>> -> memref<640xf32, #tpu.memory_space<hbm>>
        %dma_start3A_123 = tpu.memref_slice %arg7[%arg0, %scan3A_114, %mul3A_0] : memref<2x16x10240xf32, #tpu.memory_space<hbm>> -> memref<1x1x640xf32, #tpu.memory_space<hbm>>
        %dma_start3A_124 = tpu.memref_squeeze %dma_start3A_123 : memref<1x1x640xf32, #tpu.memory_space<hbm>> -> memref<640xf32, #tpu.memory_space<hbm>>
        tpu.enqueue_dma source(%dma_start3A_124 : memref<640xf32, #tpu.memory_space<hbm>>) target(%arg25 : memref<640xf32, #tpu.memory_space<vmem>>) target_semaphore(%run_scoped3A : memref<!tpu.dma_semaphore, #tpu.memory_space<semaphore_mem>>)
        %dma_wait3A_125 = tpu.memref_slice %arg7[%arg0, %scan3A_114, %mul3A_0] : memref<2x16x10240xf32, #tpu.memory_space<hbm>> -> memref<1x1x640xf32, #tpu.memory_space<hbm>>
        %dma_wait3A_126 = tpu.memref_squeeze %dma_wait3A_125 : memref<1x1x640xf32, #tpu.memory_space<hbm>> -> memref<640xf32, #tpu.memory_space<hbm>>
        %dma_wait3A_127 = tpu.memref_slice %arg7[%arg0, %scan3A_114, %mul3A_0] : memref<2x16x10240xf32, #tpu.memory_space<hbm>> -> memref<1x1x640xf32, #tpu.memory_space<hbm>>
        %dma_wait3A_128 = tpu.memref_squeeze %dma_wait3A_127 : memref<1x1x640xf32, #tpu.memory_space<hbm>> -> memref<640xf32, #tpu.memory_space<hbm>>
        tpu.wait_dma2 semaphore(%run_scoped3A : memref<!tpu.dma_semaphore, #tpu.memory_space<semaphore_mem>>) src(%dma_wait3A_128 : memref<640xf32, #tpu.memory_space<hbm>>) dst(%arg25 : memref<640xf32, #tpu.memory_space<vmem>>)
        tpu.yield
      }) : () -> ()
      %scan3A_115 = arith.constant 0 : i32
      %scan3A_116 = arith.constant 0 : i32
      %scan3A_117 = arith.constant 40 : i32
      %scan3A_118 = arith.addi %scan3A_116, %scan3A_117 : i32
      %scan3A_119 = arith.constant 1 : i32
      scf.for %scan3A_121 = %scan3A_116 to %scan3A_118 step %scan3A_119  : i32 {
        %mul3A_122 = arith.constant 16 : i32
        %mul3A_123 = arith.muli %scan3A_121, %mul3A_122 : i32
        %get3A = arith.index_cast %mul3A_123 : i32 to index
        %get3A_124 = tpu.vector_load %arg24[%get3A] {strides = array<i32>} : memref<640xf32, #tpu.memory_space<vmem>>, vector<16xf32>,
        %get3A_125 = arith.index_cast %mul3A_123 : i32 to index
        %get3A_126 = tpu.vector_load %arg25[%get3A_125] {strides = array<i32>} : memref<640xf32, #tpu.memory_space<vmem>>, vector<16xf32>,
        %add3A_127 = arith.addf %get3A_124, %get3A_126 : vector<16xf32>
        %swap3A = arith.index_cast %mul3A_123 : i32 to index
        %swap3A_128 = tpu.vector_load %arg24[%swap3A] {strides = array<i32>} : memref<640xf32, #tpu.memory_space<vmem>>, vector<16xf32>,
        tpu.vector_store %arg24[%swap3A], %add3A_127 {strides = array<i32>} : memref<640xf32, #tpu.memory_space<vmem>>, vector<16xf32>,
      }
      %scan3A_120 = arith.constant 40 : i32
    }
    %scan3A_113 = arith.constant 16 : i32
    "tpu.region"() ({
      %run_scoped3A = tpu.sem_alloc : memref<!tpu.dma_semaphore, #tpu.memory_space<semaphore_mem>>
      %dma_start3A_114 = tpu.memref_slice %arg6[%arg0, %mul3A_0] : memref<2x10240xf32, #tpu.memory_space<hbm>> -> memref<1x640xf32, #tpu.memory_space<hbm>>
      %dma_start3A_115 = tpu.memref_squeeze %dma_start3A_114 : memref<1x640xf32, #tpu.memory_space<hbm>> -> memref<640xf32, #tpu.memory_space<hbm>>
      %dma_start3A_116 = tpu.memref_slice %arg6[%arg0, %mul3A_0] : memref<2x10240xf32, #tpu.memory_space<hbm>> -> memref<1x640xf32, #tpu.memory_space<hbm>>
      %dma_start3A_117 = tpu.memref_squeeze %dma_start3A_116 : memref<1x640xf32, #tpu.memory_space<hbm>> -> memref<640xf32, #tpu.memory_space<hbm>>
      tpu.enqueue_dma source(%arg24 : memref<640xf32, #tpu.memory_space<vmem>>) target(%dma_start3A_117 : memref<640xf32, #tpu.memory_space<hbm>>) target_semaphore(%run_scoped3A : memref<!tpu.dma_semaphore, #tpu.memory_space<semaphore_mem>>)
      %dma_wait3A_118 = tpu.memref_slice %arg6[%arg0, %mul3A_0] : memref<2x10240xf32, #tpu.memory_space<hbm>> -> memref<1x640xf32, #tpu.memory_space<hbm>>
      %dma_wait3A_119 = tpu.memref_squeeze %dma_wait3A_118 : memref<1x640xf32, #tpu.memory_space<hbm>> -> memref<640xf32, #tpu.memory_space<hbm>>
      %dma_wait3A_120 = tpu.memref_slice %arg6[%arg0, %mul3A_0] : memref<2x10240xf32, #tpu.memory_space<hbm>> -> memref<1x640xf32, #tpu.memory_space<hbm>>
      %dma_wait3A_121 = tpu.memref_squeeze %dma_wait3A_120 : memref<1x640xf32, #tpu.memory_space<hbm>> -> memref<640xf32, #tpu.memory_space<hbm>>
      tpu.wait_dma2 semaphore(%run_scoped3A : memref<!tpu.dma_semaphore, #tpu.memory_space<semaphore_mem>>) src(%arg24 : memref<640xf32, #tpu.memory_space<vmem>>) dst(%dma_wait3A_121 : memref<640xf32, #tpu.memory_space<hbm>>)
      tpu.yield
    }) : () -> ()
    return
  }
}

#map = affine_map<(d0, d1) -> (0, 0)>
#map1 = affine_map<(d0, d1) -> (0, 0, 0)>
module attributes {stable_mosaic.version = 14 : i64} {
  func.func @k(%arg0: i32, %arg1: i32, %arg2: memref<10240x128xf32, #tpu.memory_space<hbm>>, %arg3: memref<320x8x128xi32, #tpu.memory_space<hbm>>, %arg4: memref<320x8x128xi32, #tpu.memory_space<hbm>>, %arg5: memref<2x10240x128xf32, #tpu.memory_space<hbm>>, %arg6: memref<8x128xi32, #tpu.memory_space<vmem>>, %arg7: memref<8x128xi32, #tpu.memory_space<vmem>>, %arg8: memref<8x128xi32, #tpu.memory_space<vmem>>, %arg9: memref<8x128xi32, #tpu.memory_space<vmem>>, %arg10: memref<128x128xf32, #tpu.memory_space<vmem>>, %arg11: memref<128x128xf32, #tpu.memory_space<vmem>>, %arg12: memref<10240x128xf32, #tpu.memory_space<vmem_shared>>, %arg13: memref<!tpu.dma_semaphore, #tpu.memory_space<semaphore_mem>>, %arg14: memref<!tpu.dma_semaphore, #tpu.memory_space<semaphore_mem>>, %arg15: memref<!tpu.dma_semaphore, #tpu.memory_space<semaphore_mem>>, %arg16: memref<!tpu.dma_semaphore, #tpu.memory_space<semaphore_mem>>, %arg17: memref<!tpu.dma_semaphore, #tpu.memory_space<semaphore_mem>>, %arg18: memref<!tpu.dma_semaphore, #tpu.memory_space<semaphore_mem>>, %arg19: memref<!tpu.dma_semaphore, #tpu.memory_space<semaphore_mem>>, %arg20: memref<!tpu.dma_semaphore, #tpu.memory_space<semaphore_mem>>) attributes {dimension_semantics = [#tpu.dimension_semantics<core_parallel>, #tpu.dimension_semantics<subcore_parallel>], iteration_bounds = array<i64: 2, 16>, scalar_prefetch = 0 : i64, scratch_operands = 15 : i64, tpu.core_type = #tpu.core_type<sc_vector_subcore>, window_params = [{transform_indices = #map}, {transform_indices = #map1}, {transform_indices = #map1}, {transform_indices = #map1}]} {
    %mul3A = arith.constant 640 : i32
    %mul3A_0 = arith.muli %arg1, %mul3A : i32
    %scan3A = arith.constant 0 : i32
    %scan3A_1 = arith.constant 0 : i32
    %scan3A_2 = arith.constant 128 : i32
    %scan3A_3 = arith.addi %scan3A_1, %scan3A_2 : i32
    %scan3A_4 = arith.constant 1 : i32
    scf.for %scan3A_89 = %scan3A_1 to %scan3A_3 step %scan3A_4  : i32 {
      %scan3A_90 = arith.constant 0 : i32
      %scan3A_91 = arith.constant 0 : i32
      %scan3A_92 = arith.constant 8 : i32
      %scan3A_93 = arith.addi %scan3A_91, %scan3A_92 : i32
      %scan3A_94 = arith.constant 1 : i32
      scf.for %scan3A_96 = %scan3A_91 to %scan3A_93 step %scan3A_94  : i32 {
        %broadcast_in_dim3A = arith.constant 0.000000e+00 : f32
        %broadcast_in_dim3A_97 = vector.broadcast %broadcast_in_dim3A : f32 to vector<16xf32>
        %mul3A_98 = arith.constant 16 : i32
        %mul3A_99 = arith.muli %scan3A_96, %mul3A_98 : i32
        %swap3A = arith.index_cast %scan3A_89 : i32 to index
        %swap3A_100 = arith.index_cast %mul3A_99 : i32 to index
        %swap3A_101 = tpu.vector_load %arg10[%swap3A, %swap3A_100] {strides = array<i32>} : memref<128x128xf32, #tpu.memory_space<vmem>>, vector<16xf32>,
        tpu.vector_store %arg10[%swap3A, %swap3A_100], %broadcast_in_dim3A_97 {strides = array<i32>} : memref<128x128xf32, #tpu.memory_space<vmem>>, vector<16xf32>,
      }
      %scan3A_95 = arith.constant 8 : i32
    }
    %scan3A_5 = arith.constant 128 : i32
    %scan3A_6 = arith.constant 0 : i32
    %scan3A_7 = arith.constant 0 : i32
    %scan3A_8 = arith.constant 5 : i32
    %scan3A_9 = arith.addi %scan3A_7, %scan3A_8 : i32
    %scan3A_10 = arith.constant 1 : i32
    scf.for %scan3A_89 = %scan3A_7 to %scan3A_9 step %scan3A_10  : i32 {
      %mul3A_90 = arith.constant 128 : i32
      %mul3A_91 = arith.muli %scan3A_89, %mul3A_90 : i32
      %add3A_92 = arith.addi %mul3A_0, %mul3A_91 : i32
      "tpu.region"() ({
        %run_scoped3A = tpu.sem_alloc : memref<!tpu.dma_semaphore, #tpu.memory_space<semaphore_mem>>
        %dma_start3A_93 = arith.constant 0 : i32
        %dma_start3A_94 = tpu.memref_slice %arg12[%add3A_92, %dma_start3A_93] : memref<10240x128xf32, #tpu.memory_space<vmem_shared>> -> memref<128x128xf32, #tpu.memory_space<vmem_shared>>
        %dma_start3A_95 = arith.constant 0 : i32
        %dma_start3A_96 = tpu.memref_slice %arg12[%add3A_92, %dma_start3A_95] : memref<10240x128xf32, #tpu.memory_space<vmem_shared>> -> memref<128x128xf32, #tpu.memory_space<vmem_shared>>
        tpu.enqueue_dma source(%arg10 : memref<128x128xf32, #tpu.memory_space<vmem>>) target(%dma_start3A_96 : memref<128x128xf32, #tpu.memory_space<vmem_shared>>) target_semaphore(%run_scoped3A : memref<!tpu.dma_semaphore, #tpu.memory_space<semaphore_mem>>)
        %dma_wait3A_97 = arith.constant 0 : i32
        %dma_wait3A_98 = tpu.memref_slice %arg12[%add3A_92, %dma_wait3A_97] : memref<10240x128xf32, #tpu.memory_space<vmem_shared>> -> memref<128x128xf32, #tpu.memory_space<vmem_shared>>
        %dma_wait3A_99 = arith.constant 0 : i32
        %dma_wait3A_100 = tpu.memref_slice %arg12[%add3A_92, %dma_wait3A_99] : memref<10240x128xf32, #tpu.memory_space<vmem_shared>> -> memref<128x128xf32, #tpu.memory_space<vmem_shared>>
        tpu.wait_dma2 semaphore(%run_scoped3A : memref<!tpu.dma_semaphore, #tpu.memory_space<semaphore_mem>>) src(%arg10 : memref<128x128xf32, #tpu.memory_space<vmem>>) dst(%dma_wait3A_100 : memref<128x128xf32, #tpu.memory_space<vmem_shared>>)
        tpu.yield
      }) : () -> ()
    }
    %scan3A_11 = arith.constant 5 : i32
    %barrier3A = arith.constant 0 : index
    tpu.barrier barrier_id(%barrier3A)
    %eq3A = arith.constant 0 : i32
    %eq3A_12 = arith.cmpi eq, %arg0, %eq3A : i32
    %mul3A_13 = arith.constant 18 : i32
    %mul3A_14 = arith.muli %arg1, %mul3A_13 : i32
    %mul3A_15 = arith.constant 2 : i32
    %mul3A_16 = arith.muli %arg1, %mul3A_15 : i32
    %add3A = arith.constant 288 : i32
    %add3A_17 = arith.addi %add3A, %mul3A_16 : i32
    %select_n3A = arith.select %eq3A_12, %mul3A_14, %add3A_17 : i32
    %eq3A_18 = arith.constant 0 : i32
    %eq3A_19 = arith.cmpi eq, %arg0, %eq3A_18 : i32
    %jit3A = arith.constant 18 : i32
    %jit3A_20 = arith.constant 2 : i32
    %select_n3A_21 = arith.select %eq3A_19, %jit3A, %jit3A_20 : i32
    %jit3A_22 = arith.constant 2 : i32
    %div3A = arith.divsi %select_n3A_21, %jit3A_22 : i32
    %sign3A = arith.constant 0 : i32
    %sign3A_23 = arith.cmpi sgt, %select_n3A_21, %sign3A : i32
    %sign3A_24 = arith.extui %sign3A_23 : i1 to i32
    %sign3A_25 = arith.constant 0 : i32
    %sign3A_26 = arith.cmpi slt, %select_n3A_21, %sign3A_25 : i32
    %sign3A_27 = arith.extui %sign3A_26 : i1 to i32
    %sign3A_28 = arith.subi %sign3A_24, %sign3A_27 : i32
    %sign3A_29 = arith.constant 0 : i32
    %sign3A_30 = arith.cmpi sgt, %jit3A_22, %sign3A_29 : i32
    %sign3A_31 = arith.extui %sign3A_30 : i1 to i32
    %sign3A_32 = arith.constant 0 : i32
    %sign3A_33 = arith.cmpi slt, %jit3A_22, %sign3A_32 : i32
    %sign3A_34 = arith.extui %sign3A_33 : i1 to i32
    %sign3A_35 = arith.subi %sign3A_31, %sign3A_34 : i32
    %ne3A = arith.cmpi ne, %sign3A_28, %sign3A_35 : i32
    %rem3A = arith.remsi %select_n3A_21, %jit3A_22 : i32
    %ne3A_36 = arith.constant 0 : i32
    %ne3A_37 = arith.cmpi ne, %rem3A, %ne3A_36 : i32
    %and3A = arith.andi %ne3A, %ne3A_37 : i1
    %sub3A = arith.constant 1 : i32
    %sub3A_38 = arith.subi %div3A, %sub3A : i32
    %select_n3A_39 = arith.select %and3A, %sub3A_38, %div3A : i32
    %dma_start3A = arith.constant 0 : i32
    %dma_start3A_40 = arith.constant 0 : i32
    %dma_start3A_41 = tpu.memref_slice %arg3[%select_n3A, %dma_start3A, %dma_start3A_40] : memref<320x8x128xi32, #tpu.memory_space<hbm>> -> memref<1x8x128xi32, #tpu.memory_space<hbm>>
    %dma_start3A_42 = tpu.memref_squeeze %dma_start3A_41 : memref<1x8x128xi32, #tpu.memory_space<hbm>> -> memref<8x128xi32, #tpu.memory_space<hbm>>
    %dma_start3A_43 = arith.constant 0 : i32
    %dma_start3A_44 = arith.constant 0 : i32
    %dma_start3A_45 = tpu.memref_slice %arg3[%select_n3A, %dma_start3A_43, %dma_start3A_44] : memref<320x8x128xi32, #tpu.memory_space<hbm>> -> memref<1x8x128xi32, #tpu.memory_space<hbm>>
    %dma_start3A_46 = tpu.memref_squeeze %dma_start3A_45 : memref<1x8x128xi32, #tpu.memory_space<hbm>> -> memref<8x128xi32, #tpu.memory_space<hbm>>
    tpu.enqueue_dma source(%dma_start3A_46 : memref<8x128xi32, #tpu.memory_space<hbm>>) target(%arg6 : memref<8x128xi32, #tpu.memory_space<vmem>>) target_semaphore(%arg13 : memref<!tpu.dma_semaphore, #tpu.memory_space<semaphore_mem>>)
    %dma_start3A_47 = arith.constant 0 : i32
    %dma_start3A_48 = arith.constant 0 : i32
    %dma_start3A_49 = tpu.memref_slice %arg4[%select_n3A, %dma_start3A_47, %dma_start3A_48] : memref<320x8x128xi32, #tpu.memory_space<hbm>> -> memref<1x8x128xi32, #tpu.memory_space<hbm>>
    %dma_start3A_50 = tpu.memref_squeeze %dma_start3A_49 : memref<1x8x128xi32, #tpu.memory_space<hbm>> -> memref<8x128xi32, #tpu.memory_space<hbm>>
    %dma_start3A_51 = arith.constant 0 : i32
    %dma_start3A_52 = arith.constant 0 : i32
    %dma_start3A_53 = tpu.memref_slice %arg4[%select_n3A, %dma_start3A_51, %dma_start3A_52] : memref<320x8x128xi32, #tpu.memory_space<hbm>> -> memref<1x8x128xi32, #tpu.memory_space<hbm>>
    %dma_start3A_54 = tpu.memref_squeeze %dma_start3A_53 : memref<1x8x128xi32, #tpu.memory_space<hbm>> -> memref<8x128xi32, #tpu.memory_space<hbm>>
    tpu.enqueue_dma source(%dma_start3A_54 : memref<8x128xi32, #tpu.memory_space<hbm>>) target(%arg8 : memref<8x128xi32, #tpu.memory_space<vmem>>) target_semaphore(%arg15 : memref<!tpu.dma_semaphore, #tpu.memory_space<semaphore_mem>>)
    %while3A = arith.constant 0 : i32
    %while3A_55 = arith.constant 0 : i32
    %while3A_56 = arith.subi %select_n3A_39, %while3A_55 : i32
    %while3A_57 = arith.addi %while3A_55, %while3A_56 : i32
    %while3A_58 = arith.constant 1 : i32
    %while3A_59 = arith.divsi %while3A_56, %while3A_58 : i32
    %while3A_60 = arith.muli %while3A_59, %while3A_58 : i32
    %while3A_61 = arith.addi %while3A_55, %while3A_60 : i32
    %while3A_62 = arith.constant 1 : i32
    scf.for %while3A_89 = %while3A_55 to %while3A_61 step %while3A_62  : i32 {
      %mul3A_90 = arith.constant 2 : i32
      %mul3A_91 = arith.muli %mul3A_90, %while3A_89 : i32
      %add3A_92 = arith.addi %select_n3A, %mul3A_91 : i32
      %add3A_93 = arith.constant 0 : i32
      %add3A_94 = arith.addi %add3A_92, %add3A_93 : i32
      %dma_wait3A_95 = arith.constant 0 : i32
      %dma_wait3A_96 = arith.constant 0 : i32
      %dma_wait3A_97 = tpu.memref_slice %arg3[%select_n3A, %dma_wait3A_95, %dma_wait3A_96] : memref<320x8x128xi32, #tpu.memory_space<hbm>> -> memref<1x8x128xi32, #tpu.memory_space<hbm>>
      %dma_wait3A_98 = tpu.memref_squeeze %dma_wait3A_97 : memref<1x8x128xi32, #tpu.memory_space<hbm>> -> memref<8x128xi32, #tpu.memory_space<hbm>>
      %dma_wait3A_99 = arith.constant 0 : i32
      %dma_wait3A_100 = arith.constant 0 : i32
      %dma_wait3A_101 = tpu.memref_slice %arg3[%select_n3A, %dma_wait3A_99, %dma_wait3A_100] : memref<320x8x128xi32, #tpu.memory_space<hbm>> -> memref<1x8x128xi32, #tpu.memory_space<hbm>>
      %dma_wait3A_102 = tpu.memref_squeeze %dma_wait3A_101 : memref<1x8x128xi32, #tpu.memory_space<hbm>> -> memref<8x128xi32, #tpu.memory_space<hbm>>
      tpu.wait_dma2 semaphore(%arg13 : memref<!tpu.dma_semaphore, #tpu.memory_space<semaphore_mem>>) src(%dma_wait3A_102 : memref<8x128xi32, #tpu.memory_space<hbm>>) dst(%arg6 : memref<8x128xi32, #tpu.memory_space<vmem>>)
      %dma_wait3A_103 = arith.constant 0 : i32
      %dma_wait3A_104 = arith.constant 0 : i32
      %dma_wait3A_105 = tpu.memref_slice %arg4[%select_n3A, %dma_wait3A_103, %dma_wait3A_104] : memref<320x8x128xi32, #tpu.memory_space<hbm>> -> memref<1x8x128xi32, #tpu.memory_space<hbm>>
      %dma_wait3A_106 = tpu.memref_squeeze %dma_wait3A_105 : memref<1x8x128xi32, #tpu.memory_space<hbm>> -> memref<8x128xi32, #tpu.memory_space<hbm>>
      %dma_wait3A_107 = arith.constant 0 : i32
      %dma_wait3A_108 = arith.constant 0 : i32
      %dma_wait3A_109 = tpu.memref_slice %arg4[%select_n3A, %dma_wait3A_107, %dma_wait3A_108] : memref<320x8x128xi32, #tpu.memory_space<hbm>> -> memref<1x8x128xi32, #tpu.memory_space<hbm>>
      %dma_wait3A_110 = tpu.memref_squeeze %dma_wait3A_109 : memref<1x8x128xi32, #tpu.memory_space<hbm>> -> memref<8x128xi32, #tpu.memory_space<hbm>>
      tpu.wait_dma2 semaphore(%arg15 : memref<!tpu.dma_semaphore, #tpu.memory_space<semaphore_mem>>) src(%dma_wait3A_110 : memref<8x128xi32, #tpu.memory_space<hbm>>) dst(%arg8 : memref<8x128xi32, #tpu.memory_space<vmem>>)
      %gt3A = arith.constant 0 : i32
      %gt3A_111 = arith.cmpi sgt, %while3A_89, %gt3A : i32
      %convert_element_type3A = arith.extui %gt3A_111 : i1 to i32
      %cond3A = arith.constant 0 : i32
      %cond3A_112 = arith.cmpi ne, %convert_element_type3A, %cond3A : i32
      scf.if %cond3A_112 {
        %dma_wait3A_554 = arith.constant 0 : i32
        %dma_wait3A_555 = arith.constant 0 : i32
        %dma_wait3A_556 = tpu.memref_slice %arg2[%dma_wait3A_554, %dma_wait3A_555] : memref<10240x128xf32, #tpu.memory_space<hbm>> -> memref<128x128xf32, #tpu.memory_space<hbm>>
        %dma_wait3A_557 = arith.constant 0 : i32
        %dma_wait3A_558 = arith.constant 0 : i32
        %dma_wait3A_559 = tpu.memref_slice %arg2[%dma_wait3A_557, %dma_wait3A_558] : memref<10240x128xf32, #tpu.memory_space<hbm>> -> memref<128x128xf32, #tpu.memory_space<hbm>>
        tpu.wait_dma2 semaphore(%arg19 : memref<!tpu.dma_semaphore, #tpu.memory_space<semaphore_mem>>) src(%dma_wait3A_559 : memref<128x128xf32, #tpu.memory_space<hbm>>) dst(%arg10 : memref<128x128xf32, #tpu.memory_space<vmem>>)
      } else {
      }
      %dma_start3A_113 = arith.constant 0 : i32
      %dma_start3A_114 = arith.constant 0 : i32
      %dma_start3A_115 = tpu.memref_slice %arg6[%dma_start3A_113, %dma_start3A_114] : memref<8x128xi32, #tpu.memory_space<vmem>> -> memref<1x128xi32, #tpu.memory_space<vmem>>
      %dma_start3A_116 = tpu.memref_squeeze %dma_start3A_115 : memref<1x128xi32, #tpu.memory_space<vmem>> -> memref<128xi32, #tpu.memory_space<vmem>>
      %dma_start3A_117 = arith.constant 0 : i32
      %dma_start3A_118 = arith.constant 0 : i32
      %dma_start3A_119 = tpu.memref_slice %arg2[%dma_start3A_117, %dma_start3A_118] : memref<10240x128xf32, #tpu.memory_space<hbm>> -> memref<10240x128xf32, #tpu.memory_space<hbm>>
      tpu.enqueue_indirect_dma source(%dma_start3A_119 : memref<10240x128xf32, #tpu.memory_space<hbm>>) target(%arg10 : memref<128x128xf32, #tpu.memory_space<vmem>>) offsets(%dma_start3A_116 : memref<128xi32, #tpu.memory_space<vmem>>) semaphore(%arg17 : memref<!tpu.dma_semaphore, #tpu.memory_space<semaphore_mem>>)
      %gt3A_120 = arith.constant 0 : i32
      %gt3A_121 = arith.cmpi sgt, %while3A_89, %gt3A_120 : i32
      %convert_element_type3A_122 = arith.extui %gt3A_121 : i1 to i32
      %cond3A_123 = arith.constant 0 : i32
      %cond3A_124 = arith.cmpi ne, %convert_element_type3A_122, %cond3A_123 : i32
      scf.if %cond3A_124 {
        %dma_wait3A_554 = arith.constant 0 : i32
        %dma_wait3A_555 = arith.constant 0 : i32
        %dma_wait3A_556 = tpu.memref_slice %arg2[%dma_wait3A_554, %dma_wait3A_555] : memref<10240x128xf32, #tpu.memory_space<hbm>> -> memref<128x128xf32, #tpu.memory_space<hbm>>
        %dma_wait3A_557 = arith.constant 0 : i32
        %dma_wait3A_558 = arith.constant 0 : i32
        %dma_wait3A_559 = tpu.memref_slice %arg2[%dma_wait3A_557, %dma_wait3A_558] : memref<10240x128xf32, #tpu.memory_space<hbm>> -> memref<128x128xf32, #tpu.memory_space<hbm>>
        tpu.wait_dma2 semaphore(%arg18 : memref<!tpu.dma_semaphore, #tpu.memory_space<semaphore_mem>>) src(%dma_wait3A_559 : memref<128x128xf32, #tpu.memory_space<hbm>>) dst(%arg11 : memref<128x128xf32, #tpu.memory_space<vmem>>)
        %dma_start3A_560 = arith.constant 7 : i32
        %dma_start3A_561 = arith.constant 0 : i32
        %dma_start3A_562 = tpu.memref_slice %arg9[%dma_start3A_560, %dma_start3A_561] : memref<8x128xi32, #tpu.memory_space<vmem>> -> memref<1x128xi32, #tpu.memory_space<vmem>>
        %dma_start3A_563 = tpu.memref_squeeze %dma_start3A_562 : memref<1x128xi32, #tpu.memory_space<vmem>> -> memref<128xi32, #tpu.memory_space<vmem>>
        %dma_start3A_564 = arith.constant 0 : i32
        %dma_start3A_565 = arith.constant 0 : i32
        %dma_start3A_566 = tpu.memref_slice %arg12[%dma_start3A_564, %dma_start3A_565] : memref<10240x128xf32, #tpu.memory_space<vmem_shared>> -> memref<10240x128xf32, #tpu.memory_space<vmem_shared>>
        tpu.enqueue_indirect_dma source(%arg11 : memref<128x128xf32, #tpu.memory_space<vmem>>) target(%dma_start3A_566 : memref<10240x128xf32, #tpu.memory_space<vmem_shared>>) offsets(%dma_start3A_563 : memref<128xi32, #tpu.memory_space<vmem>>) semaphore(%arg20 : memref<!tpu.dma_semaphore, #tpu.memory_space<semaphore_mem>>) {add = true}
      } else {
      }
      %gt3A_125 = arith.constant 0 : i32
      %gt3A_126 = arith.cmpi sgt, %while3A_89, %gt3A_125 : i32
      %convert_element_type3A_127 = arith.extui %gt3A_126 : i1 to i32
      %cond3A_128 = arith.constant 0 : i32
      %cond3A_129 = arith.cmpi ne, %convert_element_type3A_127, %cond3A_128 : i32
      scf.if %cond3A_129 {
        %dma_wait3A_554 = arith.constant 0 : i32
        %dma_wait3A_555 = arith.constant 0 : i32
        %dma_wait3A_556 = tpu.memref_slice %arg2[%dma_wait3A_554, %dma_wait3A_555] : memref<10240x128xf32, #tpu.memory_space<hbm>> -> memref<128x128xf32, #tpu.memory_space<hbm>>
        %dma_wait3A_557 = arith.constant 0 : i32
        %dma_wait3A_558 = arith.constant 0 : i32
        %dma_wait3A_559 = tpu.memref_slice %arg2[%dma_wait3A_557, %dma_wait3A_558] : memref<10240x128xf32, #tpu.memory_space<hbm>> -> memref<128x128xf32, #tpu.memory_space<hbm>>
        tpu.wait_dma2 semaphore(%arg20 : memref<!tpu.dma_semaphore, #tpu.memory_space<semaphore_mem>>) src(%dma_wait3A_559 : memref<128x128xf32, #tpu.memory_space<hbm>>) dst(%arg11 : memref<128x128xf32, #tpu.memory_space<vmem>>)
      } else {
      }
      %dma_start3A_130 = arith.constant 1 : i32
      %dma_start3A_131 = arith.constant 0 : i32
      %dma_start3A_132 = tpu.memref_slice %arg6[%dma_start3A_130, %dma_start3A_131] : memref<8x128xi32, #tpu.memory_space<vmem>> -> memref<1x128xi32, #tpu.memory_space<vmem>>
      %dma_start3A_133 = tpu.memref_squeeze %dma_start3A_132 : memref<1x128xi32, #tpu.memory_space<vmem>> -> memref<128xi32, #tpu.memory_space<vmem>>
      %dma_start3A_134 = arith.constant 0 : i32
      %dma_start3A_135 = arith.constant 0 : i32
      %dma_start3A_136 = tpu.memref_slice %arg2[%dma_start3A_134, %dma_start3A_135] : memref<10240x128xf32, #tpu.memory_space<hbm>> -> memref<10240x128xf32, #tpu.memory_space<hbm>>
      tpu.enqueue_indirect_dma source(%dma_start3A_136 : memref<10240x128xf32, #tpu.memory_space<hbm>>) target(%arg11 : memref<128x128xf32, #tpu.memory_space<vmem>>) offsets(%dma_start3A_133 : memref<128xi32, #tpu.memory_space<vmem>>) semaphore(%arg18 : memref<!tpu.dma_semaphore, #tpu.memory_space<semaphore_mem>>)
      %dma_wait3A_137 = arith.constant 0 : i32
      %dma_wait3A_138 = arith.constant 0 : i32
      %dma_wait3A_139 = tpu.memref_slice %arg2[%dma_wait3A_137, %dma_wait3A_138] : memref<10240x128xf32, #tpu.memory_space<hbm>> -> memref<128x128xf32, #tpu.memory_space<hbm>>
      %dma_wait3A_140 = arith.constant 0 : i32
      %dma_wait3A_141 = arith.constant 0 : i32
      %dma_wait3A_142 = tpu.memref_slice %arg2[%dma_wait3A_140, %dma_wait3A_141] : memref<10240x128xf32, #tpu.memory_space<hbm>> -> memref<128x128xf32, #tpu.memory_space<hbm>>
      tpu.wait_dma2 semaphore(%arg17 : memref<!tpu.dma_semaphore, #tpu.memory_space<semaphore_mem>>) src(%dma_wait3A_142 : memref<128x128xf32, #tpu.memory_space<hbm>>) dst(%arg10 : memref<128x128xf32, #tpu.memory_space<vmem>>)
      %dma_start3A_143 = arith.constant 0 : i32
      %dma_start3A_144 = arith.constant 0 : i32
      %dma_start3A_145 = tpu.memref_slice %arg8[%dma_start3A_143, %dma_start3A_144] : memref<8x128xi32, #tpu.memory_space<vmem>> -> memref<1x128xi32, #tpu.memory_space<vmem>>
      %dma_start3A_146 = tpu.memref_squeeze %dma_start3A_145 : memref<1x128xi32, #tpu.memory_space<vmem>> -> memref<128xi32, #tpu.memory_space<vmem>>
      %dma_start3A_147 = arith.constant 0 : i32
      %dma_start3A_148 = arith.constant 0 : i32
      %dma_start3A_149 = tpu.memref_slice %arg12[%dma_start3A_147, %dma_start3A_148] : memref<10240x128xf32, #tpu.memory_space<vmem_shared>> -> memref<10240x128xf32, #tpu.memory_space<vmem_shared>>
      tpu.enqueue_indirect_dma source(%arg10 : memref<128x128xf32, #tpu.memory_space<vmem>>) target(%dma_start3A_149 : memref<10240x128xf32, #tpu.memory_space<vmem_shared>>) offsets(%dma_start3A_146 : memref<128xi32, #tpu.memory_space<vmem>>) semaphore(%arg19 : memref<!tpu.dma_semaphore, #tpu.memory_space<semaphore_mem>>) {add = true}
      %dma_wait3A_150 = arith.constant 0 : i32
      %dma_wait3A_151 = arith.constant 0 : i32
      %dma_wait3A_152 = tpu.memref_slice %arg2[%dma_wait3A_150, %dma_wait3A_151] : memref<10240x128xf32, #tpu.memory_space<hbm>> -> memref<128x128xf32, #tpu.memory_space<hbm>>
      %dma_wait3A_153 = arith.constant 0 : i32
      %dma_wait3A_154 = arith.constant 0 : i32
      %dma_wait3A_155 = tpu.memref_slice %arg2[%dma_wait3A_153, %dma_wait3A_154] : memref<10240x128xf32, #tpu.memory_space<hbm>> -> memref<128x128xf32, #tpu.memory_space<hbm>>
      tpu.wait_dma2 semaphore(%arg19 : memref<!tpu.dma_semaphore, #tpu.memory_space<semaphore_mem>>) src(%dma_wait3A_155 : memref<128x128xf32, #tpu.memory_space<hbm>>) dst(%arg10 : memref<128x128xf32, #tpu.memory_space<vmem>>)
      %dma_start3A_156 = arith.constant 2 : i32
      %dma_start3A_157 = arith.constant 0 : i32
      %dma_start3A_158 = tpu.memref_slice %arg6[%dma_start3A_156, %dma_start3A_157] : memref<8x128xi32, #tpu.memory_space<vmem>> -> memref<1x128xi32, #tpu.memory_space<vmem>>
      %dma_start3A_159 = tpu.memref_squeeze %dma_start3A_158 : memref<1x128xi32, #tpu.memory_space<vmem>> -> memref<128xi32, #tpu.memory_space<vmem>>
      %dma_start3A_160 = arith.constant 0 : i32
      %dma_start3A_161 = arith.constant 0 : i32
      %dma_start3A_162 = tpu.memref_slice %arg2[%dma_start3A_160, %dma_start3A_161] : memref<10240x128xf32, #tpu.memory_space<hbm>> -> memref<10240x128xf32, #tpu.memory_space<hbm>>
      tpu.enqueue_indirect_dma source(%dma_start3A_162 : memref<10240x128xf32, #tpu.memory_space<hbm>>) target(%arg10 : memref<128x128xf32, #tpu.memory_space<vmem>>) offsets(%dma_start3A_159 : memref<128xi32, #tpu.memory_space<vmem>>) semaphore(%arg17 : memref<!tpu.dma_semaphore, #tpu.memory_space<semaphore_mem>>)
      %dma_wait3A_163 = arith.constant 0 : i32
      %dma_wait3A_164 = arith.constant 0 : i32
      %dma_wait3A_165 = tpu.memref_slice %arg2[%dma_wait3A_163, %dma_wait3A_164] : memref<10240x128xf32, #tpu.memory_space<hbm>> -> memref<128x128xf32, #tpu.memory_space<hbm>>
      %dma_wait3A_166 = arith.constant 0 : i32
      %dma_wait3A_167 = arith.constant 0 : i32
      %dma_wait3A_168 = tpu.memref_slice %arg2[%dma_wait3A_166, %dma_wait3A_167] : memref<10240x128xf32, #tpu.memory_space<hbm>> -> memref<128x128xf32, #tpu.memory_space<hbm>>
      tpu.wait_dma2 semaphore(%arg18 : memref<!tpu.dma_semaphore, #tpu.memory_space<semaphore_mem>>) src(%dma_wait3A_168 : memref<128x128xf32, #tpu.memory_space<hbm>>) dst(%arg11 : memref<128x128xf32, #tpu.memory_space<vmem>>)
      %dma_start3A_169 = arith.constant 1 : i32
      %dma_start3A_170 = arith.constant 0 : i32
      %dma_start3A_171 = tpu.memref_slice %arg8[%dma_start3A_169, %dma_start3A_170] : memref<8x128xi32, #tpu.memory_space<vmem>> -> memref<1x128xi32, #tpu.memory_space<vmem>>
      %dma_start3A_172 = tpu.memref_squeeze %dma_start3A_171 : memref<1x128xi32, #tpu.memory_space<vmem>> -> memref<128xi32, #tpu.memory_space<vmem>>
      %dma_start3A_173 = arith.constant 0 : i32
      %dma_start3A_174 = arith.constant 0 : i32
      %dma_start3A_175 = tpu.memref_slice %arg12[%dma_start3A_173, %dma_start3A_174] : memref<10240x128xf32, #tpu.memory_space<vmem_shared>> -> memref<10240x128xf32, #tpu.memory_space<vmem_shared>>
      tpu.enqueue_indirect_dma source(%arg11 : memref<128x128xf32, #tpu.memory_space<vmem>>) target(%dma_start3A_175 : memref<10240x128xf32, #tpu.memory_space<vmem_shared>>) offsets(%dma_start3A_172 : memref<128xi32, #tpu.memory_space<vmem>>) semaphore(%arg20 : memref<!tpu.dma_semaphore, #tpu.memory_space<semaphore_mem>>) {add = true}
      %mul3A_176 = arith.constant 2 : i32
      %mul3A_177 = arith.muli %mul3A_176, %while3A_89 : i32
      %add3A_178 = arith.constant 0 : i32
      %add3A_179 = arith.addi %mul3A_177, %add3A_178 : i32
      %add3A_180 = arith.constant 1 : i32
      %add3A_181 = arith.addi %add3A_179, %add3A_180 : i32
      %lt3A = arith.cmpi slt, %add3A_181, %select_n3A_21 : i32
      %convert_element_type3A_182 = arith.extui %lt3A : i1 to i32
      %cond3A_183 = arith.constant 0 : i32
      %cond3A_184 = arith.cmpi ne, %convert_element_type3A_182, %cond3A_183 : i32
      scf.if %cond3A_184 {
        %add3A_554 = arith.constant 1 : i32
        %add3A_555 = arith.addi %add3A_94, %add3A_554 : i32
        %dma_start3A_556 = arith.constant 0 : i32
        %dma_start3A_557 = arith.constant 0 : i32
        %dma_start3A_558 = tpu.memref_slice %arg3[%add3A_555, %dma_start3A_556, %dma_start3A_557] : memref<320x8x128xi32, #tpu.memory_space<hbm>> -> memref<1x8x128xi32, #tpu.memory_space<hbm>>
        %dma_start3A_559 = tpu.memref_squeeze %dma_start3A_558 : memref<1x8x128xi32, #tpu.memory_space<hbm>> -> memref<8x128xi32, #tpu.memory_space<hbm>>
        %dma_start3A_560 = arith.constant 0 : i32
        %dma_start3A_561 = arith.constant 0 : i32
        %dma_start3A_562 = tpu.memref_slice %arg3[%add3A_555, %dma_start3A_560, %dma_start3A_561] : memref<320x8x128xi32, #tpu.memory_space<hbm>> -> memref<1x8x128xi32, #tpu.memory_space<hbm>>
        %dma_start3A_563 = tpu.memref_squeeze %dma_start3A_562 : memref<1x8x128xi32, #tpu.memory_space<hbm>> -> memref<8x128xi32, #tpu.memory_space<hbm>>
        tpu.enqueue_dma source(%dma_start3A_563 : memref<8x128xi32, #tpu.memory_space<hbm>>) target(%arg7 : memref<8x128xi32, #tpu.memory_space<vmem>>) target_semaphore(%arg14 : memref<!tpu.dma_semaphore, #tpu.memory_space<semaphore_mem>>)
        %add3A_564 = arith.constant 1 : i32
        %add3A_565 = arith.addi %add3A_94, %add3A_564 : i32
        %dma_start3A_566 = arith.constant 0 : i32
        %dma_start3A_567 = arith.constant 0 : i32
        %dma_start3A_568 = tpu.memref_slice %arg4[%add3A_565, %dma_start3A_566, %dma_start3A_567] : memref<320x8x128xi32, #tpu.memory_space<hbm>> -> memref<1x8x128xi32, #tpu.memory_space<hbm>>
        %dma_start3A_569 = tpu.memref_squeeze %dma_start3A_568 : memref<1x8x128xi32, #tpu.memory_space<hbm>> -> memref<8x128xi32, #tpu.memory_space<hbm>>
        %dma_start3A_570 = arith.constant 0 : i32
        %dma_start3A_571 = arith.constant 0 : i32
        %dma_start3A_572 = tpu.memref_slice %arg4[%add3A_565, %dma_start3A_570, %dma_start3A_571] : memref<320x8x128xi32, #tpu.memory_space<hbm>> -> memref<1x8x128xi32, #tpu.memory_space<hbm>>
        %dma_start3A_573 = tpu.memref_squeeze %dma_start3A_572 : memref<1x8x128xi32, #tpu.memory_space<hbm>> -> memref<8x128xi32, #tpu.memory_space<hbm>>
        tpu.enqueue_dma source(%dma_start3A_573 : memref<8x128xi32, #tpu.memory_space<hbm>>) target(%arg9 : memref<8x128xi32, #tpu.memory_space<vmem>>) target_semaphore(%arg16 : memref<!tpu.dma_semaphore, #tpu.memory_space<semaphore_mem>>)
      } else {
      }
      %dma_wait3A_185 = arith.constant 0 : i32
      %dma_wait3A_186 = arith.constant 0 : i32
      %dma_wait3A_187 = tpu.memref_slice %arg2[%dma_wait3A_185, %dma_wait3A_186] : memref<10240x128xf32, #tpu.memory_space<hbm>> -> memref<128x128xf32, #tpu.memory_space<hbm>>
      %dma_wait3A_188 = arith.constant 0 : i32
      %dma_wait3A_189 = arith.constant 0 : i32
      %dma_wait3A_190 = tpu.memref_slice %arg2[%dma_wait3A_188, %dma_wait3A_189] : memref<10240x128xf32, #tpu.memory_space<hbm>> -> memref<128x128xf32, #tpu.memory_space<hbm>>
      tpu.wait_dma2 semaphore(%arg20 : memref<!tpu.dma_semaphore, #tpu.memory_space<semaphore_mem>>) src(%dma_wait3A_190 : memref<128x128xf32, #tpu.memory_space<hbm>>) dst(%arg11 : memref<128x128xf32, #tpu.memory_space<vmem>>)
      %dma_start3A_191 = arith.constant 3 : i32
      %dma_start3A_192 = arith.constant 0 : i32
      %dma_start3A_193 = tpu.memref_slice %arg6[%dma_start3A_191, %dma_start3A_192] : memref<8x128xi32, #tpu.memory_space<vmem>> -> memref<1x128xi32, #tpu.memory_space<vmem>>
      %dma_start3A_194 = tpu.memref_squeeze %dma_start3A_193 : memref<1x128xi32, #tpu.memory_space<vmem>> -> memref<128xi32, #tpu.memory_space<vmem>>
      %dma_start3A_195 = arith.constant 0 : i32
      %dma_start3A_196 = arith.constant 0 : i32
      %dma_start3A_197 = tpu.memref_slice %arg2[%dma_start3A_195, %dma_start3A_196] : memref<10240x128xf32, #tpu.memory_space<hbm>> -> memref<10240x128xf32, #tpu.memory_space<hbm>>
      tpu.enqueue_indirect_dma source(%dma_start3A_197 : memref<10240x128xf32, #tpu.memory_space<hbm>>) target(%arg11 : memref<128x128xf32, #tpu.memory_space<vmem>>) offsets(%dma_start3A_194 : memref<128xi32, #tpu.memory_space<vmem>>) semaphore(%arg18 : memref<!tpu.dma_semaphore, #tpu.memory_space<semaphore_mem>>)
      %dma_wait3A_198 = arith.constant 0 : i32
      %dma_wait3A_199 = arith.constant 0 : i32
      %dma_wait3A_200 = tpu.memref_slice %arg2[%dma_wait3A_198, %dma_wait3A_199] : memref<10240x128xf32, #tpu.memory_space<hbm>> -> memref<128x128xf32, #tpu.memory_space<hbm>>
      %dma_wait3A_201 = arith.constant 0 : i32
      %dma_wait3A_202 = arith.constant 0 : i32
      %dma_wait3A_203 = tpu.memref_slice %arg2[%dma_wait3A_201, %dma_wait3A_202] : memref<10240x128xf32, #tpu.memory_space<hbm>> -> memref<128x128xf32, #tpu.memory_space<hbm>>
      tpu.wait_dma2 semaphore(%arg17 : memref<!tpu.dma_semaphore, #tpu.memory_space<semaphore_mem>>) src(%dma_wait3A_203 : memref<128x128xf32, #tpu.memory_space<hbm>>) dst(%arg10 : memref<128x128xf32, #tpu.memory_space<vmem>>)
      %dma_start3A_204 = arith.constant 2 : i32
      %dma_start3A_205 = arith.constant 0 : i32
      %dma_start3A_206 = tpu.memref_slice %arg8[%dma_start3A_204, %dma_start3A_205] : memref<8x128xi32, #tpu.memory_space<vmem>> -> memref<1x128xi32, #tpu.memory_space<vmem>>
      %dma_start3A_207 = tpu.memref_squeeze %dma_start3A_206 : memref<1x128xi32, #tpu.memory_space<vmem>> -> memref<128xi32, #tpu.memory_space<vmem>>
      %dma_start3A_208 = arith.constant 0 : i32
      %dma_start3A_209 = arith.constant 0 : i32
      %dma_start3A_210 = tpu.memref_slice %arg12[%dma_start3A_208, %dma_start3A_209] : memref<10240x128xf32, #tpu.memory_space<vmem_shared>> -> memref<10240x128xf32, #tpu.memory_space<vmem_shared>>
      tpu.enqueue_indirect_dma source(%arg10 : memref<128x128xf32, #tpu.memory_space<vmem>>) target(%dma_start3A_210 : memref<10240x128xf32, #tpu.memory_space<vmem_shared>>) offsets(%dma_start3A_207 : memref<128xi32, #tpu.memory_space<vmem>>) semaphore(%arg19 : memref<!tpu.dma_semaphore, #tpu.memory_space<semaphore_mem>>) {add = true}
      %dma_wait3A_211 = arith.constant 0 : i32
      %dma_wait3A_212 = arith.constant 0 : i32
      %dma_wait3A_213 = tpu.memref_slice %arg2[%dma_wait3A_211, %dma_wait3A_212] : memref<10240x128xf32, #tpu.memory_space<hbm>> -> memref<128x128xf32, #tpu.memory_space<hbm>>
      %dma_wait3A_214 = arith.constant 0 : i32
      %dma_wait3A_215 = arith.constant 0 : i32
      %dma_wait3A_216 = tpu.memref_slice %arg2[%dma_wait3A_214, %dma_wait3A_215] : memref<10240x128xf32, #tpu.memory_space<hbm>> -> memref<128x128xf32, #tpu.memory_space<hbm>>
      tpu.wait_dma2 semaphore(%arg19 : memref<!tpu.dma_semaphore, #tpu.memory_space<semaphore_mem>>) src(%dma_wait3A_216 : memref<128x128xf32, #tpu.memory_space<hbm>>) dst(%arg10 : memref<128x128xf32, #tpu.memory_space<vmem>>)
      %dma_start3A_217 = arith.constant 4 : i32
      %dma_start3A_218 = arith.constant 0 : i32
      %dma_start3A_219 = tpu.memref_slice %arg6[%dma_start3A_217, %dma_start3A_218] : memref<8x128xi32, #tpu.memory_space<vmem>> -> memref<1x128xi32, #tpu.memory_space<vmem>>
      %dma_start3A_220 = tpu.memref_squeeze %dma_start3A_219 : memref<1x128xi32, #tpu.memory_space<vmem>> -> memref<128xi32, #tpu.memory_space<vmem>>
      %dma_start3A_221 = arith.constant 0 : i32
      %dma_start3A_222 = arith.constant 0 : i32
      %dma_start3A_223 = tpu.memref_slice %arg2[%dma_start3A_221, %dma_start3A_222] : memref<10240x128xf32, #tpu.memory_space<hbm>> -> memref<10240x128xf32, #tpu.memory_space<hbm>>
      tpu.enqueue_indirect_dma source(%dma_start3A_223 : memref<10240x128xf32, #tpu.memory_space<hbm>>) target(%arg10 : memref<128x128xf32, #tpu.memory_space<vmem>>) offsets(%dma_start3A_220 : memref<128xi32, #tpu.memory_space<vmem>>) semaphore(%arg17 : memref<!tpu.dma_semaphore, #tpu.memory_space<semaphore_mem>>)
      %dma_wait3A_224 = arith.constant 0 : i32
      %dma_wait3A_225 = arith.constant 0 : i32
      %dma_wait3A_226 = tpu.memref_slice %arg2[%dma_wait3A_224, %dma_wait3A_225] : memref<10240x128xf32, #tpu.memory_space<hbm>> -> memref<128x128xf32, #tpu.memory_space<hbm>>
      %dma_wait3A_227 = arith.constant 0 : i32
      %dma_wait3A_228 = arith.constant 0 : i32
      %dma_wait3A_229 = tpu.memref_slice %arg2[%dma_wait3A_227, %dma_wait3A_228] : memref<10240x128xf32, #tpu.memory_space<hbm>> -> memref<128x128xf32, #tpu.memory_space<hbm>>
      tpu.wait_dma2 semaphore(%arg18 : memref<!tpu.dma_semaphore, #tpu.memory_space<semaphore_mem>>) src(%dma_wait3A_229 : memref<128x128xf32, #tpu.memory_space<hbm>>) dst(%arg11 : memref<128x128xf32, #tpu.memory_space<vmem>>)
      %dma_start3A_230 = arith.constant 3 : i32
      %dma_start3A_231 = arith.constant 0 : i32
      %dma_start3A_232 = tpu.memref_slice %arg8[%dma_start3A_230, %dma_start3A_231] : memref<8x128xi32, #tpu.memory_space<vmem>> -> memref<1x128xi32, #tpu.memory_space<vmem>>
      %dma_start3A_233 = tpu.memref_squeeze %dma_start3A_232 : memref<1x128xi32, #tpu.memory_space<vmem>> -> memref<128xi32, #tpu.memory_space<vmem>>
      %dma_start3A_234 = arith.constant 0 : i32
      %dma_start3A_235 = arith.constant 0 : i32
      %dma_start3A_236 = tpu.memref_slice %arg12[%dma_start3A_234, %dma_start3A_235] : memref<10240x128xf32, #tpu.memory_space<vmem_shared>> -> memref<10240x128xf32, #tpu.memory_space<vmem_shared>>
      tpu.enqueue_indirect_dma source(%arg11 : memref<128x128xf32, #tpu.memory_space<vmem>>) target(%dma_start3A_236 : memref<10240x128xf32, #tpu.memory_space<vmem_shared>>) offsets(%dma_start3A_233 : memref<128xi32, #tpu.memory_space<vmem>>) semaphore(%arg20 : memref<!tpu.dma_semaphore, #tpu.memory_space<semaphore_mem>>) {add = true}
      %dma_wait3A_237 = arith.constant 0 : i32
      %dma_wait3A_238 = arith.constant 0 : i32
      %dma_wait3A_239 = tpu.memref_slice %arg2[%dma_wait3A_237, %dma_wait3A_238] : memref<10240x128xf32, #tpu.memory_space<hbm>> -> memref<128x128xf32, #tpu.memory_space<hbm>>
      %dma_wait3A_240 = arith.constant 0 : i32
      %dma_wait3A_241 = arith.constant 0 : i32
      %dma_wait3A_242 = tpu.memref_slice %arg2[%dma_wait3A_240, %dma_wait3A_241] : memref<10240x128xf32, #tpu.memory_space<hbm>> -> memref<128x128xf32, #tpu.memory_space<hbm>>
      tpu.wait_dma2 semaphore(%arg20 : memref<!tpu.dma_semaphore, #tpu.memory_space<semaphore_mem>>) src(%dma_wait3A_242 : memref<128x128xf32, #tpu.memory_space<hbm>>) dst(%arg11 : memref<128x128xf32, #tpu.memory_space<vmem>>)
      %dma_start3A_243 = arith.constant 5 : i32
      %dma_start3A_244 = arith.constant 0 : i32
      %dma_start3A_245 = tpu.memref_slice %arg6[%dma_start3A_243, %dma_start3A_244] : memref<8x128xi32, #tpu.memory_space<vmem>> -> memref<1x128xi32, #tpu.memory_space<vmem>>
      %dma_start3A_246 = tpu.memref_squeeze %dma_start3A_245 : memref<1x128xi32, #tpu.memory_space<vmem>> -> memref<128xi32, #tpu.memory_space<vmem>>
      %dma_start3A_247 = arith.constant 0 : i32
      %dma_start3A_248 = arith.constant 0 : i32
      %dma_start3A_249 = tpu.memref_slice %arg2[%dma_start3A_247, %dma_start3A_248] : memref<10240x128xf32, #tpu.memory_space<hbm>> -> memref<10240x128xf32, #tpu.memory_space<hbm>>
      tpu.enqueue_indirect_dma source(%dma_start3A_249 : memref<10240x128xf32, #tpu.memory_space<hbm>>) target(%arg11 : memref<128x128xf32, #tpu.memory_space<vmem>>) offsets(%dma_start3A_246 : memref<128xi32, #tpu.memory_space<vmem>>) semaphore(%arg18 : memref<!tpu.dma_semaphore, #tpu.memory_space<semaphore_mem>>)
      %dma_wait3A_250 = arith.constant 0 : i32
      %dma_wait3A_251 = arith.constant 0 : i32
      %dma_wait3A_252 = tpu.memref_slice %arg2[%dma_wait3A_250, %dma_wait3A_251] : memref<10240x128xf32, #tpu.memory_space<hbm>> -> memref<128x128xf32, #tpu.memory_space<hbm>>
      %dma_wait3A_253 = arith.constant 0 : i32
      %dma_wait3A_254 = arith.constant 0 : i32
      %dma_wait3A_255 = tpu.memref_slice %arg2[%dma_wait3A_253, %dma_wait3A_254] : memref<10240x128xf32, #tpu.memory_space<hbm>> -> memref<128x128xf32, #tpu.memory_space<hbm>>
      tpu.wait_dma2 semaphore(%arg17 : memref<!tpu.dma_semaphore, #tpu.memory_space<semaphore_mem>>) src(%dma_wait3A_255 : memref<128x128xf32, #tpu.memory_space<hbm>>) dst(%arg10 : memref<128x128xf32, #tpu.memory_space<vmem>>)
      %dma_start3A_256 = arith.constant 4 : i32
      %dma_start3A_257 = arith.constant 0 : i32
      %dma_start3A_258 = tpu.memref_slice %arg8[%dma_start3A_256, %dma_start3A_257] : memref<8x128xi32, #tpu.memory_space<vmem>> -> memref<1x128xi32, #tpu.memory_space<vmem>>
      %dma_start3A_259 = tpu.memref_squeeze %dma_start3A_258 : memref<1x128xi32, #tpu.memory_space<vmem>> -> memref<128xi32, #tpu.memory_space<vmem>>
      %dma_start3A_260 = arith.constant 0 : i32
      %dma_start3A_261 = arith.constant 0 : i32
      %dma_start3A_262 = tpu.memref_slice %arg12[%dma_start3A_260, %dma_start3A_261] : memref<10240x128xf32, #tpu.memory_space<vmem_shared>> -> memref<10240x128xf32, #tpu.memory_space<vmem_shared>>
      tpu.enqueue_indirect_dma source(%arg10 : memref<128x128xf32, #tpu.memory_space<vmem>>) target(%dma_start3A_262 : memref<10240x128xf32, #tpu.memory_space<vmem_shared>>) offsets(%dma_start3A_259 : memref<128xi32, #tpu.memory_space<vmem>>) semaphore(%arg19 : memref<!tpu.dma_semaphore, #tpu.memory_space<semaphore_mem>>) {add = true}
      %dma_wait3A_263 = arith.constant 0 : i32
      %dma_wait3A_264 = arith.constant 0 : i32
      %dma_wait3A_265 = tpu.memref_slice %arg2[%dma_wait3A_263, %dma_wait3A_264] : memref<10240x128xf32, #tpu.memory_space<hbm>> -> memref<128x128xf32, #tpu.memory_space<hbm>>
      %dma_wait3A_266 = arith.constant 0 : i32
      %dma_wait3A_267 = arith.constant 0 : i32
      %dma_wait3A_268 = tpu.memref_slice %arg2[%dma_wait3A_266, %dma_wait3A_267] : memref<10240x128xf32, #tpu.memory_space<hbm>> -> memref<128x128xf32, #tpu.memory_space<hbm>>
      tpu.wait_dma2 semaphore(%arg19 : memref<!tpu.dma_semaphore, #tpu.memory_space<semaphore_mem>>) src(%dma_wait3A_268 : memref<128x128xf32, #tpu.memory_space<hbm>>) dst(%arg10 : memref<128x128xf32, #tpu.memory_space<vmem>>)
      %dma_start3A_269 = arith.constant 6 : i32
      %dma_start3A_270 = arith.constant 0 : i32
      %dma_start3A_271 = tpu.memref_slice %arg6[%dma_start3A_269, %dma_start3A_270] : memref<8x128xi32, #tpu.memory_space<vmem>> -> memref<1x128xi32, #tpu.memory_space<vmem>>
      %dma_start3A_272 = tpu.memref_squeeze %dma_start3A_271 : memref<1x128xi32, #tpu.memory_space<vmem>> -> memref<128xi32, #tpu.memory_space<vmem>>
      %dma_start3A_273 = arith.constant 0 : i32
      %dma_start3A_274 = arith.constant 0 : i32
      %dma_start3A_275 = tpu.memref_slice %arg2[%dma_start3A_273, %dma_start3A_274] : memref<10240x128xf32, #tpu.memory_space<hbm>> -> memref<10240x128xf32, #tpu.memory_space<hbm>>
      tpu.enqueue_indirect_dma source(%dma_start3A_275 : memref<10240x128xf32, #tpu.memory_space<hbm>>) target(%arg10 : memref<128x128xf32, #tpu.memory_space<vmem>>) offsets(%dma_start3A_272 : memref<128xi32, #tpu.memory_space<vmem>>) semaphore(%arg17 : memref<!tpu.dma_semaphore, #tpu.memory_space<semaphore_mem>>)
      %dma_wait3A_276 = arith.constant 0 : i32
      %dma_wait3A_277 = arith.constant 0 : i32
      %dma_wait3A_278 = tpu.memref_slice %arg2[%dma_wait3A_276, %dma_wait3A_277] : memref<10240x128xf32, #tpu.memory_space<hbm>> -> memref<128x128xf32, #tpu.memory_space<hbm>>
      %dma_wait3A_279 = arith.constant 0 : i32
      %dma_wait3A_280 = arith.constant 0 : i32
      %dma_wait3A_281 = tpu.memref_slice %arg2[%dma_wait3A_279, %dma_wait3A_280] : memref<10240x128xf32, #tpu.memory_space<hbm>> -> memref<128x128xf32, #tpu.memory_space<hbm>>
      tpu.wait_dma2 semaphore(%arg18 : memref<!tpu.dma_semaphore, #tpu.memory_space<semaphore_mem>>) src(%dma_wait3A_281 : memref<128x128xf32, #tpu.memory_space<hbm>>) dst(%arg11 : memref<128x128xf32, #tpu.memory_space<vmem>>)
      %dma_start3A_282 = arith.constant 5 : i32
      %dma_start3A_283 = arith.constant 0 : i32
      %dma_start3A_284 = tpu.memref_slice %arg8[%dma_start3A_282, %dma_start3A_283] : memref<8x128xi32, #tpu.memory_space<vmem>> -> memref<1x128xi32, #tpu.memory_space<vmem>>
      %dma_start3A_285 = tpu.memref_squeeze %dma_start3A_284 : memref<1x128xi32, #tpu.memory_space<vmem>> -> memref<128xi32, #tpu.memory_space<vmem>>
      %dma_start3A_286 = arith.constant 0 : i32
      %dma_start3A_287 = arith.constant 0 : i32
      %dma_start3A_288 = tpu.memref_slice %arg12[%dma_start3A_286, %dma_start3A_287] : memref<10240x128xf32, #tpu.memory_space<vmem_shared>> -> memref<10240x128xf32, #tpu.memory_space<vmem_shared>>
      tpu.enqueue_indirect_dma source(%arg11 : memref<128x128xf32, #tpu.memory_space<vmem>>) target(%dma_start3A_288 : memref<10240x128xf32, #tpu.memory_space<vmem_shared>>) offsets(%dma_start3A_285 : memref<128xi32, #tpu.memory_space<vmem>>) semaphore(%arg20 : memref<!tpu.dma_semaphore, #tpu.memory_space<semaphore_mem>>) {add = true}
      %dma_wait3A_289 = arith.constant 0 : i32
      %dma_wait3A_290 = arith.constant 0 : i32
      %dma_wait3A_291 = tpu.memref_slice %arg2[%dma_wait3A_289, %dma_wait3A_290] : memref<10240x128xf32, #tpu.memory_space<hbm>> -> memref<128x128xf32, #tpu.memory_space<hbm>>
      %dma_wait3A_292 = arith.constant 0 : i32
      %dma_wait3A_293 = arith.constant 0 : i32
      %dma_wait3A_294 = tpu.memref_slice %arg2[%dma_wait3A_292, %dma_wait3A_293] : memref<10240x128xf32, #tpu.memory_space<hbm>> -> memref<128x128xf32, #tpu.memory_space<hbm>>
      tpu.wait_dma2 semaphore(%arg20 : memref<!tpu.dma_semaphore, #tpu.memory_space<semaphore_mem>>) src(%dma_wait3A_294 : memref<128x128xf32, #tpu.memory_space<hbm>>) dst(%arg11 : memref<128x128xf32, #tpu.memory_space<vmem>>)
      %dma_start3A_295 = arith.constant 7 : i32
      %dma_start3A_296 = arith.constant 0 : i32
      %dma_start3A_297 = tpu.memref_slice %arg6[%dma_start3A_295, %dma_start3A_296] : memref<8x128xi32, #tpu.memory_space<vmem>> -> memref<1x128xi32, #tpu.memory_space<vmem>>
      %dma_start3A_298 = tpu.memref_squeeze %dma_start3A_297 : memref<1x128xi32, #tpu.memory_space<vmem>> -> memref<128xi32, #tpu.memory_space<vmem>>
      %dma_start3A_299 = arith.constant 0 : i32
      %dma_start3A_300 = arith.constant 0 : i32
      %dma_start3A_301 = tpu.memref_slice %arg2[%dma_start3A_299, %dma_start3A_300] : memref<10240x128xf32, #tpu.memory_space<hbm>> -> memref<10240x128xf32, #tpu.memory_space<hbm>>
      tpu.enqueue_indirect_dma source(%dma_start3A_301 : memref<10240x128xf32, #tpu.memory_space<hbm>>) target(%arg11 : memref<128x128xf32, #tpu.memory_space<vmem>>) offsets(%dma_start3A_298 : memref<128xi32, #tpu.memory_space<vmem>>) semaphore(%arg18 : memref<!tpu.dma_semaphore, #tpu.memory_space<semaphore_mem>>)
      %dma_wait3A_302 = arith.constant 0 : i32
      %dma_wait3A_303 = arith.constant 0 : i32
      %dma_wait3A_304 = tpu.memref_slice %arg2[%dma_wait3A_302, %dma_wait3A_303] : memref<10240x128xf32, #tpu.memory_space<hbm>> -> memref<128x128xf32, #tpu.memory_space<hbm>>
      %dma_wait3A_305 = arith.constant 0 : i32
      %dma_wait3A_306 = arith.constant 0 : i32
      %dma_wait3A_307 = tpu.memref_slice %arg2[%dma_wait3A_305, %dma_wait3A_306] : memref<10240x128xf32, #tpu.memory_space<hbm>> -> memref<128x128xf32, #tpu.memory_space<hbm>>
      tpu.wait_dma2 semaphore(%arg17 : memref<!tpu.dma_semaphore, #tpu.memory_space<semaphore_mem>>) src(%dma_wait3A_307 : memref<128x128xf32, #tpu.memory_space<hbm>>) dst(%arg10 : memref<128x128xf32, #tpu.memory_space<vmem>>)
      %dma_start3A_308 = arith.constant 6 : i32
      %dma_start3A_309 = arith.constant 0 : i32
      %dma_start3A_310 = tpu.memref_slice %arg8[%dma_start3A_308, %dma_start3A_309] : memref<8x128xi32, #tpu.memory_space<vmem>> -> memref<1x128xi32, #tpu.memory_space<vmem>>
      %dma_start3A_311 = tpu.memref_squeeze %dma_start3A_310 : memref<1x128xi32, #tpu.memory_space<vmem>> -> memref<128xi32, #tpu.memory_space<vmem>>
      %dma_start3A_312 = arith.constant 0 : i32
      %dma_start3A_313 = arith.constant 0 : i32
      %dma_start3A_314 = tpu.memref_slice %arg12[%dma_start3A_312, %dma_start3A_313] : memref<10240x128xf32, #tpu.memory_space<vmem_shared>> -> memref<10240x128xf32, #tpu.memory_space<vmem_shared>>
      tpu.enqueue_indirect_dma source(%arg10 : memref<128x128xf32, #tpu.memory_space<vmem>>) target(%dma_start3A_314 : memref<10240x128xf32, #tpu.memory_space<vmem_shared>>) offsets(%dma_start3A_311 : memref<128xi32, #tpu.memory_space<vmem>>) semaphore(%arg19 : memref<!tpu.dma_semaphore, #tpu.memory_space<semaphore_mem>>) {add = true}
      %mul3A_315 = arith.constant 2 : i32
      %mul3A_316 = arith.muli %mul3A_315, %while3A_89 : i32
      %add3A_317 = arith.addi %select_n3A, %mul3A_316 : i32
      %add3A_318 = arith.constant 1 : i32
      %add3A_319 = arith.addi %add3A_317, %add3A_318 : i32
      %dma_wait3A_320 = arith.constant 0 : i32
      %dma_wait3A_321 = arith.constant 0 : i32
      %dma_wait3A_322 = tpu.memref_slice %arg3[%select_n3A, %dma_wait3A_320, %dma_wait3A_321] : memref<320x8x128xi32, #tpu.memory_space<hbm>> -> memref<1x8x128xi32, #tpu.memory_space<hbm>>
      %dma_wait3A_323 = tpu.memref_squeeze %dma_wait3A_322 : memref<1x8x128xi32, #tpu.memory_space<hbm>> -> memref<8x128xi32, #tpu.memory_space<hbm>>
      %dma_wait3A_324 = arith.constant 0 : i32
      %dma_wait3A_325 = arith.constant 0 : i32
      %dma_wait3A_326 = tpu.memref_slice %arg3[%select_n3A, %dma_wait3A_324, %dma_wait3A_325] : memref<320x8x128xi32, #tpu.memory_space<hbm>> -> memref<1x8x128xi32, #tpu.memory_space<hbm>>
      %dma_wait3A_327 = tpu.memref_squeeze %dma_wait3A_326 : memref<1x8x128xi32, #tpu.memory_space<hbm>> -> memref<8x128xi32, #tpu.memory_space<hbm>>
      tpu.wait_dma2 semaphore(%arg14 : memref<!tpu.dma_semaphore, #tpu.memory_space<semaphore_mem>>) src(%dma_wait3A_327 : memref<8x128xi32, #tpu.memory_space<hbm>>) dst(%arg7 : memref<8x128xi32, #tpu.memory_space<vmem>>)
      %dma_wait3A_328 = arith.constant 0 : i32
      %dma_wait3A_329 = arith.constant 0 : i32
      %dma_wait3A_330 = tpu.memref_slice %arg4[%select_n3A, %dma_wait3A_328, %dma_wait3A_329] : memref<320x8x128xi32, #tpu.memory_space<hbm>> -> memref<1x8x128xi32, #tpu.memory_space<hbm>>
      %dma_wait3A_331 = tpu.memref_squeeze %dma_wait3A_330 : memref<1x8x128xi32, #tpu.memory_space<hbm>> -> memref<8x128xi32, #tpu.memory_space<hbm>>
      %dma_wait3A_332 = arith.constant 0 : i32
      %dma_wait3A_333 = arith.constant 0 : i32
      %dma_wait3A_334 = tpu.memref_slice %arg4[%select_n3A, %dma_wait3A_332, %dma_wait3A_333] : memref<320x8x128xi32, #tpu.memory_space<hbm>> -> memref<1x8x128xi32, #tpu.memory_space<hbm>>
      %dma_wait3A_335 = tpu.memref_squeeze %dma_wait3A_334 : memref<1x8x128xi32, #tpu.memory_space<hbm>> -> memref<8x128xi32, #tpu.memory_space<hbm>>
      tpu.wait_dma2 semaphore(%arg16 : memref<!tpu.dma_semaphore, #tpu.memory_space<semaphore_mem>>) src(%dma_wait3A_335 : memref<8x128xi32, #tpu.memory_space<hbm>>) dst(%arg9 : memref<8x128xi32, #tpu.memory_space<vmem>>)
      %dma_wait3A_336 = arith.constant 0 : i32
      %dma_wait3A_337 = arith.constant 0 : i32
      %dma_wait3A_338 = tpu.memref_slice %arg2[%dma_wait3A_336, %dma_wait3A_337] : memref<10240x128xf32, #tpu.memory_space<hbm>> -> memref<128x128xf32, #tpu.memory_space<hbm>>
      %dma_wait3A_339 = arith.constant 0 : i32
      %dma_wait3A_340 = arith.constant 0 : i32
      %dma_wait3A_341 = tpu.memref_slice %arg2[%dma_wait3A_339, %dma_wait3A_340] : memref<10240x128xf32, #tpu.memory_space<hbm>> -> memref<128x128xf32, #tpu.memory_space<hbm>>
      tpu.wait_dma2 semaphore(%arg19 : memref<!tpu.dma_semaphore, #tpu.memory_space<semaphore_mem>>) src(%dma_wait3A_341 : memref<128x128xf32, #tpu.memory_space<hbm>>) dst(%arg10 : memref<128x128xf32, #tpu.memory_space<vmem>>)
      %dma_start3A_342 = arith.constant 0 : i32
      %dma_start3A_343 = arith.constant 0 : i32
      %dma_start3A_344 = tpu.memref_slice %arg7[%dma_start3A_342, %dma_start3A_343] : memref<8x128xi32, #tpu.memory_space<vmem>> -> memref<1x128xi32, #tpu.memory_space<vmem>>
      %dma_start3A_345 = tpu.memref_squeeze %dma_start3A_344 : memref<1x128xi32, #tpu.memory_space<vmem>> -> memref<128xi32, #tpu.memory_space<vmem>>
      %dma_start3A_346 = arith.constant 0 : i32
      %dma_start3A_347 = arith.constant 0 : i32
      %dma_start3A_348 = tpu.memref_slice %arg2[%dma_start3A_346, %dma_start3A_347] : memref<10240x128xf32, #tpu.memory_space<hbm>> -> memref<10240x128xf32, #tpu.memory_space<hbm>>
      tpu.enqueue_indirect_dma source(%dma_start3A_348 : memref<10240x128xf32, #tpu.memory_space<hbm>>) target(%arg10 : memref<128x128xf32, #tpu.memory_space<vmem>>) offsets(%dma_start3A_345 : memref<128xi32, #tpu.memory_space<vmem>>) semaphore(%arg17 : memref<!tpu.dma_semaphore, #tpu.memory_space<semaphore_mem>>)
      %dma_wait3A_349 = arith.constant 0 : i32
      %dma_wait3A_350 = arith.constant 0 : i32
      %dma_wait3A_351 = tpu.memref_slice %arg2[%dma_wait3A_349, %dma_wait3A_350] : memref<10240x128xf32, #tpu.memory_space<hbm>> -> memref<128x128xf32, #tpu.memory_space<hbm>>
      %dma_wait3A_352 = arith.constant 0 : i32
      %dma_wait3A_353 = arith.constant 0 : i32
      %dma_wait3A_354 = tpu.memref_slice %arg2[%dma_wait3A_352, %dma_wait3A_353] : memref<10240x128xf32, #tpu.memory_space<hbm>> -> memref<128x128xf32, #tpu.memory_space<hbm>>
      tpu.wait_dma2 semaphore(%arg18 : memref<!tpu.dma_semaphore, #tpu.memory_space<semaphore_mem>>) src(%dma_wait3A_354 : memref<128x128xf32, #tpu.memory_space<hbm>>) dst(%arg11 : memref<128x128xf32, #tpu.memory_space<vmem>>)
      %dma_start3A_355 = arith.constant 7 : i32
      %dma_start3A_356 = arith.constant 0 : i32
      %dma_start3A_357 = tpu.memref_slice %arg8[%dma_start3A_355, %dma_start3A_356] : memref<8x128xi32, #tpu.memory_space<vmem>> -> memref<1x128xi32, #tpu.memory_space<vmem>>
      %dma_start3A_358 = tpu.memref_squeeze %dma_start3A_357 : memref<1x128xi32, #tpu.memory_space<vmem>> -> memref<128xi32, #tpu.memory_space<vmem>>
      %dma_start3A_359 = arith.constant 0 : i32
      %dma_start3A_360 = arith.constant 0 : i32
      %dma_start3A_361 = tpu.memref_slice %arg12[%dma_start3A_359, %dma_start3A_360] : memref<10240x128xf32, #tpu.memory_space<vmem_shared>> -> memref<10240x128xf32, #tpu.memory_space<vmem_shared>>
      tpu.enqueue_indirect_dma source(%arg11 : memref<128x128xf32, #tpu.memory_space<vmem>>) target(%dma_start3A_361 : memref<10240x128xf32, #tpu.memory_space<vmem_shared>>) offsets(%dma_start3A_358 : memref<128xi32, #tpu.memory_space<vmem>>) semaphore(%arg20 : memref<!tpu.dma_semaphore, #tpu.memory_space<semaphore_mem>>) {add = true}
      %dma_wait3A_362 = arith.constant 0 : i32
      %dma_wait3A_363 = arith.constant 0 : i32
      %dma_wait3A_364 = tpu.memref_slice %arg2[%dma_wait3A_362, %dma_wait3A_363] : memref<10240x128xf32, #tpu.memory_space<hbm>> -> memref<128x128xf32, #tpu.memory_space<hbm>>
      %dma_wait3A_365 = arith.constant 0 : i32
      %dma_wait3A_366 = arith.constant 0 : i32
      %dma_wait3A_367 = tpu.memref_slice %arg2[%dma_wait3A_365, %dma_wait3A_366] : memref<10240x128xf32, #tpu.memory_space<hbm>> -> memref<128x128xf32, #tpu.memory_space<hbm>>
      tpu.wait_dma2 semaphore(%arg20 : memref<!tpu.dma_semaphore, #tpu.memory_space<semaphore_mem>>) src(%dma_wait3A_367 : memref<128x128xf32, #tpu.memory_space<hbm>>) dst(%arg11 : memref<128x128xf32, #tpu.memory_space<vmem>>)
      %dma_start3A_368 = arith.constant 1 : i32
      %dma_start3A_369 = arith.constant 0 : i32
      %dma_start3A_370 = tpu.memref_slice %arg7[%dma_start3A_368, %dma_start3A_369] : memref<8x128xi32, #tpu.memory_space<vmem>> -> memref<1x128xi32, #tpu.memory_space<vmem>>
      %dma_start3A_371 = tpu.memref_squeeze %dma_start3A_370 : memref<1x128xi32, #tpu.memory_space<vmem>> -> memref<128xi32, #tpu.memory_space<vmem>>
      %dma_start3A_372 = arith.constant 0 : i32
      %dma_start3A_373 = arith.constant 0 : i32
      %dma_start3A_374 = tpu.memref_slice %arg2[%dma_start3A_372, %dma_start3A_373] : memref<10240x128xf32, #tpu.memory_space<hbm>> -> memref<10240x128xf32, #tpu.memory_space<hbm>>
      tpu.enqueue_indirect_dma source(%dma_start3A_374 : memref<10240x128xf32, #tpu.memory_space<hbm>>) target(%arg11 : memref<128x128xf32, #tpu.memory_space<vmem>>) offsets(%dma_start3A_371 : memref<128xi32, #tpu.memory_space<vmem>>) semaphore(%arg18 : memref<!tpu.dma_semaphore, #tpu.memory_space<semaphore_mem>>)
      %dma_wait3A_375 = arith.constant 0 : i32
      %dma_wait3A_376 = arith.constant 0 : i32
      %dma_wait3A_377 = tpu.memref_slice %arg2[%dma_wait3A_375, %dma_wait3A_376] : memref<10240x128xf32, #tpu.memory_space<hbm>> -> memref<128x128xf32, #tpu.memory_space<hbm>>
      %dma_wait3A_378 = arith.constant 0 : i32
      %dma_wait3A_379 = arith.constant 0 : i32
      %dma_wait3A_380 = tpu.memref_slice %arg2[%dma_wait3A_378, %dma_wait3A_379] : memref<10240x128xf32, #tpu.memory_space<hbm>> -> memref<128x128xf32, #tpu.memory_space<hbm>>
      tpu.wait_dma2 semaphore(%arg17 : memref<!tpu.dma_semaphore, #tpu.memory_space<semaphore_mem>>) src(%dma_wait3A_380 : memref<128x128xf32, #tpu.memory_space<hbm>>) dst(%arg10 : memref<128x128xf32, #tpu.memory_space<vmem>>)
      %dma_start3A_381 = arith.constant 0 : i32
      %dma_start3A_382 = arith.constant 0 : i32
      %dma_start3A_383 = tpu.memref_slice %arg9[%dma_start3A_381, %dma_start3A_382] : memref<8x128xi32, #tpu.memory_space<vmem>> -> memref<1x128xi32, #tpu.memory_space<vmem>>
      %dma_start3A_384 = tpu.memref_squeeze %dma_start3A_383 : memref<1x128xi32, #tpu.memory_space<vmem>> -> memref<128xi32, #tpu.memory_space<vmem>>
      %dma_start3A_385 = arith.constant 0 : i32
      %dma_start3A_386 = arith.constant 0 : i32
      %dma_start3A_387 = tpu.memref_slice %arg12[%dma_start3A_385, %dma_start3A_386] : memref<10240x128xf32, #tpu.memory_space<vmem_shared>> -> memref<10240x128xf32, #tpu.memory_space<vmem_shared>>
      tpu.enqueue_indirect_dma source(%arg10 : memref<128x128xf32, #tpu.memory_space<vmem>>) target(%dma_start3A_387 : memref<10240x128xf32, #tpu.memory_space<vmem_shared>>) offsets(%dma_start3A_384 : memref<128xi32, #tpu.memory_space<vmem>>) semaphore(%arg19 : memref<!tpu.dma_semaphore, #tpu.memory_space<semaphore_mem>>) {add = true}
      %dma_wait3A_388 = arith.constant 0 : i32
      %dma_wait3A_389 = arith.constant 0 : i32
      %dma_wait3A_390 = tpu.memref_slice %arg2[%dma_wait3A_388, %dma_wait3A_389] : memref<10240x128xf32, #tpu.memory_space<hbm>> -> memref<128x128xf32, #tpu.memory_space<hbm>>
      %dma_wait3A_391 = arith.constant 0 : i32
      %dma_wait3A_392 = arith.constant 0 : i32
      %dma_wait3A_393 = tpu.memref_slice %arg2[%dma_wait3A_391, %dma_wait3A_392] : memref<10240x128xf32, #tpu.memory_space<hbm>> -> memref<128x128xf32, #tpu.memory_space<hbm>>
      tpu.wait_dma2 semaphore(%arg19 : memref<!tpu.dma_semaphore, #tpu.memory_space<semaphore_mem>>) src(%dma_wait3A_393 : memref<128x128xf32, #tpu.memory_space<hbm>>) dst(%arg10 : memref<128x128xf32, #tpu.memory_space<vmem>>)
      %dma_start3A_394 = arith.constant 2 : i32
      %dma_start3A_395 = arith.constant 0 : i32
      %dma_start3A_396 = tpu.memref_slice %arg7[%dma_start3A_394, %dma_start3A_395] : memref<8x128xi32, #tpu.memory_space<vmem>> -> memref<1x128xi32, #tpu.memory_space<vmem>>
      %dma_start3A_397 = tpu.memref_squeeze %dma_start3A_396 : memref<1x128xi32, #tpu.memory_space<vmem>> -> memref<128xi32, #tpu.memory_space<vmem>>
      %dma_start3A_398 = arith.constant 0 : i32
      %dma_start3A_399 = arith.constant 0 : i32
      %dma_start3A_400 = tpu.memref_slice %arg2[%dma_start3A_398, %dma_start3A_399] : memref<10240x128xf32, #tpu.memory_space<hbm>> -> memref<10240x128xf32, #tpu.memory_space<hbm>>
      tpu.enqueue_indirect_dma source(%dma_start3A_400 : memref<10240x128xf32, #tpu.memory_space<hbm>>) target(%arg10 : memref<128x128xf32, #tpu.memory_space<vmem>>) offsets(%dma_start3A_397 : memref<128xi32, #tpu.memory_space<vmem>>) semaphore(%arg17 : memref<!tpu.dma_semaphore, #tpu.memory_space<semaphore_mem>>)
      %dma_wait3A_401 = arith.constant 0 : i32
      %dma_wait3A_402 = arith.constant 0 : i32
      %dma_wait3A_403 = tpu.memref_slice %arg2[%dma_wait3A_401, %dma_wait3A_402] : memref<10240x128xf32, #tpu.memory_space<hbm>> -> memref<128x128xf32, #tpu.memory_space<hbm>>
      %dma_wait3A_404 = arith.constant 0 : i32
      %dma_wait3A_405 = arith.constant 0 : i32
      %dma_wait3A_406 = tpu.memref_slice %arg2[%dma_wait3A_404, %dma_wait3A_405] : memref<10240x128xf32, #tpu.memory_space<hbm>> -> memref<128x128xf32, #tpu.memory_space<hbm>>
      tpu.wait_dma2 semaphore(%arg18 : memref<!tpu.dma_semaphore, #tpu.memory_space<semaphore_mem>>) src(%dma_wait3A_406 : memref<128x128xf32, #tpu.memory_space<hbm>>) dst(%arg11 : memref<128x128xf32, #tpu.memory_space<vmem>>)
      %dma_start3A_407 = arith.constant 1 : i32
      %dma_start3A_408 = arith.constant 0 : i32
      %dma_start3A_409 = tpu.memref_slice %arg9[%dma_start3A_407, %dma_start3A_408] : memref<8x128xi32, #tpu.memory_space<vmem>> -> memref<1x128xi32, #tpu.memory_space<vmem>>
      %dma_start3A_410 = tpu.memref_squeeze %dma_start3A_409 : memref<1x128xi32, #tpu.memory_space<vmem>> -> memref<128xi32, #tpu.memory_space<vmem>>
      %dma_start3A_411 = arith.constant 0 : i32
      %dma_start3A_412 = arith.constant 0 : i32
      %dma_start3A_413 = tpu.memref_slice %arg12[%dma_start3A_411, %dma_start3A_412] : memref<10240x128xf32, #tpu.memory_space<vmem_shared>> -> memref<10240x128xf32, #tpu.memory_space<vmem_shared>>
      tpu.enqueue_indirect_dma source(%arg11 : memref<128x128xf32, #tpu.memory_space<vmem>>) target(%dma_start3A_413 : memref<10240x128xf32, #tpu.memory_space<vmem_shared>>) offsets(%dma_start3A_410 : memref<128xi32, #tpu.memory_space<vmem>>) semaphore(%arg20 : memref<!tpu.dma_semaphore, #tpu.memory_space<semaphore_mem>>) {add = true}
      %mul3A_414 = arith.constant 2 : i32
      %mul3A_415 = arith.muli %mul3A_414, %while3A_89 : i32
      %add3A_416 = arith.constant 1 : i32
      %add3A_417 = arith.addi %mul3A_415, %add3A_416 : i32
      %add3A_418 = arith.constant 1 : i32
      %add3A_419 = arith.addi %add3A_417, %add3A_418 : i32
      %lt3A_420 = arith.cmpi slt, %add3A_419, %select_n3A_21 : i32
      %convert_element_type3A_421 = arith.extui %lt3A_420 : i1 to i32
      %cond3A_422 = arith.constant 0 : i32
      %cond3A_423 = arith.cmpi ne, %convert_element_type3A_421, %cond3A_422 : i32
      scf.if %cond3A_423 {
        %add3A_554 = arith.constant 1 : i32
        %add3A_555 = arith.addi %add3A_319, %add3A_554 : i32
        %dma_start3A_556 = arith.constant 0 : i32
        %dma_start3A_557 = arith.constant 0 : i32
        %dma_start3A_558 = tpu.memref_slice %arg3[%add3A_555, %dma_start3A_556, %dma_start3A_557] : memref<320x8x128xi32, #tpu.memory_space<hbm>> -> memref<1x8x128xi32, #tpu.memory_space<hbm>>
        %dma_start3A_559 = tpu.memref_squeeze %dma_start3A_558 : memref<1x8x128xi32, #tpu.memory_space<hbm>> -> memref<8x128xi32, #tpu.memory_space<hbm>>
        %dma_start3A_560 = arith.constant 0 : i32
        %dma_start3A_561 = arith.constant 0 : i32
        %dma_start3A_562 = tpu.memref_slice %arg3[%add3A_555, %dma_start3A_560, %dma_start3A_561] : memref<320x8x128xi32, #tpu.memory_space<hbm>> -> memref<1x8x128xi32, #tpu.memory_space<hbm>>
        %dma_start3A_563 = tpu.memref_squeeze %dma_start3A_562 : memref<1x8x128xi32, #tpu.memory_space<hbm>> -> memref<8x128xi32, #tpu.memory_space<hbm>>
        tpu.enqueue_dma source(%dma_start3A_563 : memref<8x128xi32, #tpu.memory_space<hbm>>) target(%arg6 : memref<8x128xi32, #tpu.memory_space<vmem>>) target_semaphore(%arg13 : memref<!tpu.dma_semaphore, #tpu.memory_space<semaphore_mem>>)
        %add3A_564 = arith.constant 1 : i32
        %add3A_565 = arith.addi %add3A_319, %add3A_564 : i32
        %dma_start3A_566 = arith.constant 0 : i32
        %dma_start3A_567 = arith.constant 0 : i32
        %dma_start3A_568 = tpu.memref_slice %arg4[%add3A_565, %dma_start3A_566, %dma_start3A_567] : memref<320x8x128xi32, #tpu.memory_space<hbm>> -> memref<1x8x128xi32, #tpu.memory_space<hbm>>
        %dma_start3A_569 = tpu.memref_squeeze %dma_start3A_568 : memref<1x8x128xi32, #tpu.memory_space<hbm>> -> memref<8x128xi32, #tpu.memory_space<hbm>>
        %dma_start3A_570 = arith.constant 0 : i32
        %dma_start3A_571 = arith.constant 0 : i32
        %dma_start3A_572 = tpu.memref_slice %arg4[%add3A_565, %dma_start3A_570, %dma_start3A_571] : memref<320x8x128xi32, #tpu.memory_space<hbm>> -> memref<1x8x128xi32, #tpu.memory_space<hbm>>
        %dma_start3A_573 = tpu.memref_squeeze %dma_start3A_572 : memref<1x8x128xi32, #tpu.memory_space<hbm>> -> memref<8x128xi32, #tpu.memory_space<hbm>>
        tpu.enqueue_dma source(%dma_start3A_573 : memref<8x128xi32, #tpu.memory_space<hbm>>) target(%arg8 : memref<8x128xi32, #tpu.memory_space<vmem>>) target_semaphore(%arg15 : memref<!tpu.dma_semaphore, #tpu.memory_space<semaphore_mem>>)
      } else {
      }
      %dma_wait3A_424 = arith.constant 0 : i32
      %dma_wait3A_425 = arith.constant 0 : i32
      %dma_wait3A_426 = tpu.memref_slice %arg2[%dma_wait3A_424, %dma_wait3A_425] : memref<10240x128xf32, #tpu.memory_space<hbm>> -> memref<128x128xf32, #tpu.memory_space<hbm>>
      %dma_wait3A_427 = arith.constant 0 : i32
      %dma_wait3A_428 = arith.constant 0 : i32
      %dma_wait3A_429 = tpu.memref_slice %arg2[%dma_wait3A_427, %dma_wait3A_428] : memref<10240x128xf32, #tpu.memory_space<hbm>> -> memref<128x128xf32, #tpu.memory_space<hbm>>
      tpu.wait_dma2 semaphore(%arg20 : memref<!tpu.dma_semaphore, #tpu.memory_space<semaphore_mem>>) src(%dma_wait3A_429 : memref<128x128xf32, #tpu.memory_space<hbm>>) dst(%arg11 : memref<128x128xf32, #tpu.memory_space<vmem>>)
      %dma_start3A_430 = arith.constant 3 : i32
      %dma_start3A_431 = arith.constant 0 : i32
      %dma_start3A_432 = tpu.memref_slice %arg7[%dma_start3A_430, %dma_start3A_431] : memref<8x128xi32, #tpu.memory_space<vmem>> -> memref<1x128xi32, #tpu.memory_space<vmem>>
      %dma_start3A_433 = tpu.memref_squeeze %dma_start3A_432 : memref<1x128xi32, #tpu.memory_space<vmem>> -> memref<128xi32, #tpu.memory_space<vmem>>
      %dma_start3A_434 = arith.constant 0 : i32
      %dma_start3A_435 = arith.constant 0 : i32
      %dma_start3A_436 = tpu.memref_slice %arg2[%dma_start3A_434, %dma_start3A_435] : memref<10240x128xf32, #tpu.memory_space<hbm>> -> memref<10240x128xf32, #tpu.memory_space<hbm>>
      tpu.enqueue_indirect_dma source(%dma_start3A_436 : memref<10240x128xf32, #tpu.memory_space<hbm>>) target(%arg11 : memref<128x128xf32, #tpu.memory_space<vmem>>) offsets(%dma_start3A_433 : memref<128xi32, #tpu.memory_space<vmem>>) semaphore(%arg18 : memref<!tpu.dma_semaphore, #tpu.memory_space<semaphore_mem>>)
      %dma_wait3A_437 = arith.constant 0 : i32
      %dma_wait3A_438 = arith.constant 0 : i32
      %dma_wait3A_439 = tpu.memref_slice %arg2[%dma_wait3A_437, %dma_wait3A_438] : memref<10240x128xf32, #tpu.memory_space<hbm>> -> memref<128x128xf32, #tpu.memory_space<hbm>>
      %dma_wait3A_440 = arith.constant 0 : i32
      %dma_wait3A_441 = arith.constant 0 : i32
      %dma_wait3A_442 = tpu.memref_slice %arg2[%dma_wait3A_440, %dma_wait3A_441] : memref<10240x128xf32, #tpu.memory_space<hbm>> -> memref<128x128xf32, #tpu.memory_space<hbm>>
      tpu.wait_dma2 semaphore(%arg17 : memref<!tpu.dma_semaphore, #tpu.memory_space<semaphore_mem>>) src(%dma_wait3A_442 : memref<128x128xf32, #tpu.memory_space<hbm>>) dst(%arg10 : memref<128x128xf32, #tpu.memory_space<vmem>>)
      %dma_start3A_443 = arith.constant 2 : i32
      %dma_start3A_444 = arith.constant 0 : i32
      %dma_start3A_445 = tpu.memref_slice %arg9[%dma_start3A_443, %dma_start3A_444] : memref<8x128xi32, #tpu.memory_space<vmem>> -> memref<1x128xi32, #tpu.memory_space<vmem>>
      %dma_start3A_446 = tpu.memref_squeeze %dma_start3A_445 : memref<1x128xi32, #tpu.memory_space<vmem>> -> memref<128xi32, #tpu.memory_space<vmem>>
      %dma_start3A_447 = arith.constant 0 : i32
      %dma_start3A_448 = arith.constant 0 : i32
      %dma_start3A_449 = tpu.memref_slice %arg12[%dma_start3A_447, %dma_start3A_448] : memref<10240x128xf32, #tpu.memory_space<vmem_shared>> -> memref<10240x128xf32, #tpu.memory_space<vmem_shared>>
      tpu.enqueue_indirect_dma source(%arg10 : memref<128x128xf32, #tpu.memory_space<vmem>>) target(%dma_start3A_449 : memref<10240x128xf32, #tpu.memory_space<vmem_shared>>) offsets(%dma_start3A_446 : memref<128xi32, #tpu.memory_space<vmem>>) semaphore(%arg19 : memref<!tpu.dma_semaphore, #tpu.memory_space<semaphore_mem>>) {add = true}
      %dma_wait3A_450 = arith.constant 0 : i32
      %dma_wait3A_451 = arith.constant 0 : i32
      %dma_wait3A_452 = tpu.memref_slice %arg2[%dma_wait3A_450, %dma_wait3A_451] : memref<10240x128xf32, #tpu.memory_space<hbm>> -> memref<128x128xf32, #tpu.memory_space<hbm>>
      %dma_wait3A_453 = arith.constant 0 : i32
      %dma_wait3A_454 = arith.constant 0 : i32
      %dma_wait3A_455 = tpu.memref_slice %arg2[%dma_wait3A_453, %dma_wait3A_454] : memref<10240x128xf32, #tpu.memory_space<hbm>> -> memref<128x128xf32, #tpu.memory_space<hbm>>
      tpu.wait_dma2 semaphore(%arg19 : memref<!tpu.dma_semaphore, #tpu.memory_space<semaphore_mem>>) src(%dma_wait3A_455 : memref<128x128xf32, #tpu.memory_space<hbm>>) dst(%arg10 : memref<128x128xf32, #tpu.memory_space<vmem>>)
      %dma_start3A_456 = arith.constant 4 : i32
      %dma_start3A_457 = arith.constant 0 : i32
      %dma_start3A_458 = tpu.memref_slice %arg7[%dma_start3A_456, %dma_start3A_457] : memref<8x128xi32, #tpu.memory_space<vmem>> -> memref<1x128xi32, #tpu.memory_space<vmem>>
      %dma_start3A_459 = tpu.memref_squeeze %dma_start3A_458 : memref<1x128xi32, #tpu.memory_space<vmem>> -> memref<128xi32, #tpu.memory_space<vmem>>
      %dma_start3A_460 = arith.constant 0 : i32
      %dma_start3A_461 = arith.constant 0 : i32
      %dma_start3A_462 = tpu.memref_slice %arg2[%dma_start3A_460, %dma_start3A_461] : memref<10240x128xf32, #tpu.memory_space<hbm>> -> memref<10240x128xf32, #tpu.memory_space<hbm>>
      tpu.enqueue_indirect_dma source(%dma_start3A_462 : memref<10240x128xf32, #tpu.memory_space<hbm>>) target(%arg10 : memref<128x128xf32, #tpu.memory_space<vmem>>) offsets(%dma_start3A_459 : memref<128xi32, #tpu.memory_space<vmem>>) semaphore(%arg17 : memref<!tpu.dma_semaphore, #tpu.memory_space<semaphore_mem>>)
      %dma_wait3A_463 = arith.constant 0 : i32
      %dma_wait3A_464 = arith.constant 0 : i32
      %dma_wait3A_465 = tpu.memref_slice %arg2[%dma_wait3A_463, %dma_wait3A_464] : memref<10240x128xf32, #tpu.memory_space<hbm>> -> memref<128x128xf32, #tpu.memory_space<hbm>>
      %dma_wait3A_466 = arith.constant 0 : i32
      %dma_wait3A_467 = arith.constant 0 : i32
      %dma_wait3A_468 = tpu.memref_slice %arg2[%dma_wait3A_466, %dma_wait3A_467] : memref<10240x128xf32, #tpu.memory_space<hbm>> -> memref<128x128xf32, #tpu.memory_space<hbm>>
      tpu.wait_dma2 semaphore(%arg18 : memref<!tpu.dma_semaphore, #tpu.memory_space<semaphore_mem>>) src(%dma_wait3A_468 : memref<128x128xf32, #tpu.memory_space<hbm>>) dst(%arg11 : memref<128x128xf32, #tpu.memory_space<vmem>>)
      %dma_start3A_469 = arith.constant 3 : i32
      %dma_start3A_470 = arith.constant 0 : i32
      %dma_start3A_471 = tpu.memref_slice %arg9[%dma_start3A_469, %dma_start3A_470] : memref<8x128xi32, #tpu.memory_space<vmem>> -> memref<1x128xi32, #tpu.memory_space<vmem>>
      %dma_start3A_472 = tpu.memref_squeeze %dma_start3A_471 : memref<1x128xi32, #tpu.memory_space<vmem>> -> memref<128xi32, #tpu.memory_space<vmem>>
      %dma_start3A_473 = arith.constant 0 : i32
      %dma_start3A_474 = arith.constant 0 : i32
      %dma_start3A_475 = tpu.memref_slice %arg12[%dma_start3A_473, %dma_start3A_474] : memref<10240x128xf32, #tpu.memory_space<vmem_shared>> -> memref<10240x128xf32, #tpu.memory_space<vmem_shared>>
      tpu.enqueue_indirect_dma source(%arg11 : memref<128x128xf32, #tpu.memory_space<vmem>>) target(%dma_start3A_475 : memref<10240x128xf32, #tpu.memory_space<vmem_shared>>) offsets(%dma_start3A_472 : memref<128xi32, #tpu.memory_space<vmem>>) semaphore(%arg20 : memref<!tpu.dma_semaphore, #tpu.memory_space<semaphore_mem>>) {add = true}
      %dma_wait3A_476 = arith.constant 0 : i32
      %dma_wait3A_477 = arith.constant 0 : i32
      %dma_wait3A_478 = tpu.memref_slice %arg2[%dma_wait3A_476, %dma_wait3A_477] : memref<10240x128xf32, #tpu.memory_space<hbm>> -> memref<128x128xf32, #tpu.memory_space<hbm>>
      %dma_wait3A_479 = arith.constant 0 : i32
      %dma_wait3A_480 = arith.constant 0 : i32
      %dma_wait3A_481 = tpu.memref_slice %arg2[%dma_wait3A_479, %dma_wait3A_480] : memref<10240x128xf32, #tpu.memory_space<hbm>> -> memref<128x128xf32, #tpu.memory_space<hbm>>
      tpu.wait_dma2 semaphore(%arg20 : memref<!tpu.dma_semaphore, #tpu.memory_space<semaphore_mem>>) src(%dma_wait3A_481 : memref<128x128xf32, #tpu.memory_space<hbm>>) dst(%arg11 : memref<128x128xf32, #tpu.memory_space<vmem>>)
      %dma_start3A_482 = arith.constant 5 : i32
      %dma_start3A_483 = arith.constant 0 : i32
      %dma_start3A_484 = tpu.memref_slice %arg7[%dma_start3A_482, %dma_start3A_483] : memref<8x128xi32, #tpu.memory_space<vmem>> -> memref<1x128xi32, #tpu.memory_space<vmem>>
      %dma_start3A_485 = tpu.memref_squeeze %dma_start3A_484 : memref<1x128xi32, #tpu.memory_space<vmem>> -> memref<128xi32, #tpu.memory_space<vmem>>
      %dma_start3A_486 = arith.constant 0 : i32
      %dma_start3A_487 = arith.constant 0 : i32
      %dma_start3A_488 = tpu.memref_slice %arg2[%dma_start3A_486, %dma_start3A_487] : memref<10240x128xf32, #tpu.memory_space<hbm>> -> memref<10240x128xf32, #tpu.memory_space<hbm>>
      tpu.enqueue_indirect_dma source(%dma_start3A_488 : memref<10240x128xf32, #tpu.memory_space<hbm>>) target(%arg11 : memref<128x128xf32, #tpu.memory_space<vmem>>) offsets(%dma_start3A_485 : memref<128xi32, #tpu.memory_space<vmem>>) semaphore(%arg18 : memref<!tpu.dma_semaphore, #tpu.memory_space<semaphore_mem>>)
      %dma_wait3A_489 = arith.constant 0 : i32
      %dma_wait3A_490 = arith.constant 0 : i32
      %dma_wait3A_491 = tpu.memref_slice %arg2[%dma_wait3A_489, %dma_wait3A_490] : memref<10240x128xf32, #tpu.memory_space<hbm>> -> memref<128x128xf32, #tpu.memory_space<hbm>>
      %dma_wait3A_492 = arith.constant 0 : i32
      %dma_wait3A_493 = arith.constant 0 : i32
      %dma_wait3A_494 = tpu.memref_slice %arg2[%dma_wait3A_492, %dma_wait3A_493] : memref<10240x128xf32, #tpu.memory_space<hbm>> -> memref<128x128xf32, #tpu.memory_space<hbm>>
      tpu.wait_dma2 semaphore(%arg17 : memref<!tpu.dma_semaphore, #tpu.memory_space<semaphore_mem>>) src(%dma_wait3A_494 : memref<128x128xf32, #tpu.memory_space<hbm>>) dst(%arg10 : memref<128x128xf32, #tpu.memory_space<vmem>>)
      %dma_start3A_495 = arith.constant 4 : i32
      %dma_start3A_496 = arith.constant 0 : i32
      %dma_start3A_497 = tpu.memref_slice %arg9[%dma_start3A_495, %dma_start3A_496] : memref<8x128xi32, #tpu.memory_space<vmem>> -> memref<1x128xi32, #tpu.memory_space<vmem>>
      %dma_start3A_498 = tpu.memref_squeeze %dma_start3A_497 : memref<1x128xi32, #tpu.memory_space<vmem>> -> memref<128xi32, #tpu.memory_space<vmem>>
      %dma_start3A_499 = arith.constant 0 : i32
      %dma_start3A_500 = arith.constant 0 : i32
      %dma_start3A_501 = tpu.memref_slice %arg12[%dma_start3A_499, %dma_start3A_500] : memref<10240x128xf32, #tpu.memory_space<vmem_shared>> -> memref<10240x128xf32, #tpu.memory_space<vmem_shared>>
      tpu.enqueue_indirect_dma source(%arg10 : memref<128x128xf32, #tpu.memory_space<vmem>>) target(%dma_start3A_501 : memref<10240x128xf32, #tpu.memory_space<vmem_shared>>) offsets(%dma_start3A_498 : memref<128xi32, #tpu.memory_space<vmem>>) semaphore(%arg19 : memref<!tpu.dma_semaphore, #tpu.memory_space<semaphore_mem>>) {add = true}
      %dma_wait3A_502 = arith.constant 0 : i32
      %dma_wait3A_503 = arith.constant 0 : i32
      %dma_wait3A_504 = tpu.memref_slice %arg2[%dma_wait3A_502, %dma_wait3A_503] : memref<10240x128xf32, #tpu.memory_space<hbm>> -> memref<128x128xf32, #tpu.memory_space<hbm>>
      %dma_wait3A_505 = arith.constant 0 : i32
      %dma_wait3A_506 = arith.constant 0 : i32
      %dma_wait3A_507 = tpu.memref_slice %arg2[%dma_wait3A_505, %dma_wait3A_506] : memref<10240x128xf32, #tpu.memory_space<hbm>> -> memref<128x128xf32, #tpu.memory_space<hbm>>
      tpu.wait_dma2 semaphore(%arg19 : memref<!tpu.dma_semaphore, #tpu.memory_space<semaphore_mem>>) src(%dma_wait3A_507 : memref<128x128xf32, #tpu.memory_space<hbm>>) dst(%arg10 : memref<128x128xf32, #tpu.memory_space<vmem>>)
      %dma_start3A_508 = arith.constant 6 : i32
      %dma_start3A_509 = arith.constant 0 : i32
      %dma_start3A_510 = tpu.memref_slice %arg7[%dma_start3A_508, %dma_start3A_509] : memref<8x128xi32, #tpu.memory_space<vmem>> -> memref<1x128xi32, #tpu.memory_space<vmem>>
      %dma_start3A_511 = tpu.memref_squeeze %dma_start3A_510 : memref<1x128xi32, #tpu.memory_space<vmem>> -> memref<128xi32, #tpu.memory_space<vmem>>
      %dma_start3A_512 = arith.constant 0 : i32
      %dma_start3A_513 = arith.constant 0 : i32
      %dma_start3A_514 = tpu.memref_slice %arg2[%dma_start3A_512, %dma_start3A_513] : memref<10240x128xf32, #tpu.memory_space<hbm>> -> memref<10240x128xf32, #tpu.memory_space<hbm>>
      tpu.enqueue_indirect_dma source(%dma_start3A_514 : memref<10240x128xf32, #tpu.memory_space<hbm>>) target(%arg10 : memref<128x128xf32, #tpu.memory_space<vmem>>) offsets(%dma_start3A_511 : memref<128xi32, #tpu.memory_space<vmem>>) semaphore(%arg17 : memref<!tpu.dma_semaphore, #tpu.memory_space<semaphore_mem>>)
      %dma_wait3A_515 = arith.constant 0 : i32
      %dma_wait3A_516 = arith.constant 0 : i32
      %dma_wait3A_517 = tpu.memref_slice %arg2[%dma_wait3A_515, %dma_wait3A_516] : memref<10240x128xf32, #tpu.memory_space<hbm>> -> memref<128x128xf32, #tpu.memory_space<hbm>>
      %dma_wait3A_518 = arith.constant 0 : i32
      %dma_wait3A_519 = arith.constant 0 : i32
      %dma_wait3A_520 = tpu.memref_slice %arg2[%dma_wait3A_518, %dma_wait3A_519] : memref<10240x128xf32, #tpu.memory_space<hbm>> -> memref<128x128xf32, #tpu.memory_space<hbm>>
      tpu.wait_dma2 semaphore(%arg18 : memref<!tpu.dma_semaphore, #tpu.memory_space<semaphore_mem>>) src(%dma_wait3A_520 : memref<128x128xf32, #tpu.memory_space<hbm>>) dst(%arg11 : memref<128x128xf32, #tpu.memory_space<vmem>>)
      %dma_start3A_521 = arith.constant 5 : i32
      %dma_start3A_522 = arith.constant 0 : i32
      %dma_start3A_523 = tpu.memref_slice %arg9[%dma_start3A_521, %dma_start3A_522] : memref<8x128xi32, #tpu.memory_space<vmem>> -> memref<1x128xi32, #tpu.memory_space<vmem>>
      %dma_start3A_524 = tpu.memref_squeeze %dma_start3A_523 : memref<1x128xi32, #tpu.memory_space<vmem>> -> memref<128xi32, #tpu.memory_space<vmem>>
      %dma_start3A_525 = arith.constant 0 : i32
      %dma_start3A_526 = arith.constant 0 : i32
      %dma_start3A_527 = tpu.memref_slice %arg12[%dma_start3A_525, %dma_start3A_526] : memref<10240x128xf32, #tpu.memory_space<vmem_shared>> -> memref<10240x128xf32, #tpu.memory_space<vmem_shared>>
      tpu.enqueue_indirect_dma source(%arg11 : memref<128x128xf32, #tpu.memory_space<vmem>>) target(%dma_start3A_527 : memref<10240x128xf32, #tpu.memory_space<vmem_shared>>) offsets(%dma_start3A_524 : memref<128xi32, #tpu.memory_space<vmem>>) semaphore(%arg20 : memref<!tpu.dma_semaphore, #tpu.memory_space<semaphore_mem>>) {add = true}
      %dma_wait3A_528 = arith.constant 0 : i32
      %dma_wait3A_529 = arith.constant 0 : i32
      %dma_wait3A_530 = tpu.memref_slice %arg2[%dma_wait3A_528, %dma_wait3A_529] : memref<10240x128xf32, #tpu.memory_space<hbm>> -> memref<128x128xf32, #tpu.memory_space<hbm>>
      %dma_wait3A_531 = arith.constant 0 : i32
      %dma_wait3A_532 = arith.constant 0 : i32
      %dma_wait3A_533 = tpu.memref_slice %arg2[%dma_wait3A_531, %dma_wait3A_532] : memref<10240x128xf32, #tpu.memory_space<hbm>> -> memref<128x128xf32, #tpu.memory_space<hbm>>
      tpu.wait_dma2 semaphore(%arg20 : memref<!tpu.dma_semaphore, #tpu.memory_space<semaphore_mem>>) src(%dma_wait3A_533 : memref<128x128xf32, #tpu.memory_space<hbm>>) dst(%arg11 : memref<128x128xf32, #tpu.memory_space<vmem>>)
      %dma_start3A_534 = arith.constant 7 : i32
      %dma_start3A_535 = arith.constant 0 : i32
      %dma_start3A_536 = tpu.memref_slice %arg7[%dma_start3A_534, %dma_start3A_535] : memref<8x128xi32, #tpu.memory_space<vmem>> -> memref<1x128xi32, #tpu.memory_space<vmem>>
      %dma_start3A_537 = tpu.memref_squeeze %dma_start3A_536 : memref<1x128xi32, #tpu.memory_space<vmem>> -> memref<128xi32, #tpu.memory_space<vmem>>
      %dma_start3A_538 = arith.constant 0 : i32
      %dma_start3A_539 = arith.constant 0 : i32
      %dma_start3A_540 = tpu.memref_slice %arg2[%dma_start3A_538, %dma_start3A_539] : memref<10240x128xf32, #tpu.memory_space<hbm>> -> memref<10240x128xf32, #tpu.memory_space<hbm>>
      tpu.enqueue_indirect_dma source(%dma_start3A_540 : memref<10240x128xf32, #tpu.memory_space<hbm>>) target(%arg11 : memref<128x128xf32, #tpu.memory_space<vmem>>) offsets(%dma_start3A_537 : memref<128xi32, #tpu.memory_space<vmem>>) semaphore(%arg18 : memref<!tpu.dma_semaphore, #tpu.memory_space<semaphore_mem>>)
      %dma_wait3A_541 = arith.constant 0 : i32
      %dma_wait3A_542 = arith.constant 0 : i32
      %dma_wait3A_543 = tpu.memref_slice %arg2[%dma_wait3A_541, %dma_wait3A_542] : memref<10240x128xf32, #tpu.memory_space<hbm>> -> memref<128x128xf32, #tpu.memory_space<hbm>>
      %dma_wait3A_544 = arith.constant 0 : i32
      %dma_wait3A_545 = arith.constant 0 : i32
      %dma_wait3A_546 = tpu.memref_slice %arg2[%dma_wait3A_544, %dma_wait3A_545] : memref<10240x128xf32, #tpu.memory_space<hbm>> -> memref<128x128xf32, #tpu.memory_space<hbm>>
      tpu.wait_dma2 semaphore(%arg17 : memref<!tpu.dma_semaphore, #tpu.memory_space<semaphore_mem>>) src(%dma_wait3A_546 : memref<128x128xf32, #tpu.memory_space<hbm>>) dst(%arg10 : memref<128x128xf32, #tpu.memory_space<vmem>>)
      %dma_start3A_547 = arith.constant 6 : i32
      %dma_start3A_548 = arith.constant 0 : i32
      %dma_start3A_549 = tpu.memref_slice %arg9[%dma_start3A_547, %dma_start3A_548] : memref<8x128xi32, #tpu.memory_space<vmem>> -> memref<1x128xi32, #tpu.memory_space<vmem>>
      %dma_start3A_550 = tpu.memref_squeeze %dma_start3A_549 : memref<1x128xi32, #tpu.memory_space<vmem>> -> memref<128xi32, #tpu.memory_space<vmem>>
      %dma_start3A_551 = arith.constant 0 : i32
      %dma_start3A_552 = arith.constant 0 : i32
      %dma_start3A_553 = tpu.memref_slice %arg12[%dma_start3A_551, %dma_start3A_552] : memref<10240x128xf32, #tpu.memory_space<vmem_shared>> -> memref<10240x128xf32, #tpu.memory_space<vmem_shared>>
      tpu.enqueue_indirect_dma source(%arg10 : memref<128x128xf32, #tpu.memory_space<vmem>>) target(%dma_start3A_553 : memref<10240x128xf32, #tpu.memory_space<vmem_shared>>) offsets(%dma_start3A_550 : memref<128xi32, #tpu.memory_space<vmem>>) semaphore(%arg19 : memref<!tpu.dma_semaphore, #tpu.memory_space<semaphore_mem>>) {add = true}
    }
    %while3A_63 = arith.constant 1 : i32
    scf.for %while3A_89 = %while3A_61 to %while3A_57 step %while3A_63  : i32 {
      %mul3A_90 = arith.constant 2 : i32
      %mul3A_91 = arith.muli %mul3A_90, %while3A_89 : i32
      %add3A_92 = arith.addi %select_n3A, %mul3A_91 : i32
      %add3A_93 = arith.constant 0 : i32
      %add3A_94 = arith.addi %add3A_92, %add3A_93 : i32
      %dma_wait3A_95 = arith.constant 0 : i32
      %dma_wait3A_96 = arith.constant 0 : i32
      %dma_wait3A_97 = tpu.memref_slice %arg3[%select_n3A, %dma_wait3A_95, %dma_wait3A_96] : memref<320x8x128xi32, #tpu.memory_space<hbm>> -> memref<1x8x128xi32, #tpu.memory_space<hbm>>
      %dma_wait3A_98 = tpu.memref_squeeze %dma_wait3A_97 : memref<1x8x128xi32, #tpu.memory_space<hbm>> -> memref<8x128xi32, #tpu.memory_space<hbm>>
      %dma_wait3A_99 = arith.constant 0 : i32
      %dma_wait3A_100 = arith.constant 0 : i32
      %dma_wait3A_101 = tpu.memref_slice %arg3[%select_n3A, %dma_wait3A_99, %dma_wait3A_100] : memref<320x8x128xi32, #tpu.memory_space<hbm>> -> memref<1x8x128xi32, #tpu.memory_space<hbm>>
      %dma_wait3A_102 = tpu.memref_squeeze %dma_wait3A_101 : memref<1x8x128xi32, #tpu.memory_space<hbm>> -> memref<8x128xi32, #tpu.memory_space<hbm>>
      tpu.wait_dma2 semaphore(%arg13 : memref<!tpu.dma_semaphore, #tpu.memory_space<semaphore_mem>>) src(%dma_wait3A_102 : memref<8x128xi32, #tpu.memory_space<hbm>>) dst(%arg6 : memref<8x128xi32, #tpu.memory_space<vmem>>)
      %dma_wait3A_103 = arith.constant 0 : i32
      %dma_wait3A_104 = arith.constant 0 : i32
      %dma_wait3A_105 = tpu.memref_slice %arg4[%select_n3A, %dma_wait3A_103, %dma_wait3A_104] : memref<320x8x128xi32, #tpu.memory_space<hbm>> -> memref<1x8x128xi32, #tpu.memory_space<hbm>>
      %dma_wait3A_106 = tpu.memref_squeeze %dma_wait3A_105 : memref<1x8x128xi32, #tpu.memory_space<hbm>> -> memref<8x128xi32, #tpu.memory_space<hbm>>
      %dma_wait3A_107 = arith.constant 0 : i32
      %dma_wait3A_108 = arith.constant 0 : i32
      %dma_wait3A_109 = tpu.memref_slice %arg4[%select_n3A, %dma_wait3A_107, %dma_wait3A_108] : memref<320x8x128xi32, #tpu.memory_space<hbm>> -> memref<1x8x128xi32, #tpu.memory_space<hbm>>
      %dma_wait3A_110 = tpu.memref_squeeze %dma_wait3A_109 : memref<1x8x128xi32, #tpu.memory_space<hbm>> -> memref<8x128xi32, #tpu.memory_space<hbm>>
      tpu.wait_dma2 semaphore(%arg15 : memref<!tpu.dma_semaphore, #tpu.memory_space<semaphore_mem>>) src(%dma_wait3A_110 : memref<8x128xi32, #tpu.memory_space<hbm>>) dst(%arg8 : memref<8x128xi32, #tpu.memory_space<vmem>>)
      %gt3A = arith.constant 0 : i32
      %gt3A_111 = arith.cmpi sgt, %while3A_89, %gt3A : i32
      %convert_element_type3A = arith.extui %gt3A_111 : i1 to i32
      %cond3A = arith.constant 0 : i32
      %cond3A_112 = arith.cmpi ne, %convert_element_type3A, %cond3A : i32
      scf.if %cond3A_112 {
        %dma_wait3A_554 = arith.constant 0 : i32
        %dma_wait3A_555 = arith.constant 0 : i32
        %dma_wait3A_556 = tpu.memref_slice %arg2[%dma_wait3A_554, %dma_wait3A_555] : memref<10240x128xf32, #tpu.memory_space<hbm>> -> memref<128x128xf32, #tpu.memory_space<hbm>>
        %dma_wait3A_557 = arith.constant 0 : i32
        %dma_wait3A_558 = arith.constant 0 : i32
        %dma_wait3A_559 = tpu.memref_slice %arg2[%dma_wait3A_557, %dma_wait3A_558] : memref<10240x128xf32, #tpu.memory_space<hbm>> -> memref<128x128xf32, #tpu.memory_space<hbm>>
        tpu.wait_dma2 semaphore(%arg19 : memref<!tpu.dma_semaphore, #tpu.memory_space<semaphore_mem>>) src(%dma_wait3A_559 : memref<128x128xf32, #tpu.memory_space<hbm>>) dst(%arg10 : memref<128x128xf32, #tpu.memory_space<vmem>>)
      } else {
      }
      %dma_start3A_113 = arith.constant 0 : i32
      %dma_start3A_114 = arith.constant 0 : i32
      %dma_start3A_115 = tpu.memref_slice %arg6[%dma_start3A_113, %dma_start3A_114] : memref<8x128xi32, #tpu.memory_space<vmem>> -> memref<1x128xi32, #tpu.memory_space<vmem>>
      %dma_start3A_116 = tpu.memref_squeeze %dma_start3A_115 : memref<1x128xi32, #tpu.memory_space<vmem>> -> memref<128xi32, #tpu.memory_space<vmem>>
      %dma_start3A_117 = arith.constant 0 : i32
      %dma_start3A_118 = arith.constant 0 : i32
      %dma_start3A_119 = tpu.memref_slice %arg2[%dma_start3A_117, %dma_start3A_118] : memref<10240x128xf32, #tpu.memory_space<hbm>> -> memref<10240x128xf32, #tpu.memory_space<hbm>>
      tpu.enqueue_indirect_dma source(%dma_start3A_119 : memref<10240x128xf32, #tpu.memory_space<hbm>>) target(%arg10 : memref<128x128xf32, #tpu.memory_space<vmem>>) offsets(%dma_start3A_116 : memref<128xi32, #tpu.memory_space<vmem>>) semaphore(%arg17 : memref<!tpu.dma_semaphore, #tpu.memory_space<semaphore_mem>>)
      %gt3A_120 = arith.constant 0 : i32
      %gt3A_121 = arith.cmpi sgt, %while3A_89, %gt3A_120 : i32
      %convert_element_type3A_122 = arith.extui %gt3A_121 : i1 to i32
      %cond3A_123 = arith.constant 0 : i32
      %cond3A_124 = arith.cmpi ne, %convert_element_type3A_122, %cond3A_123 : i32
      scf.if %cond3A_124 {
        %dma_wait3A_554 = arith.constant 0 : i32
        %dma_wait3A_555 = arith.constant 0 : i32
        %dma_wait3A_556 = tpu.memref_slice %arg2[%dma_wait3A_554, %dma_wait3A_555] : memref<10240x128xf32, #tpu.memory_space<hbm>> -> memref<128x128xf32, #tpu.memory_space<hbm>>
        %dma_wait3A_557 = arith.constant 0 : i32
        %dma_wait3A_558 = arith.constant 0 : i32
        %dma_wait3A_559 = tpu.memref_slice %arg2[%dma_wait3A_557, %dma_wait3A_558] : memref<10240x128xf32, #tpu.memory_space<hbm>> -> memref<128x128xf32, #tpu.memory_space<hbm>>
        tpu.wait_dma2 semaphore(%arg18 : memref<!tpu.dma_semaphore, #tpu.memory_space<semaphore_mem>>) src(%dma_wait3A_559 : memref<128x128xf32, #tpu.memory_space<hbm>>) dst(%arg11 : memref<128x128xf32, #tpu.memory_space<vmem>>)
        %dma_start3A_560 = arith.constant 7 : i32
        %dma_start3A_561 = arith.constant 0 : i32
        %dma_start3A_562 = tpu.memref_slice %arg9[%dma_start3A_560, %dma_start3A_561] : memref<8x128xi32, #tpu.memory_space<vmem>> -> memref<1x128xi32, #tpu.memory_space<vmem>>
        %dma_start3A_563 = tpu.memref_squeeze %dma_start3A_562 : memref<1x128xi32, #tpu.memory_space<vmem>> -> memref<128xi32, #tpu.memory_space<vmem>>
        %dma_start3A_564 = arith.constant 0 : i32
        %dma_start3A_565 = arith.constant 0 : i32
        %dma_start3A_566 = tpu.memref_slice %arg12[%dma_start3A_564, %dma_start3A_565] : memref<10240x128xf32, #tpu.memory_space<vmem_shared>> -> memref<10240x128xf32, #tpu.memory_space<vmem_shared>>
        tpu.enqueue_indirect_dma source(%arg11 : memref<128x128xf32, #tpu.memory_space<vmem>>) target(%dma_start3A_566 : memref<10240x128xf32, #tpu.memory_space<vmem_shared>>) offsets(%dma_start3A_563 : memref<128xi32, #tpu.memory_space<vmem>>) semaphore(%arg20 : memref<!tpu.dma_semaphore, #tpu.memory_space<semaphore_mem>>) {add = true}
      } else {
      }
      %gt3A_125 = arith.constant 0 : i32
      %gt3A_126 = arith.cmpi sgt, %while3A_89, %gt3A_125 : i32
      %convert_element_type3A_127 = arith.extui %gt3A_126 : i1 to i32
      %cond3A_128 = arith.constant 0 : i32
      %cond3A_129 = arith.cmpi ne, %convert_element_type3A_127, %cond3A_128 : i32
      scf.if %cond3A_129 {
        %dma_wait3A_554 = arith.constant 0 : i32
        %dma_wait3A_555 = arith.constant 0 : i32
        %dma_wait3A_556 = tpu.memref_slice %arg2[%dma_wait3A_554, %dma_wait3A_555] : memref<10240x128xf32, #tpu.memory_space<hbm>> -> memref<128x128xf32, #tpu.memory_space<hbm>>
        %dma_wait3A_557 = arith.constant 0 : i32
        %dma_wait3A_558 = arith.constant 0 : i32
        %dma_wait3A_559 = tpu.memref_slice %arg2[%dma_wait3A_557, %dma_wait3A_558] : memref<10240x128xf32, #tpu.memory_space<hbm>> -> memref<128x128xf32, #tpu.memory_space<hbm>>
        tpu.wait_dma2 semaphore(%arg20 : memref<!tpu.dma_semaphore, #tpu.memory_space<semaphore_mem>>) src(%dma_wait3A_559 : memref<128x128xf32, #tpu.memory_space<hbm>>) dst(%arg11 : memref<128x128xf32, #tpu.memory_space<vmem>>)
      } else {
      }
      %dma_start3A_130 = arith.constant 1 : i32
      %dma_start3A_131 = arith.constant 0 : i32
      %dma_start3A_132 = tpu.memref_slice %arg6[%dma_start3A_130, %dma_start3A_131] : memref<8x128xi32, #tpu.memory_space<vmem>> -> memref<1x128xi32, #tpu.memory_space<vmem>>
      %dma_start3A_133 = tpu.memref_squeeze %dma_start3A_132 : memref<1x128xi32, #tpu.memory_space<vmem>> -> memref<128xi32, #tpu.memory_space<vmem>>
      %dma_start3A_134 = arith.constant 0 : i32
      %dma_start3A_135 = arith.constant 0 : i32
      %dma_start3A_136 = tpu.memref_slice %arg2[%dma_start3A_134, %dma_start3A_135] : memref<10240x128xf32, #tpu.memory_space<hbm>> -> memref<10240x128xf32, #tpu.memory_space<hbm>>
      tpu.enqueue_indirect_dma source(%dma_start3A_136 : memref<10240x128xf32, #tpu.memory_space<hbm>>) target(%arg11 : memref<128x128xf32, #tpu.memory_space<vmem>>) offsets(%dma_start3A_133 : memref<128xi32, #tpu.memory_space<vmem>>) semaphore(%arg18 : memref<!tpu.dma_semaphore, #tpu.memory_space<semaphore_mem>>)
      %dma_wait3A_137 = arith.constant 0 : i32
      %dma_wait3A_138 = arith.constant 0 : i32
      %dma_wait3A_139 = tpu.memref_slice %arg2[%dma_wait3A_137, %dma_wait3A_138] : memref<10240x128xf32, #tpu.memory_space<hbm>> -> memref<128x128xf32, #tpu.memory_space<hbm>>
      %dma_wait3A_140 = arith.constant 0 : i32
      %dma_wait3A_141 = arith.constant 0 : i32
      %dma_wait3A_142 = tpu.memref_slice %arg2[%dma_wait3A_140, %dma_wait3A_141] : memref<10240x128xf32, #tpu.memory_space<hbm>> -> memref<128x128xf32, #tpu.memory_space<hbm>>
      tpu.wait_dma2 semaphore(%arg17 : memref<!tpu.dma_semaphore, #tpu.memory_space<semaphore_mem>>) src(%dma_wait3A_142 : memref<128x128xf32, #tpu.memory_space<hbm>>) dst(%arg10 : memref<128x128xf32, #tpu.memory_space<vmem>>)
      %dma_start3A_143 = arith.constant 0 : i32
      %dma_start3A_144 = arith.constant 0 : i32
      %dma_start3A_145 = tpu.memref_slice %arg8[%dma_start3A_143, %dma_start3A_144] : memref<8x128xi32, #tpu.memory_space<vmem>> -> memref<1x128xi32, #tpu.memory_space<vmem>>
      %dma_start3A_146 = tpu.memref_squeeze %dma_start3A_145 : memref<1x128xi32, #tpu.memory_space<vmem>> -> memref<128xi32, #tpu.memory_space<vmem>>
      %dma_start3A_147 = arith.constant 0 : i32
      %dma_start3A_148 = arith.constant 0 : i32
      %dma_start3A_149 = tpu.memref_slice %arg12[%dma_start3A_147, %dma_start3A_148] : memref<10240x128xf32, #tpu.memory_space<vmem_shared>> -> memref<10240x128xf32, #tpu.memory_space<vmem_shared>>
      tpu.enqueue_indirect_dma source(%arg10 : memref<128x128xf32, #tpu.memory_space<vmem>>) target(%dma_start3A_149 : memref<10240x128xf32, #tpu.memory_space<vmem_shared>>) offsets(%dma_start3A_146 : memref<128xi32, #tpu.memory_space<vmem>>) semaphore(%arg19 : memref<!tpu.dma_semaphore, #tpu.memory_space<semaphore_mem>>) {add = true}
      %dma_wait3A_150 = arith.constant 0 : i32
      %dma_wait3A_151 = arith.constant 0 : i32
      %dma_wait3A_152 = tpu.memref_slice %arg2[%dma_wait3A_150, %dma_wait3A_151] : memref<10240x128xf32, #tpu.memory_space<hbm>> -> memref<128x128xf32, #tpu.memory_space<hbm>>
      %dma_wait3A_153 = arith.constant 0 : i32
      %dma_wait3A_154 = arith.constant 0 : i32
      %dma_wait3A_155 = tpu.memref_slice %arg2[%dma_wait3A_153, %dma_wait3A_154] : memref<10240x128xf32, #tpu.memory_space<hbm>> -> memref<128x128xf32, #tpu.memory_space<hbm>>
      tpu.wait_dma2 semaphore(%arg19 : memref<!tpu.dma_semaphore, #tpu.memory_space<semaphore_mem>>) src(%dma_wait3A_155 : memref<128x128xf32, #tpu.memory_space<hbm>>) dst(%arg10 : memref<128x128xf32, #tpu.memory_space<vmem>>)
      %dma_start3A_156 = arith.constant 2 : i32
      %dma_start3A_157 = arith.constant 0 : i32
      %dma_start3A_158 = tpu.memref_slice %arg6[%dma_start3A_156, %dma_start3A_157] : memref<8x128xi32, #tpu.memory_space<vmem>> -> memref<1x128xi32, #tpu.memory_space<vmem>>
      %dma_start3A_159 = tpu.memref_squeeze %dma_start3A_158 : memref<1x128xi32, #tpu.memory_space<vmem>> -> memref<128xi32, #tpu.memory_space<vmem>>
      %dma_start3A_160 = arith.constant 0 : i32
      %dma_start3A_161 = arith.constant 0 : i32
      %dma_start3A_162 = tpu.memref_slice %arg2[%dma_start3A_160, %dma_start3A_161] : memref<10240x128xf32, #tpu.memory_space<hbm>> -> memref<10240x128xf32, #tpu.memory_space<hbm>>
      tpu.enqueue_indirect_dma source(%dma_start3A_162 : memref<10240x128xf32, #tpu.memory_space<hbm>>) target(%arg10 : memref<128x128xf32, #tpu.memory_space<vmem>>) offsets(%dma_start3A_159 : memref<128xi32, #tpu.memory_space<vmem>>) semaphore(%arg17 : memref<!tpu.dma_semaphore, #tpu.memory_space<semaphore_mem>>)
      %dma_wait3A_163 = arith.constant 0 : i32
      %dma_wait3A_164 = arith.constant 0 : i32
      %dma_wait3A_165 = tpu.memref_slice %arg2[%dma_wait3A_163, %dma_wait3A_164] : memref<10240x128xf32, #tpu.memory_space<hbm>> -> memref<128x128xf32, #tpu.memory_space<hbm>>
      %dma_wait3A_166 = arith.constant 0 : i32
      %dma_wait3A_167 = arith.constant 0 : i32
      %dma_wait3A_168 = tpu.memref_slice %arg2[%dma_wait3A_166, %dma_wait3A_167] : memref<10240x128xf32, #tpu.memory_space<hbm>> -> memref<128x128xf32, #tpu.memory_space<hbm>>
      tpu.wait_dma2 semaphore(%arg18 : memref<!tpu.dma_semaphore, #tpu.memory_space<semaphore_mem>>) src(%dma_wait3A_168 : memref<128x128xf32, #tpu.memory_space<hbm>>) dst(%arg11 : memref<128x128xf32, #tpu.memory_space<vmem>>)
      %dma_start3A_169 = arith.constant 1 : i32
      %dma_start3A_170 = arith.constant 0 : i32
      %dma_start3A_171 = tpu.memref_slice %arg8[%dma_start3A_169, %dma_start3A_170] : memref<8x128xi32, #tpu.memory_space<vmem>> -> memref<1x128xi32, #tpu.memory_space<vmem>>
      %dma_start3A_172 = tpu.memref_squeeze %dma_start3A_171 : memref<1x128xi32, #tpu.memory_space<vmem>> -> memref<128xi32, #tpu.memory_space<vmem>>
      %dma_start3A_173 = arith.constant 0 : i32
      %dma_start3A_174 = arith.constant 0 : i32
      %dma_start3A_175 = tpu.memref_slice %arg12[%dma_start3A_173, %dma_start3A_174] : memref<10240x128xf32, #tpu.memory_space<vmem_shared>> -> memref<10240x128xf32, #tpu.memory_space<vmem_shared>>
      tpu.enqueue_indirect_dma source(%arg11 : memref<128x128xf32, #tpu.memory_space<vmem>>) target(%dma_start3A_175 : memref<10240x128xf32, #tpu.memory_space<vmem_shared>>) offsets(%dma_start3A_172 : memref<128xi32, #tpu.memory_space<vmem>>) semaphore(%arg20 : memref<!tpu.dma_semaphore, #tpu.memory_space<semaphore_mem>>) {add = true}
      %mul3A_176 = arith.constant 2 : i32
      %mul3A_177 = arith.muli %mul3A_176, %while3A_89 : i32
      %add3A_178 = arith.constant 0 : i32
      %add3A_179 = arith.addi %mul3A_177, %add3A_178 : i32
      %add3A_180 = arith.constant 1 : i32
      %add3A_181 = arith.addi %add3A_179, %add3A_180 : i32
      %lt3A = arith.cmpi slt, %add3A_181, %select_n3A_21 : i32
      %convert_element_type3A_182 = arith.extui %lt3A : i1 to i32
      %cond3A_183 = arith.constant 0 : i32
      %cond3A_184 = arith.cmpi ne, %convert_element_type3A_182, %cond3A_183 : i32
      scf.if %cond3A_184 {
        %add3A_554 = arith.constant 1 : i32
        %add3A_555 = arith.addi %add3A_94, %add3A_554 : i32
        %dma_start3A_556 = arith.constant 0 : i32
        %dma_start3A_557 = arith.constant 0 : i32
        %dma_start3A_558 = tpu.memref_slice %arg3[%add3A_555, %dma_start3A_556, %dma_start3A_557] : memref<320x8x128xi32, #tpu.memory_space<hbm>> -> memref<1x8x128xi32, #tpu.memory_space<hbm>>
        %dma_start3A_559 = tpu.memref_squeeze %dma_start3A_558 : memref<1x8x128xi32, #tpu.memory_space<hbm>> -> memref<8x128xi32, #tpu.memory_space<hbm>>
        %dma_start3A_560 = arith.constant 0 : i32
        %dma_start3A_561 = arith.constant 0 : i32
        %dma_start3A_562 = tpu.memref_slice %arg3[%add3A_555, %dma_start3A_560, %dma_start3A_561] : memref<320x8x128xi32, #tpu.memory_space<hbm>> -> memref<1x8x128xi32, #tpu.memory_space<hbm>>
        %dma_start3A_563 = tpu.memref_squeeze %dma_start3A_562 : memref<1x8x128xi32, #tpu.memory_space<hbm>> -> memref<8x128xi32, #tpu.memory_space<hbm>>
        tpu.enqueue_dma source(%dma_start3A_563 : memref<8x128xi32, #tpu.memory_space<hbm>>) target(%arg7 : memref<8x128xi32, #tpu.memory_space<vmem>>) target_semaphore(%arg14 : memref<!tpu.dma_semaphore, #tpu.memory_space<semaphore_mem>>)
        %add3A_564 = arith.constant 1 : i32
        %add3A_565 = arith.addi %add3A_94, %add3A_564 : i32
        %dma_start3A_566 = arith.constant 0 : i32
        %dma_start3A_567 = arith.constant 0 : i32
        %dma_start3A_568 = tpu.memref_slice %arg4[%add3A_565, %dma_start3A_566, %dma_start3A_567] : memref<320x8x128xi32, #tpu.memory_space<hbm>> -> memref<1x8x128xi32, #tpu.memory_space<hbm>>
        %dma_start3A_569 = tpu.memref_squeeze %dma_start3A_568 : memref<1x8x128xi32, #tpu.memory_space<hbm>> -> memref<8x128xi32, #tpu.memory_space<hbm>>
        %dma_start3A_570 = arith.constant 0 : i32
        %dma_start3A_571 = arith.constant 0 : i32
        %dma_start3A_572 = tpu.memref_slice %arg4[%add3A_565, %dma_start3A_570, %dma_start3A_571] : memref<320x8x128xi32, #tpu.memory_space<hbm>> -> memref<1x8x128xi32, #tpu.memory_space<hbm>>
        %dma_start3A_573 = tpu.memref_squeeze %dma_start3A_572 : memref<1x8x128xi32, #tpu.memory_space<hbm>> -> memref<8x128xi32, #tpu.memory_space<hbm>>
        tpu.enqueue_dma source(%dma_start3A_573 : memref<8x128xi32, #tpu.memory_space<hbm>>) target(%arg9 : memref<8x128xi32, #tpu.memory_space<vmem>>) target_semaphore(%arg16 : memref<!tpu.dma_semaphore, #tpu.memory_space<semaphore_mem>>)
      } else {
      }
      %dma_wait3A_185 = arith.constant 0 : i32
      %dma_wait3A_186 = arith.constant 0 : i32
      %dma_wait3A_187 = tpu.memref_slice %arg2[%dma_wait3A_185, %dma_wait3A_186] : memref<10240x128xf32, #tpu.memory_space<hbm>> -> memref<128x128xf32, #tpu.memory_space<hbm>>
      %dma_wait3A_188 = arith.constant 0 : i32
      %dma_wait3A_189 = arith.constant 0 : i32
      %dma_wait3A_190 = tpu.memref_slice %arg2[%dma_wait3A_188, %dma_wait3A_189] : memref<10240x128xf32, #tpu.memory_space<hbm>> -> memref<128x128xf32, #tpu.memory_space<hbm>>
      tpu.wait_dma2 semaphore(%arg20 : memref<!tpu.dma_semaphore, #tpu.memory_space<semaphore_mem>>) src(%dma_wait3A_190 : memref<128x128xf32, #tpu.memory_space<hbm>>) dst(%arg11 : memref<128x128xf32, #tpu.memory_space<vmem>>)
      %dma_start3A_191 = arith.constant 3 : i32
      %dma_start3A_192 = arith.constant 0 : i32
      %dma_start3A_193 = tpu.memref_slice %arg6[%dma_start3A_191, %dma_start3A_192] : memref<8x128xi32, #tpu.memory_space<vmem>> -> memref<1x128xi32, #tpu.memory_space<vmem>>
      %dma_start3A_194 = tpu.memref_squeeze %dma_start3A_193 : memref<1x128xi32, #tpu.memory_space<vmem>> -> memref<128xi32, #tpu.memory_space<vmem>>
      %dma_start3A_195 = arith.constant 0 : i32
      %dma_start3A_196 = arith.constant 0 : i32
      %dma_start3A_197 = tpu.memref_slice %arg2[%dma_start3A_195, %dma_start3A_196] : memref<10240x128xf32, #tpu.memory_space<hbm>> -> memref<10240x128xf32, #tpu.memory_space<hbm>>
      tpu.enqueue_indirect_dma source(%dma_start3A_197 : memref<10240x128xf32, #tpu.memory_space<hbm>>) target(%arg11 : memref<128x128xf32, #tpu.memory_space<vmem>>) offsets(%dma_start3A_194 : memref<128xi32, #tpu.memory_space<vmem>>) semaphore(%arg18 : memref<!tpu.dma_semaphore, #tpu.memory_space<semaphore_mem>>)
      %dma_wait3A_198 = arith.constant 0 : i32
      %dma_wait3A_199 = arith.constant 0 : i32
      %dma_wait3A_200 = tpu.memref_slice %arg2[%dma_wait3A_198, %dma_wait3A_199] : memref<10240x128xf32, #tpu.memory_space<hbm>> -> memref<128x128xf32, #tpu.memory_space<hbm>>
      %dma_wait3A_201 = arith.constant 0 : i32
      %dma_wait3A_202 = arith.constant 0 : i32
      %dma_wait3A_203 = tpu.memref_slice %arg2[%dma_wait3A_201, %dma_wait3A_202] : memref<10240x128xf32, #tpu.memory_space<hbm>> -> memref<128x128xf32, #tpu.memory_space<hbm>>
      tpu.wait_dma2 semaphore(%arg17 : memref<!tpu.dma_semaphore, #tpu.memory_space<semaphore_mem>>) src(%dma_wait3A_203 : memref<128x128xf32, #tpu.memory_space<hbm>>) dst(%arg10 : memref<128x128xf32, #tpu.memory_space<vmem>>)
      %dma_start3A_204 = arith.constant 2 : i32
      %dma_start3A_205 = arith.constant 0 : i32
      %dma_start3A_206 = tpu.memref_slice %arg8[%dma_start3A_204, %dma_start3A_205] : memref<8x128xi32, #tpu.memory_space<vmem>> -> memref<1x128xi32, #tpu.memory_space<vmem>>
      %dma_start3A_207 = tpu.memref_squeeze %dma_start3A_206 : memref<1x128xi32, #tpu.memory_space<vmem>> -> memref<128xi32, #tpu.memory_space<vmem>>
      %dma_start3A_208 = arith.constant 0 : i32
      %dma_start3A_209 = arith.constant 0 : i32
      %dma_start3A_210 = tpu.memref_slice %arg12[%dma_start3A_208, %dma_start3A_209] : memref<10240x128xf32, #tpu.memory_space<vmem_shared>> -> memref<10240x128xf32, #tpu.memory_space<vmem_shared>>
      tpu.enqueue_indirect_dma source(%arg10 : memref<128x128xf32, #tpu.memory_space<vmem>>) target(%dma_start3A_210 : memref<10240x128xf32, #tpu.memory_space<vmem_shared>>) offsets(%dma_start3A_207 : memref<128xi32, #tpu.memory_space<vmem>>) semaphore(%arg19 : memref<!tpu.dma_semaphore, #tpu.memory_space<semaphore_mem>>) {add = true}
      %dma_wait3A_211 = arith.constant 0 : i32
      %dma_wait3A_212 = arith.constant 0 : i32
      %dma_wait3A_213 = tpu.memref_slice %arg2[%dma_wait3A_211, %dma_wait3A_212] : memref<10240x128xf32, #tpu.memory_space<hbm>> -> memref<128x128xf32, #tpu.memory_space<hbm>>
      %dma_wait3A_214 = arith.constant 0 : i32
      %dma_wait3A_215 = arith.constant 0 : i32
      %dma_wait3A_216 = tpu.memref_slice %arg2[%dma_wait3A_214, %dma_wait3A_215] : memref<10240x128xf32, #tpu.memory_space<hbm>> -> memref<128x128xf32, #tpu.memory_space<hbm>>
      tpu.wait_dma2 semaphore(%arg19 : memref<!tpu.dma_semaphore, #tpu.memory_space<semaphore_mem>>) src(%dma_wait3A_216 : memref<128x128xf32, #tpu.memory_space<hbm>>) dst(%arg10 : memref<128x128xf32, #tpu.memory_space<vmem>>)
      %dma_start3A_217 = arith.constant 4 : i32
      %dma_start3A_218 = arith.constant 0 : i32
      %dma_start3A_219 = tpu.memref_slice %arg6[%dma_start3A_217, %dma_start3A_218] : memref<8x128xi32, #tpu.memory_space<vmem>> -> memref<1x128xi32, #tpu.memory_space<vmem>>
      %dma_start3A_220 = tpu.memref_squeeze %dma_start3A_219 : memref<1x128xi32, #tpu.memory_space<vmem>> -> memref<128xi32, #tpu.memory_space<vmem>>
      %dma_start3A_221 = arith.constant 0 : i32
      %dma_start3A_222 = arith.constant 0 : i32
      %dma_start3A_223 = tpu.memref_slice %arg2[%dma_start3A_221, %dma_start3A_222] : memref<10240x128xf32, #tpu.memory_space<hbm>> -> memref<10240x128xf32, #tpu.memory_space<hbm>>
      tpu.enqueue_indirect_dma source(%dma_start3A_223 : memref<10240x128xf32, #tpu.memory_space<hbm>>) target(%arg10 : memref<128x128xf32, #tpu.memory_space<vmem>>) offsets(%dma_start3A_220 : memref<128xi32, #tpu.memory_space<vmem>>) semaphore(%arg17 : memref<!tpu.dma_semaphore, #tpu.memory_space<semaphore_mem>>)
      %dma_wait3A_224 = arith.constant 0 : i32
      %dma_wait3A_225 = arith.constant 0 : i32
      %dma_wait3A_226 = tpu.memref_slice %arg2[%dma_wait3A_224, %dma_wait3A_225] : memref<10240x128xf32, #tpu.memory_space<hbm>> -> memref<128x128xf32, #tpu.memory_space<hbm>>
      %dma_wait3A_227 = arith.constant 0 : i32
      %dma_wait3A_228 = arith.constant 0 : i32
      %dma_wait3A_229 = tpu.memref_slice %arg2[%dma_wait3A_227, %dma_wait3A_228] : memref<10240x128xf32, #tpu.memory_space<hbm>> -> memref<128x128xf32, #tpu.memory_space<hbm>>
      tpu.wait_dma2 semaphore(%arg18 : memref<!tpu.dma_semaphore, #tpu.memory_space<semaphore_mem>>) src(%dma_wait3A_229 : memref<128x128xf32, #tpu.memory_space<hbm>>) dst(%arg11 : memref<128x128xf32, #tpu.memory_space<vmem>>)
      %dma_start3A_230 = arith.constant 3 : i32
      %dma_start3A_231 = arith.constant 0 : i32
      %dma_start3A_232 = tpu.memref_slice %arg8[%dma_start3A_230, %dma_start3A_231] : memref<8x128xi32, #tpu.memory_space<vmem>> -> memref<1x128xi32, #tpu.memory_space<vmem>>
      %dma_start3A_233 = tpu.memref_squeeze %dma_start3A_232 : memref<1x128xi32, #tpu.memory_space<vmem>> -> memref<128xi32, #tpu.memory_space<vmem>>
      %dma_start3A_234 = arith.constant 0 : i32
      %dma_start3A_235 = arith.constant 0 : i32
      %dma_start3A_236 = tpu.memref_slice %arg12[%dma_start3A_234, %dma_start3A_235] : memref<10240x128xf32, #tpu.memory_space<vmem_shared>> -> memref<10240x128xf32, #tpu.memory_space<vmem_shared>>
      tpu.enqueue_indirect_dma source(%arg11 : memref<128x128xf32, #tpu.memory_space<vmem>>) target(%dma_start3A_236 : memref<10240x128xf32, #tpu.memory_space<vmem_shared>>) offsets(%dma_start3A_233 : memref<128xi32, #tpu.memory_space<vmem>>) semaphore(%arg20 : memref<!tpu.dma_semaphore, #tpu.memory_space<semaphore_mem>>) {add = true}
      %dma_wait3A_237 = arith.constant 0 : i32
      %dma_wait3A_238 = arith.constant 0 : i32
      %dma_wait3A_239 = tpu.memref_slice %arg2[%dma_wait3A_237, %dma_wait3A_238] : memref<10240x128xf32, #tpu.memory_space<hbm>> -> memref<128x128xf32, #tpu.memory_space<hbm>>
      %dma_wait3A_240 = arith.constant 0 : i32
      %dma_wait3A_241 = arith.constant 0 : i32
      %dma_wait3A_242 = tpu.memref_slice %arg2[%dma_wait3A_240, %dma_wait3A_241] : memref<10240x128xf32, #tpu.memory_space<hbm>> -> memref<128x128xf32, #tpu.memory_space<hbm>>
      tpu.wait_dma2 semaphore(%arg20 : memref<!tpu.dma_semaphore, #tpu.memory_space<semaphore_mem>>) src(%dma_wait3A_242 : memref<128x128xf32, #tpu.memory_space<hbm>>) dst(%arg11 : memref<128x128xf32, #tpu.memory_space<vmem>>)
      %dma_start3A_243 = arith.constant 5 : i32
      %dma_start3A_244 = arith.constant 0 : i32
      %dma_start3A_245 = tpu.memref_slice %arg6[%dma_start3A_243, %dma_start3A_244] : memref<8x128xi32, #tpu.memory_space<vmem>> -> memref<1x128xi32, #tpu.memory_space<vmem>>
      %dma_start3A_246 = tpu.memref_squeeze %dma_start3A_245 : memref<1x128xi32, #tpu.memory_space<vmem>> -> memref<128xi32, #tpu.memory_space<vmem>>
      %dma_start3A_247 = arith.constant 0 : i32
      %dma_start3A_248 = arith.constant 0 : i32
      %dma_start3A_249 = tpu.memref_slice %arg2[%dma_start3A_247, %dma_start3A_248] : memref<10240x128xf32, #tpu.memory_space<hbm>> -> memref<10240x128xf32, #tpu.memory_space<hbm>>
      tpu.enqueue_indirect_dma source(%dma_start3A_249 : memref<10240x128xf32, #tpu.memory_space<hbm>>) target(%arg11 : memref<128x128xf32, #tpu.memory_space<vmem>>) offsets(%dma_start3A_246 : memref<128xi32, #tpu.memory_space<vmem>>) semaphore(%arg18 : memref<!tpu.dma_semaphore, #tpu.memory_space<semaphore_mem>>)
      %dma_wait3A_250 = arith.constant 0 : i32
      %dma_wait3A_251 = arith.constant 0 : i32
      %dma_wait3A_252 = tpu.memref_slice %arg2[%dma_wait3A_250, %dma_wait3A_251] : memref<10240x128xf32, #tpu.memory_space<hbm>> -> memref<128x128xf32, #tpu.memory_space<hbm>>
      %dma_wait3A_253 = arith.constant 0 : i32
      %dma_wait3A_254 = arith.constant 0 : i32
      %dma_wait3A_255 = tpu.memref_slice %arg2[%dma_wait3A_253, %dma_wait3A_254] : memref<10240x128xf32, #tpu.memory_space<hbm>> -> memref<128x128xf32, #tpu.memory_space<hbm>>
      tpu.wait_dma2 semaphore(%arg17 : memref<!tpu.dma_semaphore, #tpu.memory_space<semaphore_mem>>) src(%dma_wait3A_255 : memref<128x128xf32, #tpu.memory_space<hbm>>) dst(%arg10 : memref<128x128xf32, #tpu.memory_space<vmem>>)
      %dma_start3A_256 = arith.constant 4 : i32
      %dma_start3A_257 = arith.constant 0 : i32
      %dma_start3A_258 = tpu.memref_slice %arg8[%dma_start3A_256, %dma_start3A_257] : memref<8x128xi32, #tpu.memory_space<vmem>> -> memref<1x128xi32, #tpu.memory_space<vmem>>
      %dma_start3A_259 = tpu.memref_squeeze %dma_start3A_258 : memref<1x128xi32, #tpu.memory_space<vmem>> -> memref<128xi32, #tpu.memory_space<vmem>>
      %dma_start3A_260 = arith.constant 0 : i32
      %dma_start3A_261 = arith.constant 0 : i32
      %dma_start3A_262 = tpu.memref_slice %arg12[%dma_start3A_260, %dma_start3A_261] : memref<10240x128xf32, #tpu.memory_space<vmem_shared>> -> memref<10240x128xf32, #tpu.memory_space<vmem_shared>>
      tpu.enqueue_indirect_dma source(%arg10 : memref<128x128xf32, #tpu.memory_space<vmem>>) target(%dma_start3A_262 : memref<10240x128xf32, #tpu.memory_space<vmem_shared>>) offsets(%dma_start3A_259 : memref<128xi32, #tpu.memory_space<vmem>>) semaphore(%arg19 : memref<!tpu.dma_semaphore, #tpu.memory_space<semaphore_mem>>) {add = true}
      %dma_wait3A_263 = arith.constant 0 : i32
      %dma_wait3A_264 = arith.constant 0 : i32
      %dma_wait3A_265 = tpu.memref_slice %arg2[%dma_wait3A_263, %dma_wait3A_264] : memref<10240x128xf32, #tpu.memory_space<hbm>> -> memref<128x128xf32, #tpu.memory_space<hbm>>
      %dma_wait3A_266 = arith.constant 0 : i32
      %dma_wait3A_267 = arith.constant 0 : i32
      %dma_wait3A_268 = tpu.memref_slice %arg2[%dma_wait3A_266, %dma_wait3A_267] : memref<10240x128xf32, #tpu.memory_space<hbm>> -> memref<128x128xf32, #tpu.memory_space<hbm>>
      tpu.wait_dma2 semaphore(%arg19 : memref<!tpu.dma_semaphore, #tpu.memory_space<semaphore_mem>>) src(%dma_wait3A_268 : memref<128x128xf32, #tpu.memory_space<hbm>>) dst(%arg10 : memref<128x128xf32, #tpu.memory_space<vmem>>)
      %dma_start3A_269 = arith.constant 6 : i32
      %dma_start3A_270 = arith.constant 0 : i32
      %dma_start3A_271 = tpu.memref_slice %arg6[%dma_start3A_269, %dma_start3A_270] : memref<8x128xi32, #tpu.memory_space<vmem>> -> memref<1x128xi32, #tpu.memory_space<vmem>>
      %dma_start3A_272 = tpu.memref_squeeze %dma_start3A_271 : memref<1x128xi32, #tpu.memory_space<vmem>> -> memref<128xi32, #tpu.memory_space<vmem>>
      %dma_start3A_273 = arith.constant 0 : i32
      %dma_start3A_274 = arith.constant 0 : i32
      %dma_start3A_275 = tpu.memref_slice %arg2[%dma_start3A_273, %dma_start3A_274] : memref<10240x128xf32, #tpu.memory_space<hbm>> -> memref<10240x128xf32, #tpu.memory_space<hbm>>
      tpu.enqueue_indirect_dma source(%dma_start3A_275 : memref<10240x128xf32, #tpu.memory_space<hbm>>) target(%arg10 : memref<128x128xf32, #tpu.memory_space<vmem>>) offsets(%dma_start3A_272 : memref<128xi32, #tpu.memory_space<vmem>>) semaphore(%arg17 : memref<!tpu.dma_semaphore, #tpu.memory_space<semaphore_mem>>)
      %dma_wait3A_276 = arith.constant 0 : i32
      %dma_wait3A_277 = arith.constant 0 : i32
      %dma_wait3A_278 = tpu.memref_slice %arg2[%dma_wait3A_276, %dma_wait3A_277] : memref<10240x128xf32, #tpu.memory_space<hbm>> -> memref<128x128xf32, #tpu.memory_space<hbm>>
      %dma_wait3A_279 = arith.constant 0 : i32
      %dma_wait3A_280 = arith.constant 0 : i32
      %dma_wait3A_281 = tpu.memref_slice %arg2[%dma_wait3A_279, %dma_wait3A_280] : memref<10240x128xf32, #tpu.memory_space<hbm>> -> memref<128x128xf32, #tpu.memory_space<hbm>>
      tpu.wait_dma2 semaphore(%arg18 : memref<!tpu.dma_semaphore, #tpu.memory_space<semaphore_mem>>) src(%dma_wait3A_281 : memref<128x128xf32, #tpu.memory_space<hbm>>) dst(%arg11 : memref<128x128xf32, #tpu.memory_space<vmem>>)
      %dma_start3A_282 = arith.constant 5 : i32
      %dma_start3A_283 = arith.constant 0 : i32
      %dma_start3A_284 = tpu.memref_slice %arg8[%dma_start3A_282, %dma_start3A_283] : memref<8x128xi32, #tpu.memory_space<vmem>> -> memref<1x128xi32, #tpu.memory_space<vmem>>
      %dma_start3A_285 = tpu.memref_squeeze %dma_start3A_284 : memref<1x128xi32, #tpu.memory_space<vmem>> -> memref<128xi32, #tpu.memory_space<vmem>>
      %dma_start3A_286 = arith.constant 0 : i32
      %dma_start3A_287 = arith.constant 0 : i32
      %dma_start3A_288 = tpu.memref_slice %arg12[%dma_start3A_286, %dma_start3A_287] : memref<10240x128xf32, #tpu.memory_space<vmem_shared>> -> memref<10240x128xf32, #tpu.memory_space<vmem_shared>>
      tpu.enqueue_indirect_dma source(%arg11 : memref<128x128xf32, #tpu.memory_space<vmem>>) target(%dma_start3A_288 : memref<10240x128xf32, #tpu.memory_space<vmem_shared>>) offsets(%dma_start3A_285 : memref<128xi32, #tpu.memory_space<vmem>>) semaphore(%arg20 : memref<!tpu.dma_semaphore, #tpu.memory_space<semaphore_mem>>) {add = true}
      %dma_wait3A_289 = arith.constant 0 : i32
      %dma_wait3A_290 = arith.constant 0 : i32
      %dma_wait3A_291 = tpu.memref_slice %arg2[%dma_wait3A_289, %dma_wait3A_290] : memref<10240x128xf32, #tpu.memory_space<hbm>> -> memref<128x128xf32, #tpu.memory_space<hbm>>
      %dma_wait3A_292 = arith.constant 0 : i32
      %dma_wait3A_293 = arith.constant 0 : i32
      %dma_wait3A_294 = tpu.memref_slice %arg2[%dma_wait3A_292, %dma_wait3A_293] : memref<10240x128xf32, #tpu.memory_space<hbm>> -> memref<128x128xf32, #tpu.memory_space<hbm>>
      tpu.wait_dma2 semaphore(%arg20 : memref<!tpu.dma_semaphore, #tpu.memory_space<semaphore_mem>>) src(%dma_wait3A_294 : memref<128x128xf32, #tpu.memory_space<hbm>>) dst(%arg11 : memref<128x128xf32, #tpu.memory_space<vmem>>)
      %dma_start3A_295 = arith.constant 7 : i32
      %dma_start3A_296 = arith.constant 0 : i32
      %dma_start3A_297 = tpu.memref_slice %arg6[%dma_start3A_295, %dma_start3A_296] : memref<8x128xi32, #tpu.memory_space<vmem>> -> memref<1x128xi32, #tpu.memory_space<vmem>>
      %dma_start3A_298 = tpu.memref_squeeze %dma_start3A_297 : memref<1x128xi32, #tpu.memory_space<vmem>> -> memref<128xi32, #tpu.memory_space<vmem>>
      %dma_start3A_299 = arith.constant 0 : i32
      %dma_start3A_300 = arith.constant 0 : i32
      %dma_start3A_301 = tpu.memref_slice %arg2[%dma_start3A_299, %dma_start3A_300] : memref<10240x128xf32, #tpu.memory_space<hbm>> -> memref<10240x128xf32, #tpu.memory_space<hbm>>
      tpu.enqueue_indirect_dma source(%dma_start3A_301 : memref<10240x128xf32, #tpu.memory_space<hbm>>) target(%arg11 : memref<128x128xf32, #tpu.memory_space<vmem>>) offsets(%dma_start3A_298 : memref<128xi32, #tpu.memory_space<vmem>>) semaphore(%arg18 : memref<!tpu.dma_semaphore, #tpu.memory_space<semaphore_mem>>)
      %dma_wait3A_302 = arith.constant 0 : i32
      %dma_wait3A_303 = arith.constant 0 : i32
      %dma_wait3A_304 = tpu.memref_slice %arg2[%dma_wait3A_302, %dma_wait3A_303] : memref<10240x128xf32, #tpu.memory_space<hbm>> -> memref<128x128xf32, #tpu.memory_space<hbm>>
      %dma_wait3A_305 = arith.constant 0 : i32
      %dma_wait3A_306 = arith.constant 0 : i32
      %dma_wait3A_307 = tpu.memref_slice %arg2[%dma_wait3A_305, %dma_wait3A_306] : memref<10240x128xf32, #tpu.memory_space<hbm>> -> memref<128x128xf32, #tpu.memory_space<hbm>>
      tpu.wait_dma2 semaphore(%arg17 : memref<!tpu.dma_semaphore, #tpu.memory_space<semaphore_mem>>) src(%dma_wait3A_307 : memref<128x128xf32, #tpu.memory_space<hbm>>) dst(%arg10 : memref<128x128xf32, #tpu.memory_space<vmem>>)
      %dma_start3A_308 = arith.constant 6 : i32
      %dma_start3A_309 = arith.constant 0 : i32
      %dma_start3A_310 = tpu.memref_slice %arg8[%dma_start3A_308, %dma_start3A_309] : memref<8x128xi32, #tpu.memory_space<vmem>> -> memref<1x128xi32, #tpu.memory_space<vmem>>
      %dma_start3A_311 = tpu.memref_squeeze %dma_start3A_310 : memref<1x128xi32, #tpu.memory_space<vmem>> -> memref<128xi32, #tpu.memory_space<vmem>>
      %dma_start3A_312 = arith.constant 0 : i32
      %dma_start3A_313 = arith.constant 0 : i32
      %dma_start3A_314 = tpu.memref_slice %arg12[%dma_start3A_312, %dma_start3A_313] : memref<10240x128xf32, #tpu.memory_space<vmem_shared>> -> memref<10240x128xf32, #tpu.memory_space<vmem_shared>>
      tpu.enqueue_indirect_dma source(%arg10 : memref<128x128xf32, #tpu.memory_space<vmem>>) target(%dma_start3A_314 : memref<10240x128xf32, #tpu.memory_space<vmem_shared>>) offsets(%dma_start3A_311 : memref<128xi32, #tpu.memory_space<vmem>>) semaphore(%arg19 : memref<!tpu.dma_semaphore, #tpu.memory_space<semaphore_mem>>) {add = true}
      %mul3A_315 = arith.constant 2 : i32
      %mul3A_316 = arith.muli %mul3A_315, %while3A_89 : i32
      %add3A_317 = arith.addi %select_n3A, %mul3A_316 : i32
      %add3A_318 = arith.constant 1 : i32
      %add3A_319 = arith.addi %add3A_317, %add3A_318 : i32
      %dma_wait3A_320 = arith.constant 0 : i32
      %dma_wait3A_321 = arith.constant 0 : i32
      %dma_wait3A_322 = tpu.memref_slice %arg3[%select_n3A, %dma_wait3A_320, %dma_wait3A_321] : memref<320x8x128xi32, #tpu.memory_space<hbm>> -> memref<1x8x128xi32, #tpu.memory_space<hbm>>
      %dma_wait3A_323 = tpu.memref_squeeze %dma_wait3A_322 : memref<1x8x128xi32, #tpu.memory_space<hbm>> -> memref<8x128xi32, #tpu.memory_space<hbm>>
      %dma_wait3A_324 = arith.constant 0 : i32
      %dma_wait3A_325 = arith.constant 0 : i32
      %dma_wait3A_326 = tpu.memref_slice %arg3[%select_n3A, %dma_wait3A_324, %dma_wait3A_325] : memref<320x8x128xi32, #tpu.memory_space<hbm>> -> memref<1x8x128xi32, #tpu.memory_space<hbm>>
      %dma_wait3A_327 = tpu.memref_squeeze %dma_wait3A_326 : memref<1x8x128xi32, #tpu.memory_space<hbm>> -> memref<8x128xi32, #tpu.memory_space<hbm>>
      tpu.wait_dma2 semaphore(%arg14 : memref<!tpu.dma_semaphore, #tpu.memory_space<semaphore_mem>>) src(%dma_wait3A_327 : memref<8x128xi32, #tpu.memory_space<hbm>>) dst(%arg7 : memref<8x128xi32, #tpu.memory_space<vmem>>)
      %dma_wait3A_328 = arith.constant 0 : i32
      %dma_wait3A_329 = arith.constant 0 : i32
      %dma_wait3A_330 = tpu.memref_slice %arg4[%select_n3A, %dma_wait3A_328, %dma_wait3A_329] : memref<320x8x128xi32, #tpu.memory_space<hbm>> -> memref<1x8x128xi32, #tpu.memory_space<hbm>>
      %dma_wait3A_331 = tpu.memref_squeeze %dma_wait3A_330 : memref<1x8x128xi32, #tpu.memory_space<hbm>> -> memref<8x128xi32, #tpu.memory_space<hbm>>
      %dma_wait3A_332 = arith.constant 0 : i32
      %dma_wait3A_333 = arith.constant 0 : i32
      %dma_wait3A_334 = tpu.memref_slice %arg4[%select_n3A, %dma_wait3A_332, %dma_wait3A_333] : memref<320x8x128xi32, #tpu.memory_space<hbm>> -> memref<1x8x128xi32, #tpu.memory_space<hbm>>
      %dma_wait3A_335 = tpu.memref_squeeze %dma_wait3A_334 : memref<1x8x128xi32, #tpu.memory_space<hbm>> -> memref<8x128xi32, #tpu.memory_space<hbm>>
      tpu.wait_dma2 semaphore(%arg16 : memref<!tpu.dma_semaphore, #tpu.memory_space<semaphore_mem>>) src(%dma_wait3A_335 : memref<8x128xi32, #tpu.memory_space<hbm>>) dst(%arg9 : memref<8x128xi32, #tpu.memory_space<vmem>>)
      %dma_wait3A_336 = arith.constant 0 : i32
      %dma_wait3A_337 = arith.constant 0 : i32
      %dma_wait3A_338 = tpu.memref_slice %arg2[%dma_wait3A_336, %dma_wait3A_337] : memref<10240x128xf32, #tpu.memory_space<hbm>> -> memref<128x128xf32, #tpu.memory_space<hbm>>
      %dma_wait3A_339 = arith.constant 0 : i32
      %dma_wait3A_340 = arith.constant 0 : i32
      %dma_wait3A_341 = tpu.memref_slice %arg2[%dma_wait3A_339, %dma_wait3A_340] : memref<10240x128xf32, #tpu.memory_space<hbm>> -> memref<128x128xf32, #tpu.memory_space<hbm>>
      tpu.wait_dma2 semaphore(%arg19 : memref<!tpu.dma_semaphore, #tpu.memory_space<semaphore_mem>>) src(%dma_wait3A_341 : memref<128x128xf32, #tpu.memory_space<hbm>>) dst(%arg10 : memref<128x128xf32, #tpu.memory_space<vmem>>)
      %dma_start3A_342 = arith.constant 0 : i32
      %dma_start3A_343 = arith.constant 0 : i32
      %dma_start3A_344 = tpu.memref_slice %arg7[%dma_start3A_342, %dma_start3A_343] : memref<8x128xi32, #tpu.memory_space<vmem>> -> memref<1x128xi32, #tpu.memory_space<vmem>>
      %dma_start3A_345 = tpu.memref_squeeze %dma_start3A_344 : memref<1x128xi32, #tpu.memory_space<vmem>> -> memref<128xi32, #tpu.memory_space<vmem>>
      %dma_start3A_346 = arith.constant 0 : i32
      %dma_start3A_347 = arith.constant 0 : i32
      %dma_start3A_348 = tpu.memref_slice %arg2[%dma_start3A_346, %dma_start3A_347] : memref<10240x128xf32, #tpu.memory_space<hbm>> -> memref<10240x128xf32, #tpu.memory_space<hbm>>
      tpu.enqueue_indirect_dma source(%dma_start3A_348 : memref<10240x128xf32, #tpu.memory_space<hbm>>) target(%arg10 : memref<128x128xf32, #tpu.memory_space<vmem>>) offsets(%dma_start3A_345 : memref<128xi32, #tpu.memory_space<vmem>>) semaphore(%arg17 : memref<!tpu.dma_semaphore, #tpu.memory_space<semaphore_mem>>)
      %dma_wait3A_349 = arith.constant 0 : i32
      %dma_wait3A_350 = arith.constant 0 : i32
      %dma_wait3A_351 = tpu.memref_slice %arg2[%dma_wait3A_349, %dma_wait3A_350] : memref<10240x128xf32, #tpu.memory_space<hbm>> -> memref<128x128xf32, #tpu.memory_space<hbm>>
      %dma_wait3A_352 = arith.constant 0 : i32
      %dma_wait3A_353 = arith.constant 0 : i32
      %dma_wait3A_354 = tpu.memref_slice %arg2[%dma_wait3A_352, %dma_wait3A_353] : memref<10240x128xf32, #tpu.memory_space<hbm>> -> memref<128x128xf32, #tpu.memory_space<hbm>>
      tpu.wait_dma2 semaphore(%arg18 : memref<!tpu.dma_semaphore, #tpu.memory_space<semaphore_mem>>) src(%dma_wait3A_354 : memref<128x128xf32, #tpu.memory_space<hbm>>) dst(%arg11 : memref<128x128xf32, #tpu.memory_space<vmem>>)
      %dma_start3A_355 = arith.constant 7 : i32
      %dma_start3A_356 = arith.constant 0 : i32
      %dma_start3A_357 = tpu.memref_slice %arg8[%dma_start3A_355, %dma_start3A_356] : memref<8x128xi32, #tpu.memory_space<vmem>> -> memref<1x128xi32, #tpu.memory_space<vmem>>
      %dma_start3A_358 = tpu.memref_squeeze %dma_start3A_357 : memref<1x128xi32, #tpu.memory_space<vmem>> -> memref<128xi32, #tpu.memory_space<vmem>>
      %dma_start3A_359 = arith.constant 0 : i32
      %dma_start3A_360 = arith.constant 0 : i32
      %dma_start3A_361 = tpu.memref_slice %arg12[%dma_start3A_359, %dma_start3A_360] : memref<10240x128xf32, #tpu.memory_space<vmem_shared>> -> memref<10240x128xf32, #tpu.memory_space<vmem_shared>>
      tpu.enqueue_indirect_dma source(%arg11 : memref<128x128xf32, #tpu.memory_space<vmem>>) target(%dma_start3A_361 : memref<10240x128xf32, #tpu.memory_space<vmem_shared>>) offsets(%dma_start3A_358 : memref<128xi32, #tpu.memory_space<vmem>>) semaphore(%arg20 : memref<!tpu.dma_semaphore, #tpu.memory_space<semaphore_mem>>) {add = true}
      %dma_wait3A_362 = arith.constant 0 : i32
      %dma_wait3A_363 = arith.constant 0 : i32
      %dma_wait3A_364 = tpu.memref_slice %arg2[%dma_wait3A_362, %dma_wait3A_363] : memref<10240x128xf32, #tpu.memory_space<hbm>> -> memref<128x128xf32, #tpu.memory_space<hbm>>
      %dma_wait3A_365 = arith.constant 0 : i32
      %dma_wait3A_366 = arith.constant 0 : i32
      %dma_wait3A_367 = tpu.memref_slice %arg2[%dma_wait3A_365, %dma_wait3A_366] : memref<10240x128xf32, #tpu.memory_space<hbm>> -> memref<128x128xf32, #tpu.memory_space<hbm>>
      tpu.wait_dma2 semaphore(%arg20 : memref<!tpu.dma_semaphore, #tpu.memory_space<semaphore_mem>>) src(%dma_wait3A_367 : memref<128x128xf32, #tpu.memory_space<hbm>>) dst(%arg11 : memref<128x128xf32, #tpu.memory_space<vmem>>)
      %dma_start3A_368 = arith.constant 1 : i32
      %dma_start3A_369 = arith.constant 0 : i32
      %dma_start3A_370 = tpu.memref_slice %arg7[%dma_start3A_368, %dma_start3A_369] : memref<8x128xi32, #tpu.memory_space<vmem>> -> memref<1x128xi32, #tpu.memory_space<vmem>>
      %dma_start3A_371 = tpu.memref_squeeze %dma_start3A_370 : memref<1x128xi32, #tpu.memory_space<vmem>> -> memref<128xi32, #tpu.memory_space<vmem>>
      %dma_start3A_372 = arith.constant 0 : i32
      %dma_start3A_373 = arith.constant 0 : i32
      %dma_start3A_374 = tpu.memref_slice %arg2[%dma_start3A_372, %dma_start3A_373] : memref<10240x128xf32, #tpu.memory_space<hbm>> -> memref<10240x128xf32, #tpu.memory_space<hbm>>
      tpu.enqueue_indirect_dma source(%dma_start3A_374 : memref<10240x128xf32, #tpu.memory_space<hbm>>) target(%arg11 : memref<128x128xf32, #tpu.memory_space<vmem>>) offsets(%dma_start3A_371 : memref<128xi32, #tpu.memory_space<vmem>>) semaphore(%arg18 : memref<!tpu.dma_semaphore, #tpu.memory_space<semaphore_mem>>)
      %dma_wait3A_375 = arith.constant 0 : i32
      %dma_wait3A_376 = arith.constant 0 : i32
      %dma_wait3A_377 = tpu.memref_slice %arg2[%dma_wait3A_375, %dma_wait3A_376] : memref<10240x128xf32, #tpu.memory_space<hbm>> -> memref<128x128xf32, #tpu.memory_space<hbm>>
      %dma_wait3A_378 = arith.constant 0 : i32
      %dma_wait3A_379 = arith.constant 0 : i32
      %dma_wait3A_380 = tpu.memref_slice %arg2[%dma_wait3A_378, %dma_wait3A_379] : memref<10240x128xf32, #tpu.memory_space<hbm>> -> memref<128x128xf32, #tpu.memory_space<hbm>>
      tpu.wait_dma2 semaphore(%arg17 : memref<!tpu.dma_semaphore, #tpu.memory_space<semaphore_mem>>) src(%dma_wait3A_380 : memref<128x128xf32, #tpu.memory_space<hbm>>) dst(%arg10 : memref<128x128xf32, #tpu.memory_space<vmem>>)
      %dma_start3A_381 = arith.constant 0 : i32
      %dma_start3A_382 = arith.constant 0 : i32
      %dma_start3A_383 = tpu.memref_slice %arg9[%dma_start3A_381, %dma_start3A_382] : memref<8x128xi32, #tpu.memory_space<vmem>> -> memref<1x128xi32, #tpu.memory_space<vmem>>
      %dma_start3A_384 = tpu.memref_squeeze %dma_start3A_383 : memref<1x128xi32, #tpu.memory_space<vmem>> -> memref<128xi32, #tpu.memory_space<vmem>>
      %dma_start3A_385 = arith.constant 0 : i32
      %dma_start3A_386 = arith.constant 0 : i32
      %dma_start3A_387 = tpu.memref_slice %arg12[%dma_start3A_385, %dma_start3A_386] : memref<10240x128xf32, #tpu.memory_space<vmem_shared>> -> memref<10240x128xf32, #tpu.memory_space<vmem_shared>>
      tpu.enqueue_indirect_dma source(%arg10 : memref<128x128xf32, #tpu.memory_space<vmem>>) target(%dma_start3A_387 : memref<10240x128xf32, #tpu.memory_space<vmem_shared>>) offsets(%dma_start3A_384 : memref<128xi32, #tpu.memory_space<vmem>>) semaphore(%arg19 : memref<!tpu.dma_semaphore, #tpu.memory_space<semaphore_mem>>) {add = true}
      %dma_wait3A_388 = arith.constant 0 : i32
      %dma_wait3A_389 = arith.constant 0 : i32
      %dma_wait3A_390 = tpu.memref_slice %arg2[%dma_wait3A_388, %dma_wait3A_389] : memref<10240x128xf32, #tpu.memory_space<hbm>> -> memref<128x128xf32, #tpu.memory_space<hbm>>
      %dma_wait3A_391 = arith.constant 0 : i32
      %dma_wait3A_392 = arith.constant 0 : i32
      %dma_wait3A_393 = tpu.memref_slice %arg2[%dma_wait3A_391, %dma_wait3A_392] : memref<10240x128xf32, #tpu.memory_space<hbm>> -> memref<128x128xf32, #tpu.memory_space<hbm>>
      tpu.wait_dma2 semaphore(%arg19 : memref<!tpu.dma_semaphore, #tpu.memory_space<semaphore_mem>>) src(%dma_wait3A_393 : memref<128x128xf32, #tpu.memory_space<hbm>>) dst(%arg10 : memref<128x128xf32, #tpu.memory_space<vmem>>)
      %dma_start3A_394 = arith.constant 2 : i32
      %dma_start3A_395 = arith.constant 0 : i32
      %dma_start3A_396 = tpu.memref_slice %arg7[%dma_start3A_394, %dma_start3A_395] : memref<8x128xi32, #tpu.memory_space<vmem>> -> memref<1x128xi32, #tpu.memory_space<vmem>>
      %dma_start3A_397 = tpu.memref_squeeze %dma_start3A_396 : memref<1x128xi32, #tpu.memory_space<vmem>> -> memref<128xi32, #tpu.memory_space<vmem>>
      %dma_start3A_398 = arith.constant 0 : i32
      %dma_start3A_399 = arith.constant 0 : i32
      %dma_start3A_400 = tpu.memref_slice %arg2[%dma_start3A_398, %dma_start3A_399] : memref<10240x128xf32, #tpu.memory_space<hbm>> -> memref<10240x128xf32, #tpu.memory_space<hbm>>
      tpu.enqueue_indirect_dma source(%dma_start3A_400 : memref<10240x128xf32, #tpu.memory_space<hbm>>) target(%arg10 : memref<128x128xf32, #tpu.memory_space<vmem>>) offsets(%dma_start3A_397 : memref<128xi32, #tpu.memory_space<vmem>>) semaphore(%arg17 : memref<!tpu.dma_semaphore, #tpu.memory_space<semaphore_mem>>)
      %dma_wait3A_401 = arith.constant 0 : i32
      %dma_wait3A_402 = arith.constant 0 : i32
      %dma_wait3A_403 = tpu.memref_slice %arg2[%dma_wait3A_401, %dma_wait3A_402] : memref<10240x128xf32, #tpu.memory_space<hbm>> -> memref<128x128xf32, #tpu.memory_space<hbm>>
      %dma_wait3A_404 = arith.constant 0 : i32
      %dma_wait3A_405 = arith.constant 0 : i32
      %dma_wait3A_406 = tpu.memref_slice %arg2[%dma_wait3A_404, %dma_wait3A_405] : memref<10240x128xf32, #tpu.memory_space<hbm>> -> memref<128x128xf32, #tpu.memory_space<hbm>>
      tpu.wait_dma2 semaphore(%arg18 : memref<!tpu.dma_semaphore, #tpu.memory_space<semaphore_mem>>) src(%dma_wait3A_406 : memref<128x128xf32, #tpu.memory_space<hbm>>) dst(%arg11 : memref<128x128xf32, #tpu.memory_space<vmem>>)
      %dma_start3A_407 = arith.constant 1 : i32
      %dma_start3A_408 = arith.constant 0 : i32
      %dma_start3A_409 = tpu.memref_slice %arg9[%dma_start3A_407, %dma_start3A_408] : memref<8x128xi32, #tpu.memory_space<vmem>> -> memref<1x128xi32, #tpu.memory_space<vmem>>
      %dma_start3A_410 = tpu.memref_squeeze %dma_start3A_409 : memref<1x128xi32, #tpu.memory_space<vmem>> -> memref<128xi32, #tpu.memory_space<vmem>>
      %dma_start3A_411 = arith.constant 0 : i32
      %dma_start3A_412 = arith.constant 0 : i32
      %dma_start3A_413 = tpu.memref_slice %arg12[%dma_start3A_411, %dma_start3A_412] : memref<10240x128xf32, #tpu.memory_space<vmem_shared>> -> memref<10240x128xf32, #tpu.memory_space<vmem_shared>>
      tpu.enqueue_indirect_dma source(%arg11 : memref<128x128xf32, #tpu.memory_space<vmem>>) target(%dma_start3A_413 : memref<10240x128xf32, #tpu.memory_space<vmem_shared>>) offsets(%dma_start3A_410 : memref<128xi32, #tpu.memory_space<vmem>>) semaphore(%arg20 : memref<!tpu.dma_semaphore, #tpu.memory_space<semaphore_mem>>) {add = true}
      %mul3A_414 = arith.constant 2 : i32
      %mul3A_415 = arith.muli %mul3A_414, %while3A_89 : i32
      %add3A_416 = arith.constant 1 : i32
      %add3A_417 = arith.addi %mul3A_415, %add3A_416 : i32
      %add3A_418 = arith.constant 1 : i32
      %add3A_419 = arith.addi %add3A_417, %add3A_418 : i32
      %lt3A_420 = arith.cmpi slt, %add3A_419, %select_n3A_21 : i32
      %convert_element_type3A_421 = arith.extui %lt3A_420 : i1 to i32
      %cond3A_422 = arith.constant 0 : i32
      %cond3A_423 = arith.cmpi ne, %convert_element_type3A_421, %cond3A_422 : i32
      scf.if %cond3A_423 {
        %add3A_554 = arith.constant 1 : i32
        %add3A_555 = arith.addi %add3A_319, %add3A_554 : i32
        %dma_start3A_556 = arith.constant 0 : i32
        %dma_start3A_557 = arith.constant 0 : i32
        %dma_start3A_558 = tpu.memref_slice %arg3[%add3A_555, %dma_start3A_556, %dma_start3A_557] : memref<320x8x128xi32, #tpu.memory_space<hbm>> -> memref<1x8x128xi32, #tpu.memory_space<hbm>>
        %dma_start3A_559 = tpu.memref_squeeze %dma_start3A_558 : memref<1x8x128xi32, #tpu.memory_space<hbm>> -> memref<8x128xi32, #tpu.memory_space<hbm>>
        %dma_start3A_560 = arith.constant 0 : i32
        %dma_start3A_561 = arith.constant 0 : i32
        %dma_start3A_562 = tpu.memref_slice %arg3[%add3A_555, %dma_start3A_560, %dma_start3A_561] : memref<320x8x128xi32, #tpu.memory_space<hbm>> -> memref<1x8x128xi32, #tpu.memory_space<hbm>>
        %dma_start3A_563 = tpu.memref_squeeze %dma_start3A_562 : memref<1x8x128xi32, #tpu.memory_space<hbm>> -> memref<8x128xi32, #tpu.memory_space<hbm>>
        tpu.enqueue_dma source(%dma_start3A_563 : memref<8x128xi32, #tpu.memory_space<hbm>>) target(%arg6 : memref<8x128xi32, #tpu.memory_space<vmem>>) target_semaphore(%arg13 : memref<!tpu.dma_semaphore, #tpu.memory_space<semaphore_mem>>)
        %add3A_564 = arith.constant 1 : i32
        %add3A_565 = arith.addi %add3A_319, %add3A_564 : i32
        %dma_start3A_566 = arith.constant 0 : i32
        %dma_start3A_567 = arith.constant 0 : i32
        %dma_start3A_568 = tpu.memref_slice %arg4[%add3A_565, %dma_start3A_566, %dma_start3A_567] : memref<320x8x128xi32, #tpu.memory_space<hbm>> -> memref<1x8x128xi32, #tpu.memory_space<hbm>>
        %dma_start3A_569 = tpu.memref_squeeze %dma_start3A_568 : memref<1x8x128xi32, #tpu.memory_space<hbm>> -> memref<8x128xi32, #tpu.memory_space<hbm>>
        %dma_start3A_570 = arith.constant 0 : i32
        %dma_start3A_571 = arith.constant 0 : i32
        %dma_start3A_572 = tpu.memref_slice %arg4[%add3A_565, %dma_start3A_570, %dma_start3A_571] : memref<320x8x128xi32, #tpu.memory_space<hbm>> -> memref<1x8x128xi32, #tpu.memory_space<hbm>>
        %dma_start3A_573 = tpu.memref_squeeze %dma_start3A_572 : memref<1x8x128xi32, #tpu.memory_space<hbm>> -> memref<8x128xi32, #tpu.memory_space<hbm>>
        tpu.enqueue_dma source(%dma_start3A_573 : memref<8x128xi32, #tpu.memory_space<hbm>>) target(%arg8 : memref<8x128xi32, #tpu.memory_space<vmem>>) target_semaphore(%arg15 : memref<!tpu.dma_semaphore, #tpu.memory_space<semaphore_mem>>)
      } else {
      }
      %dma_wait3A_424 = arith.constant 0 : i32
      %dma_wait3A_425 = arith.constant 0 : i32
      %dma_wait3A_426 = tpu.memref_slice %arg2[%dma_wait3A_424, %dma_wait3A_425] : memref<10240x128xf32, #tpu.memory_space<hbm>> -> memref<128x128xf32, #tpu.memory_space<hbm>>
      %dma_wait3A_427 = arith.constant 0 : i32
      %dma_wait3A_428 = arith.constant 0 : i32
      %dma_wait3A_429 = tpu.memref_slice %arg2[%dma_wait3A_427, %dma_wait3A_428] : memref<10240x128xf32, #tpu.memory_space<hbm>> -> memref<128x128xf32, #tpu.memory_space<hbm>>
      tpu.wait_dma2 semaphore(%arg20 : memref<!tpu.dma_semaphore, #tpu.memory_space<semaphore_mem>>) src(%dma_wait3A_429 : memref<128x128xf32, #tpu.memory_space<hbm>>) dst(%arg11 : memref<128x128xf32, #tpu.memory_space<vmem>>)
      %dma_start3A_430 = arith.constant 3 : i32
      %dma_start3A_431 = arith.constant 0 : i32
      %dma_start3A_432 = tpu.memref_slice %arg7[%dma_start3A_430, %dma_start3A_431] : memref<8x128xi32, #tpu.memory_space<vmem>> -> memref<1x128xi32, #tpu.memory_space<vmem>>
      %dma_start3A_433 = tpu.memref_squeeze %dma_start3A_432 : memref<1x128xi32, #tpu.memory_space<vmem>> -> memref<128xi32, #tpu.memory_space<vmem>>
      %dma_start3A_434 = arith.constant 0 : i32
      %dma_start3A_435 = arith.constant 0 : i32
      %dma_start3A_436 = tpu.memref_slice %arg2[%dma_start3A_434, %dma_start3A_435] : memref<10240x128xf32, #tpu.memory_space<hbm>> -> memref<10240x128xf32, #tpu.memory_space<hbm>>
      tpu.enqueue_indirect_dma source(%dma_start3A_436 : memref<10240x128xf32, #tpu.memory_space<hbm>>) target(%arg11 : memref<128x128xf32, #tpu.memory_space<vmem>>) offsets(%dma_start3A_433 : memref<128xi32, #tpu.memory_space<vmem>>) semaphore(%arg18 : memref<!tpu.dma_semaphore, #tpu.memory_space<semaphore_mem>>)
      %dma_wait3A_437 = arith.constant 0 : i32
      %dma_wait3A_438 = arith.constant 0 : i32
      %dma_wait3A_439 = tpu.memref_slice %arg2[%dma_wait3A_437, %dma_wait3A_438] : memref<10240x128xf32, #tpu.memory_space<hbm>> -> memref<128x128xf32, #tpu.memory_space<hbm>>
      %dma_wait3A_440 = arith.constant 0 : i32
      %dma_wait3A_441 = arith.constant 0 : i32
      %dma_wait3A_442 = tpu.memref_slice %arg2[%dma_wait3A_440, %dma_wait3A_441] : memref<10240x128xf32, #tpu.memory_space<hbm>> -> memref<128x128xf32, #tpu.memory_space<hbm>>
      tpu.wait_dma2 semaphore(%arg17 : memref<!tpu.dma_semaphore, #tpu.memory_space<semaphore_mem>>) src(%dma_wait3A_442 : memref<128x128xf32, #tpu.memory_space<hbm>>) dst(%arg10 : memref<128x128xf32, #tpu.memory_space<vmem>>)
      %dma_start3A_443 = arith.constant 2 : i32
      %dma_start3A_444 = arith.constant 0 : i32
      %dma_start3A_445 = tpu.memref_slice %arg9[%dma_start3A_443, %dma_start3A_444] : memref<8x128xi32, #tpu.memory_space<vmem>> -> memref<1x128xi32, #tpu.memory_space<vmem>>
      %dma_start3A_446 = tpu.memref_squeeze %dma_start3A_445 : memref<1x128xi32, #tpu.memory_space<vmem>> -> memref<128xi32, #tpu.memory_space<vmem>>
      %dma_start3A_447 = arith.constant 0 : i32
      %dma_start3A_448 = arith.constant 0 : i32
      %dma_start3A_449 = tpu.memref_slice %arg12[%dma_start3A_447, %dma_start3A_448] : memref<10240x128xf32, #tpu.memory_space<vmem_shared>> -> memref<10240x128xf32, #tpu.memory_space<vmem_shared>>
      tpu.enqueue_indirect_dma source(%arg10 : memref<128x128xf32, #tpu.memory_space<vmem>>) target(%dma_start3A_449 : memref<10240x128xf32, #tpu.memory_space<vmem_shared>>) offsets(%dma_start3A_446 : memref<128xi32, #tpu.memory_space<vmem>>) semaphore(%arg19 : memref<!tpu.dma_semaphore, #tpu.memory_space<semaphore_mem>>) {add = true}
      %dma_wait3A_450 = arith.constant 0 : i32
      %dma_wait3A_451 = arith.constant 0 : i32
      %dma_wait3A_452 = tpu.memref_slice %arg2[%dma_wait3A_450, %dma_wait3A_451] : memref<10240x128xf32, #tpu.memory_space<hbm>> -> memref<128x128xf32, #tpu.memory_space<hbm>>
      %dma_wait3A_453 = arith.constant 0 : i32
      %dma_wait3A_454 = arith.constant 0 : i32
      %dma_wait3A_455 = tpu.memref_slice %arg2[%dma_wait3A_453, %dma_wait3A_454] : memref<10240x128xf32, #tpu.memory_space<hbm>> -> memref<128x128xf32, #tpu.memory_space<hbm>>
      tpu.wait_dma2 semaphore(%arg19 : memref<!tpu.dma_semaphore, #tpu.memory_space<semaphore_mem>>) src(%dma_wait3A_455 : memref<128x128xf32, #tpu.memory_space<hbm>>) dst(%arg10 : memref<128x128xf32, #tpu.memory_space<vmem>>)
      %dma_start3A_456 = arith.constant 4 : i32
      %dma_start3A_457 = arith.constant 0 : i32
      %dma_start3A_458 = tpu.memref_slice %arg7[%dma_start3A_456, %dma_start3A_457] : memref<8x128xi32, #tpu.memory_space<vmem>> -> memref<1x128xi32, #tpu.memory_space<vmem>>
      %dma_start3A_459 = tpu.memref_squeeze %dma_start3A_458 : memref<1x128xi32, #tpu.memory_space<vmem>> -> memref<128xi32, #tpu.memory_space<vmem>>
      %dma_start3A_460 = arith.constant 0 : i32
      %dma_start3A_461 = arith.constant 0 : i32
      %dma_start3A_462 = tpu.memref_slice %arg2[%dma_start3A_460, %dma_start3A_461] : memref<10240x128xf32, #tpu.memory_space<hbm>> -> memref<10240x128xf32, #tpu.memory_space<hbm>>
      tpu.enqueue_indirect_dma source(%dma_start3A_462 : memref<10240x128xf32, #tpu.memory_space<hbm>>) target(%arg10 : memref<128x128xf32, #tpu.memory_space<vmem>>) offsets(%dma_start3A_459 : memref<128xi32, #tpu.memory_space<vmem>>) semaphore(%arg17 : memref<!tpu.dma_semaphore, #tpu.memory_space<semaphore_mem>>)
      %dma_wait3A_463 = arith.constant 0 : i32
      %dma_wait3A_464 = arith.constant 0 : i32
      %dma_wait3A_465 = tpu.memref_slice %arg2[%dma_wait3A_463, %dma_wait3A_464] : memref<10240x128xf32, #tpu.memory_space<hbm>> -> memref<128x128xf32, #tpu.memory_space<hbm>>
      %dma_wait3A_466 = arith.constant 0 : i32
      %dma_wait3A_467 = arith.constant 0 : i32
      %dma_wait3A_468 = tpu.memref_slice %arg2[%dma_wait3A_466, %dma_wait3A_467] : memref<10240x128xf32, #tpu.memory_space<hbm>> -> memref<128x128xf32, #tpu.memory_space<hbm>>
      tpu.wait_dma2 semaphore(%arg18 : memref<!tpu.dma_semaphore, #tpu.memory_space<semaphore_mem>>) src(%dma_wait3A_468 : memref<128x128xf32, #tpu.memory_space<hbm>>) dst(%arg11 : memref<128x128xf32, #tpu.memory_space<vmem>>)
      %dma_start3A_469 = arith.constant 3 : i32
      %dma_start3A_470 = arith.constant 0 : i32
      %dma_start3A_471 = tpu.memref_slice %arg9[%dma_start3A_469, %dma_start3A_470] : memref<8x128xi32, #tpu.memory_space<vmem>> -> memref<1x128xi32, #tpu.memory_space<vmem>>
      %dma_start3A_472 = tpu.memref_squeeze %dma_start3A_471 : memref<1x128xi32, #tpu.memory_space<vmem>> -> memref<128xi32, #tpu.memory_space<vmem>>
      %dma_start3A_473 = arith.constant 0 : i32
      %dma_start3A_474 = arith.constant 0 : i32
      %dma_start3A_475 = tpu.memref_slice %arg12[%dma_start3A_473, %dma_start3A_474] : memref<10240x128xf32, #tpu.memory_space<vmem_shared>> -> memref<10240x128xf32, #tpu.memory_space<vmem_shared>>
      tpu.enqueue_indirect_dma source(%arg11 : memref<128x128xf32, #tpu.memory_space<vmem>>) target(%dma_start3A_475 : memref<10240x128xf32, #tpu.memory_space<vmem_shared>>) offsets(%dma_start3A_472 : memref<128xi32, #tpu.memory_space<vmem>>) semaphore(%arg20 : memref<!tpu.dma_semaphore, #tpu.memory_space<semaphore_mem>>) {add = true}
      %dma_wait3A_476 = arith.constant 0 : i32
      %dma_wait3A_477 = arith.constant 0 : i32
      %dma_wait3A_478 = tpu.memref_slice %arg2[%dma_wait3A_476, %dma_wait3A_477] : memref<10240x128xf32, #tpu.memory_space<hbm>> -> memref<128x128xf32, #tpu.memory_space<hbm>>
      %dma_wait3A_479 = arith.constant 0 : i32
      %dma_wait3A_480 = arith.constant 0 : i32
      %dma_wait3A_481 = tpu.memref_slice %arg2[%dma_wait3A_479, %dma_wait3A_480] : memref<10240x128xf32, #tpu.memory_space<hbm>> -> memref<128x128xf32, #tpu.memory_space<hbm>>
      tpu.wait_dma2 semaphore(%arg20 : memref<!tpu.dma_semaphore, #tpu.memory_space<semaphore_mem>>) src(%dma_wait3A_481 : memref<128x128xf32, #tpu.memory_space<hbm>>) dst(%arg11 : memref<128x128xf32, #tpu.memory_space<vmem>>)
      %dma_start3A_482 = arith.constant 5 : i32
      %dma_start3A_483 = arith.constant 0 : i32
      %dma_start3A_484 = tpu.memref_slice %arg7[%dma_start3A_482, %dma_start3A_483] : memref<8x128xi32, #tpu.memory_space<vmem>> -> memref<1x128xi32, #tpu.memory_space<vmem>>
      %dma_start3A_485 = tpu.memref_squeeze %dma_start3A_484 : memref<1x128xi32, #tpu.memory_space<vmem>> -> memref<128xi32, #tpu.memory_space<vmem>>
      %dma_start3A_486 = arith.constant 0 : i32
      %dma_start3A_487 = arith.constant 0 : i32
      %dma_start3A_488 = tpu.memref_slice %arg2[%dma_start3A_486, %dma_start3A_487] : memref<10240x128xf32, #tpu.memory_space<hbm>> -> memref<10240x128xf32, #tpu.memory_space<hbm>>
      tpu.enqueue_indirect_dma source(%dma_start3A_488 : memref<10240x128xf32, #tpu.memory_space<hbm>>) target(%arg11 : memref<128x128xf32, #tpu.memory_space<vmem>>) offsets(%dma_start3A_485 : memref<128xi32, #tpu.memory_space<vmem>>) semaphore(%arg18 : memref<!tpu.dma_semaphore, #tpu.memory_space<semaphore_mem>>)
      %dma_wait3A_489 = arith.constant 0 : i32
      %dma_wait3A_490 = arith.constant 0 : i32
      %dma_wait3A_491 = tpu.memref_slice %arg2[%dma_wait3A_489, %dma_wait3A_490] : memref<10240x128xf32, #tpu.memory_space<hbm>> -> memref<128x128xf32, #tpu.memory_space<hbm>>
      %dma_wait3A_492 = arith.constant 0 : i32
      %dma_wait3A_493 = arith.constant 0 : i32
      %dma_wait3A_494 = tpu.memref_slice %arg2[%dma_wait3A_492, %dma_wait3A_493] : memref<10240x128xf32, #tpu.memory_space<hbm>> -> memref<128x128xf32, #tpu.memory_space<hbm>>
      tpu.wait_dma2 semaphore(%arg17 : memref<!tpu.dma_semaphore, #tpu.memory_space<semaphore_mem>>) src(%dma_wait3A_494 : memref<128x128xf32, #tpu.memory_space<hbm>>) dst(%arg10 : memref<128x128xf32, #tpu.memory_space<vmem>>)
      %dma_start3A_495 = arith.constant 4 : i32
      %dma_start3A_496 = arith.constant 0 : i32
      %dma_start3A_497 = tpu.memref_slice %arg9[%dma_start3A_495, %dma_start3A_496] : memref<8x128xi32, #tpu.memory_space<vmem>> -> memref<1x128xi32, #tpu.memory_space<vmem>>
      %dma_start3A_498 = tpu.memref_squeeze %dma_start3A_497 : memref<1x128xi32, #tpu.memory_space<vmem>> -> memref<128xi32, #tpu.memory_space<vmem>>
      %dma_start3A_499 = arith.constant 0 : i32
      %dma_start3A_500 = arith.constant 0 : i32
      %dma_start3A_501 = tpu.memref_slice %arg12[%dma_start3A_499, %dma_start3A_500] : memref<10240x128xf32, #tpu.memory_space<vmem_shared>> -> memref<10240x128xf32, #tpu.memory_space<vmem_shared>>
      tpu.enqueue_indirect_dma source(%arg10 : memref<128x128xf32, #tpu.memory_space<vmem>>) target(%dma_start3A_501 : memref<10240x128xf32, #tpu.memory_space<vmem_shared>>) offsets(%dma_start3A_498 : memref<128xi32, #tpu.memory_space<vmem>>) semaphore(%arg19 : memref<!tpu.dma_semaphore, #tpu.memory_space<semaphore_mem>>) {add = true}
      %dma_wait3A_502 = arith.constant 0 : i32
      %dma_wait3A_503 = arith.constant 0 : i32
      %dma_wait3A_504 = tpu.memref_slice %arg2[%dma_wait3A_502, %dma_wait3A_503] : memref<10240x128xf32, #tpu.memory_space<hbm>> -> memref<128x128xf32, #tpu.memory_space<hbm>>
      %dma_wait3A_505 = arith.constant 0 : i32
      %dma_wait3A_506 = arith.constant 0 : i32
      %dma_wait3A_507 = tpu.memref_slice %arg2[%dma_wait3A_505, %dma_wait3A_506] : memref<10240x128xf32, #tpu.memory_space<hbm>> -> memref<128x128xf32, #tpu.memory_space<hbm>>
      tpu.wait_dma2 semaphore(%arg19 : memref<!tpu.dma_semaphore, #tpu.memory_space<semaphore_mem>>) src(%dma_wait3A_507 : memref<128x128xf32, #tpu.memory_space<hbm>>) dst(%arg10 : memref<128x128xf32, #tpu.memory_space<vmem>>)
      %dma_start3A_508 = arith.constant 6 : i32
      %dma_start3A_509 = arith.constant 0 : i32
      %dma_start3A_510 = tpu.memref_slice %arg7[%dma_start3A_508, %dma_start3A_509] : memref<8x128xi32, #tpu.memory_space<vmem>> -> memref<1x128xi32, #tpu.memory_space<vmem>>
      %dma_start3A_511 = tpu.memref_squeeze %dma_start3A_510 : memref<1x128xi32, #tpu.memory_space<vmem>> -> memref<128xi32, #tpu.memory_space<vmem>>
      %dma_start3A_512 = arith.constant 0 : i32
      %dma_start3A_513 = arith.constant 0 : i32
      %dma_start3A_514 = tpu.memref_slice %arg2[%dma_start3A_512, %dma_start3A_513] : memref<10240x128xf32, #tpu.memory_space<hbm>> -> memref<10240x128xf32, #tpu.memory_space<hbm>>
      tpu.enqueue_indirect_dma source(%dma_start3A_514 : memref<10240x128xf32, #tpu.memory_space<hbm>>) target(%arg10 : memref<128x128xf32, #tpu.memory_space<vmem>>) offsets(%dma_start3A_511 : memref<128xi32, #tpu.memory_space<vmem>>) semaphore(%arg17 : memref<!tpu.dma_semaphore, #tpu.memory_space<semaphore_mem>>)
      %dma_wait3A_515 = arith.constant 0 : i32
      %dma_wait3A_516 = arith.constant 0 : i32
      %dma_wait3A_517 = tpu.memref_slice %arg2[%dma_wait3A_515, %dma_wait3A_516] : memref<10240x128xf32, #tpu.memory_space<hbm>> -> memref<128x128xf32, #tpu.memory_space<hbm>>
      %dma_wait3A_518 = arith.constant 0 : i32
      %dma_wait3A_519 = arith.constant 0 : i32
      %dma_wait3A_520 = tpu.memref_slice %arg2[%dma_wait3A_518, %dma_wait3A_519] : memref<10240x128xf32, #tpu.memory_space<hbm>> -> memref<128x128xf32, #tpu.memory_space<hbm>>
      tpu.wait_dma2 semaphore(%arg18 : memref<!tpu.dma_semaphore, #tpu.memory_space<semaphore_mem>>) src(%dma_wait3A_520 : memref<128x128xf32, #tpu.memory_space<hbm>>) dst(%arg11 : memref<128x128xf32, #tpu.memory_space<vmem>>)
      %dma_start3A_521 = arith.constant 5 : i32
      %dma_start3A_522 = arith.constant 0 : i32
      %dma_start3A_523 = tpu.memref_slice %arg9[%dma_start3A_521, %dma_start3A_522] : memref<8x128xi32, #tpu.memory_space<vmem>> -> memref<1x128xi32, #tpu.memory_space<vmem>>
      %dma_start3A_524 = tpu.memref_squeeze %dma_start3A_523 : memref<1x128xi32, #tpu.memory_space<vmem>> -> memref<128xi32, #tpu.memory_space<vmem>>
      %dma_start3A_525 = arith.constant 0 : i32
      %dma_start3A_526 = arith.constant 0 : i32
      %dma_start3A_527 = tpu.memref_slice %arg12[%dma_start3A_525, %dma_start3A_526] : memref<10240x128xf32, #tpu.memory_space<vmem_shared>> -> memref<10240x128xf32, #tpu.memory_space<vmem_shared>>
      tpu.enqueue_indirect_dma source(%arg11 : memref<128x128xf32, #tpu.memory_space<vmem>>) target(%dma_start3A_527 : memref<10240x128xf32, #tpu.memory_space<vmem_shared>>) offsets(%dma_start3A_524 : memref<128xi32, #tpu.memory_space<vmem>>) semaphore(%arg20 : memref<!tpu.dma_semaphore, #tpu.memory_space<semaphore_mem>>) {add = true}
      %dma_wait3A_528 = arith.constant 0 : i32
      %dma_wait3A_529 = arith.constant 0 : i32
      %dma_wait3A_530 = tpu.memref_slice %arg2[%dma_wait3A_528, %dma_wait3A_529] : memref<10240x128xf32, #tpu.memory_space<hbm>> -> memref<128x128xf32, #tpu.memory_space<hbm>>
      %dma_wait3A_531 = arith.constant 0 : i32
      %dma_wait3A_532 = arith.constant 0 : i32
      %dma_wait3A_533 = tpu.memref_slice %arg2[%dma_wait3A_531, %dma_wait3A_532] : memref<10240x128xf32, #tpu.memory_space<hbm>> -> memref<128x128xf32, #tpu.memory_space<hbm>>
      tpu.wait_dma2 semaphore(%arg20 : memref<!tpu.dma_semaphore, #tpu.memory_space<semaphore_mem>>) src(%dma_wait3A_533 : memref<128x128xf32, #tpu.memory_space<hbm>>) dst(%arg11 : memref<128x128xf32, #tpu.memory_space<vmem>>)
      %dma_start3A_534 = arith.constant 7 : i32
      %dma_start3A_535 = arith.constant 0 : i32
      %dma_start3A_536 = tpu.memref_slice %arg7[%dma_start3A_534, %dma_start3A_535] : memref<8x128xi32, #tpu.memory_space<vmem>> -> memref<1x128xi32, #tpu.memory_space<vmem>>
      %dma_start3A_537 = tpu.memref_squeeze %dma_start3A_536 : memref<1x128xi32, #tpu.memory_space<vmem>> -> memref<128xi32, #tpu.memory_space<vmem>>
      %dma_start3A_538 = arith.constant 0 : i32
      %dma_start3A_539 = arith.constant 0 : i32
      %dma_start3A_540 = tpu.memref_slice %arg2[%dma_start3A_538, %dma_start3A_539] : memref<10240x128xf32, #tpu.memory_space<hbm>> -> memref<10240x128xf32, #tpu.memory_space<hbm>>
      tpu.enqueue_indirect_dma source(%dma_start3A_540 : memref<10240x128xf32, #tpu.memory_space<hbm>>) target(%arg11 : memref<128x128xf32, #tpu.memory_space<vmem>>) offsets(%dma_start3A_537 : memref<128xi32, #tpu.memory_space<vmem>>) semaphore(%arg18 : memref<!tpu.dma_semaphore, #tpu.memory_space<semaphore_mem>>)
      %dma_wait3A_541 = arith.constant 0 : i32
      %dma_wait3A_542 = arith.constant 0 : i32
      %dma_wait3A_543 = tpu.memref_slice %arg2[%dma_wait3A_541, %dma_wait3A_542] : memref<10240x128xf32, #tpu.memory_space<hbm>> -> memref<128x128xf32, #tpu.memory_space<hbm>>
      %dma_wait3A_544 = arith.constant 0 : i32
      %dma_wait3A_545 = arith.constant 0 : i32
      %dma_wait3A_546 = tpu.memref_slice %arg2[%dma_wait3A_544, %dma_wait3A_545] : memref<10240x128xf32, #tpu.memory_space<hbm>> -> memref<128x128xf32, #tpu.memory_space<hbm>>
      tpu.wait_dma2 semaphore(%arg17 : memref<!tpu.dma_semaphore, #tpu.memory_space<semaphore_mem>>) src(%dma_wait3A_546 : memref<128x128xf32, #tpu.memory_space<hbm>>) dst(%arg10 : memref<128x128xf32, #tpu.memory_space<vmem>>)
      %dma_start3A_547 = arith.constant 6 : i32
      %dma_start3A_548 = arith.constant 0 : i32
      %dma_start3A_549 = tpu.memref_slice %arg9[%dma_start3A_547, %dma_start3A_548] : memref<8x128xi32, #tpu.memory_space<vmem>> -> memref<1x128xi32, #tpu.memory_space<vmem>>
      %dma_start3A_550 = tpu.memref_squeeze %dma_start3A_549 : memref<1x128xi32, #tpu.memory_space<vmem>> -> memref<128xi32, #tpu.memory_space<vmem>>
      %dma_start3A_551 = arith.constant 0 : i32
      %dma_start3A_552 = arith.constant 0 : i32
      %dma_start3A_553 = tpu.memref_slice %arg12[%dma_start3A_551, %dma_start3A_552] : memref<10240x128xf32, #tpu.memory_space<vmem_shared>> -> memref<10240x128xf32, #tpu.memory_space<vmem_shared>>
      tpu.enqueue_indirect_dma source(%arg10 : memref<128x128xf32, #tpu.memory_space<vmem>>) target(%dma_start3A_553 : memref<10240x128xf32, #tpu.memory_space<vmem_shared>>) offsets(%dma_start3A_550 : memref<128xi32, #tpu.memory_space<vmem>>) semaphore(%arg19 : memref<!tpu.dma_semaphore, #tpu.memory_space<semaphore_mem>>) {add = true}
    }
    %dma_wait3A = arith.constant 0 : i32
    %dma_wait3A_64 = arith.constant 0 : i32
    %dma_wait3A_65 = tpu.memref_slice %arg2[%dma_wait3A, %dma_wait3A_64] : memref<10240x128xf32, #tpu.memory_space<hbm>> -> memref<128x128xf32, #tpu.memory_space<hbm>>
    %dma_wait3A_66 = arith.constant 0 : i32
    %dma_wait3A_67 = arith.constant 0 : i32
    %dma_wait3A_68 = tpu.memref_slice %arg2[%dma_wait3A_66, %dma_wait3A_67] : memref<10240x128xf32, #tpu.memory_space<hbm>> -> memref<128x128xf32, #tpu.memory_space<hbm>>
    tpu.wait_dma2 semaphore(%arg18 : memref<!tpu.dma_semaphore, #tpu.memory_space<semaphore_mem>>) src(%dma_wait3A_68 : memref<128x128xf32, #tpu.memory_space<hbm>>) dst(%arg11 : memref<128x128xf32, #tpu.memory_space<vmem>>)
    %dma_start3A_69 = arith.constant 7 : i32
    %dma_start3A_70 = arith.constant 0 : i32
    %dma_start3A_71 = tpu.memref_slice %arg9[%dma_start3A_69, %dma_start3A_70] : memref<8x128xi32, #tpu.memory_space<vmem>> -> memref<1x128xi32, #tpu.memory_space<vmem>>
    %dma_start3A_72 = tpu.memref_squeeze %dma_start3A_71 : memref<1x128xi32, #tpu.memory_space<vmem>> -> memref<128xi32, #tpu.memory_space<vmem>>
    %dma_start3A_73 = arith.constant 0 : i32
    %dma_start3A_74 = arith.constant 0 : i32
    %dma_start3A_75 = tpu.memref_slice %arg12[%dma_start3A_73, %dma_start3A_74] : memref<10240x128xf32, #tpu.memory_space<vmem_shared>> -> memref<10240x128xf32, #tpu.memory_space<vmem_shared>>
    tpu.enqueue_indirect_dma source(%arg11 : memref<128x128xf32, #tpu.memory_space<vmem>>) target(%dma_start3A_75 : memref<10240x128xf32, #tpu.memory_space<vmem_shared>>) offsets(%dma_start3A_72 : memref<128xi32, #tpu.memory_space<vmem>>) semaphore(%arg20 : memref<!tpu.dma_semaphore, #tpu.memory_space<semaphore_mem>>) {add = true}
    %dma_wait3A_76 = arith.constant 0 : i32
    %dma_wait3A_77 = arith.constant 0 : i32
    %dma_wait3A_78 = tpu.memref_slice %arg2[%dma_wait3A_76, %dma_wait3A_77] : memref<10240x128xf32, #tpu.memory_space<hbm>> -> memref<128x128xf32, #tpu.memory_space<hbm>>
    %dma_wait3A_79 = arith.constant 0 : i32
    %dma_wait3A_80 = arith.constant 0 : i32
    %dma_wait3A_81 = tpu.memref_slice %arg2[%dma_wait3A_79, %dma_wait3A_80] : memref<10240x128xf32, #tpu.memory_space<hbm>> -> memref<128x128xf32, #tpu.memory_space<hbm>>
    tpu.wait_dma2 semaphore(%arg19 : memref<!tpu.dma_semaphore, #tpu.memory_space<semaphore_mem>>) src(%dma_wait3A_81 : memref<128x128xf32, #tpu.memory_space<hbm>>) dst(%arg10 : memref<128x128xf32, #tpu.memory_space<vmem>>)
    %dma_wait3A_82 = arith.constant 0 : i32
    %dma_wait3A_83 = arith.constant 0 : i32
    %dma_wait3A_84 = tpu.memref_slice %arg2[%dma_wait3A_82, %dma_wait3A_83] : memref<10240x128xf32, #tpu.memory_space<hbm>> -> memref<128x128xf32, #tpu.memory_space<hbm>>
    %dma_wait3A_85 = arith.constant 0 : i32
    %dma_wait3A_86 = arith.constant 0 : i32
    %dma_wait3A_87 = tpu.memref_slice %arg2[%dma_wait3A_85, %dma_wait3A_86] : memref<10240x128xf32, #tpu.memory_space<hbm>> -> memref<128x128xf32, #tpu.memory_space<hbm>>
    tpu.wait_dma2 semaphore(%arg20 : memref<!tpu.dma_semaphore, #tpu.memory_space<semaphore_mem>>) src(%dma_wait3A_87 : memref<128x128xf32, #tpu.memory_space<hbm>>) dst(%arg11 : memref<128x128xf32, #tpu.memory_space<vmem>>)
    %barrier3A_88 = arith.constant 0 : index
    tpu.barrier barrier_id(%barrier3A_88)
    "tpu.region"() ({
      %run_scoped3A = tpu.sem_alloc : memref<!tpu.dma_semaphore, #tpu.memory_space<semaphore_mem>>
      %dma_start3A_89 = arith.constant 0 : i32
      %dma_start3A_90 = tpu.memref_slice %arg5[%arg0, %mul3A_0, %dma_start3A_89] : memref<2x10240x128xf32, #tpu.memory_space<hbm>> -> memref<1x640x128xf32, #tpu.memory_space<hbm>>
      %dma_start3A_91 = tpu.memref_squeeze %dma_start3A_90 : memref<1x640x128xf32, #tpu.memory_space<hbm>> -> memref<640x128xf32, #tpu.memory_space<hbm>>
      %dma_start3A_92 = arith.constant 0 : i32
      %dma_start3A_93 = tpu.memref_slice %arg12[%mul3A_0, %dma_start3A_92] : memref<10240x128xf32, #tpu.memory_space<vmem_shared>> -> memref<640x128xf32, #tpu.memory_space<vmem_shared>>
      tpu.enqueue_dma source(%dma_start3A_93 : memref<640x128xf32, #tpu.memory_space<vmem_shared>>) target(%dma_start3A_91 : memref<640x128xf32, #tpu.memory_space<hbm>>) target_semaphore(%run_scoped3A : memref<!tpu.dma_semaphore, #tpu.memory_space<semaphore_mem>>)
      %dma_wait3A_94 = arith.constant 0 : i32
      %dma_wait3A_95 = tpu.memref_slice %arg5[%arg0, %mul3A_0, %dma_wait3A_94] : memref<2x10240x128xf32, #tpu.memory_space<hbm>> -> memref<1x640x128xf32, #tpu.memory_space<hbm>>
      %dma_wait3A_96 = tpu.memref_squeeze %dma_wait3A_95 : memref<1x640x128xf32, #tpu.memory_space<hbm>> -> memref<640x128xf32, #tpu.memory_space<hbm>>
      %dma_wait3A_97 = arith.constant 0 : i32
      %dma_wait3A_98 = tpu.memref_slice %arg12[%mul3A_0, %dma_wait3A_97] : memref<10240x128xf32, #tpu.memory_space<vmem_shared>> -> memref<640x128xf32, #tpu.memory_space<vmem_shared>>
      tpu.wait_dma2 semaphore(%run_scoped3A : memref<!tpu.dma_semaphore, #tpu.memory_space<semaphore_mem>>) src(%dma_wait3A_98 : memref<640x128xf32, #tpu.memory_space<vmem_shared>>) dst(%dma_wait3A_96 : memref<640x128xf32, #tpu.memory_space<hbm>>)
      tpu.yield
    }) : () -> ()
    return
  }
}

module attributes {stable_mosaic.version = 14 : i64} {
  func.func @body(%arg0: i32, %arg1: memref<1024x128xf32, #tpu.memory_space<vmem>>, %arg2: memref<1024x128xf32, #tpu.memory_space<vmem>>, %arg3: memref<1024x1xf32, #tpu.memory_space<vmem>>, %arg4: memref<1024x1xf32, #tpu.memory_space<vmem>>, %arg5: memref<128x128xf32, #tpu.memory_space<vmem>>, %arg6: memref<1x128xf32, #tpu.memory_space<vmem>>, %arg7: memref<1024x128xf32, #tpu.memory_space<vmem>>, %arg8: memref<1024x1xf32, #tpu.memory_space<vmem>>) attributes {dimension_semantics = [#tpu.dimension_semantics<arbitrary>], iteration_bounds = array<i64: 10>, scalar_prefetch = 0 : i64, scratch_operands = 0 : i64, tpu.core_type = #tpu.core_type<tc>, window_params = [{transform_indices = @transform_0, window_bounds = array<i64: 1024, 128>}, {transform_indices = @transform_1, window_bounds = array<i64: 1024, 128>}, {transform_indices = @transform_2, window_bounds = array<i64: 1024, 1>}, {transform_indices = @transform_3, window_bounds = array<i64: 1024, 1>}, {pipeline_mode = #tpu.pipeline_mode<synchronous>, transform_indices = @transform_4, window_bounds = array<i64: 128, 128>}, {pipeline_mode = #tpu.pipeline_mode<synchronous>, transform_indices = @transform_5, window_bounds = array<i64: 1, 128>}, {transform_indices = @transform_6, window_bounds = array<i64: 1024, 128>}, {transform_indices = @transform_7, window_bounds = array<i64: 1024, 1>}]} {
    %get3A = arith.constant 0 : index
    %get3A_0 = arith.constant 0 : index
    %get3A_1 = vector.load %arg3[%get3A, %get3A_0] : memref<1024x1xf32, #tpu.memory_space<vmem>>, vector<1024x1xf32>
    %get3A_2 = arith.constant 0 : index
    %get3A_3 = arith.constant 0 : index
    %get3A_4 = vector.load %arg4[%get3A_2, %get3A_3] : memref<1024x1xf32, #tpu.memory_space<vmem>>, vector<1024x1xf32>
    %add3A = arith.addf %get3A_1, %get3A_4 : vector<1024x1xf32>
    %max3A = arith.constant 1.000000e+00 : f32
    %max3A_5 = vector.broadcast %max3A : f32 to vector<1024x1xf32>
    %max3A_6 = arith.maximumf %add3A, %max3A_5 : vector<1024x1xf32>
    %div3A = arith.constant 1.000000e+00 : f32
    %div3A_7 = vector.broadcast %div3A : f32 to vector<1024x1xf32>
    %div3A_8 = arith.divf %div3A_7, %max3A_6 : vector<1024x1xf32>
    %get3A_9 = arith.constant 0 : index
    %get3A_10 = arith.constant 0 : index
    %get3A_11 = vector.load %arg1[%get3A_9, %get3A_10] : memref<1024x128xf32, #tpu.memory_space<vmem>>, vector<1024x128xf32>
    %get3A_12 = arith.constant 0 : index
    %get3A_13 = arith.constant 0 : index
    %get3A_14 = vector.load %arg2[%get3A_12, %get3A_13] : memref<1024x128xf32, #tpu.memory_space<vmem>>, vector<1024x128xf32>
    %add3A_15 = arith.addf %get3A_11, %get3A_14 : vector<1024x128xf32>
    %mul3A = vector.broadcast %div3A_8 : vector<1024x1xf32> to vector<1024x128xf32>
    %mul3A_16 = arith.mulf %add3A_15, %mul3A : vector<1024x128xf32>
    %get3A_17 = arith.constant 0 : index
    %get3A_18 = arith.constant 0 : index
    %get3A_19 = vector.load %arg5[%get3A_17, %get3A_18] : memref<128x128xf32, #tpu.memory_space<vmem>>, vector<128x128xf32>
    %dot_general3A = arith.constant dense<0.000000e+00> : vector<1024x128xf32>
    %dot_general3A_20 = tpu.matmul %mul3A_16, %get3A_19, %dot_general3A {dimension_numbers = #tpu.dot_dimension_numbers<[1], [0], [0], [1], [0, 0, 1, 1], [], []>, transpose_lhs_hint = false} : vector<1024x128xf32>, vector<128x128xf32>, vector<1024x128xf32> -> vector<1024x128xf32>
    %get3A_21 = arith.constant 0 : index
    %get3A_22 = arith.constant 0 : index
    %get3A_23 = vector.load %arg6[%get3A_21, %get3A_22] : memref<1x128xf32, #tpu.memory_space<vmem>>, vector<1x128xf32>
    %add3A_24 = vector.broadcast %get3A_23 : vector<1x128xf32> to vector<1024x128xf32>
    %add3A_25 = arith.addf %dot_general3A_20, %add3A_24 : vector<1024x128xf32>
    %max3A_26 = arith.constant 0.000000e+00 : f32
    %max3A_27 = vector.broadcast %max3A_26 : f32 to vector<1024x128xf32>
    %max3A_28 = arith.maximumf %add3A_25, %max3A_27 : vector<1024x128xf32>
    %swap3A = arith.constant 0 : index
    %swap3A_29 = arith.constant 0 : index
    %swap3A_30 = vector.load %arg7[%swap3A, %swap3A_29] : memref<1024x128xf32, #tpu.memory_space<vmem>>, vector<1024x128xf32>
    tpu.vector_store %arg7[%swap3A, %swap3A_29], %max3A_28 {strides = array<i32>} : memref<1024x128xf32, #tpu.memory_space<vmem>>, vector<1024x128xf32>,
    %swap3A_31 = arith.constant 0 : index
    %swap3A_32 = arith.constant 0 : index
    %swap3A_33 = vector.load %arg8[%swap3A_31, %swap3A_32] : memref<1024x1xf32, #tpu.memory_space<vmem>>, vector<1024x1xf32>
    tpu.vector_store %arg8[%swap3A_31, %swap3A_32], %div3A_8 {strides = array<i32>} : memref<1024x1xf32, #tpu.memory_space<vmem>>, vector<1024x1xf32>,
    return
  }
  func.func @transform_0(%arg0: i32) -> (i32, i32) {
    %c0_i32 = arith.constant 0 : i32
    %c0_i32_0 = arith.constant 0 : i32
    return %arg0, %c0_i32 : i32, i32
  }
  func.func @transform_1(%arg0: i32) -> (i32, i32) {
    %c0_i32 = arith.constant 0 : i32
    %c0_i32_0 = arith.constant 0 : i32
    return %arg0, %c0_i32 : i32, i32
  }
  func.func @transform_2(%arg0: i32) -> (i32, i32) {
    %c0_i32 = arith.constant 0 : i32
    %c0_i32_0 = arith.constant 0 : i32
    return %arg0, %c0_i32 : i32, i32
  }
  func.func @transform_3(%arg0: i32) -> (i32, i32) {
    %c0_i32 = arith.constant 0 : i32
    %c0_i32_0 = arith.constant 0 : i32
    return %arg0, %c0_i32 : i32, i32
  }
  func.func @transform_4(%arg0: i32) -> (i32, i32) {
    %c0_i32 = arith.constant 0 : i32
    %c0_i32_0 = arith.constant 0 : i32
    %c0_i32_1 = arith.constant 0 : i32
    return %c0_i32, %c0_i32_0 : i32, i32
  }
  func.func @transform_5(%arg0: i32) -> (i32, i32) {
    %c0_i32 = arith.constant 0 : i32
    %c0_i32_0 = arith.constant 0 : i32
    %c0_i32_1 = arith.constant 0 : i32
    return %c0_i32, %c0_i32_0 : i32, i32
  }
  func.func @transform_6(%arg0: i32) -> (i32, i32) {
    %c0_i32 = arith.constant 0 : i32
    %c0_i32_0 = arith.constant 0 : i32
    return %arg0, %c0_i32 : i32, i32
  }
  func.func @transform_7(%arg0: i32) -> (i32, i32) {
    %c0_i32 = arith.constant 0 : i32
    %c0_i32_0 = arith.constant 0 : i32
    return %arg0, %c0_i32 : i32, i32
  }
}

module attributes {stable_mosaic.version = 14 : i64} {
  func.func @body(%arg0: i32, %arg1: memref<1024x128xf32, #tpu.memory_space<vmem>>, %arg2: memref<1024x128xf32, #tpu.memory_space<vmem>>, %arg3: memref<1024x1xf32, #tpu.memory_space<vmem>>, %arg4: memref<128x128xf32, #tpu.memory_space<vmem>>, %arg5: memref<1x128xf32, #tpu.memory_space<vmem>>, %arg6: memref<1024x128xf32, #tpu.memory_space<vmem>>) attributes {dimension_semantics = [#tpu.dimension_semantics<arbitrary>], iteration_bounds = array<i64: 10>, scalar_prefetch = 0 : i64, scratch_operands = 0 : i64, tpu.core_type = #tpu.core_type<tc>, window_params = [{transform_indices = @transform_0, window_bounds = array<i64: 1024, 128>}, {transform_indices = @transform_1, window_bounds = array<i64: 1024, 128>}, {transform_indices = @transform_2, window_bounds = array<i64: 1024, 1>}, {pipeline_mode = #tpu.pipeline_mode<synchronous>, transform_indices = @transform_3, window_bounds = array<i64: 128, 128>}, {pipeline_mode = #tpu.pipeline_mode<synchronous>, transform_indices = @transform_4, window_bounds = array<i64: 1, 128>}, {transform_indices = @transform_5, window_bounds = array<i64: 1024, 128>}]} {
    %get3A = arith.constant 0 : index
    %get3A_0 = arith.constant 0 : index
    %get3A_1 = vector.load %arg1[%get3A, %get3A_0] : memref<1024x128xf32, #tpu.memory_space<vmem>>, vector<1024x128xf32>
    %get3A_2 = arith.constant 0 : index
    %get3A_3 = arith.constant 0 : index
    %get3A_4 = vector.load %arg2[%get3A_2, %get3A_3] : memref<1024x128xf32, #tpu.memory_space<vmem>>, vector<1024x128xf32>
    %add3A = arith.addf %get3A_1, %get3A_4 : vector<1024x128xf32>
    %get3A_5 = arith.constant 0 : index
    %get3A_6 = arith.constant 0 : index
    %get3A_7 = vector.load %arg3[%get3A_5, %get3A_6] : memref<1024x1xf32, #tpu.memory_space<vmem>>, vector<1024x1xf32>
    %mul3A = vector.broadcast %get3A_7 : vector<1024x1xf32> to vector<1024x128xf32>
    %mul3A_8 = arith.mulf %add3A, %mul3A : vector<1024x128xf32>
    %get3A_9 = arith.constant 0 : index
    %get3A_10 = arith.constant 0 : index
    %get3A_11 = vector.load %arg4[%get3A_9, %get3A_10] : memref<128x128xf32, #tpu.memory_space<vmem>>, vector<128x128xf32>
    %dot_general3A = arith.constant dense<0.000000e+00> : vector<1024x128xf32>
    %dot_general3A_12 = tpu.matmul %mul3A_8, %get3A_11, %dot_general3A {dimension_numbers = #tpu.dot_dimension_numbers<[1], [0], [0], [1], [0, 0, 1, 1], [], []>, transpose_lhs_hint = false} : vector<1024x128xf32>, vector<128x128xf32>, vector<1024x128xf32> -> vector<1024x128xf32>
    %get3A_13 = arith.constant 0 : index
    %get3A_14 = arith.constant 0 : index
    %get3A_15 = vector.load %arg5[%get3A_13, %get3A_14] : memref<1x128xf32, #tpu.memory_space<vmem>>, vector<1x128xf32>
    %add3A_16 = vector.broadcast %get3A_15 : vector<1x128xf32> to vector<1024x128xf32>
    %add3A_17 = arith.addf %dot_general3A_12, %add3A_16 : vector<1024x128xf32>
    %swap3A = arith.constant 0 : index
    %swap3A_18 = arith.constant 0 : index
    %swap3A_19 = vector.load %arg6[%swap3A, %swap3A_18] : memref<1024x128xf32, #tpu.memory_space<vmem>>, vector<1024x128xf32>
    tpu.vector_store %arg6[%swap3A, %swap3A_18], %add3A_17 {strides = array<i32>} : memref<1024x128xf32, #tpu.memory_space<vmem>>, vector<1024x128xf32>,
    return
  }
  func.func @transform_0(%arg0: i32) -> (i32, i32) {
    %c0_i32 = arith.constant 0 : i32
    %c0_i32_0 = arith.constant 0 : i32
    return %arg0, %c0_i32 : i32, i32
  }
  func.func @transform_1(%arg0: i32) -> (i32, i32) {
    %c0_i32 = arith.constant 0 : i32
    %c0_i32_0 = arith.constant 0 : i32
    return %arg0, %c0_i32 : i32, i32
  }
  func.func @transform_2(%arg0: i32) -> (i32, i32) {
    %c0_i32 = arith.constant 0 : i32
    %c0_i32_0 = arith.constant 0 : i32
    return %arg0, %c0_i32 : i32, i32
  }
  func.func @transform_3(%arg0: i32) -> (i32, i32) {
    %c0_i32 = arith.constant 0 : i32
    %c0_i32_0 = arith.constant 0 : i32
    %c0_i32_1 = arith.constant 0 : i32
    return %c0_i32, %c0_i32_0 : i32, i32
  }
  func.func @transform_4(%arg0: i32) -> (i32, i32) {
    %c0_i32 = arith.constant 0 : i32
    %c0_i32_0 = arith.constant 0 : i32
    %c0_i32_1 = arith.constant 0 : i32
    return %c0_i32, %c0_i32_0 : i32, i32
  }
  func.func @transform_5(%arg0: i32) -> (i32, i32) {
    %c0_i32 = arith.constant 0 : i32
    %c0_i32_0 = arith.constant 0 : i32
    return %arg0, %c0_i32 : i32, i32
  }
}

</mosaic_0001>

<sc_bundles>
// kernel: kernel.6.cloned.1.call-start
scs
__scs_entry_jumppad:
0x0: {  	(pc) =	sbr.rel $0x88, $3  }
0x1: {  	(tag) =	ssettag $0x0;
	lr =	simm.s32 $0x1  }
0x2: {  	[smem:$0x3F9B] =	sst lr;
	_ =	strace $0xD0000000  }
0x3: {  	_ = 	snop  }
0x4: {  	_ = 	snop  }
0x5: {  	_ = 	snop  }
0x6: {  	_ = 	snop  }
0x7: {  	_ = 	snop  }
__scs_overlays_trampoline_lowered:
0x8: {  	[smem:$0x3FAA] =	sst s0  }
0x9: {  	[smem:$0x3FAB] =	sst s1  }
0xa: {  	[smem:$0x3FAC] =	sst s2  }
0xb: {  	[smem:$0x3FAD] =	sst s3  }
0xc: {  	[smem:$0x3FAE] =	sst s4  }
0xd: {  	[smem:$0x3FAF] =	sst s5  }
0xe: {  	[smem:$0x3FB0] =	sst s6  }
0xf: {  	[smem:$0x3FB1] =	sst s7  }
0x10: {  	[smem:$0x3FB2] =	sst s8  }
0x11: {  	[smem:$0x3FB3] =	sst s9;
	s0 =	simm.s32 @!p0 $0x0  }
0x12: {  	s1 =	sld [smem:$0x3F99];
	s0 =	simm.s32 @p0 $0x1  }
0x13: {  	[smem:$0x3FB4] =	sst s0;
	s0 =	simm.s32 @!p1 $0x0  }
0x14: {  	s2 =	sld [smem:$0x3F98];
	s0 =	simm.s32 @p1 $0x1  }
0x15: {  	[smem:$0x3FB5] =	sst s0;
	s0 =	simm.s32 @!p2 $0x0  }
0x16: {  	s3 =	sld [smem:$0x3FDB];
	s0 =	simm.s32 @p2 $0x1  }
0x17: {  	s4 =	simm.s32 $0x1BF5;
	[smem:$0x3FB7] =	sst s0  }
0x18: {  	s0 =	sld [smem:$0x3F9A];
	_ =	swait.ge [sflag:s4], $0x0  }
0x19: {  	s7 =	sld [smem:$0x3F9B]  }
0x1a: {  	s8 =	sadd.s32 $0xFFFFE003, lr  }
0x1b: {  	s9 =	sadd.s32 $0xFFFFFEF7, lr;
	s5 =	simm.s32 $0xFFFFFFFF;
	p2 =	slt.u32 s8, $0xFFFFF086  }
0x1c: {  	p1 =	slt.u32 s9, $0xF7A;
	s5 =	simm.s32 @!p2 $0x0  }
0x1d: {  	s5 =	simm.s32 @p1 $0x1;
	p0 =	seq.s32 s7, s2  }
0x1e: {  	s7 =	smul.u32 @!p0 $0xF7A, s2;
	p2 =	seq.s32 @!p0 s5, $0x0  }
0x1f: {  	s9 =	smul.u32 $0xF7A, s1;
	s8 =	simm.s32 @!p0 $0x1BF5;
	p2 =	por !p2, p0  }
0x20: {  	[sflag:s8] =	ssyncset.s32 @!p0 $0xFFFFF086;
	s6 =	sadd.s32 @!p0 s3, s7;
	s7 =	simm.s32 @!p0 $0x108  }
0x21: {  	s3 =	sadd.s32 s3, s9;
	s6 =	sadd.s32 @!p0 $0x88, s6;
	s7 =	simm.s32 @p2 $0x1082  }
0x22: {  	[simem:s7], [sflag:s8] =	dma.local @!p0 [hbm:s6], $0xF7A  }
0x23: {  	s9 =	sor.u32 $0xD0000000, s2;
	s6 =	simm.s32 $0x108;
	_ =	swait.ge @!p0 [sflag:s8], $0x0  }
0x24: {  	s3 =	sadd.s32 $0x88, s3;
	s6 =	simm.s32 @!p1 $0x1082;
	[sflag:s4] =	ssyncset.s32 $0xFFFFF086  }
0x25: {  	[simem:s6], [sflag:s4] =	dma.local [hbm:s3], $0xF7A  }
0x26: {  	[smem:$0x3F9B] =	sst s1;
	(tag) =	ssettag s2;
	_ =	strace s9  }
0x27: {  	s1 =	sld [smem:$0x3FAB]  }
0x28: {  	s2 =	sld [smem:$0x3FAC]  }
0x29: {  	s4 =	sld [smem:$0x3FAE]  }
0x2a: {  	p0 =	seq.s32 s5, $0x0;
	s5 =	sld [smem:$0x3FAF]  }
0x2b: {  	s6 =	sld [smem:$0x3FB0]  }
0x2c: {  	s7 =	sld [smem:$0x3FB1]  }
0x2d: {  	s3 =	simm.s32 $0x108;
	s8 =	sld [smem:$0x3FB2]  }
0x2e: {  	s3 =	simm.s32 @!p0 $0x1082;
	s9 =	sld [smem:$0x3FB3]  }
0x2f: {  	lr =	sadd.s32 s0, s3;
	s0 =	sld [smem:$0x3FAA]  }
0x30: {  	s3 =	sld [smem:$0x3FAD]  }
0x31: {  	[smem:$0x3FB6] =	sst s10  }
0x32: {  	s10 =	sld [smem:$0x3FB4];
	_ =	sdelay $0x3  }
0x33: {  	p0 =	seq.s32 s10, $0x1;
	s10 =	sld [smem:$0x3FB6];
	_ =	sdelay $0x3  }
0x34: {  	[smem:$0x3FB6] =	sst s10  }
0x35: {  	s10 =	sld [smem:$0x3FB5];
	_ =	sdelay $0x3  }
0x36: {  	p1 =	seq.s32 s10, $0x1;
	s10 =	sld [smem:$0x3FB6];
	_ =	sdelay $0x3  }
0x37: {  	[smem:$0x3FB6] =	sst s10  }
0x38: {  	s10 =	sld [smem:$0x3FB7]  }
0x39: {  	_ = 	snop;
	(pc) =	sbr.ind lr, $3  }
0x3a: {  	_ = 	snop  }
0x3b: {  	_ = 	snop  }
0x3c: {  	p2 =	seq.s32 s10, $0x1;
	s10 =	sld [smem:$0x3FB6]  }
0x3d: {  	_ =	shalt  }
0x3e: {  	_ =	shalt  }
0x3f: {  	_ =	shalt  }
0x40: {  	_ =	shalt  }
0x41: {  	_ =	shalt  }
0x42: {  	_ =	shalt  }
0x43: {  	_ =	shalt  }
0x44: {  	_ =	shalt  }
0x45: {  	_ =	shalt  }
0x46: {  	_ =	shalt  }
0x47: {  	_ =	shalt  }
0x48: {  	_ =	shalt  }
0x49: {  	_ =	shalt  }
0x4a: {  	_ =	shalt  }
0x4b: {  	_ =	shalt  }
0x4c: {  	_ =	shalt  }
0x4d: {  	_ =	shalt  }
0x4e: {  	_ =	shalt  }
0x4f: {  	_ =	shalt  }
0x50: {  	_ =	shalt  }
0x51: {  	_ =	shalt  }
0x52: {  	_ =	shalt  }
0x53: {  	_ =	shalt  }
0x54: {  	_ =	shalt  }
0x55: {  	_ =	shalt  }
0x56: {  	_ =	shalt  }
0x57: {  	_ =	shalt  }
0x58: {  	_ =	shalt  }
0x59: {  	_ =	shalt  }
0x5a: {  	_ =	shalt  }
0x5b: {  	_ =	shalt  }
0x5c: {  	_ =	shalt  }
0x5d: {  	_ =	shalt  }
0x5e: {  	_ =	shalt  }
0x5f: {  	_ =	shalt  }
0x60: {  	_ =	shalt  }
0x61: {  	_ =	shalt  }
0x62: {  	_ =	shalt  }
0x63: {  	_ =	shalt  }
0x64: {  	_ =	shalt  }
0x65: {  	_ =	shalt  }
0x66: {  	_ =	shalt  }
0x67: {  	_ =	shalt  }
0x68: {  	_ =	shalt  }
0x69: {  	_ =	shalt  }
0x6a: {  	_ =	shalt  }
0x6b: {  	_ =	shalt  }
0x6c: {  	_ =	shalt  }
0x6d: {  	_ =	shalt  }
0x6e: {  	_ =	shalt  }
0x6f: {  	_ =	shalt  }
0x70: {  	_ =	shalt  }
0x71: {  	_ =	shalt  }
0x72: {  	_ =	shalt  }
0x73: {  	_ =	shalt  }
0x74: {  	_ =	shalt  }
0x75: {  	_ =	shalt  }
0x76: {  	_ =	shalt  }
0x77: {  	_ =	shalt  }
0x78: {  	_ =	shalt  }
0x79: {  	_ =	shalt  }
0x7a: {  	_ =	shalt  }
0x7b: {  	_ =	shalt  }
0x7c: {  	_ =	shalt  }
0x7d: {  	_ =	shalt  }
0x7e: {  	_ =	shalt  }
0x7f: {  	_ =	shalt  }
0x80: {  	_ =	shalt  }
0x81: {  	_ =	shalt  }
0x82: {  	_ =	shalt  }
0x83: {  	_ =	shalt  }
0x84: {  	_ =	shalt  }
0x85: {  	_ =	shalt  }
0x86: {  	_ =	shalt  }
0x87: {  	_ =	shalt  }
.Lfunc_end0:
.L_simem_size_0:
called_computation_lowered:
.L_overlay_start_0:
0x88: {  	s2 =	sld [smem:$0x3FD9]  }
0x89: {  	s3 =	sld [smem:$0x3FFE];
	_ =	sdelay $0x1  }
0x8a: {  	s1 =	srdreg.scid  }
0x8b: {  	s0 =	sand.u32 $0x1, s1  }
0x8c: {  	s17 =	sshll.u32 s0, $0xA;
	s2 =	sadd.s32 s3, s2  }
0x8d: {  	s2 =	sadd.s32 s2, s17  }
0x8e: {  	[smem:$0x3FC2] =	sst s2  }
0x8f: {  	_ = 	snop  }
0x90: {  	s2 =	sld [smem:$0x3FC9]  }
0x91: {  	s18 =	sld [smem:$0x3FD0];
	(tm) =	ssettm $0x1  }
0x92: {  	s4 =	sld [smem:$0x3FFB];
	_ =	sdelay $0x3  }
0x93: {  	_ =	strace s4  }
0x94: {  	s4 =	sld [smem:$0x3FFC];
	_ =	sdelay $0x3  }
0x95: {  	_ =	strace s4  }
0x96: {  	s4 =	sld [smem:$0x3FFD];
	_ =	sdelay $0x3  }
0x97: {  	_ =	strace s4  }
0x98: {  	_ =	strace $0x8FFFFFFF  }
0x99: {  	s19 =	sld [smem:$0x3FDB];
	_ =	sdelay $0x1  }
0x9a: {  	s5 =	simm.s32 $_scs_section_size  }
0x9b: {  	s6 =	simm.s32 $_size__tile_overlayer_lowered;
	s7 =	simm.s32 $_tile_overlayer_lowered  }
0x9c: {  	s22 =	simm.s32 $0x1BFF;
	s21 =	sshll.u32 s7, $0x1;
	s4 =	sadd.s32 s5, s19  }
0x9d: {  	s8 =	simm.s32 $0x0;
	s20 =	sshll.u32 s6, $0x1;
	s6 =	sadd.s32 s21, s4  }
0x9e: {  	[timem:s8], [sflag:s22] =	dma.local [hbm:s6], s20  }
0x9f: {  	_ =	swait.ge [sflag:s22], s20  }
0xa0: {  	s5 =	ssub.s32 $0x0, s20;
	[sflag:s22] =	ssyncset.done $0x0  }
0xa1: {  	[sflag:s22] =	ssyncadd.s32 s5;
	_ =	sdelay $0x1  }
0xa2: {  	s23 =	simm.s32 $0x1B8B  }
0xa3: {  	_ =	swait.ge [sflag:s23], $0x1  }
0xa4: {  	[sflag:s23] =	ssyncset.done $0x0  }
0xa5: {  	s25 =	simm.s32 $0x1B8E;
	s24 =	sld [smem:$0x3FFE];
	[sflag:s23] =	ssyncadd.s32 $0xFFFFFFFF  }
0xa6: {  	s26 =	simm.s32 $execute0_lowered;
	[smem:$0x3FD2] =	sst s25  }
0xa7: {  	s6 =	sshll.u32 s26, $0x1;
	_ =	strace $0x80000046;
	[dreg:$0x1] =	wrdreg $0xFFFFFFFF  }
0xa8: {  	s28 =	simm.s32 $_size_execute0_lowered;
	s4 =	sadd.s32 s4, s6;
	[dreg:$0x0] =	wrdreg $0x0  }
0xa9: {  	s6 =	sshll.u32 s28, $0x1;
	[dreg:$0x2] =	wrdreg s4  }
0xaa: {  	[dreg:$0x3] =	wrdreg s6  }
0xab: {  	[dreg:$0x4] =	wrdreg $0xC0  }
0xac: {  	_ =	task [dreg:s8], $0x5FFFF  }
0xad: {  	[dreg:$0x1] =	wrdreg $0xFFFFFFFF  }
0xae: {  	[dreg:$0x0] =	wrdreg $0x60  }
0xaf: {  	[dreg:$0x2] =	wrdreg s2  }
0xb0: {  	[dreg:$0x3] =	wrdreg s24  }
0xb1: {  	[dreg:$0x4] =	wrdreg s18  }
0xb2: {  	[dreg:$0x5] =	wrdreg $0x90000  }
0xb3: {  	[dreg:$0x6] =	wrdreg $0x9  }
0xb4: {  	_ =	task.clear_ibuf [dreg:s8], $0x7FFFF;
	_ =	strace $0x90000046  }
0xb5: {  	s29 =	simm.s32 $0x9;
	_ =	strace $0x80000048  }
0xb6: {  	_ =	swait.ge [sflag:s29], $0x1  }
0xb7: {  	[sflag:s29] =	ssyncadd.s32 $0xFFFFFFFF  }
0xb8: {  	_ =	strace $0x90000048  }
0xb9: {  	_ =	sfence  }
0xba: {  	s30 =	sld [smem:$0x0];
	_ =	sdelay $0x2  }
0xbb: {  	s31 =	sshll.u32 s1, $0xD;
	s1 =	sshrl.u32 s1, $0x2  }
0xbc: {  	s3 =	sand.u32 $0x4000, s31;
	s1 =	sadd.s32 s1, s30  }
0xbd: {  	s0 =	sor.u32 s3, s0;
	s1 =	sshll.u32 s1, $0x11  }
0xbe: {  	s0 =	sor.u32 s1, s0  }
0xbf: {  	s0 =	sadd.s32 $0x8F2B, s0  }
0xc0: {  	[sflag:s0] =	ssyncadd.remote.s32 $0x1  }
0xc1: {  	_ =	sfence.sel $0xFFFF  }
0xc2: {  	[dreg:$0x0] =	wrdreg $0xFFFFFFFF;
	(pc) =	sbr.abs _section_cstart, $3  }
0xc3: {  	[dreg:$0x1] =	wrdreg $0xFFFFFFFF  }
0xc4: {  	_ =	task.clear_ibuf [dreg:s8], $0x2FFFF;
	_ =	strace $0x9FFFFFFF  }
0xc5: {  	(tm) =	ssettm $0x7FFFFFFF  }
tec
execute0_lowered:
.L_overlay_start_1:
0x0: {  	(tag) =	ssettag $0x1  }
0x1: {  	s1 =	rddreg [dreg:$0x0]  }
0x2: {  	s2 =	rddreg [dreg:$0x1]  }
0x3: {  	s0 =	srdreg.scid;
	s13 =	stileid.u32  }
0x4: {  	s6 =	rddreg [dreg:$0x2];
	s8 =	sand.u32 $0x1, s0;
	s0 =	smul.u32 $0x12, s13  }
0x5: {  	s3 =	rddreg [dreg:$0x3];
	s26 =	smul.u32 $0x14000, s13  }
0x6: {  	s25 =	simm.s32 $0x880;
	s4 =	sshll.u32 s13, $0x1;
	s12 =	smul.u32 $0x500, s13  }
0x7: {  	s21 =	smul.u32 $0x50000, s13;
	p0 =	seq.s32 s8, $0x0;
	s5 =	sor.u32 $0x120, s4  }
0x8: {  	s7 =	smul.u32 $0x140000, s8;
	s4 =	simm.s32 $0x0;
	s11 =	sshll.u32 s8, $0x7  }
0x9: {  	s5 =	smov.u32 @p0 s0;
	[smem:$0x7FF] =	sst s4;
	s24 =	sshrl.u32 s21, $0x2  }
0xa: {  	s21 =	simm.s32 $0x380;
	_ =	strace $0x80000047;
	[dreg:$0xc] =	wrdreg s25  }
0xb: {  	s0 =	sadd.s32 s26, s7;
	s26 =	simm.s32 $0x180;
	[dreg:$0x15] =	wrdreg s21  }
0xc: {  	s17 =	ssub.s32 $0x2, s8;
	s25 =	simm.s32 $0x480;
	[dreg:$0xd] =	wrdreg s26  }
0xd: {  	s9 =	sshll.u32 s5, $0x7;
	s21 =	simm.s32 $0x680;
	[dreg:$0x18] =	wrdreg s25  }
0xe: {  	s19 =	sshrl.u32 s17, $0x1;
	s15 =	sadd.s32 s6, s9;
	[smem:$0x7F8] =	sst s21  }
0xf: {  	s10 =	sadd.s32 s9, s2;
	s9 =	simm.s32 $0x900;
	[smem:$0x7F0] =	sst s15  }
0x10: {  	s6 =	ssub.s32 s17, s19;
	s17 =	simm.s32 $0xA00;
	[dreg:$0xe] =	wrdreg s9  }
0x11: {  	s7 =	simm.s32 $0x12;
	s19 =	simm.s32 $0x300;
	[dreg:$0x12] =	wrdreg s17  }
0x12: {  	s7 =	simm.s32 @!p0 $0x2;
	s25 =	simm.s32 $0x780;
	[dreg:$0x13] =	wrdreg s19  }
0x13: {  	s5 =	sor.u32 s11, s12;
	s12 =	sadd.s32 $0xFFFFFFFF, s7;
	[smem:$0x7FC] =	sst s25  }
0x14: {  	s28 =	simm.s32 $0x7;
	s14 =	sadd.s32 $0xFFFFFFFE, s7;
	[dreg:$0x5] =	wrdreg s12  }
0x15: {  	s29 =	simm.s32 $0x100;
	s16 =	sshll.u32 s7, $0x7;
	[dreg:$0x6] =	wrdreg s14  }
0x16: {  	s30 =	simm.s32 $0x6;
	s18 =	sadd.s32 $0x100, s15;
	[dreg:$0x7] =	wrdreg s16  }
0x17: {  	s31 =	simm.s32 $0x8;
	s20 =	sadd.s32 $0x1B00, s10;
	[dreg:$0x8] =	wrdreg s18  }
0x18: {  	s8 =	smul.u32 $0x28000, s8;
	s22 =	sadd.s32 $0x1A80, s10;
	[dreg:$0x9] =	wrdreg s20  }
0x19: {  	s0 =	sshrl.u32 s0, $0x3;
	s23 =	sadd.s32 $0x80, s15;
	[dreg:$0xa] =	wrdreg s22  }
0x1a: {  	s5 =	sshrl.u32 s5, $0x3;
	s10 =	sadd.s32 $0x1A00, s10;
	[dreg:$0xb] =	wrdreg s23  }
0x1b: {  	s21 =	simm.s32 $0x1;
	s15 =	simm.s32 $0x980;
	[smem:$0x7F1] =	sst s10  }
0x1c: {  	s11 =	sadd.s32 s0, s2;
	s17 =	simm.s32 $0xD00;
	[dreg:$0x10] =	wrdreg s15  }
0x1d: {  	s0 =	sadd.s32 s5, s2;
	s19 =	simm.s32 $0x600;
	[dreg:$0x1d] =	wrdreg s17  }
0x1e: {  	s5 =	sadd.s32 $0xBA00, s2;
	s14 =	simm.s32 $0x200;
	[dreg:$0x1e] =	wrdreg s19  }
0x1f: {  	s7 =	sadd.s32 s24, s3;
	s16 =	simm.s32 $0x280;
	[dreg:$0xf] =	wrdreg s14  }
0x20: {  	s24 =	smul.u32 $0x1400, s13;
	s20 =	simm.s32 $0xA80;
	[dreg:$0x11] =	wrdreg s16  }
0x21: {  	s25 =	simm.s32 $0x5;
	s22 =	simm.s32 $0xB00;
	[dreg:$0x14] =	wrdreg s20  }
0x22: {  	s2 =	simm.s32 $0x4;
	s23 =	simm.s32 $0xB80;
	[dreg:$0x16] =	wrdreg s22  }
0x23: {  	s12 =	sshrl.u32 s13, $0x3;
	s26 =	sadd.s32 $0x16400, s11;
	[dreg:$0x17] =	wrdreg s23  }
0x24: {  	s18 =	sshll.u32 s13, $0x7;
	s0 =	sadd.s32 $0x15A00, s0;
	[smem:$0x7F3] =	sst s26  }
0x25: {  	s13 =	simm.s32 $0xC80;
	s15 =	simm.s32 $0x580;
	[smem:$0x7F4] =	sst s0  }
0x26: {  	s17 =	sadd.s32 $0x10000, s7;
	s19 =	simm.s32 $0x9;
	[dreg:$0x1b] =	wrdreg s13  }
0x27: {  	s9 =	smul.u32 $0x14000, s12;
	s12 =	simm.s32 $0x500;
	[dreg:$0x1c] =	wrdreg s15  }
0x28: {  	s10 =	sand.u32 $0x380, s18;
	s14 =	smax.u32 s6, $0x1;
	[dreg:$0x1a] =	wrdreg s12  }
0x29: {  	s11 =	sadd.s32 s8, s24;
	s16 =	sadd.s32 $0x4000, s7;
	[smem:$0x7F5] =	sst s14  }
0x2a: {  	s18 =	sadd.s32 $0x8000, s7;
	s20 =	simm.s32 $0xD80;
	[smem:$0x7F6] =	sst s16  }
0x2b: {  	s22 =	simm.s32 $0xE00;
	s23 =	simm.s32 $0x700;
	[smem:$0x7F7] =	sst s18  }
0x2c: {  	s24 =	simm.s32 $0xE80;
	s26 =	simm.s32 $0xF00;
	[dreg:$0x1f] =	wrdreg s20  }
0x2d: {  	s0 =	simm.s32 $0x2;
	s6 =	simm.s32 $0x1FA80;
	[smem:$0x7F9] =	sst s22  }
0x2e: {  	s16 =	sadd.s32 $0xC000, s7;
	s18 =	simm.s32 $0x1000;
	[smem:$0x7FA] =	sst s23  }
0x2f: {  	s20 =	simm.s32 $0x800;
	[smem:$0x7FB] =	sst s24;
	s9 =	sadd.s32 s8, s9  }
0x30: {  	s22 =	simm.s32 $0x3;
	s23 =	simm.s32 $0x80;
	s9 =	sor.u32 s10, s9  }
0x31: {  	[smem:$0x7FD] =	sst s26;
	s10 =	simm.s32 $0xC00;
	s9 =	sshrl.u32 s9, $0x3  }
0x32: {  	s24 =	simm.s32 $0x5000;
	[dreg:$0x19] =	wrdreg s10;
	s9 =	sadd.s32 s5, s9  }
0x33: {  	v0 =	vimm.f32 $0.0e+00;
	v1 =	vimm.f32 $1.000000000e+00;
	s26 =	simm.s32 $0x1D000;
	s8 =	simm.s32 $0x400;
	[smem:$0x7F2] =	sst s9  }
.LBB2_1:
0x34: {  	s9 =	simm.s32 $0x0;
	s10 =	simm.s32 $0x200  }
.LBB2_2:
0x35: {  	p0 =	sne.s32 s10, $0xFE00;
	[tilespmem:s9+$0x1070] =	vst v0  }
0x36: {  	[tilespmem:s9+$0x1000] =	vst v0  }
0x37: {  	[tilespmem:s9+$0x1010] =	vst v0  }
.Ltmp0:
0x38: {  	[tilespmem:s9+$0x1020] =	vst v0;
	(pc) =	sbr.rel @p0 .LBB2_2-.Ltmp0, $4  }
0x39: {  	[tilespmem:s9+$0x1030] =	vst v0  }
0x3a: {  	[tilespmem:s9+$0x1040] =	vst v0  }
0x3b: {  	[tilespmem:s9+$0x1050] =	vst v0  }
0x3c: {  	[tilespmem:s9+$0x1060] =	vst v0;
	s9 =	sshra.s32 s10, $0x2;
	s10 =	sadd.s32 $0x200, s10  }
0x3d: {  	[tilespmem:s9+$0x1070] =	vst v0  }
0x3e: {  	[tilespmem:s9+$0x1000] =	vst v0  }
0x3f: {  	[tilespmem:s9+$0x1010] =	vst v0  }
0x40: {  	[tilespmem:s9+$0x1020] =	vst v0  }
0x41: {  	[tilespmem:s9+$0x1030] =	vst v0  }
0x42: {  	[tilespmem:s9+$0x1040] =	vst v0  }
0x43: {  	[tilespmem:s9+$0x1050] =	vst v0  }
0x44: {  	[tilespmem:s9+$0x1060] =	vst v0  }
0x45: {  	[spmem:s7] =	stream.linear.scatter [tilespmem:s18], [sflag:$0x9], $0x4000, $0x38;
	[tilespmem:$0x1FD00] =	vst v63  }
0x46: {  	_ =	swait.ge [sflag:s19], $0x4000  }
0x47: {  	s14 =	sld [smem:$0x7F6]  }
0x48: {  	[sflag:s19] =	ssyncset.done $0x0  }
0x49: {  	[sflag:s19] =	ssyncadd.s32 $0xFFFFC000  }
0x4a: {  	[spmem:s14] =	stream.linear.scatter [tilespmem:s18], [sflag:$0x9], $0x4000, $0x38;
	[tilespmem:$0x1FD00] =	vst v63  }
0x4b: {  	_ =	swait.ge [sflag:s19], $0x4000  }
0x4c: {  	s15 =	sld [smem:$0x7F7]  }
0x4d: {  	[sflag:s19] =	ssyncset.done $0x0  }
0x4e: {  	[sflag:s19] =	ssyncadd.s32 $0xFFFFC000  }
0x4f: {  	[spmem:s15] =	stream.linear.scatter [tilespmem:s18], [sflag:$0x9], $0x4000, $0x38;
	[tilespmem:$0x1FD00] =	vst v63  }
0x50: {  	_ =	swait.ge [sflag:s19], $0x4000  }
0x51: {  	[sflag:s19] =	ssyncset.done $0x0  }
0x52: {  	[sflag:s19] =	ssyncadd.s32 $0xFFFFC000  }
0x53: {  	[spmem:s16] =	stream.linear.scatter [tilespmem:s18], [sflag:$0x9], $0x4000, $0x38;
	[tilespmem:$0x1FD00] =	vst v63  }
0x54: {  	_ =	swait.ge [sflag:s19], $0x4000  }
0x55: {  	[sflag:s19] =	ssyncset.done $0x0  }
0x56: {  	[sflag:s19] =	ssyncadd.s32 $0xFFFFC000  }
0x57: {  	[spmem:s17] =	stream.linear.scatter [tilespmem:s18], [sflag:$0x9], $0x4000, $0x38;
	[tilespmem:$0x1FD00] =	vst v63  }
0x58: {  	_ =	swait.ge [sflag:s19], $0x4000  }
0x59: {  	[sflag:s19] =	ssyncset.done $0x0  }
0x5a: {  	s9 =	simm.s32 $0x40;
	s10 =	simm.s32 $0x0;
	[sflag:s19] =	ssyncadd.s32 $0xFFFFC000  }
.LBB2_4:
0x5b: {  	p0 =	sne.s32 s9, $0x9FC0;
	[tilespmem:s10+$0x1D000] =	vst v0;
	s10 =	smov.u32 s9;
	s9 =	sadd.s32 $0x40, s9  }
.Ltmp1:
0x5c: {  	(pc) =	sbr.rel @p0 .LBB2_4-.Ltmp1, $2  }
0x5d: {  	_ =	sdelay $0x2  }
0x5e: {  	s10 =	sshra.s32 s10, $0x2  }
0x5f: {  	[tilespmem:s10+$0x1D000] =	vst v0  }
0x60: {  	[bflag:$0x0] =	sbarrier.arrive $0xFFFF  }
0x61: {  	s14 =	sld [smem:$0x7F1];
	_ =	sdelay $0x1  }
0x62: {  	s9 =	simm.s32 $0x0;
	s15 =	sld [smem:$0x7F0]  }
0x63: {  	[tilespmem:s9], [sflag:$0x1] =	stream.linear.gather [hbm4b:s14+s9], $0x400, $0x38;
	[tilespmem:$0x1FD00] =	vst v63  }
0x64: {  	s10 =	simm.s32 $0x0  }
0x65: {  	[tilespmem:s20], [sflag:$0x3] =	stream.linear.gather [hbm4b:s15+s9], $0x400, $0x38;
	[tilespmem:$0x1FD00] =	vst v63  }
.LBB2_6:
0x66: {  	_ =	swait.ge [sflag:s21], $0x400  }
0x67: {  	[sflag:s21] =	ssyncset.done $0x0  }
0x68: {  	[sflag:s21] =	ssyncadd.s32 $0xFFFFFC00  }
0x69: {  	p0 =	seq.s32 s10, $0x0;
	_ =	swait.ge [sflag:s22], $0x400  }
0x6a: {  	s12 =	simm.s32 @p0 $0x80;
	[sflag:s22] =	ssyncset.done $0x0  }
0x6b: {  	s13 =	simm.s32 @p0 $0x0;
	s14 =	simm.s32 @p0 $0x1000;
	[sflag:s22] =	ssyncadd.s32 $0xFFFFFC00  }
0x6c: {  	[tilespmem:s14], [sflag:$0x5] =	stream.indirect.gather @p0 [hbm4b:s1+s12], $0x80, s13, s12, $0xb8;
	[tilespmem:$0x1FD00] =	vst v63  }
0x6d: {  	s12 =	simm.s32 @!p0 $0x7  }
0x6e: {  	_ =	swait.ge @!p0 [sflag:s12], $0x4000  }
0x6f: {  	s13 =	simm.s32 @!p0 $0x0;
	[sflag:s12] =	ssyncset.done @!p0 $0x0  }
0x70: {  	s14 =	simm.s32 @!p0 $0x1000;
	[sflag:s12] =	ssyncadd.s32 @!p0 $0xFFFFC000;
	s12 =	simm.s32 @!p0 $0x80  }
0x71: {  	[tilespmem:s14], [sflag:$0x5] =	stream.indirect.gather @!p0 [hbm4b:s1+s12], $0x80, s13, s12, $0xb8;
	[tilespmem:$0x1FD00] =	vst v63  }
0x72: {  	s13 =	simm.s32 @!p0 $0x6  }
0x73: {  	_ =	swait.ge @!p0 [sflag:s13], $0x4000  }
0x74: {  	[sflag:s13] =	ssyncset.done @!p0 $0x0  }
0x75: {  	[sflag:s13] =	ssyncadd.s32 @!p0 $0xFFFFC000  }
0x76: {  	v2 =	vld @!p0 [tilespmem:$0xF80];
	_ =	sdelay $0x6  }
0x77: {  	v3 =	vimm.f32 @!p0 $1.000000000e+00;
	s13 =	simm.s32 @!p0 $0x1D000  }
0x78: {  	[tilespmem:v2+s13+$0x0] =	vst.idx.add.f32.msk @!p0 $0xffff, v3  }
0x79: {  	v2 =	vld @!p0 [tilespmem:$0xF90];
	_ =	sdelay $0x7  }
0x7a: {  	[tilespmem:v2+s13+$0x0] =	vst.idx.add.f32.msk @!p0 $0xffff, v3  }
0x7b: {  	v2 =	vld @!p0 [tilespmem:$0xFA0];
	_ =	sdelay $0x7  }
0x7c: {  	[tilespmem:v2+s13+$0x0] =	vst.idx.add.f32.msk @!p0 $0xffff, v3  }
0x7d: {  	v2 =	vld @!p0 [tilespmem:$0xFB0];
	_ =	sdelay $0x7  }
0x7e: {  	[tilespmem:v2+s13+$0x0] =	vst.idx.add.f32.msk @!p0 $0xffff, v3  }
0x7f: {  	v2 =	vld @!p0 [tilespmem:$0xFC0];
	_ =	sdelay $0x7  }
0x80: {  	[tilespmem:v2+s13+$0x0] =	vst.idx.add.f32.msk @!p0 $0xffff, v3  }
0x81: {  	v2 =	vld @!p0 [tilespmem:$0xFD0];
	_ =	sdelay $0x7  }
0x82: {  	[tilespmem:v2+s13+$0x0] =	vst.idx.add.f32.msk @!p0 $0xffff, v3  }
0x83: {  	v2 =	vld @!p0 [tilespmem:$0xFE0];
	_ =	sdelay $0x7  }
0x84: {  	[tilespmem:v2+s13+$0x0] =	vst.idx.add.f32.msk @!p0 $0xffff, v3  }
0x85: {  	v2 =	vld @!p0 [tilespmem:$0xFF0];
	_ =	sdelay $0x7  }
0x86: {  	s14 =	simm.s32 @!p0 $0x5000;
	[tilespmem:v2+s13+$0x0] =	vst.idx.add.f32.msk @!p0 $0xffff, v3;
	s13 =	simm.s32 @!p0 $0xF80  }
0x87: {  	[spmem:s3] =	stream.indirect.scatter.add.f32 @!p0 [tilespmem:s14], [sflag:$0x8], $0x80, s13, s12, $0xb8;
	[tilespmem:$0x1FD00] =	vst v63  }
0x88: {  	s12 =	simm.s32 @!p0 $0x8  }
0x89: {  	_ =	swait.ge @!p0 [sflag:s12], $0x4000  }
0x8a: {  	[sflag:s12] =	ssyncset.done @!p0 $0x0  }
0x8b: {  	[sflag:s12] =	ssyncadd.s32 @!p0 $0xFFFFC000  }
0x8c: {  	[tilespmem:s24], [sflag:$0x6] =	stream.indirect.gather [hbm4b:s1+s23], $0x80, s23, s23, $0xb8;
	[tilespmem:$0x1FD00] =	vst v63  }
0x8d: {  	_ =	swait.ge [sflag:s25], $0x4000  }
0x8e: {  	[sflag:s25] =	ssyncset.done $0x0  }
0x8f: {  	[sflag:s25] =	ssyncadd.s32 $0xFFFFC000  }
0x90: {  	v2 =	vld [tilespmem:$0x800];
	_ =	sdelay $0x7  }
0x91: {  	[tilespmem:v2+s26+$0x0] =	vst.idx.add.f32.msk $0xffff, v1  }
0x92: {  	v2 =	vld [tilespmem:$0x810];
	_ =	sdelay $0x7  }
0x93: {  	[tilespmem:v2+s26+$0x0] =	vst.idx.add.f32.msk $0xffff, v1  }
0x94: {  	v2 =	vld [tilespmem:$0x820];
	_ =	sdelay $0x7  }
0x95: {  	[tilespmem:v2+s26+$0x0] =	vst.idx.add.f32.msk $0xffff, v1  }
0x96: {  	v2 =	vld [tilespmem:$0x830];
	_ =	sdelay $0x7  }
0x97: {  	[tilespmem:v2+s26+$0x0] =	vst.idx.add.f32.msk $0xffff, v1  }
0x98: {  	v2 =	vld [tilespmem:$0x840];
	_ =	sdelay $0x7  }
0x99: {  	[tilespmem:v2+s26+$0x0] =	vst.idx.add.f32.msk $0xffff, v1  }
0x9a: {  	v2 =	vld [tilespmem:$0x850];
	_ =	sdelay $0x7  }
0x9b: {  	[tilespmem:v2+s26+$0x0] =	vst.idx.add.f32.msk $0xffff, v1  }
0x9c: {  	v2 =	vld [tilespmem:$0x860];
	_ =	sdelay $0x7  }
0x9d: {  	[tilespmem:v2+s26+$0x0] =	vst.idx.add.f32.msk $0xffff, v1  }
0x9e: {  	v2 =	vld [tilespmem:$0x870];
	_ =	sdelay $0x7  }
0x9f: {  	[tilespmem:v2+s26+$0x0] =	vst.idx.add.f32.msk $0xffff, v1  }
0xa0: {  	[spmem:s3] =	stream.indirect.scatter.add.f32 [tilespmem:s18], [sflag:$0x7], $0x80, s20, s23, $0xb8;
	[tilespmem:$0x1FD00] =	vst v63  }
0xa1: {  	_ =	swait.ge [sflag:s28], $0x4000  }
0xa2: {  	[sflag:s28] =	ssyncset.done $0x0  }
0xa3: {  	[sflag:s28] =	ssyncadd.s32 $0xFFFFC000  }
0xa4: {  	[tilespmem:s18], [sflag:$0x5] =	stream.indirect.gather [hbm4b:s1+s23], $0x80, s29, s23, $0xb8;
	[tilespmem:$0x1FD00] =	vst v63  }
0xa5: {  	_ =	swait.ge [sflag:s30], $0x4000  }
0xa6: {  	[sflag:s30] =	ssyncset.done $0x0  }
0xa7: {  	[sflag:s30] =	ssyncadd.s32 $0xFFFFC000  }
0xa8: {  	v2 =	vld [tilespmem:$0x880];
	_ =	sdelay $0x7  }
0xa9: {  	[tilespmem:v2+s26+$0x0] =	vst.idx.add.f32.msk $0xffff, v1  }
0xaa: {  	v2 =	vld [tilespmem:$0x890];
	_ =	sdelay $0x7  }
0xab: {  	[tilespmem:v2+s26+$0x0] =	vst.idx.add.f32.msk $0xffff, v1  }
0xac: {  	v2 =	vld [tilespmem:$0x8A0];
	_ =	sdelay $0x7  }
0xad: {  	[tilespmem:v2+s26+$0x0] =	vst.idx.add.f32.msk $0xffff, v1  }
0xae: {  	v2 =	vld [tilespmem:$0x8B0];
	_ =	sdelay $0x7  }
0xaf: {  	[tilespmem:v2+s26+$0x0] =	vst.idx.add.f32.msk $0xffff, v1  }
0xb0: {  	v2 =	vld [tilespmem:$0x8C0];
	_ =	sdelay $0x7  }
0xb1: {  	[tilespmem:v2+s26+$0x0] =	vst.idx.add.f32.msk $0xffff, v1  }
0xb2: {  	v2 =	vld [tilespmem:$0x8D0];
	_ =	sdelay $0x7  }
0xb3: {  	[tilespmem:v2+s26+$0x0] =	vst.idx.add.f32.msk $0xffff, v1  }
0xb4: {  	v2 =	vld [tilespmem:$0x8E0];
	_ =	sdelay $0x7  }
0xb5: {  	[tilespmem:v2+s26+$0x0] =	vst.idx.add.f32.msk $0xffff, v1  }
0xb6: {  	v2 =	vld [tilespmem:$0x8F0];
	_ =	sdelay $0x4  }
0xb7: {  	s13 =	rddreg [dreg:$0xc]  }
0xb8: {  	s15 =	rddreg [dreg:$0x5]  }
0xb9: {  	s14 =	rddreg [dreg:$0xa]  }
0xba: {  	s12 =	rddreg [dreg:$0xb];
	p0 =	sge.u32 s9, s15;
	[tilespmem:v2+s26+$0x0] =	vst.idx.add.f32.msk $0xffff, v1  }
0xbb: {  	[spmem:s3] =	stream.indirect.scatter.add.f32 [tilespmem:s24], [sflag:$0x8], $0x80, s13, s23, $0xb8;
	[tilespmem:$0x1FD00] =	vst v63  }
0xbc: {  	s15 =	simm.s32 @!p0 $0x400;
	s13 =	sadd.s32 @!p0 s10, s14;
	s14 =	simm.s32 @!p0 $0x0  }
0xbd: {  	[tilespmem:s15], [sflag:$0x2] =	stream.linear.gather @!p0 [hbm4b:s13+s14], $0x400, $0x38;
	[tilespmem:$0x1FD00] =	vst v63  }
0xbe: {  	s12 =	sadd.s32 @!p0 s10, s12;
	s13 =	simm.s32 @!p0 $0xC00  }
0xbf: {  	[tilespmem:s13], [sflag:$0x4] =	stream.linear.gather @!p0 [hbm4b:s12+s14], $0x400, $0x38;
	[tilespmem:$0x1FD00] =	vst v63  }
0xc0: {  	_ =	swait.ge [sflag:s31], $0x4000  }
0xc1: {  	[sflag:s31] =	ssyncset.done $0x0  }
0xc2: {  	s14 =	rddreg [dreg:$0xd];
	[sflag:s31] =	ssyncadd.s32 $0xFFFFC000  }
0xc3: {  	[tilespmem:s24], [sflag:$0x6] =	stream.indirect.gather [hbm4b:s1+s23], $0x80, s14, s23, $0xb8;
	[tilespmem:$0x1FD00] =	vst v63  }
0xc4: {  	_ =	swait.ge [sflag:s25], $0x4000  }
0xc5: {  	[sflag:s25] =	ssyncset.done $0x0  }
0xc6: {  	[sflag:s25] =	ssyncadd.s32 $0xFFFFC000  }
0xc7: {  	v2 =	vld [tilespmem:$0x900];
	_ =	sdelay $0x7  }
0xc8: {  	[tilespmem:v2+s26+$0x0] =	vst.idx.add.f32.msk $0xffff, v1  }
0xc9: {  	v2 =	vld [tilespmem:$0x910];
	_ =	sdelay $0x7  }
0xca: {  	[tilespmem:v2+s26+$0x0] =	vst.idx.add.f32.msk $0xffff, v1  }
0xcb: {  	v2 =	vld [tilespmem:$0x920];
	_ =	sdelay $0x7  }
0xcc: {  	[tilespmem:v2+s26+$0x0] =	vst.idx.add.f32.msk $0xffff, v1  }
0xcd: {  	v2 =	vld [tilespmem:$0x930];
	_ =	sdelay $0x7  }
0xce: {  	[tilespmem:v2+s26+$0x0] =	vst.idx.add.f32.msk $0xffff, v1  }
0xcf: {  	v2 =	vld [tilespmem:$0x940];
	_ =	sdelay $0x7  }
0xd0: {  	[tilespmem:v2+s26+$0x0] =	vst.idx.add.f32.msk $0xffff, v1  }
0xd1: {  	v2 =	vld [tilespmem:$0x950];
	_ =	sdelay $0x7  }
0xd2: {  	[tilespmem:v2+s26+$0x0] =	vst.idx.add.f32.msk $0xffff, v1  }
0xd3: {  	v2 =	vld [tilespmem:$0x960];
	_ =	sdelay $0x7  }
0xd4: {  	[tilespmem:v2+s26+$0x0] =	vst.idx.add.f32.msk $0xffff, v1  }
0xd5: {  	v2 =	vld [tilespmem:$0x970];
	_ =	sdelay $0x7  }
0xd6: {  	s15 =	rddreg [dreg:$0xe];
	[tilespmem:v2+s26+$0x0] =	vst.idx.add.f32.msk $0xffff, v1  }
0xd7: {  	[spmem:s3] =	stream.indirect.scatter.add.f32 [tilespmem:s18], [sflag:$0x7], $0x80, s15, s23, $0xb8;
	[tilespmem:$0x1FD00] =	vst v63  }
0xd8: {  	_ =	swait.ge [sflag:s28], $0x4000  }
0xd9: {  	[sflag:s28] =	ssyncset.done $0x0  }
0xda: {  	s13 =	rddreg [dreg:$0xf];
	[sflag:s28] =	ssyncadd.s32 $0xFFFFC000  }
0xdb: {  	[tilespmem:s18], [sflag:$0x5] =	stream.indirect.gather [hbm4b:s1+s23], $0x80, s13, s23, $0xb8;
	[tilespmem:$0x1FD00] =	vst v63  }
0xdc: {  	_ =	swait.ge [sflag:s30], $0x4000  }
0xdd: {  	[sflag:s30] =	ssyncset.done $0x0  }
0xde: {  	[sflag:s30] =	ssyncadd.s32 $0xFFFFC000  }
0xdf: {  	v2 =	vld [tilespmem:$0x980];
	_ =	sdelay $0x7  }
0xe0: {  	[tilespmem:v2+s26+$0x0] =	vst.idx.add.f32.msk $0xffff, v1  }
0xe1: {  	v2 =	vld [tilespmem:$0x990];
	_ =	sdelay $0x7  }
0xe2: {  	[tilespmem:v2+s26+$0x0] =	vst.idx.add.f32.msk $0xffff, v1  }
0xe3: {  	v2 =	vld [tilespmem:$0x9A0];
	_ =	sdelay $0x7  }
0xe4: {  	[tilespmem:v2+s26+$0x0] =	vst.idx.add.f32.msk $0xffff, v1  }
0xe5: {  	v2 =	vld [tilespmem:$0x9B0];
	_ =	sdelay $0x7  }
0xe6: {  	[tilespmem:v2+s26+$0x0] =	vst.idx.add.f32.msk $0xffff, v1  }
0xe7: {  	v2 =	vld [tilespmem:$0x9C0];
	_ =	sdelay $0x7  }
0xe8: {  	[tilespmem:v2+s26+$0x0] =	vst.idx.add.f32.msk $0xffff, v1  }
0xe9: {  	v2 =	vld [tilespmem:$0x9D0];
	_ =	sdelay $0x7  }
0xea: {  	[tilespmem:v2+s26+$0x0] =	vst.idx.add.f32.msk $0xffff, v1  }
0xeb: {  	v2 =	vld [tilespmem:$0x9E0];
	_ =	sdelay $0x7  }
0xec: {  	[tilespmem:v2+s26+$0x0] =	vst.idx.add.f32.msk $0xffff, v1  }
0xed: {  	v2 =	vld [tilespmem:$0x9F0];
	_ =	sdelay $0x7  }
0xee: {  	s14 =	rddreg [dreg:$0x10];
	[tilespmem:v2+s26+$0x0] =	vst.idx.add.f32.msk $0xffff, v1  }
0xef: {  	[spmem:s3] =	stream.indirect.scatter.add.f32 [tilespmem:s24], [sflag:$0x8], $0x80, s14, s23, $0xb8;
	[tilespmem:$0x1FD00] =	vst v63  }
0xf0: {  	_ =	swait.ge [sflag:s31], $0x4000  }
0xf1: {  	[sflag:s31] =	ssyncset.done $0x0  }
0xf2: {  	s15 =	rddreg [dreg:$0x11];
	[sflag:s31] =	ssyncadd.s32 $0xFFFFC000  }
0xf3: {  	[tilespmem:s24], [sflag:$0x6] =	stream.indirect.gather [hbm4b:s1+s23], $0x80, s15, s23, $0xb8;
	[tilespmem:$0x1FD00] =	vst v63  }
0xf4: {  	_ =	swait.ge [sflag:s25], $0x4000  }
0xf5: {  	[sflag:s25] =	ssyncset.done $0x0  }
0xf6: {  	[sflag:s25] =	ssyncadd.s32 $0xFFFFC000  }
0xf7: {  	v2 =	vld [tilespmem:$0xA00];
	_ =	sdelay $0x7  }
0xf8: {  	[tilespmem:v2+s26+$0x0] =	vst.idx.add.f32.msk $0xffff, v1  }
0xf9: {  	v2 =	vld [tilespmem:$0xA10];
	_ =	sdelay $0x7  }
0xfa: {  	[tilespmem:v2+s26+$0x0] =	vst.idx.add.f32.msk $0xffff, v1  }
0xfb: {  	v2 =	vld [tilespmem:$0xA20];
	_ =	sdelay $0x7  }
0xfc: {  	[tilespmem:v2+s26+$0x0] =	vst.idx.add.f32.msk $0xffff, v1  }
0xfd: {  	v2 =	vld [tilespmem:$0xA30];
	_ =	sdelay $0x7  }
0xfe: {  	[tilespmem:v2+s26+$0x0] =	vst.idx.add.f32.msk $0xffff, v1  }
0xff: {  	v2 =	vld [tilespmem:$0xA40];
	_ =	sdelay $0x7  }
0x100: {  	[tilespmem:v2+s26+$0x0] =	vst.idx.add.f32.msk $0xffff, v1  }
0x101: {  	v2 =	vld [tilespmem:$0xA50];
	_ =	sdelay $0x7  }
0x102: {  	[tilespmem:v2+s26+$0x0] =	vst.idx.add.f32.msk $0xffff, v1  }
0x103: {  	v2 =	vld [tilespmem:$0xA60];
	_ =	sdelay $0x7  }
0x104: {  	[tilespmem:v2+s26+$0x0] =	vst.idx.add.f32.msk $0xffff, v1  }
0x105: {  	v2 =	vld [tilespmem:$0xA70];
	_ =	sdelay $0x7  }
0x106: {  	s13 =	rddreg [dreg:$0x12];
	[tilespmem:v2+s26+$0x0] =	vst.idx.add.f32.msk $0xffff, v1  }
0x107: {  	[spmem:s3] =	stream.indirect.scatter.add.f32 [tilespmem:s18], [sflag:$0x7], $0x80, s13, s23, $0xb8;
	[tilespmem:$0x1FD00] =	vst v63  }
0x108: {  	_ =	swait.ge [sflag:s28], $0x4000  }
0x109: {  	[sflag:s28] =	ssyncset.done $0x0  }
0x10a: {  	s14 =	rddreg [dreg:$0x13];
	[sflag:s28] =	ssyncadd.s32 $0xFFFFC000  }
0x10b: {  	[tilespmem:s18], [sflag:$0x5] =	stream.indirect.gather [hbm4b:s1+s23], $0x80, s14, s23, $0xb8;
	[tilespmem:$0x1FD00] =	vst v63  }
0x10c: {  	_ =	swait.ge [sflag:s30], $0x4000  }
0x10d: {  	[sflag:s30] =	ssyncset.done $0x0  }
0x10e: {  	[sflag:s30] =	ssyncadd.s32 $0xFFFFC000  }
0x10f: {  	v2 =	vld [tilespmem:$0xA80];
	_ =	sdelay $0x7  }
0x110: {  	[tilespmem:v2+s26+$0x0] =	vst.idx.add.f32.msk $0xffff, v1  }
0x111: {  	v2 =	vld [tilespmem:$0xA90];
	_ =	sdelay $0x7  }
0x112: {  	[tilespmem:v2+s26+$0x0] =	vst.idx.add.f32.msk $0xffff, v1  }
0x113: {  	v2 =	vld [tilespmem:$0xAA0];
	_ =	sdelay $0x7  }
0x114: {  	[tilespmem:v2+s26+$0x0] =	vst.idx.add.f32.msk $0xffff, v1  }
0x115: {  	v2 =	vld [tilespmem:$0xAB0];
	_ =	sdelay $0x7  }
0x116: {  	[tilespmem:v2+s26+$0x0] =	vst.idx.add.f32.msk $0xffff, v1  }
0x117: {  	v2 =	vld [tilespmem:$0xAC0];
	_ =	sdelay $0x7  }
0x118: {  	[tilespmem:v2+s26+$0x0] =	vst.idx.add.f32.msk $0xffff, v1  }
0x119: {  	v2 =	vld [tilespmem:$0xAD0];
	_ =	sdelay $0x7  }
0x11a: {  	[tilespmem:v2+s26+$0x0] =	vst.idx.add.f32.msk $0xffff, v1  }
0x11b: {  	v2 =	vld [tilespmem:$0xAE0];
	_ =	sdelay $0x7  }
0x11c: {  	[tilespmem:v2+s26+$0x0] =	vst.idx.add.f32.msk $0xffff, v1  }
0x11d: {  	v2 =	vld [tilespmem:$0xAF0];
	_ =	sdelay $0x7  }
0x11e: {  	s15 =	rddreg [dreg:$0x14];
	[tilespmem:v2+s26+$0x0] =	vst.idx.add.f32.msk $0xffff, v1  }
0x11f: {  	[spmem:s3] =	stream.indirect.scatter.add.f32 [tilespmem:s24], [sflag:$0x8], $0x80, s15, s23, $0xb8;
	[tilespmem:$0x1FD00] =	vst v63  }
0x120: {  	_ =	swait.ge [sflag:s31], $0x4000  }
0x121: {  	[sflag:s31] =	ssyncset.done $0x0  }
0x122: {  	s13 =	rddreg [dreg:$0x15];
	[sflag:s31] =	ssyncadd.s32 $0xFFFFC000  }
0x123: {  	[tilespmem:s24], [sflag:$0x6] =	stream.indirect.gather [hbm4b:s1+s23], $0x80, s13, s23, $0xb8;
	[tilespmem:$0x1FD00] =	vst v63  }
0x124: {  	_ =	swait.ge [sflag:s25], $0x4000  }
0x125: {  	[sflag:s25] =	ssyncset.done $0x0  }
0x126: {  	[sflag:s25] =	ssyncadd.s32 $0xFFFFC000  }
0x127: {  	v2 =	vld [tilespmem:$0xB00];
	_ =	sdelay $0x7  }
0x128: {  	[tilespmem:v2+s26+$0x0] =	vst.idx.add.f32.msk $0xffff, v1  }
0x129: {  	v2 =	vld [tilespmem:$0xB10];
	_ =	sdelay $0x7  }
0x12a: {  	[tilespmem:v2+s26+$0x0] =	vst.idx.add.f32.msk $0xffff, v1  }
0x12b: {  	v2 =	vld [tilespmem:$0xB20];
	_ =	sdelay $0x7  }
0x12c: {  	[tilespmem:v2+s26+$0x0] =	vst.idx.add.f32.msk $0xffff, v1  }
0x12d: {  	v2 =	vld [tilespmem:$0xB30];
	_ =	sdelay $0x7  }
0x12e: {  	[tilespmem:v2+s26+$0x0] =	vst.idx.add.f32.msk $0xffff, v1  }
0x12f: {  	v2 =	vld [tilespmem:$0xB40];
	_ =	sdelay $0x7  }
0x130: {  	[tilespmem:v2+s26+$0x0] =	vst.idx.add.f32.msk $0xffff, v1  }
0x131: {  	v2 =	vld [tilespmem:$0xB50];
	_ =	sdelay $0x7  }
0x132: {  	[tilespmem:v2+s26+$0x0] =	vst.idx.add.f32.msk $0xffff, v1  }
0x133: {  	v2 =	vld [tilespmem:$0xB60];
	_ =	sdelay $0x7  }
0x134: {  	[tilespmem:v2+s26+$0x0] =	vst.idx.add.f32.msk $0xffff, v1  }
0x135: {  	v2 =	vld [tilespmem:$0xB70];
	_ =	sdelay $0x7  }
0x136: {  	s14 =	rddreg [dreg:$0x16];
	[tilespmem:v2+s26+$0x0] =	vst.idx.add.f32.msk $0xffff, v1  }
0x137: {  	[spmem:s3] =	stream.indirect.scatter.add.f32 [tilespmem:s18], [sflag:$0x7], $0x80, s14, s23, $0xb8;
	[tilespmem:$0x1FD00] =	vst v63  }
0x138: {  	_ =	swait.ge [sflag:s0], $0x400  }
0x139: {  	[sflag:s0] =	ssyncset.done $0x0  }
0x13a: {  	[sflag:s0] =	ssyncadd.s32 $0xFFFFFC00  }
0x13b: {  	_ =	swait.ge [sflag:s2], $0x400  }
0x13c: {  	[sflag:s2] =	ssyncset.done $0x0  }
0x13d: {  	[sflag:s2] =	ssyncadd.s32 $0xFFFFFC00  }
0x13e: {  	_ =	swait.ge [sflag:s28], $0x4000  }
0x13f: {  	[sflag:s28] =	ssyncset.done $0x0  }
0x140: {  	[sflag:s28] =	ssyncadd.s32 $0xFFFFC000  }
0x141: {  	[tilespmem:s18], [sflag:$0x5] =	stream.indirect.gather [hbm4b:s1+s23], $0x80, s8, s23, $0xb8;
	[tilespmem:$0x1FD00] =	vst v63  }
0x142: {  	_ =	swait.ge [sflag:s30], $0x4000  }
0x143: {  	[sflag:s30] =	ssyncset.done $0x0  }
0x144: {  	[sflag:s30] =	ssyncadd.s32 $0xFFFFC000  }
0x145: {  	v2 =	vld [tilespmem:$0xB80];
	_ =	sdelay $0x7  }
0x146: {  	[tilespmem:v2+s26+$0x0] =	vst.idx.add.f32.msk $0xffff, v1  }
0x147: {  	v2 =	vld [tilespmem:$0xB90];
	_ =	sdelay $0x7  }
0x148: {  	[tilespmem:v2+s26+$0x0] =	vst.idx.add.f32.msk $0xffff, v1  }
0x149: {  	v2 =	vld [tilespmem:$0xBA0];
	_ =	sdelay $0x7  }
0x14a: {  	[tilespmem:v2+s26+$0x0] =	vst.idx.add.f32.msk $0xffff, v1  }
0x14b: {  	v2 =	vld [tilespmem:$0xBB0];
	_ =	sdelay $0x7  }
0x14c: {  	[tilespmem:v2+s26+$0x0] =	vst.idx.add.f32.msk $0xffff, v1  }
0x14d: {  	v2 =	vld [tilespmem:$0xBC0];
	_ =	sdelay $0x7  }
0x14e: {  	[tilespmem:v2+s26+$0x0] =	vst.idx.add.f32.msk $0xffff, v1  }
0x14f: {  	v2 =	vld [tilespmem:$0xBD0];
	_ =	sdelay $0x7  }
0x150: {  	[tilespmem:v2+s26+$0x0] =	vst.idx.add.f32.msk $0xffff, v1  }
0x151: {  	v2 =	vld [tilespmem:$0xBE0];
	_ =	sdelay $0x7  }
0x152: {  	[tilespmem:v2+s26+$0x0] =	vst.idx.add.f32.msk $0xffff, v1  }
0x153: {  	v2 =	vld [tilespmem:$0xBF0];
	_ =	sdelay $0x7  }
0x154: {  	s15 =	rddreg [dreg:$0x17];
	[tilespmem:v2+s26+$0x0] =	vst.idx.add.f32.msk $0xffff, v1  }
0x155: {  	[spmem:s3] =	stream.indirect.scatter.add.f32 [tilespmem:s24], [sflag:$0x8], $0x80, s15, s23, $0xb8;
	[tilespmem:$0x1FD00] =	vst v63  }
0x156: {  	_ =	swait.ge [sflag:s31], $0x4000  }
0x157: {  	[sflag:s31] =	ssyncset.done $0x0  }
0x158: {  	s13 =	rddreg [dreg:$0x18];
	[sflag:s31] =	ssyncadd.s32 $0xFFFFC000  }
0x159: {  	[tilespmem:s24], [sflag:$0x6] =	stream.indirect.gather [hbm4b:s1+s23], $0x80, s13, s23, $0xb8;
	[tilespmem:$0x1FD00] =	vst v63  }
0x15a: {  	_ =	swait.ge [sflag:s25], $0x4000  }
0x15b: {  	[sflag:s25] =	ssyncset.done $0x0  }
0x15c: {  	[sflag:s25] =	ssyncadd.s32 $0xFFFFC000  }
0x15d: {  	v2 =	vld [tilespmem:$0xC00];
	_ =	sdelay $0x7  }
0x15e: {  	[tilespmem:v2+s26+$0x0] =	vst.idx.add.f32.msk $0xffff, v1  }
0x15f: {  	v2 =	vld [tilespmem:$0xC10];
	_ =	sdelay $0x7  }
0x160: {  	[tilespmem:v2+s26+$0x0] =	vst.idx.add.f32.msk $0xffff, v1  }
0x161: {  	v2 =	vld [tilespmem:$0xC20];
	_ =	sdelay $0x7  }
0x162: {  	[tilespmem:v2+s26+$0x0] =	vst.idx.add.f32.msk $0xffff, v1  }
0x163: {  	v2 =	vld [tilespmem:$0xC30];
	_ =	sdelay $0x7  }
0x164: {  	[tilespmem:v2+s26+$0x0] =	vst.idx.add.f32.msk $0xffff, v1  }
0x165: {  	v2 =	vld [tilespmem:$0xC40];
	_ =	sdelay $0x7  }
0x166: {  	[tilespmem:v2+s26+$0x0] =	vst.idx.add.f32.msk $0xffff, v1  }
0x167: {  	v2 =	vld [tilespmem:$0xC50];
	_ =	sdelay $0x7  }
0x168: {  	[tilespmem:v2+s26+$0x0] =	vst.idx.add.f32.msk $0xffff, v1  }
0x169: {  	v2 =	vld [tilespmem:$0xC60];
	_ =	sdelay $0x7  }
0x16a: {  	[tilespmem:v2+s26+$0x0] =	vst.idx.add.f32.msk $0xffff, v1  }
0x16b: {  	v2 =	vld [tilespmem:$0xC70];
	_ =	sdelay $0x7  }
0x16c: {  	s14 =	rddreg [dreg:$0x19];
	[tilespmem:v2+s26+$0x0] =	vst.idx.add.f32.msk $0xffff, v1  }
0x16d: {  	[spmem:s3] =	stream.indirect.scatter.add.f32 [tilespmem:s18], [sflag:$0x7], $0x80, s14, s23, $0xb8;
	[tilespmem:$0x1FD00] =	vst v63  }
0x16e: {  	_ =	swait.ge [sflag:s28], $0x4000  }
0x16f: {  	[sflag:s28] =	ssyncset.done $0x0  }
0x170: {  	s15 =	rddreg [dreg:$0x1a];
	[sflag:s28] =	ssyncadd.s32 $0xFFFFC000  }
0x171: {  	[tilespmem:s18], [sflag:$0x5] =	stream.indirect.gather [hbm4b:s1+s23], $0x80, s15, s23, $0xb8;
	[tilespmem:$0x1FD00] =	vst v63  }
0x172: {  	_ =	swait.ge [sflag:s30], $0x4000  }
0x173: {  	[sflag:s30] =	ssyncset.done $0x0  }
0x174: {  	[sflag:s30] =	ssyncadd.s32 $0xFFFFC000  }
0x175: {  	v2 =	vld [tilespmem:$0xC80];
	_ =	sdelay $0x7  }
0x176: {  	[tilespmem:v2+s26+$0x0] =	vst.idx.add.f32.msk $0xffff, v1  }
0x177: {  	v2 =	vld [tilespmem:$0xC90];
	_ =	sdelay $0x7  }
0x178: {  	[tilespmem:v2+s26+$0x0] =	vst.idx.add.f32.msk $0xffff, v1  }
0x179: {  	v2 =	vld [tilespmem:$0xCA0];
	_ =	sdelay $0x7  }
0x17a: {  	[tilespmem:v2+s26+$0x0] =	vst.idx.add.f32.msk $0xffff, v1  }
0x17b: {  	v2 =	vld [tilespmem:$0xCB0];
	_ =	sdelay $0x7  }
0x17c: {  	[tilespmem:v2+s26+$0x0] =	vst.idx.add.f32.msk $0xffff, v1  }
0x17d: {  	v2 =	vld [tilespmem:$0xCC0];
	_ =	sdelay $0x7  }
0x17e: {  	[tilespmem:v2+s26+$0x0] =	vst.idx.add.f32.msk $0xffff, v1  }
0x17f: {  	v2 =	vld [tilespmem:$0xCD0];
	_ =	sdelay $0x7  }
0x180: {  	[tilespmem:v2+s26+$0x0] =	vst.idx.add.f32.msk $0xffff, v1  }
0x181: {  	v2 =	vld [tilespmem:$0xCE0];
	_ =	sdelay $0x7  }
0x182: {  	[tilespmem:v2+s26+$0x0] =	vst.idx.add.f32.msk $0xffff, v1  }
0x183: {  	v2 =	vld [tilespmem:$0xCF0];
	_ =	sdelay $0x5  }
0x184: {  	s13 =	rddreg [dreg:$0x1b]  }
0x185: {  	s15 =	rddreg [dreg:$0x6]  }
0x186: {  	s14 =	rddreg [dreg:$0x9];
	p0 =	sge.u32 s9, s15;
	[tilespmem:v2+s26+$0x0] =	vst.idx.add.f32.msk $0xffff, v1  }
0x187: {  	[spmem:s3] =	stream.indirect.scatter.add.f32 [tilespmem:s24], [sflag:$0x8], $0x80, s13, s23, $0xb8;
	[tilespmem:$0x1FD00] =	vst v63  }
0x188: {  	s12 =	rddreg [dreg:$0x8];
	s13 =	sadd.s32 @!p0 s10, s14;
	s14 =	simm.s32 @!p0 $0x0  }
0x189: {  	[tilespmem:s14], [sflag:$0x1] =	stream.linear.gather @!p0 [hbm4b:s13+s14], $0x400, $0x38;
	[tilespmem:$0x1FD00] =	vst v63  }
0x18a: {  	s12 =	sadd.s32 @!p0 s10, s12;
	s13 =	simm.s32 @!p0 $0x800  }
0x18b: {  	[tilespmem:s13], [sflag:$0x3] =	stream.linear.gather @!p0 [hbm4b:s12+s14], $0x400, $0x38;
	[tilespmem:$0x1FD00] =	vst v63  }
0x18c: {  	_ =	swait.ge [sflag:s31], $0x4000  }
0x18d: {  	[sflag:s31] =	ssyncset.done $0x0  }
0x18e: {  	s14 =	rddreg [dreg:$0x1c];
	[sflag:s31] =	ssyncadd.s32 $0xFFFFC000  }
0x18f: {  	[tilespmem:s24], [sflag:$0x6] =	stream.indirect.gather [hbm4b:s1+s23], $0x80, s14, s23, $0xb8;
	[tilespmem:$0x1FD00] =	vst v63  }
0x190: {  	_ =	swait.ge [sflag:s25], $0x4000  }
0x191: {  	[sflag:s25] =	ssyncset.done $0x0  }
0x192: {  	[sflag:s25] =	ssyncadd.s32 $0xFFFFC000  }
0x193: {  	v2 =	vld [tilespmem:$0xD00];
	_ =	sdelay $0x7  }
0x194: {  	[tilespmem:v2+s26+$0x0] =	vst.idx.add.f32.msk $0xffff, v1  }
0x195: {  	v2 =	vld [tilespmem:$0xD10];
	_ =	sdelay $0x7  }
0x196: {  	[tilespmem:v2+s26+$0x0] =	vst.idx.add.f32.msk $0xffff, v1  }
0x197: {  	v2 =	vld [tilespmem:$0xD20];
	_ =	sdelay $0x7  }
0x198: {  	[tilespmem:v2+s26+$0x0] =	vst.idx.add.f32.msk $0xffff, v1  }
0x199: {  	v2 =	vld [tilespmem:$0xD30];
	_ =	sdelay $0x7  }
0x19a: {  	[tilespmem:v2+s26+$0x0] =	vst.idx.add.f32.msk $0xffff, v1  }
0x19b: {  	v2 =	vld [tilespmem:$0xD40];
	_ =	sdelay $0x7  }
0x19c: {  	[tilespmem:v2+s26+$0x0] =	vst.idx.add.f32.msk $0xffff, v1  }
0x19d: {  	v2 =	vld [tilespmem:$0xD50];
	_ =	sdelay $0x7  }
0x19e: {  	[tilespmem:v2+s26+$0x0] =	vst.idx.add.f32.msk $0xffff, v1  }
0x19f: {  	v2 =	vld [tilespmem:$0xD60];
	_ =	sdelay $0x7  }
0x1a0: {  	[tilespmem:v2+s26+$0x0] =	vst.idx.add.f32.msk $0xffff, v1  }
0x1a1: {  	v2 =	vld [tilespmem:$0xD70];
	_ =	sdelay $0x7  }
0x1a2: {  	s15 =	rddreg [dreg:$0x1d];
	[tilespmem:v2+s26+$0x0] =	vst.idx.add.f32.msk $0xffff, v1  }
0x1a3: {  	[spmem:s3] =	stream.indirect.scatter.add.f32 [tilespmem:s18], [sflag:$0x7], $0x80, s15, s23, $0xb8;
	[tilespmem:$0x1FD00] =	vst v63  }
0x1a4: {  	_ =	swait.ge [sflag:s28], $0x4000  }
0x1a5: {  	[sflag:s28] =	ssyncset.done $0x0  }
0x1a6: {  	s13 =	rddreg [dreg:$0x1e];
	[sflag:s28] =	ssyncadd.s32 $0xFFFFC000  }
0x1a7: {  	[tilespmem:s18], [sflag:$0x5] =	stream.indirect.gather [hbm4b:s1+s23], $0x80, s13, s23, $0xb8;
	[tilespmem:$0x1FD00] =	vst v63  }
0x1a8: {  	_ =	swait.ge [sflag:s30], $0x4000  }
0x1a9: {  	[sflag:s30] =	ssyncset.done $0x0  }
0x1aa: {  	[sflag:s30] =	ssyncadd.s32 $0xFFFFC000  }
0x1ab: {  	v2 =	vld [tilespmem:$0xD80];
	_ =	sdelay $0x7  }
0x1ac: {  	[tilespmem:v2+s26+$0x0] =	vst.idx.add.f32.msk $0xffff, v1  }
0x1ad: {  	v2 =	vld [tilespmem:$0xD90];
	_ =	sdelay $0x7  }
0x1ae: {  	[tilespmem:v2+s26+$0x0] =	vst.idx.add.f32.msk $0xffff, v1  }
0x1af: {  	v2 =	vld [tilespmem:$0xDA0];
	_ =	sdelay $0x7  }
0x1b0: {  	[tilespmem:v2+s26+$0x0] =	vst.idx.add.f32.msk $0xffff, v1  }
0x1b1: {  	v2 =	vld [tilespmem:$0xDB0];
	_ =	sdelay $0x7  }
0x1b2: {  	[tilespmem:v2+s26+$0x0] =	vst.idx.add.f32.msk $0xffff, v1  }
0x1b3: {  	v2 =	vld [tilespmem:$0xDC0];
	_ =	sdelay $0x7  }
0x1b4: {  	[tilespmem:v2+s26+$0x0] =	vst.idx.add.f32.msk $0xffff, v1  }
0x1b5: {  	v2 =	vld [tilespmem:$0xDD0];
	_ =	sdelay $0x7  }
0x1b6: {  	[tilespmem:v2+s26+$0x0] =	vst.idx.add.f32.msk $0xffff, v1  }
0x1b7: {  	v2 =	vld [tilespmem:$0xDE0];
	_ =	sdelay $0x7  }
0x1b8: {  	[tilespmem:v2+s26+$0x0] =	vst.idx.add.f32.msk $0xffff, v1  }
0x1b9: {  	v2 =	vld [tilespmem:$0xDF0];
	_ =	sdelay $0x7  }
0x1ba: {  	s14 =	rddreg [dreg:$0x1f];
	[tilespmem:v2+s26+$0x0] =	vst.idx.add.f32.msk $0xffff, v1  }
0x1bb: {  	[spmem:s3] =	stream.indirect.scatter.add.f32 [tilespmem:s24], [sflag:$0x8], $0x80, s14, s23, $0xb8;
	[tilespmem:$0x1FD00] =	vst v63  }
0x1bc: {  	_ =	swait.ge [sflag:s31], $0x4000  }
0x1bd: {  	s15 =	sld [smem:$0x7F8]  }
0x1be: {  	[sflag:s31] =	ssyncset.done $0x0  }
0x1bf: {  	[sflag:s31] =	ssyncadd.s32 $0xFFFFC000  }
0x1c0: {  	[tilespmem:s24], [sflag:$0x6] =	stream.indirect.gather [hbm4b:s1+s23], $0x80, s15, s23, $0xb8;
	[tilespmem:$0x1FD00] =	vst v63  }
0x1c1: {  	_ =	swait.ge [sflag:s25], $0x4000  }
0x1c2: {  	[sflag:s25] =	ssyncset.done $0x0  }
0x1c3: {  	[sflag:s25] =	ssyncadd.s32 $0xFFFFC000  }
0x1c4: {  	v2 =	vld [tilespmem:$0xE00];
	_ =	sdelay $0x7  }
0x1c5: {  	[tilespmem:v2+s26+$0x0] =	vst.idx.add.f32.msk $0xffff, v1  }
0x1c6: {  	v2 =	vld [tilespmem:$0xE10];
	_ =	sdelay $0x7  }
0x1c7: {  	[tilespmem:v2+s26+$0x0] =	vst.idx.add.f32.msk $0xffff, v1  }
0x1c8: {  	v2 =	vld [tilespmem:$0xE20];
	_ =	sdelay $0x7  }
0x1c9: {  	[tilespmem:v2+s26+$0x0] =	vst.idx.add.f32.msk $0xffff, v1  }
0x1ca: {  	v2 =	vld [tilespmem:$0xE30];
	_ =	sdelay $0x7  }
0x1cb: {  	[tilespmem:v2+s26+$0x0] =	vst.idx.add.f32.msk $0xffff, v1  }
0x1cc: {  	v2 =	vld [tilespmem:$0xE40];
	_ =	sdelay $0x7  }
0x1cd: {  	[tilespmem:v2+s26+$0x0] =	vst.idx.add.f32.msk $0xffff, v1  }
0x1ce: {  	v2 =	vld [tilespmem:$0xE50];
	_ =	sdelay $0x7  }
0x1cf: {  	[tilespmem:v2+s26+$0x0] =	vst.idx.add.f32.msk $0xffff, v1  }
0x1d0: {  	v2 =	vld [tilespmem:$0xE60];
	_ =	sdelay $0x7  }
0x1d1: {  	[tilespmem:v2+s26+$0x0] =	vst.idx.add.f32.msk $0xffff, v1  }
0x1d2: {  	v2 =	vld [tilespmem:$0xE70];
	_ =	sdelay $0x5  }
0x1d3: {  	s13 =	sld [smem:$0x7F9];
	_ =	sdelay $0x1  }
0x1d4: {  	[tilespmem:v2+s26+$0x0] =	vst.idx.add.f32.msk $0xffff, v1  }
0x1d5: {  	[spmem:s3] =	stream.indirect.scatter.add.f32 [tilespmem:s18], [sflag:$0x7], $0x80, s13, s23, $0xb8;
	[tilespmem:$0x1FD00] =	vst v63  }
0x1d6: {  	_ =	swait.ge [sflag:s28], $0x4000  }
0x1d7: {  	s14 =	sld [smem:$0x7FA]  }
0x1d8: {  	[sflag:s28] =	ssyncset.done $0x0  }
0x1d9: {  	[sflag:s28] =	ssyncadd.s32 $0xFFFFC000  }
0x1da: {  	[tilespmem:s18], [sflag:$0x5] =	stream.indirect.gather [hbm4b:s1+s23], $0x80, s14, s23, $0xb8;
	[tilespmem:$0x1FD00] =	vst v63  }
0x1db: {  	_ =	swait.ge [sflag:s30], $0x4000  }
0x1dc: {  	[sflag:s30] =	ssyncset.done $0x0  }
0x1dd: {  	[sflag:s30] =	ssyncadd.s32 $0xFFFFC000  }
0x1de: {  	v2 =	vld [tilespmem:$0xE80];
	_ =	sdelay $0x7  }
0x1df: {  	[tilespmem:v2+s26+$0x0] =	vst.idx.add.f32.msk $0xffff, v1  }
0x1e0: {  	v2 =	vld [tilespmem:$0xE90];
	_ =	sdelay $0x7  }
0x1e1: {  	[tilespmem:v2+s26+$0x0] =	vst.idx.add.f32.msk $0xffff, v1  }
0x1e2: {  	v2 =	vld [tilespmem:$0xEA0];
	_ =	sdelay $0x7  }
0x1e3: {  	[tilespmem:v2+s26+$0x0] =	vst.idx.add.f32.msk $0xffff, v1  }
0x1e4: {  	v2 =	vld [tilespmem:$0xEB0];
	_ =	sdelay $0x7  }
0x1e5: {  	[tilespmem:v2+s26+$0x0] =	vst.idx.add.f32.msk $0xffff, v1  }
0x1e6: {  	v2 =	vld [tilespmem:$0xEC0];
	_ =	sdelay $0x7  }
0x1e7: {  	[tilespmem:v2+s26+$0x0] =	vst.idx.add.f32.msk $0xffff, v1  }
0x1e8: {  	v2 =	vld [tilespmem:$0xED0];
	_ =	sdelay $0x7  }
0x1e9: {  	[tilespmem:v2+s26+$0x0] =	vst.idx.add.f32.msk $0xffff, v1  }
0x1ea: {  	v2 =	vld [tilespmem:$0xEE0];
	_ =	sdelay $0x7  }
0x1eb: {  	[tilespmem:v2+s26+$0x0] =	vst.idx.add.f32.msk $0xffff, v1  }
0x1ec: {  	v2 =	vld [tilespmem:$0xEF0];
	_ =	sdelay $0x5  }
0x1ed: {  	s15 =	sld [smem:$0x7FB];
	_ =	sdelay $0x1  }
0x1ee: {  	[tilespmem:v2+s26+$0x0] =	vst.idx.add.f32.msk $0xffff, v1  }
0x1ef: {  	[spmem:s3] =	stream.indirect.scatter.add.f32 [tilespmem:s24], [sflag:$0x8], $0x80, s15, s23, $0xb8;
	[tilespmem:$0x1FD00] =	vst v63  }
0x1f0: {  	_ =	swait.ge [sflag:s31], $0x4000  }
0x1f1: {  	s13 =	sld [smem:$0x7FC]  }
0x1f2: {  	[sflag:s31] =	ssyncset.done $0x0  }
0x1f3: {  	[sflag:s31] =	ssyncadd.s32 $0xFFFFC000  }
0x1f4: {  	[tilespmem:s24], [sflag:$0x6] =	stream.indirect.gather [hbm4b:s1+s23], $0x80, s13, s23, $0xb8;
	[tilespmem:$0x1FD00] =	vst v63  }
0x1f5: {  	_ =	swait.ge [sflag:s25], $0x4000  }
0x1f6: {  	[sflag:s25] =	ssyncset.done $0x0  }
0x1f7: {  	[sflag:s25] =	ssyncadd.s32 $0xFFFFC000  }
0x1f8: {  	v2 =	vld [tilespmem:$0xF00];
	_ =	sdelay $0x7  }
0x1f9: {  	[tilespmem:v2+s26+$0x0] =	vst.idx.add.f32.msk $0xffff, v1  }
0x1fa: {  	v2 =	vld [tilespmem:$0xF10];
	_ =	sdelay $0x7  }
0x1fb: {  	[tilespmem:v2+s26+$0x0] =	vst.idx.add.f32.msk $0xffff, v1  }
0x1fc: {  	v2 =	vld [tilespmem:$0xF20];
	_ =	sdelay $0x7  }
0x1fd: {  	[tilespmem:v2+s26+$0x0] =	vst.idx.add.f32.msk $0xffff, v1  }
0x1fe: {  	v2 =	vld [tilespmem:$0xF30];
	_ =	sdelay $0x7  }
0x1ff: {  	[tilespmem:v2+s26+$0x0] =	vst.idx.add.f32.msk $0xffff, v1  }
0x200: {  	v2 =	vld [tilespmem:$0xF40];
	_ =	sdelay $0x7  }
0x201: {  	[tilespmem:v2+s26+$0x0] =	vst.idx.add.f32.msk $0xffff, v1  }
0x202: {  	v2 =	vld [tilespmem:$0xF50];
	_ =	sdelay $0x7  }
0x203: {  	[tilespmem:v2+s26+$0x0] =	vst.idx.add.f32.msk $0xffff, v1  }
0x204: {  	v2 =	vld [tilespmem:$0xF60];
	_ =	sdelay $0x7  }
0x205: {  	[tilespmem:v2+s26+$0x0] =	vst.idx.add.f32.msk $0xffff, v1  }
0x206: {  	v2 =	vld [tilespmem:$0xF70];
	_ =	sdelay $0x2  }
0x207: {  	s10 =	sadd.s32 $0x100, s10;
	s15 =	rddreg [dreg:$0x7]  }
0x208: {  	p0 =	sne.s32 s15, s10  }
.Ltmp2:
0x209: {  	_ = 	snop;
	(pc) =	sbr.rel @p0 .LBB2_6-.Ltmp2, $3  }
0x20a: {  	s14 =	sld [smem:$0x7FD];
	_ =	sdelay $0x1  }
0x20b: {  	s9 =	sadd.s32 $0x2, s9;
	[tilespmem:v2+s26+$0x0] =	vst.idx.add.f32.msk $0xffff, v1  }
0x20c: {  	[spmem:s3] =	stream.indirect.scatter.add.f32 [tilespmem:s18], [sflag:$0x7], $0x80, s14, s23, $0xb8;
	[tilespmem:$0x1FD00] =	vst v63  }
0x20d: {  	_ =	swait.ge [sflag:s30], $0x4000  }
0x20e: {  	[sflag:s30] =	ssyncset.done $0x0  }
0x20f: {  	[sflag:s30] =	ssyncadd.s32 $0xFFFFC000  }
0x210: {  	v2 =	vld [tilespmem:$0xF80];
	_ =	sdelay $0x7  }
0x211: {  	[tilespmem:v2+s26+$0x0] =	vst.idx.add.f32.msk $0xffff, v1  }
0x212: {  	v2 =	vld [tilespmem:$0xF90];
	_ =	sdelay $0x7  }
0x213: {  	[tilespmem:v2+s26+$0x0] =	vst.idx.add.f32.msk $0xffff, v1  }
0x214: {  	v2 =	vld [tilespmem:$0xFA0];
	_ =	sdelay $0x7  }
0x215: {  	[tilespmem:v2+s26+$0x0] =	vst.idx.add.f32.msk $0xffff, v1  }
0x216: {  	v2 =	vld [tilespmem:$0xFB0];
	_ =	sdelay $0x7  }
0x217: {  	[tilespmem:v2+s26+$0x0] =	vst.idx.add.f32.msk $0xffff, v1  }
0x218: {  	v2 =	vld [tilespmem:$0xFC0];
	_ =	sdelay $0x7  }
0x219: {  	[tilespmem:v2+s26+$0x0] =	vst.idx.add.f32.msk $0xffff, v1  }
0x21a: {  	v2 =	vld [tilespmem:$0xFD0];
	_ =	sdelay $0x7  }
0x21b: {  	[tilespmem:v2+s26+$0x0] =	vst.idx.add.f32.msk $0xffff, v1  }
0x21c: {  	v2 =	vld [tilespmem:$0xFE0];
	_ =	sdelay $0x7  }
0x21d: {  	[tilespmem:v2+s26+$0x0] =	vst.idx.add.f32.msk $0xffff, v1  }
0x21e: {  	v2 =	vld [tilespmem:$0xFF0];
	_ =	sdelay $0x7  }
0x21f: {  	s9 =	simm.s32 $0xF80;
	[tilespmem:v2+s26+$0x0] =	vst.idx.add.f32.msk $0xffff, v1  }
0x220: {  	[spmem:s3] =	stream.indirect.scatter.add.f32 [tilespmem:s24], [sflag:$0x8], $0x80, s9, s23, $0xb8;
	[tilespmem:$0x1FD00] =	vst v63  }
0x221: {  	_ =	swait.ge [sflag:s28], $0x4000  }
0x222: {  	[sflag:s28] =	ssyncset.done $0x0  }
0x223: {  	[sflag:s28] =	ssyncadd.s32 $0xFFFFC000  }
0x224: {  	_ =	swait.ge [sflag:s31], $0x4000  }
0x225: {  	s14 =	sld [smem:$0x7F2]  }
0x226: {  	[sflag:s31] =	ssyncset.done $0x0  }
0x227: {  	[sflag:s31] =	ssyncadd.s32 $0xFFFFC000  }
0x228: {  	[hbm4b:s14+s23] =	stream.strided.scatter [tilespmem:s26], [sflag:$0x9], $0x2800, s8, s23, $0x38;
	[tilespmem:$0x1FD00] =	vst v63  }
0x229: {  	_ =	swait.ge [sflag:s19], $0x2800  }
0x22a: {  	[sflag:s19] =	ssyncset.done $0x0  }
0x22b: {  	[sflag:s19] =	ssyncadd.s32 $0xFFFFD800  }
0x22c: {  	[bflag:$0x0] =	sbarrier.arrive $0xFFFF  }
0x22d: {  	s15 =	stileid.u32;
	s12 =	sld [smem:$0x7F3]  }
0x22e: {  	s9 =	sshll.u32 s15, $0x6  }
0x22f: {  	s10 =	sshrl.u32 s7, $0x3;
	s9 =	sor.u32 $0x1C09, s9  }
0x230: {  	[hbm:s12], [sflag:s9] =	dma.local [spmem:s10], $0x2800  }
0x231: {  	_ =	swait.ge [sflag:s19], $0x2800  }
0x232: {  	[sflag:s19] =	ssyncset.done $0x0  }
0x233: {  	[sflag:s19] =	ssyncadd.s32 $0xFFFFD800  }
0x234: {  	[tilespmem:$0x1F800] =	vst v0  }
0x235: {  	[tilespmem:$0x1F810] =	vst v0  }
0x236: {  	[tilespmem:$0x1F820] =	vst v0  }
0x237: {  	[tilespmem:$0x1F830] =	vst v0  }
0x238: {  	[tilespmem:$0x1F840] =	vst v0  }
0x239: {  	[tilespmem:$0x1F850] =	vst v0  }
0x23a: {  	[tilespmem:$0x1F860] =	vst v0  }
0x23b: {  	[tilespmem:$0x1F870] =	vst v0  }
0x23c: {  	[tilespmem:$0x1F880] =	vst v0  }
0x23d: {  	[tilespmem:$0x1F890] =	vst v0  }
0x23e: {  	[tilespmem:$0x1F8A0] =	vst v0  }
0x23f: {  	[tilespmem:$0x1F8B0] =	vst v0  }
0x240: {  	[tilespmem:$0x1F8C0] =	vst v0  }
0x241: {  	[tilespmem:$0x1F8D0] =	vst v0  }
0x242: {  	[tilespmem:$0x1F8E0] =	vst v0  }
0x243: {  	[tilespmem:$0x1F8F0] =	vst v0  }
0x244: {  	[tilespmem:$0x1F900] =	vst v0  }
0x245: {  	[tilespmem:$0x1F910] =	vst v0  }
0x246: {  	[tilespmem:$0x1F920] =	vst v0  }
0x247: {  	[tilespmem:$0x1F930] =	vst v0  }
0x248: {  	[tilespmem:$0x1F940] =	vst v0  }
0x249: {  	[tilespmem:$0x1F950] =	vst v0  }
0x24a: {  	[tilespmem:$0x1F960] =	vst v0  }
0x24b: {  	[tilespmem:$0x1F970] =	vst v0  }
0x24c: {  	[tilespmem:$0x1F980] =	vst v0  }
0x24d: {  	[tilespmem:$0x1F990] =	vst v0  }
0x24e: {  	[tilespmem:$0x1F9A0] =	vst v0  }
0x24f: {  	[tilespmem:$0x1F9B0] =	vst v0  }
0x250: {  	[tilespmem:$0x1F9C0] =	vst v0  }
0x251: {  	[tilespmem:$0x1F9D0] =	vst v0  }
0x252: {  	[tilespmem:$0x1F9E0] =	vst v0  }
0x253: {  	[tilespmem:$0x1F9F0] =	vst v0  }
0x254: {  	[tilespmem:$0x1FA00] =	vst v0  }
0x255: {  	[tilespmem:$0x1FA10] =	vst v0  }
0x256: {  	[tilespmem:$0x1FA20] =	vst v0  }
0x257: {  	[tilespmem:$0x1FA30] =	vst v0  }
0x258: {  	[tilespmem:$0x1FA40] =	vst v0  }
0x259: {  	[tilespmem:$0x1FA50] =	vst v0  }
0x25a: {  	[tilespmem:$0x1FA60] =	vst v0  }
0x25b: {  	s9 =	simm.s32 $0x0;
	[tilespmem:$0x1FA70] =	vst v0  }
.LBB2_8:
0x25c: {  	s10 =	sshrl.u32 s9, $0x3  }
0x25d: {  	s10 =	smul.u32 $0x14000, s10  }
0x25e: {  	s12 =	sshll.u32 s9, $0x7  }
0x25f: {  	s12 =	sand.u32 $0x380, s12;
	s10 =	sadd.s32 s10, s11  }
0x260: {  	s10 =	sor.u32 s12, s10  }
0x261: {  	s10 =	sshrl.u32 s10, $0x3  }
0x262: {  	s10 =	sadd.s32 s5, s10  }
0x263: {  	[tilespmem:s6], [sflag:$0x9] =	stream.strided.gather [hbm4b:s10+s23], $0x280, s8, s23, $0x38;
	[tilespmem:$0x1FD00] =	vst v63  }
0x264: {  	_ =	swait.ge [sflag:s19], $0x280  }
0x265: {  	[sflag:s19] =	ssyncset.done $0x0  }
0x266: {  	s10 =	simm.s32 $0x0;
	[sflag:s19] =	ssyncadd.s32 $0xFFFFFD80  }
0x267: {  	s12 =	simm.s32 $0x40;
	v2 =	vld [tilespmem:s10+$0x1FA80]  }
.LBB2_9:
0x268: {  	p0 =	sne.s32 s12, $0x9C0;
	v3 =	vld [tilespmem:s10+$0x1F800];
	_ =	sdelay $0x2  }
.Ltmp3:
0x269: {  	(pc) =	sbr.rel @p0 .LBB2_9-.Ltmp3, $4  }
0x26a: {  	_ = 	snop  }
0x26b: {  	v3 =	vadd.f32 v2, v3  }
0x26c: {  	s13 =	sshra.s32 s12, $0x2  }
0x26d: {  	s12 =	sadd.s32 $0x40, s12;
	v2 =	vld [tilespmem:s13+$0x1FA80];
	[tilespmem:s10+$0x1F800] =	vst v3;
	s10 =	smov.u32 s13  }
0x26e: {  	v3 =	vld [tilespmem:s10+$0x1F800]  }
0x26f: {  	s9 =	sadd.s32 $0x1, s9  }
0x270: {  	p0 =	sne.s32 s9, $0x10  }
.Ltmp4:
0x271: {  	_ = 	snop;
	(pc) =	sbr.rel @p0 .LBB2_8-.Ltmp4, $3  }
0x272: {  	_ = 	snop  }
0x273: {  	v2 =	vadd.f32 v2, v3;
	_ =	sdelay $0x1  }
0x274: {  	[tilespmem:s10+$0x1F800] =	vst v2  }
0x275: {  	s9 =	sld [smem:$0x7F4];
	_ =	sdelay $0x1  }
0x276: {  	s10 =	simm.s32 $0x1F800  }
0x277: {  	[hbm4b:s9+s23] =	stream.strided.scatter [tilespmem:s10], [sflag:$0x9], $0x280, s29, s23, $0x38;
	[tilespmem:$0x1FD00] =	vst v63  }
0x278: {  	_ =	swait.ge [sflag:s19], $0x280  }
0x279: {  	s15 =	sld [smem:$0x7F5];
	_ =	sdelay $0x1  }
0x27a: {  	s4 =	sadd.s32 $0x1, s4  }
0x27b: {  	p0 =	sne.s32 s4, s15  }
.Ltmp5:
0x27c: {  	_ = 	snop;
	(pc) =	sbr.rel @p0 .LBB2_1-.Ltmp5, $3  }
0x27d: {  	_ =	sdelay $0x1  }
0x27e: {  	[sflag:s19] =	ssyncset.done $0x0  }
0x27f: {  	[sflag:s19] =	ssyncadd.s32 $0xFFFFFD80  }
0x280: {  	_ =	sfence.sel $0x180000  }
0x281: {  	[bflag:$0x0] =	sbarrier.arrive $0xFFFF  }
0x282: {  	_ =	strace $0x90000047  }
0x283: {  	s0 =	stileid.u32;
	[bflag:$0x2] =	sbarrier.arrive $0xFFFF  }
0x284: {  	p0 =	sne.s32 s0, $0x0;
	s0 =	rddreg [dreg:$0x4]  }
0x285: {  	s0 =	sadd.s32 @!p0 $0x100000, s0  }
0x286: {  	[sflag:s0] =	ssyncadd.tile.s32 @!p0 $0x1;
	_ =	shalt  }
.Lfunc_end2:
_tile_overlayer_lowered:
.L_overlay_start_2:
0x287: {  	(tag) =	ssettag $0x2  }
0x288: {  	s0 =	rddreg [dreg:$0x0];
	s2 =	stileid.u32  }
0x289: {  	s1 =	rddreg [dreg:$0x1];
	p0 =	sne.s32 s2, $0x0  }
0x28a: {  	s3 =	rddreg [dreg:$0x2];
	[bflag:$0x3] =	sbarrier.arrive $0xFFFF;
	s2 =	simm.s32 @!p0 $0x1C09  }
0x28b: {  	[timem:s3], [sflag:s2] =	dma.local @!p0 [hbm:s0], s1  }
0x28c: {  	s0 =	simm.s32 @!p0 $0x9  }
0x28d: {  	_ =	swait.ge @!p0 [sflag:s0], s1  }
0x28e: {  	s1 =	ssub.s32 @!p0 $0x0, s1;
	[sflag:s0] =	ssyncset.done @!p0 $0x0  }
0x28f: {  	[sflag:s0] =	ssyncadd.s32 @!p0 s1  }
0x290: {  	[bflag:$0x3] =	sbarrier.arrive $0xFFFF  }
0x291: {  	_ =	shalt  }

// kernel: kernel.9.cloned.1.call-start
scs
__scs_entry_jumppad:
0x0: {  	(pc) =	sbr.rel $0x88, $3  }
0x1: {  	(tag) =	ssettag $0x0;
	lr =	simm.s32 $0x1  }
0x2: {  	[smem:$0x3F9B] =	sst lr;
	_ =	strace $0xD0000000  }
0x3: {  	_ = 	snop  }
0x4: {  	_ = 	snop  }
0x5: {  	_ = 	snop  }
0x6: {  	_ = 	snop  }
0x7: {  	_ = 	snop  }
__scs_overlays_trampoline_lowered:
0x8: {  	[smem:$0x3FAA] =	sst s0  }
0x9: {  	[smem:$0x3FAB] =	sst s1  }
0xa: {  	[smem:$0x3FAC] =	sst s2  }
0xb: {  	[smem:$0x3FAD] =	sst s3  }
0xc: {  	[smem:$0x3FAE] =	sst s4  }
0xd: {  	[smem:$0x3FAF] =	sst s5  }
0xe: {  	[smem:$0x3FB0] =	sst s6  }
0xf: {  	[smem:$0x3FB1] =	sst s7  }
0x10: {  	[smem:$0x3FB2] =	sst s8  }
0x11: {  	[smem:$0x3FB3] =	sst s9;
	s0 =	simm.s32 @!p0 $0x0  }
0x12: {  	s1 =	sld [smem:$0x3F99];
	s0 =	simm.s32 @p0 $0x1  }
0x13: {  	[smem:$0x3FB4] =	sst s0;
	s0 =	simm.s32 @!p1 $0x0  }
0x14: {  	s2 =	sld [smem:$0x3F98];
	s0 =	simm.s32 @p1 $0x1  }
0x15: {  	[smem:$0x3FB5] =	sst s0;
	s0 =	simm.s32 @!p2 $0x0  }
0x16: {  	s3 =	sld [smem:$0x3FDB];
	s0 =	simm.s32 @p2 $0x1  }
0x17: {  	s4 =	simm.s32 $0x1BF5;
	[smem:$0x3FB7] =	sst s0  }
0x18: {  	s0 =	sld [smem:$0x3F9A];
	_ =	swait.ge [sflag:s4], $0x0  }
0x19: {  	s7 =	sld [smem:$0x3F9B]  }
0x1a: {  	s8 =	sadd.s32 $0xFFFFE003, lr  }
0x1b: {  	s9 =	sadd.s32 $0xFFFFFEF7, lr;
	s5 =	simm.s32 $0xFFFFFFFF;
	p2 =	slt.u32 s8, $0xFFFFF086  }
0x1c: {  	p1 =	slt.u32 s9, $0xF7A;
	s5 =	simm.s32 @!p2 $0x0  }
0x1d: {  	s5 =	simm.s32 @p1 $0x1;
	p0 =	seq.s32 s7, s2  }
0x1e: {  	s7 =	smul.u32 @!p0 $0xF7A, s2;
	p2 =	seq.s32 @!p0 s5, $0x0  }
0x1f: {  	s9 =	smul.u32 $0xF7A, s1;
	s8 =	simm.s32 @!p0 $0x1BF5;
	p2 =	por !p2, p0  }
0x20: {  	[sflag:s8] =	ssyncset.s32 @!p0 $0xFFFFF086;
	s6 =	sadd.s32 @!p0 s3, s7;
	s7 =	simm.s32 @!p0 $0x108  }
0x21: {  	s3 =	sadd.s32 s3, s9;
	s6 =	sadd.s32 @!p0 $0x88, s6;
	s7 =	simm.s32 @p2 $0x1082  }
0x22: {  	[simem:s7], [sflag:s8] =	dma.local @!p0 [hbm:s6], $0xF7A  }
0x23: {  	s9 =	sor.u32 $0xD0000000, s2;
	s6 =	simm.s32 $0x108;
	_ =	swait.ge @!p0 [sflag:s8], $0x0  }
0x24: {  	s3 =	sadd.s32 $0x88, s3;
	s6 =	simm.s32 @!p1 $0x1082;
	[sflag:s4] =	ssyncset.s32 $0xFFFFF086  }
0x25: {  	[simem:s6], [sflag:s4] =	dma.local [hbm:s3], $0xF7A  }
0x26: {  	[smem:$0x3F9B] =	sst s1;
	(tag) =	ssettag s2;
	_ =	strace s9  }
0x27: {  	s1 =	sld [smem:$0x3FAB]  }
0x28: {  	s2 =	sld [smem:$0x3FAC]  }
0x29: {  	s4 =	sld [smem:$0x3FAE]  }
0x2a: {  	p0 =	seq.s32 s5, $0x0;
	s5 =	sld [smem:$0x3FAF]  }
0x2b: {  	s6 =	sld [smem:$0x3FB0]  }
0x2c: {  	s7 =	sld [smem:$0x3FB1]  }
0x2d: {  	s3 =	simm.s32 $0x108;
	s8 =	sld [smem:$0x3FB2]  }
0x2e: {  	s3 =	simm.s32 @!p0 $0x1082;
	s9 =	sld [smem:$0x3FB3]  }
0x2f: {  	lr =	sadd.s32 s0, s3;
	s0 =	sld [smem:$0x3FAA]  }
0x30: {  	s3 =	sld [smem:$0x3FAD]  }
0x31: {  	[smem:$0x3FB6] =	sst s10  }
0x32: {  	s10 =	sld [smem:$0x3FB4];
	_ =	sdelay $0x3  }
0x33: {  	p0 =	seq.s32 s10, $0x1;
	s10 =	sld [smem:$0x3FB6];
	_ =	sdelay $0x3  }
0x34: {  	[smem:$0x3FB6] =	sst s10  }
0x35: {  	s10 =	sld [smem:$0x3FB5];
	_ =	sdelay $0x3  }
0x36: {  	p1 =	seq.s32 s10, $0x1;
	s10 =	sld [smem:$0x3FB6];
	_ =	sdelay $0x3  }
0x37: {  	[smem:$0x3FB6] =	sst s10  }
0x38: {  	s10 =	sld [smem:$0x3FB7]  }
0x39: {  	_ = 	snop;
	(pc) =	sbr.ind lr, $3  }
0x3a: {  	_ = 	snop  }
0x3b: {  	_ = 	snop  }
0x3c: {  	p2 =	seq.s32 s10, $0x1;
	s10 =	sld [smem:$0x3FB6]  }
0x3d: {  	_ =	shalt  }
0x3e: {  	_ =	shalt  }
0x3f: {  	_ =	shalt  }
0x40: {  	_ =	shalt  }
0x41: {  	_ =	shalt  }
0x42: {  	_ =	shalt  }
0x43: {  	_ =	shalt  }
0x44: {  	_ =	shalt  }
0x45: {  	_ =	shalt  }
0x46: {  	_ =	shalt  }
0x47: {  	_ =	shalt  }
0x48: {  	_ =	shalt  }
0x49: {  	_ =	shalt  }
0x4a: {  	_ =	shalt  }
0x4b: {  	_ =	shalt  }
0x4c: {  	_ =	shalt  }
0x4d: {  	_ =	shalt  }
0x4e: {  	_ =	shalt  }
0x4f: {  	_ =	shalt  }
0x50: {  	_ =	shalt  }
0x51: {  	_ =	shalt  }
0x52: {  	_ =	shalt  }
0x53: {  	_ =	shalt  }
0x54: {  	_ =	shalt  }
0x55: {  	_ =	shalt  }
0x56: {  	_ =	shalt  }
0x57: {  	_ =	shalt  }
0x58: {  	_ =	shalt  }
0x59: {  	_ =	shalt  }
0x5a: {  	_ =	shalt  }
0x5b: {  	_ =	shalt  }
0x5c: {  	_ =	shalt  }
0x5d: {  	_ =	shalt  }
0x5e: {  	_ =	shalt  }
0x5f: {  	_ =	shalt  }
0x60: {  	_ =	shalt  }
0x61: {  	_ =	shalt  }
0x62: {  	_ =	shalt  }
0x63: {  	_ =	shalt  }
0x64: {  	_ =	shalt  }
0x65: {  	_ =	shalt  }
0x66: {  	_ =	shalt  }
0x67: {  	_ =	shalt  }
0x68: {  	_ =	shalt  }
0x69: {  	_ =	shalt  }
0x6a: {  	_ =	shalt  }
0x6b: {  	_ =	shalt  }
0x6c: {  	_ =	shalt  }
0x6d: {  	_ =	shalt  }
0x6e: {  	_ =	shalt  }
0x6f: {  	_ =	shalt  }
0x70: {  	_ =	shalt  }
0x71: {  	_ =	shalt  }
0x72: {  	_ =	shalt  }
0x73: {  	_ =	shalt  }
0x74: {  	_ =	shalt  }
0x75: {  	_ =	shalt  }
0x76: {  	_ =	shalt  }
0x77: {  	_ =	shalt  }
0x78: {  	_ =	shalt  }
0x79: {  	_ =	shalt  }
0x7a: {  	_ =	shalt  }
0x7b: {  	_ =	shalt  }
0x7c: {  	_ =	shalt  }
0x7d: {  	_ =	shalt  }
0x7e: {  	_ =	shalt  }
0x7f: {  	_ =	shalt  }
0x80: {  	_ =	shalt  }
0x81: {  	_ =	shalt  }
0x82: {  	_ =	shalt  }
0x83: {  	_ =	shalt  }
0x84: {  	_ =	shalt  }
0x85: {  	_ =	shalt  }
0x86: {  	_ =	shalt  }
0x87: {  	_ =	shalt  }
.Lfunc_end0:
.L_simem_size_0:
called_computation.1_lowered:
.L_overlay_start_0:
0x88: {  	s2 =	sld [smem:$0x3FD9]  }
0x89: {  	s3 =	sld [smem:$0x3FFE];
	_ =	sdelay $0x1  }
0x8a: {  	s1 =	srdreg.scid  }
0x8b: {  	s0 =	sand.u32 $0x1, s1  }
0x8c: {  	s17 =	sshll.u32 s0, $0xA;
	s2 =	sadd.s32 s3, s2  }
0x8d: {  	s2 =	sadd.s32 s2, s17  }
0x8e: {  	[smem:$0x3FC2] =	sst s2  }
0x8f: {  	_ = 	snop  }
0x90: {  	s2 =	sld [smem:$0x3FD0];
	(tm) =	ssettm $0x1  }
0x91: {  	s18 =	sld [smem:$0x3FFB];
	_ =	sdelay $0x3  }
0x92: {  	_ =	strace s18  }
0x93: {  	s3 =	sld [smem:$0x3FFC];
	_ =	sdelay $0x3  }
0x94: {  	_ =	strace s3  }
0x95: {  	s3 =	sld [smem:$0x3FFD];
	_ =	sdelay $0x3  }
0x96: {  	_ =	strace s3  }
0x97: {  	_ =	strace $0x8FFFFFFF  }
0x98: {  	s19 =	sld [smem:$0x3FDB];
	_ =	sdelay $0x1  }
0x99: {  	s4 =	simm.s32 $_scs_section_size  }
0x9a: {  	s5 =	simm.s32 $_size__tile_overlayer_lowered;
	s6 =	simm.s32 $_tile_overlayer_lowered  }
0x9b: {  	s22 =	simm.s32 $0x1BFF;
	s21 =	sshll.u32 s6, $0x1;
	s3 =	sadd.s32 s4, s19  }
0x9c: {  	s7 =	simm.s32 $0x0;
	s20 =	sshll.u32 s5, $0x1;
	s5 =	sadd.s32 s21, s3  }
0x9d: {  	[timem:s7], [sflag:s22] =	dma.local [hbm:s5], s20  }
0x9e: {  	_ =	swait.ge [sflag:s22], s20  }
0x9f: {  	s4 =	ssub.s32 $0x0, s20;
	[sflag:s22] =	ssyncset.done $0x0  }
0xa0: {  	[sflag:s22] =	ssyncadd.s32 s4;
	_ =	sdelay $0x1  }
0xa1: {  	s23 =	simm.s32 $0x1B8B  }
0xa2: {  	_ =	swait.ge [sflag:s23], $0x1  }
0xa3: {  	[sflag:s23] =	ssyncset.done $0x0  }
0xa4: {  	s25 =	simm.s32 $0x1B8E;
	s24 =	sld [smem:$0x3FFE];
	[sflag:s23] =	ssyncadd.s32 $0xFFFFFFFF  }
0xa5: {  	s26 =	simm.s32 $execute0_lowered;
	[smem:$0x3FD2] =	sst s25  }
0xa6: {  	s5 =	sshll.u32 s26, $0x1;
	_ =	strace $0x80000049;
	[dreg:$0x1] =	wrdreg $0xFFFFFFFF  }
0xa7: {  	s28 =	simm.s32 $_size_execute0_lowered;
	s3 =	sadd.s32 s3, s5;
	[dreg:$0x0] =	wrdreg $0x0  }
0xa8: {  	s5 =	sshll.u32 s28, $0x1;
	[dreg:$0x2] =	wrdreg s3  }
0xa9: {  	[dreg:$0x3] =	wrdreg s5  }
0xaa: {  	[dreg:$0x4] =	wrdreg $0xC0  }
0xab: {  	_ =	task [dreg:s7], $0x5FFFF  }
0xac: {  	[dreg:$0x1] =	wrdreg $0xFFFFFFFF  }
0xad: {  	[dreg:$0x0] =	wrdreg $0x60  }
0xae: {  	[dreg:$0x2] =	wrdreg s24  }
0xaf: {  	[dreg:$0x3] =	wrdreg s2  }
0xb0: {  	[dreg:$0x4] =	wrdreg $0x90000  }
0xb1: {  	[dreg:$0x5] =	wrdreg $0x9  }
0xb2: {  	_ =	task.clear_ibuf [dreg:s7], $0x6FFFF;
	_ =	strace $0x90000049  }
0xb3: {  	s29 =	simm.s32 $0x9;
	_ =	strace $0x8000004B  }
0xb4: {  	_ =	swait.ge [sflag:s29], $0x1  }
0xb5: {  	[sflag:s29] =	ssyncadd.s32 $0xFFFFFFFF  }
0xb6: {  	_ =	strace $0x9000004B  }
0xb7: {  	_ =	sfence  }
0xb8: {  	s30 =	sld [smem:$0x0];
	_ =	sdelay $0x2  }
0xb9: {  	s31 =	sshll.u32 s1, $0xD;
	s1 =	sshrl.u32 s1, $0x2  }
0xba: {  	s3 =	sand.u32 $0x4000, s31;
	s1 =	sadd.s32 s1, s30  }
0xbb: {  	s0 =	sor.u32 s3, s0;
	s1 =	sshll.u32 s1, $0x11  }
0xbc: {  	s0 =	sor.u32 s1, s0  }
0xbd: {  	s0 =	sadd.s32 $0x8F2B, s0  }
0xbe: {  	[sflag:s0] =	ssyncadd.remote.s32 $0x1  }
0xbf: {  	_ =	sfence.sel $0xFFFF  }
0xc0: {  	[dreg:$0x0] =	wrdreg $0xFFFFFFFF;
	(pc) =	sbr.abs _section_cstart, $3  }
0xc1: {  	[dreg:$0x1] =	wrdreg $0xFFFFFFFF  }
0xc2: {  	_ =	task.clear_ibuf [dreg:s7], $0x2FFFF;
	_ =	strace $0x9FFFFFFF  }
0xc3: {  	(tm) =	ssettm $0x7FFFFFFF  }
tec
execute0_lowered:
.L_overlay_start_1:
0x0: {  	(tag) =	ssettag $0x1  }
0x1: {  	s6 =	rddreg [dreg:$0x0]  }
0x2: {  	s4 =	rddreg [dreg:$0x1]  }
0x3: {  	s1 =	rddreg [dreg:$0x2];
	s3 =	simm.s32 $0x0  }
0x4: {  	s2 =	srdreg.scid;
	s14 =	simm.s32 $0x100;
	[smem:$0x7FF] =	sst s3  }
0x5: {  	s15 =	simm.s32 $0x180;
	_ =	strace $0x8000004A;
	[dreg:$0xb] =	wrdreg s14  }
0x6: {  	s0 =	stileid.u32;
	s16 =	simm.s32 $0x900;
	[dreg:$0xd] =	wrdreg s15  }
0x7: {  	s9 =	simm.s32 $0x12;
	s17 =	simm.s32 $0x200;
	[dreg:$0xe] =	wrdreg s16  }
0x8: {  	s18 =	simm.s32 $0x980;
	s19 =	simm.s32 $0x280;
	[dreg:$0xf] =	wrdreg s17  }
0x9: {  	s21 =	simm.s32 $0xA00;
	s23 =	simm.s32 $0x300;
	[dreg:$0x10] =	wrdreg s18  }
0xa: {  	s24 =	simm.s32 $0xA80;
	s26 =	simm.s32 $0x380;
	[dreg:$0x11] =	wrdreg s19  }
0xb: {  	s28 =	simm.s32 $0xB00;
	s29 =	simm.s32 $0x400;
	[dreg:$0x12] =	wrdreg s21  }
0xc: {  	s7 =	sand.u32 $0x1, s2;
	s5 =	smul.u32 $0x12, s0;
	[dreg:$0x13] =	wrdreg s23  }
0xd: {  	s8 =	sshll.u32 s0, $0x1;
	s22 =	smul.u32 $0x50000, s0;
	[dreg:$0x14] =	wrdreg s24  }
0xe: {  	p0 =	seq.s32 s7, $0x0;
	s8 =	sor.u32 $0x120, s8;
	[dreg:$0x15] =	wrdreg s26  }
0xf: {  	s13 =	smul.u32 $0x140000, s7;
	s7 =	ssub.s32 $0x2, s7;
	[dreg:$0x16] =	wrdreg s28  }
0x10: {  	[dreg:$0x17] =	wrdreg s29;
	s14 =	simm.s32 $0xC80;
	s15 =	simm.s32 $0x580  }
0x11: {  	s16 =	simm.s32 $0xD00;
	s17 =	simm.s32 $0x600;
	[dreg:$0x1c] =	wrdreg s14  }
0x12: {  	s18 =	simm.s32 $0xD80;
	s19 =	simm.s32 $0x680;
	[dreg:$0x1d] =	wrdreg s15  }
0x13: {  	s21 =	simm.s32 $0x700;
	s23 =	simm.s32 $0x780;
	[dreg:$0x1e] =	wrdreg s16  }
0x14: {  	s24 =	simm.s32 $0x8;
	s26 =	simm.s32 $0x4;
	[dreg:$0x1f] =	wrdreg s17  }
0x15: {  	s9 =	simm.s32 @!p0 $0x2;
	s8 =	smov.u32 @p0 s5;
	[smem:$0x7F7] =	sst s18  }
0x16: {  	s5 =	sadd.s32 $0xBA00, s6;
	s20 =	sshrl.u32 s7, $0x1;
	[smem:$0x7F8] =	sst s19  }
0x17: {  	s25 =	sshrl.u32 s22, $0x2;
	s14 =	simm.s32 $0x1000;
	[smem:$0x7FA] =	sst s21  }
0x18: {  	s15 =	simm.s32 $0x9;
	s22 =	simm.s32 $0xE80;
	[smem:$0x7FC] =	sst s23  }
0x19: {  	s16 =	simm.s32 $0x800;
	s30 =	sadd.s32 $0xFFFFFFFF, s9;
	[smem:$0x7FB] =	sst s22  }
0x1a: {  	s17 =	simm.s32 $0x1;
	s31 =	sadd.s32 $0xFFFFFFFE, s9;
	[dreg:$0x4] =	wrdreg s30  }
0x1b: {  	s18 =	simm.s32 $0x3;
	s2 =	sshll.u32 s9, $0x7;
	[dreg:$0x5] =	wrdreg s31  }
0x1c: {  	s8 =	sshll.u32 s8, $0x7;
	[dreg:$0x6] =	wrdreg s2;
	s30 =	simm.s32 $0xB80  }
0x1d: {  	s4 =	sadd.s32 s4, s8;
	s31 =	simm.s32 $0x480;
	[dreg:$0x18] =	wrdreg s30  }
0x1e: {  	s8 =	sadd.s32 s8, s6;
	s9 =	sadd.s32 $0x100, s4;
	[dreg:$0x19] =	wrdreg s31  }
0x1f: {  	s19 =	simm.s32 $0x80;
	s10 =	sadd.s32 $0x1B00, s8;
	[dreg:$0x7] =	wrdreg s9  }
0x20: {  	s21 =	simm.s32 $0x5;
	s11 =	sadd.s32 $0x1A80, s8;
	[dreg:$0x8] =	wrdreg s10  }
0x21: {  	s23 =	simm.s32 $0x6;
	s12 =	sadd.s32 $0x80, s4;
	[dreg:$0x9] =	wrdreg s11  }
0x22: {  	[dreg:$0xa] =	wrdreg s12;
	s10 =	smul.u32 $0x14000, s0;
	s11 =	simm.s32 $0x880  }
0x23: {  	s22 =	simm.s32 $0x7;
	s12 =	simm.s32 $0xC00;
	[dreg:$0xc] =	wrdreg s11  }
0x24: {  	[dreg:$0x1a] =	wrdreg s12;
	s9 =	sadd.s32 s10, s13;
	s13 =	simm.s32 $0x500  }
0x25: {  	s10 =	ssub.s32 s7, s20;
	s20 =	simm.s32 $0xE00;
	[dreg:$0x1b] =	wrdreg s13  }
0x26: {  	s7 =	sadd.s32 $0x1A00, s8;
	s9 =	sshrl.u32 s9, $0x3;
	[smem:$0x7F9] =	sst s20  }
0x27: {  	s20 =	simm.s32 $0x5000;
	s9 =	sadd.s32 s9, s6;
	s6 =	sadd.s32 s25, s1  }
0x28: {  	s25 =	simm.s32 $0xF00;
	s8 =	sadd.s32 $0x33A00, s9;
	s9 =	smax.u32 s10, $0x1  }
0x29: {  	s10 =	sadd.s32 $0x4000, s6;
	s11 =	sadd.s32 $0x8000, s6;
	s12 =	sadd.s32 $0xC000, s6  }
0x2a: {  	v0 =	vimm.f32 $0.0e+00;
	s13 =	sadd.s32 $0x10000, s6;
	[smem:$0x7FD] =	sst s25;
	s25 =	simm.s32 $0x2  }
.LBB2_1:
0x2b: {  	s29 =	simm.s32 $0x0;
	s30 =	simm.s32 $0x200  }
.LBB2_2:
0x2c: {  	p0 =	sne.s32 s30, $0xFE00;
	[tilespmem:s29+$0x1070] =	vst v0  }
0x2d: {  	[tilespmem:s29+$0x1000] =	vst v0  }
0x2e: {  	[tilespmem:s29+$0x1010] =	vst v0  }
.Ltmp0:
0x2f: {  	[tilespmem:s29+$0x1020] =	vst v0;
	(pc) =	sbr.rel @p0 .LBB2_2-.Ltmp0, $4  }
0x30: {  	[tilespmem:s29+$0x1030] =	vst v0  }
0x31: {  	[tilespmem:s29+$0x1040] =	vst v0  }
0x32: {  	[tilespmem:s29+$0x1050] =	vst v0  }
0x33: {  	[tilespmem:s29+$0x1060] =	vst v0;
	s29 =	sshra.s32 s30, $0x2;
	s30 =	sadd.s32 $0x200, s30  }
0x34: {  	[tilespmem:s29+$0x1070] =	vst v0  }
0x35: {  	[tilespmem:s29+$0x1000] =	vst v0  }
0x36: {  	[tilespmem:s29+$0x1010] =	vst v0  }
0x37: {  	[tilespmem:s29+$0x1020] =	vst v0  }
0x38: {  	[tilespmem:s29+$0x1030] =	vst v0  }
0x39: {  	[tilespmem:s29+$0x1040] =	vst v0  }
0x3a: {  	[tilespmem:s29+$0x1050] =	vst v0  }
0x3b: {  	[tilespmem:s29+$0x1060] =	vst v0  }
0x3c: {  	[spmem:s6] =	stream.linear.scatter [tilespmem:s14], [sflag:$0x9], $0x4000, $0x38;
	[tilespmem:$0x1D000] =	vst v63  }
0x3d: {  	_ =	swait.ge [sflag:s15], $0x4000  }
0x3e: {  	[sflag:s15] =	ssyncset.done $0x0  }
0x3f: {  	[sflag:s15] =	ssyncadd.s32 $0xFFFFC000  }
0x40: {  	[spmem:s10] =	stream.linear.scatter [tilespmem:s14], [sflag:$0x9], $0x4000, $0x38;
	[tilespmem:$0x1D000] =	vst v63  }
0x41: {  	_ =	swait.ge [sflag:s15], $0x4000  }
0x42: {  	[sflag:s15] =	ssyncset.done $0x0  }
0x43: {  	[sflag:s15] =	ssyncadd.s32 $0xFFFFC000  }
0x44: {  	[spmem:s11] =	stream.linear.scatter [tilespmem:s14], [sflag:$0x9], $0x4000, $0x38;
	[tilespmem:$0x1D000] =	vst v63  }
0x45: {  	_ =	swait.ge [sflag:s15], $0x4000  }
0x46: {  	[sflag:s15] =	ssyncset.done $0x0  }
0x47: {  	[sflag:s15] =	ssyncadd.s32 $0xFFFFC000  }
0x48: {  	[spmem:s12] =	stream.linear.scatter [tilespmem:s14], [sflag:$0x9], $0x4000, $0x38;
	[tilespmem:$0x1D000] =	vst v63  }
0x49: {  	_ =	swait.ge [sflag:s15], $0x4000  }
0x4a: {  	[sflag:s15] =	ssyncset.done $0x0  }
0x4b: {  	[sflag:s15] =	ssyncadd.s32 $0xFFFFC000  }
0x4c: {  	[spmem:s13] =	stream.linear.scatter [tilespmem:s14], [sflag:$0x9], $0x4000, $0x38;
	[tilespmem:$0x1D000] =	vst v63  }
0x4d: {  	_ =	swait.ge [sflag:s15], $0x4000  }
0x4e: {  	[sflag:s15] =	ssyncset.done $0x0  }
0x4f: {  	[sflag:s15] =	ssyncadd.s32 $0xFFFFC000  }
0x50: {  	s29 =	simm.s32 $0x0;
	[bflag:$0x0] =	sbarrier.arrive $0xFFFF  }
0x51: {  	[tilespmem:s29], [sflag:$0x1] =	stream.linear.gather [hbm4b:s7+s29], $0x400, $0x38;
	[tilespmem:$0x1D000] =	vst v63  }
0x52: {  	s30 =	simm.s32 $0x0  }
0x53: {  	[tilespmem:s16], [sflag:$0x3] =	stream.linear.gather [hbm4b:s4+s29], $0x400, $0x38;
	[tilespmem:$0x1D000] =	vst v63  }
.LBB2_4:
0x54: {  	_ =	swait.ge [sflag:s17], $0x400  }
0x55: {  	[sflag:s17] =	ssyncset.done $0x0  }
0x56: {  	[sflag:s17] =	ssyncadd.s32 $0xFFFFFC00  }
0x57: {  	p0 =	seq.s32 s30, $0x0;
	_ =	swait.ge [sflag:s18], $0x400  }
0x58: {  	s31 =	simm.s32 @p0 $0x80;
	[sflag:s18] =	ssyncset.done $0x0  }
0x59: {  	s0 =	simm.s32 @p0 $0x0;
	s2 =	simm.s32 @p0 $0x1000;
	[sflag:s18] =	ssyncadd.s32 $0xFFFFFC00  }
0x5a: {  	[tilespmem:s2], [sflag:$0x5] =	stream.indirect.gather @p0 [hbm4b:s5+s31], $0x80, s0, s31, $0xb8;
	[tilespmem:$0x1D000] =	vst v63  }
0x5b: {  	s0 =	simm.s32 @!p0 $0x7  }
0x5c: {  	_ =	swait.ge @!p0 [sflag:s0], $0x4000  }
0x5d: {  	s2 =	simm.s32 @!p0 $0x0;
	[sflag:s0] =	ssyncset.done @!p0 $0x0  }
0x5e: {  	s31 =	simm.s32 @!p0 $0x1000;
	[sflag:s0] =	ssyncadd.s32 @!p0 $0xFFFFC000;
	s0 =	simm.s32 @!p0 $0x80  }
0x5f: {  	[tilespmem:s31], [sflag:$0x5] =	stream.indirect.gather @!p0 [hbm4b:s5+s0], $0x80, s2, s0, $0xb8;
	[tilespmem:$0x1D000] =	vst v63  }
0x60: {  	s2 =	simm.s32 @!p0 $0x6  }
0x61: {  	_ =	swait.ge @!p0 [sflag:s2], $0x4000  }
0x62: {  	[sflag:s2] =	ssyncset.done @!p0 $0x0  }
0x63: {  	s31 =	simm.s32 @!p0 $0x5000;
	[sflag:s2] =	ssyncadd.s32 @!p0 $0xFFFFC000;
	s2 =	simm.s32 @!p0 $0xF80  }
0x64: {  	[spmem:s1] =	stream.indirect.scatter.add.f32 @!p0 [tilespmem:s31], [sflag:$0x8], $0x80, s2, s0, $0xb8;
	[tilespmem:$0x1D000] =	vst v63  }
0x65: {  	s0 =	simm.s32 @!p0 $0x8  }
0x66: {  	_ =	swait.ge @!p0 [sflag:s0], $0x4000  }
0x67: {  	[sflag:s0] =	ssyncset.done @!p0 $0x0  }
0x68: {  	[sflag:s0] =	ssyncadd.s32 @!p0 $0xFFFFC000  }
0x69: {  	[tilespmem:s20], [sflag:$0x6] =	stream.indirect.gather [hbm4b:s5+s19], $0x80, s19, s19, $0xb8;
	[tilespmem:$0x1D000] =	vst v63  }
0x6a: {  	_ =	swait.ge [sflag:s21], $0x4000  }
0x6b: {  	[sflag:s21] =	ssyncset.done $0x0  }
0x6c: {  	[sflag:s21] =	ssyncadd.s32 $0xFFFFC000  }
0x6d: {  	[spmem:s1] =	stream.indirect.scatter.add.f32 [tilespmem:s14], [sflag:$0x7], $0x80, s16, s19, $0xb8;
	[tilespmem:$0x1D000] =	vst v63  }
0x6e: {  	_ =	swait.ge [sflag:s22], $0x4000  }
0x6f: {  	[sflag:s22] =	ssyncset.done $0x0  }
0x70: {  	s31 =	rddreg [dreg:$0xb];
	[sflag:s22] =	ssyncadd.s32 $0xFFFFC000  }
0x71: {  	[tilespmem:s14], [sflag:$0x5] =	stream.indirect.gather [hbm4b:s5+s19], $0x80, s31, s19, $0xb8;
	[tilespmem:$0x1D000] =	vst v63  }
0x72: {  	_ =	swait.ge [sflag:s23], $0x4000  }
0x73: {  	s2 =	rddreg [dreg:$0xc]  }
0x74: {  	s28 =	rddreg [dreg:$0x4]  }
0x75: {  	[sflag:s23] =	ssyncset.done $0x0;
	s31 =	rddreg [dreg:$0x9]  }
0x76: {  	s0 =	rddreg [dreg:$0xa];
	[sflag:s23] =	ssyncadd.s32 $0xFFFFC000;
	p0 =	sge.u32 s29, s28  }
0x77: {  	[spmem:s1] =	stream.indirect.scatter.add.f32 [tilespmem:s20], [sflag:$0x8], $0x80, s2, s19, $0xb8;
	[tilespmem:$0x1D000] =	vst v63  }
0x78: {  	s2 =	sadd.s32 @!p0 s30, s31;
	s31 =	simm.s32 @!p0 $0x0;
	s28 =	simm.s32 @!p0 $0x400  }
0x79: {  	[tilespmem:s28], [sflag:$0x2] =	stream.linear.gather @!p0 [hbm4b:s2+s31], $0x400, $0x38;
	[tilespmem:$0x1D000] =	vst v63  }
0x7a: {  	s0 =	sadd.s32 @!p0 s30, s0;
	s2 =	simm.s32 @!p0 $0xC00  }
0x7b: {  	[tilespmem:s2], [sflag:$0x4] =	stream.linear.gather @!p0 [hbm4b:s0+s31], $0x400, $0x38;
	[tilespmem:$0x1D000] =	vst v63  }
0x7c: {  	_ =	swait.ge [sflag:s24], $0x4000  }
0x7d: {  	[sflag:s24] =	ssyncset.done $0x0  }
0x7e: {  	s2 =	rddreg [dreg:$0xd];
	[sflag:s24] =	ssyncadd.s32 $0xFFFFC000  }
0x7f: {  	[tilespmem:s20], [sflag:$0x6] =	stream.indirect.gather [hbm4b:s5+s19], $0x80, s2, s19, $0xb8;
	[tilespmem:$0x1D000] =	vst v63  }
0x80: {  	_ =	swait.ge [sflag:s21], $0x4000  }
0x81: {  	[sflag:s21] =	ssyncset.done $0x0  }
0x82: {  	s28 =	rddreg [dreg:$0xe];
	[sflag:s21] =	ssyncadd.s32 $0xFFFFC000  }
0x83: {  	[spmem:s1] =	stream.indirect.scatter.add.f32 [tilespmem:s14], [sflag:$0x7], $0x80, s28, s19, $0xb8;
	[tilespmem:$0x1D000] =	vst v63  }
0x84: {  	_ =	swait.ge [sflag:s22], $0x4000  }
0x85: {  	[sflag:s22] =	ssyncset.done $0x0  }
0x86: {  	s31 =	rddreg [dreg:$0xf];
	[sflag:s22] =	ssyncadd.s32 $0xFFFFC000  }
0x87: {  	[tilespmem:s14], [sflag:$0x5] =	stream.indirect.gather [hbm4b:s5+s19], $0x80, s31, s19, $0xb8;
	[tilespmem:$0x1D000] =	vst v63  }
0x88: {  	_ =	swait.ge [sflag:s23], $0x4000  }
0x89: {  	[sflag:s23] =	ssyncset.done $0x0  }
0x8a: {  	s2 =	rddreg [dreg:$0x10];
	[sflag:s23] =	ssyncadd.s32 $0xFFFFC000  }
0x8b: {  	[spmem:s1] =	stream.indirect.scatter.add.f32 [tilespmem:s20], [sflag:$0x8], $0x80, s2, s19, $0xb8;
	[tilespmem:$0x1D000] =	vst v63  }
0x8c: {  	_ =	swait.ge [sflag:s24], $0x4000  }
0x8d: {  	[sflag:s24] =	ssyncset.done $0x0  }
0x8e: {  	s28 =	rddreg [dreg:$0x11];
	[sflag:s24] =	ssyncadd.s32 $0xFFFFC000  }
0x8f: {  	[tilespmem:s20], [sflag:$0x6] =	stream.indirect.gather [hbm4b:s5+s19], $0x80, s28, s19, $0xb8;
	[tilespmem:$0x1D000] =	vst v63  }
0x90: {  	_ =	swait.ge [sflag:s21], $0x4000  }
0x91: {  	[sflag:s21] =	ssyncset.done $0x0  }
0x92: {  	s31 =	rddreg [dreg:$0x12];
	[sflag:s21] =	ssyncadd.s32 $0xFFFFC000  }
0x93: {  	[spmem:s1] =	stream.indirect.scatter.add.f32 [tilespmem:s14], [sflag:$0x7], $0x80, s31, s19, $0xb8;
	[tilespmem:$0x1D000] =	vst v63  }
0x94: {  	_ =	swait.ge [sflag:s22], $0x4000  }
0x95: {  	[sflag:s22] =	ssyncset.done $0x0  }
0x96: {  	s2 =	rddreg [dreg:$0x13];
	[sflag:s22] =	ssyncadd.s32 $0xFFFFC000  }
0x97: {  	[tilespmem:s14], [sflag:$0x5] =	stream.indirect.gather [hbm4b:s5+s19], $0x80, s2, s19, $0xb8;
	[tilespmem:$0x1D000] =	vst v63  }
0x98: {  	_ =	swait.ge [sflag:s23], $0x4000  }
0x99: {  	[sflag:s23] =	ssyncset.done $0x0  }
0x9a: {  	s28 =	rddreg [dreg:$0x14];
	[sflag:s23] =	ssyncadd.s32 $0xFFFFC000  }
0x9b: {  	[spmem:s1] =	stream.indirect.scatter.add.f32 [tilespmem:s20], [sflag:$0x8], $0x80, s28, s19, $0xb8;
	[tilespmem:$0x1D000] =	vst v63  }
0x9c: {  	_ =	swait.ge [sflag:s24], $0x4000  }
0x9d: {  	[sflag:s24] =	ssyncset.done $0x0  }
0x9e: {  	s31 =	rddreg [dreg:$0x15];
	[sflag:s24] =	ssyncadd.s32 $0xFFFFC000  }
0x9f: {  	[tilespmem:s20], [sflag:$0x6] =	stream.indirect.gather [hbm4b:s5+s19], $0x80, s31, s19, $0xb8;
	[tilespmem:$0x1D000] =	vst v63  }
0xa0: {  	_ =	swait.ge [sflag:s21], $0x4000  }
0xa1: {  	[sflag:s21] =	ssyncset.done $0x0  }
0xa2: {  	s2 =	rddreg [dreg:$0x16];
	[sflag:s21] =	ssyncadd.s32 $0xFFFFC000  }
0xa3: {  	[spmem:s1] =	stream.indirect.scatter.add.f32 [tilespmem:s14], [sflag:$0x7], $0x80, s2, s19, $0xb8;
	[tilespmem:$0x1D000] =	vst v63  }
0xa4: {  	_ =	swait.ge [sflag:s25], $0x400  }
0xa5: {  	[sflag:s25] =	ssyncset.done $0x0  }
0xa6: {  	[sflag:s25] =	ssyncadd.s32 $0xFFFFFC00  }
0xa7: {  	_ =	swait.ge [sflag:s26], $0x400  }
0xa8: {  	[sflag:s26] =	ssyncset.done $0x0  }
0xa9: {  	[sflag:s26] =	ssyncadd.s32 $0xFFFFFC00  }
0xaa: {  	_ =	swait.ge [sflag:s22], $0x4000  }
0xab: {  	[sflag:s22] =	ssyncset.done $0x0  }
0xac: {  	s28 =	rddreg [dreg:$0x17];
	[sflag:s22] =	ssyncadd.s32 $0xFFFFC000  }
0xad: {  	[tilespmem:s14], [sflag:$0x5] =	stream.indirect.gather [hbm4b:s5+s19], $0x80, s28, s19, $0xb8;
	[tilespmem:$0x1D000] =	vst v63  }
0xae: {  	_ =	swait.ge [sflag:s23], $0x4000  }
0xaf: {  	[sflag:s23] =	ssyncset.done $0x0  }
0xb0: {  	s31 =	rddreg [dreg:$0x18];
	[sflag:s23] =	ssyncadd.s32 $0xFFFFC000  }
0xb1: {  	[spmem:s1] =	stream.indirect.scatter.add.f32 [tilespmem:s20], [sflag:$0x8], $0x80, s31, s19, $0xb8;
	[tilespmem:$0x1D000] =	vst v63  }
0xb2: {  	_ =	swait.ge [sflag:s24], $0x4000  }
0xb3: {  	[sflag:s24] =	ssyncset.done $0x0  }
0xb4: {  	s2 =	rddreg [dreg:$0x19];
	[sflag:s24] =	ssyncadd.s32 $0xFFFFC000  }
0xb5: {  	[tilespmem:s20], [sflag:$0x6] =	stream.indirect.gather [hbm4b:s5+s19], $0x80, s2, s19, $0xb8;
	[tilespmem:$0x1D000] =	vst v63  }
0xb6: {  	_ =	swait.ge [sflag:s21], $0x4000  }
0xb7: {  	[sflag:s21] =	ssyncset.done $0x0  }
0xb8: {  	s28 =	rddreg [dreg:$0x1a];
	[sflag:s21] =	ssyncadd.s32 $0xFFFFC000  }
0xb9: {  	[spmem:s1] =	stream.indirect.scatter.add.f32 [tilespmem:s14], [sflag:$0x7], $0x80, s28, s19, $0xb8;
	[tilespmem:$0x1D000] =	vst v63  }
0xba: {  	_ =	swait.ge [sflag:s22], $0x4000  }
0xbb: {  	[sflag:s22] =	ssyncset.done $0x0  }
0xbc: {  	s31 =	rddreg [dreg:$0x1b];
	[sflag:s22] =	ssyncadd.s32 $0xFFFFC000  }
0xbd: {  	[tilespmem:s14], [sflag:$0x5] =	stream.indirect.gather [hbm4b:s5+s19], $0x80, s31, s19, $0xb8;
	[tilespmem:$0x1D000] =	vst v63  }
0xbe: {  	_ =	swait.ge [sflag:s23], $0x4000  }
0xbf: {  	s2 =	rddreg [dreg:$0x1c]  }
0xc0: {  	[sflag:s23] =	ssyncset.done $0x0;
	s31 =	rddreg [dreg:$0x5]  }
0xc1: {  	s28 =	rddreg [dreg:$0x8];
	[sflag:s23] =	ssyncadd.s32 $0xFFFFC000;
	p0 =	sge.u32 s29, s31  }
0xc2: {  	[spmem:s1] =	stream.indirect.scatter.add.f32 [tilespmem:s20], [sflag:$0x8], $0x80, s2, s19, $0xb8;
	[tilespmem:$0x1D000] =	vst v63  }
0xc3: {  	s0 =	rddreg [dreg:$0x7];
	s2 =	sadd.s32 @!p0 s30, s28;
	s28 =	simm.s32 @!p0 $0x0  }
0xc4: {  	[tilespmem:s28], [sflag:$0x1] =	stream.linear.gather @!p0 [hbm4b:s2+s28], $0x400, $0x38;
	[tilespmem:$0x1D000] =	vst v63  }
0xc5: {  	s0 =	sadd.s32 @!p0 s30, s0;
	s2 =	simm.s32 @!p0 $0x800  }
0xc6: {  	[tilespmem:s2], [sflag:$0x3] =	stream.linear.gather @!p0 [hbm4b:s0+s28], $0x400, $0x38;
	[tilespmem:$0x1D000] =	vst v63  }
0xc7: {  	_ =	swait.ge [sflag:s24], $0x4000  }
0xc8: {  	[sflag:s24] =	ssyncset.done $0x0  }
0xc9: {  	s28 =	rddreg [dreg:$0x1d];
	[sflag:s24] =	ssyncadd.s32 $0xFFFFC000  }
0xca: {  	[tilespmem:s20], [sflag:$0x6] =	stream.indirect.gather [hbm4b:s5+s19], $0x80, s28, s19, $0xb8;
	[tilespmem:$0x1D000] =	vst v63  }
0xcb: {  	_ =	swait.ge [sflag:s21], $0x4000  }
0xcc: {  	[sflag:s21] =	ssyncset.done $0x0  }
0xcd: {  	s31 =	rddreg [dreg:$0x1e];
	[sflag:s21] =	ssyncadd.s32 $0xFFFFC000  }
0xce: {  	[spmem:s1] =	stream.indirect.scatter.add.f32 [tilespmem:s14], [sflag:$0x7], $0x80, s31, s19, $0xb8;
	[tilespmem:$0x1D000] =	vst v63  }
0xcf: {  	_ =	swait.ge [sflag:s22], $0x4000  }
0xd0: {  	[sflag:s22] =	ssyncset.done $0x0  }
0xd1: {  	s2 =	rddreg [dreg:$0x1f];
	[sflag:s22] =	ssyncadd.s32 $0xFFFFC000  }
0xd2: {  	[tilespmem:s14], [sflag:$0x5] =	stream.indirect.gather [hbm4b:s5+s19], $0x80, s2, s19, $0xb8;
	[tilespmem:$0x1D000] =	vst v63  }
0xd3: {  	_ =	swait.ge [sflag:s23], $0x4000  }
0xd4: {  	s28 =	sld [smem:$0x7F7]  }
0xd5: {  	[sflag:s23] =	ssyncset.done $0x0  }
0xd6: {  	[sflag:s23] =	ssyncadd.s32 $0xFFFFC000  }
0xd7: {  	[spmem:s1] =	stream.indirect.scatter.add.f32 [tilespmem:s20], [sflag:$0x8], $0x80, s28, s19, $0xb8;
	[tilespmem:$0x1D000] =	vst v63  }
0xd8: {  	_ =	swait.ge [sflag:s24], $0x4000  }
0xd9: {  	s31 =	sld [smem:$0x7F8]  }
0xda: {  	[sflag:s24] =	ssyncset.done $0x0  }
0xdb: {  	[sflag:s24] =	ssyncadd.s32 $0xFFFFC000  }
0xdc: {  	[tilespmem:s20], [sflag:$0x6] =	stream.indirect.gather [hbm4b:s5+s19], $0x80, s31, s19, $0xb8;
	[tilespmem:$0x1D000] =	vst v63  }
0xdd: {  	_ =	swait.ge [sflag:s21], $0x4000  }
0xde: {  	s2 =	sld [smem:$0x7F9]  }
0xdf: {  	[sflag:s21] =	ssyncset.done $0x0  }
0xe0: {  	[sflag:s21] =	ssyncadd.s32 $0xFFFFC000  }
0xe1: {  	[spmem:s1] =	stream.indirect.scatter.add.f32 [tilespmem:s14], [sflag:$0x7], $0x80, s2, s19, $0xb8;
	[tilespmem:$0x1D000] =	vst v63  }
0xe2: {  	_ =	swait.ge [sflag:s22], $0x4000  }
0xe3: {  	s28 =	sld [smem:$0x7FA]  }
0xe4: {  	[sflag:s22] =	ssyncset.done $0x0  }
0xe5: {  	[sflag:s22] =	ssyncadd.s32 $0xFFFFC000  }
0xe6: {  	[tilespmem:s14], [sflag:$0x5] =	stream.indirect.gather [hbm4b:s5+s19], $0x80, s28, s19, $0xb8;
	[tilespmem:$0x1D000] =	vst v63  }
0xe7: {  	_ =	swait.ge [sflag:s23], $0x4000  }
0xe8: {  	s31 =	sld [smem:$0x7FB]  }
0xe9: {  	[sflag:s23] =	ssyncset.done $0x0  }
0xea: {  	[sflag:s23] =	ssyncadd.s32 $0xFFFFC000  }
0xeb: {  	[spmem:s1] =	stream.indirect.scatter.add.f32 [tilespmem:s20], [sflag:$0x8], $0x80, s31, s19, $0xb8;
	[tilespmem:$0x1D000] =	vst v63  }
0xec: {  	_ =	swait.ge [sflag:s24], $0x4000  }
0xed: {  	s2 =	sld [smem:$0x7FC]  }
0xee: {  	[sflag:s24] =	ssyncset.done $0x0  }
0xef: {  	[sflag:s24] =	ssyncadd.s32 $0xFFFFC000  }
0xf0: {  	[tilespmem:s20], [sflag:$0x6] =	stream.indirect.gather [hbm4b:s5+s19], $0x80, s2, s19, $0xb8;
	[tilespmem:$0x1D000] =	vst v63  }
0xf1: {  	_ =	swait.ge [sflag:s21], $0x4000  }
0xf2: {  	s30 =	sadd.s32 $0x100, s30;
	s31 =	rddreg [dreg:$0x6]  }
0xf3: {  	p0 =	sne.s32 s31, s30  }
.Ltmp1:
0xf4: {  	_ = 	snop;
	(pc) =	sbr.rel @p0 .LBB2_4-.Ltmp1, $4  }
0xf5: {  	s28 =	sld [smem:$0x7FD]  }
0xf6: {  	[sflag:s21] =	ssyncset.done $0x0  }
0xf7: {  	s29 =	sadd.s32 $0x2, s29;
	[sflag:s21] =	ssyncadd.s32 $0xFFFFC000  }
0xf8: {  	[spmem:s1] =	stream.indirect.scatter.add.f32 [tilespmem:s14], [sflag:$0x7], $0x80, s28, s19, $0xb8;
	[tilespmem:$0x1D000] =	vst v63  }
0xf9: {  	_ =	swait.ge [sflag:s23], $0x4000  }
0xfa: {  	[sflag:s23] =	ssyncset.done $0x0  }
0xfb: {  	s0 =	simm.s32 $0xF80;
	[sflag:s23] =	ssyncadd.s32 $0xFFFFC000  }
0xfc: {  	[spmem:s1] =	stream.indirect.scatter.add.f32 [tilespmem:s20], [sflag:$0x8], $0x80, s0, s19, $0xb8;
	[tilespmem:$0x1D000] =	vst v63  }
0xfd: {  	_ =	swait.ge [sflag:s22], $0x4000  }
0xfe: {  	[sflag:s22] =	ssyncset.done $0x0  }
0xff: {  	[sflag:s22] =	ssyncadd.s32 $0xFFFFC000  }
0x100: {  	s31 =	stileid.u32;
	_ =	swait.ge [sflag:s24], $0x4000  }
0x101: {  	s2 =	sshrl.u32 s6, $0x3;
	s3 =	sadd.s32 $0x1, s3;
	[sflag:s24] =	ssyncset.done $0x0  }
0x102: {  	p0 =	sne.s32 s3, s9;
	s0 =	sshll.u32 s31, $0x6;
	[sflag:s24] =	ssyncadd.s32 $0xFFFFC000  }
.Ltmp2:
0x103: {  	s0 =	sor.u32 $0x1C09, s0;
	[bflag:$0x0] =	sbarrier.arrive $0xFFFF;
	(pc) =	sbr.rel @p0 .LBB2_1-.Ltmp2, $4  }
0x104: {  	[hbm:s8], [sflag:s0] =	dma.local [spmem:s2], $0x2800  }
0x105: {  	_ =	swait.ge [sflag:s15], $0x2800  }
0x106: {  	[sflag:s15] =	ssyncset.done $0x0  }
0x107: {  	[sflag:s15] =	ssyncadd.s32 $0xFFFFD800  }
0x108: {  	_ =	sfence.sel $0x180000  }
0x109: {  	[bflag:$0x0] =	sbarrier.arrive $0xFFFF  }
0x10a: {  	_ =	strace $0x9000004A  }
0x10b: {  	s0 =	stileid.u32;
	[bflag:$0x2] =	sbarrier.arrive $0xFFFF  }
0x10c: {  	p0 =	sne.s32 s0, $0x0;
	s0 =	rddreg [dreg:$0x3]  }
0x10d: {  	s0 =	sadd.s32 @!p0 $0x100000, s0  }
0x10e: {  	[sflag:s0] =	ssyncadd.tile.s32 @!p0 $0x1;
	_ =	shalt  }
.Lfunc_end2:
_tile_overlayer_lowered:
.L_overlay_start_2:
0x10f: {  	(tag) =	ssettag $0x2  }
0x110: {  	s0 =	rddreg [dreg:$0x0];
	s2 =	stileid.u32  }
0x111: {  	s1 =	rddreg [dreg:$0x1];
	p0 =	sne.s32 s2, $0x0  }
0x112: {  	s3 =	rddreg [dreg:$0x2];
	[bflag:$0x3] =	sbarrier.arrive $0xFFFF;
	s2 =	simm.s32 @!p0 $0x1C09  }
0x113: {  	[timem:s3], [sflag:s2] =	dma.local @!p0 [hbm:s0], s1  }
0x114: {  	s0 =	simm.s32 @!p0 $0x9  }
0x115: {  	_ =	swait.ge @!p0 [sflag:s0], s1  }
0x116: {  	s1 =	ssub.s32 @!p0 $0x0, s1;
	[sflag:s0] =	ssyncset.done @!p0 $0x0  }
0x117: {  	[sflag:s0] =	ssyncadd.s32 @!p0 s1  }
0x118: {  	[bflag:$0x3] =	sbarrier.arrive $0xFFFF  }
0x119: {  	_ =	shalt  }

</sc_bundles>
